<compile_context>
chip_gen: v7x
topology: tpu7x:2x2x1
jax: 0.10.2.dev20260603
libtpu: 0.0.44.dev20260713+nightly
codegen_flags: <defaults>
</compile_context>

<pallas_src>
import functools

import jax
import jax.numpy as jnp
from jax import lax
from jax.experimental import pallas as pl
from jax.experimental.pallas import tpu as pltpu
from jax.experimental.pallas import tpu_sc as plsc

_NC = 2
_NS = 16
_NW = _NC * _NS
_LANES = 16


@functools.lru_cache(maxsize=None)
def _build_sc_pool(B, L, D, HL):
    H = L // HL
    BPW = B // _NW
    RPW = BPW * H
    KD = D // _LANES

    mesh = plsc.VectorSubcoreMesh(
        core_axis_name="c", subcore_axis_name="s",
        num_cores=_NC, num_subcores=_NS)

    def body(idx_hbm, table_hbm, out_hbm, idx_v, rows_v, acc_v, sem0, sem1):
        wid = lax.axis_index("s") * _NC + lax.axis_index("c")
        row0 = wid * RPW
        sems = (sem0, sem1)

        pltpu.sync_copy(idx_hbm.at[pl.ds(row0, RPW)], idx_v)

        def gcopy(h, p):
            return pltpu.make_async_copy(
                table_hbm.at[idx_v.at[h]], rows_v.at[p], sems[p])

        gcopy(0, 0).start()
        gcopy(1, 1).start()

        def outer(i, carry):
            acc = (jnp.zeros((_LANES,), jnp.float32),) * KD
            for b in range(H):
                h = i * H + b
                gcopy(h, b).wait()

                def inner(j, a):
                    return tuple(
                        a[k] + rows_v[b, j, pl.ds(k * _LANES, _LANES)]
                        for k in range(KD))
                acc = lax.fori_loop(0, HL, inner, acc, unroll=4)

                @pl.when(h + H < RPW)
                def _():
                    gcopy(h + H, b).start()
            for k in range(KD):
                acc_v[i, pl.ds(k * _LANES, _LANES)] = acc[k]
            return carry

        lax.fori_loop(0, BPW, outer, 0)
        pltpu.sync_copy(acc_v, out_hbm.at[pl.ds(wid * BPW, BPW)])

    return pl.kernel(
        body,
        out_type=jax.ShapeDtypeStruct((B, D), jnp.float32),
        mesh=mesh,
        compiler_params=pltpu.CompilerParams(use_tc_tiling_on_sc=False),
        scratch_types=[
            pltpu.VMEM((RPW, HL), jnp.int32),
            pltpu.VMEM((H, HL, D), jnp.float32),
            pltpu.VMEM((BPW, D), jnp.float32),
            pltpu.SemaphoreType.DMA,
            pltpu.SemaphoreType.DMA,
        ],
    )


@functools.lru_cache(maxsize=None)
def _build_sc_pool_tiled(B, L, D, TW, HL):
    BPW = B // _NW
    del HL
    SZ = (104, L - 104)
    assert 0 < SZ[1] <= 104 and L % 8 == 0
    KD = D // _LANES

    mesh = plsc.VectorSubcoreMesh(
        core_axis_name="c", subcore_axis_name="s",
        num_cores=_NC, num_subcores=_NS)

    def body(idx_hbm, table_hbm, out_hbm, idx_v, rows_v, acc_v, sem0, sem1):
        wid = lax.axis_index("s") * _NC + lax.axis_index("c")
        sems = (sem0, sem1)

        pltpu.sync_copy(idx_hbm.at[pl.ds(wid * (BPW * L), BPW * L)], idx_v)

        def gcopy(i, p):
            return pltpu.make_async_copy(
                table_hbm.at[idx_v.at[pl.ds(i * L + p * SZ[0], SZ[p])]],
                rows_v.at[p, pl.ds(0, SZ[p])],
                sems[p])

        gcopy(0, 0).start()
        gcopy(0, 1).start()

        def outer(i, carry):
            acc = (jnp.zeros((_LANES,), jnp.float32),) * KD
            for b in range(2):
                gcopy(i, b).wait()

                def inner(j, a):
                    return tuple(
                        a[k] + rows_v[b, j, pl.ds(k * _LANES, _LANES)]
                        for k in range(KD))
                acc = lax.fori_loop(0, SZ[b], inner, acc, unroll=4)

                @pl.when(i + 1 < BPW)
                def _():
                    gcopy(i + 1, b).start()
            for k in range(KD):
                acc_v[pl.ds(i * D + k * _LANES, _LANES)] = acc[k]
            return carry

        lax.fori_loop(0, BPW, outer, 0)
        pltpu.sync_copy(acc_v, out_hbm.at[pl.ds(wid * (BPW * D), BPW * D)])

    return pl.kernel(
        body,
        out_type=jax.ShapeDtypeStruct((B * D,), jnp.float32),
        mesh=mesh,
        compiler_params=pltpu.CompilerParams(
            use_tc_tiling_on_sc=True, needs_layout_passes=False),
        scratch_types=[
            pltpu.VMEM((BPW * L,), jnp.int32),
            pltpu.VMEM((2, SZ[0], TW), jnp.float32),
            pltpu.VMEM((BPW * D,), jnp.float32),
            pltpu.SemaphoreType.DMA,
            pltpu.SemaphoreType.DMA,
        ],
    )


@functools.lru_cache(maxsize=None)
def _build_sc_detile(V, D, VCHUNK):
    KD = D // _LANES
    n_full = V // VCHUNK
    tail = V - n_full * VCHUNK
    t_max = (n_full + _NW - 1) // _NW
    t2_max = (t_max + 2) // 2

    mesh = plsc.VectorSubcoreMesh(
        core_axis_name="c", subcore_axis_name="s",
        num_cores=_NC, num_subcores=_NS)

    def body(tt_hbm, tailf_hbm, out_hbm, in_v0, in_v1, out_v0, out_v1,
             isem0, isem1, osem0, osem1):
        in_vs = (in_v0, in_v1)
        out_vs = (out_v0, out_v1)
        wid = lax.axis_index("s") * _NC + lax.axis_index("c")
        isems = (isem0, isem1)
        osems = (osem0, osem1)

        def icopy(c, p):
            return pltpu.make_async_copy(
                tt_hbm.at[:, pl.ds(c * VCHUNK, VCHUNK)], in_vs[p], isems[p])

        def ocopy(c, p):
            return pltpu.make_async_copy(
                out_vs[p],
                out_hbm.at[pl.ds(c * (VCHUNK * D), VCHUNK * D)], osems[p])

        icopy(wid, 0).start()
        icopy(wid + _NW, 1).start()

        lane_iota = lax.iota(jnp.int32, _LANES)
        rot = [(lane_iota + j) & (_LANES - 1) for j in range(_LANES)]
        o_rot = [lane_iota * D + rot[j] for j in range(_LANES)]

        def transpose_chunk(b, ncols):
            def per_vblock(vb, carry):
                v0 = vb * _LANES
                cvec = lane_iota + v0
                out_ref = out_vs[b].at[pl.ds(v0 * D, _LANES * D)]
                for db in range(KD):
                    for j in range(_LANES):
                        vals = plsc.load_gather(
                            in_vs[b], [rot[j] + db * _LANES, cvec])
                        plsc.store_scatter(
                            out_ref, [o_rot[j] + db * _LANES], vals)
                return carry
            lax.fori_loop(0, ncols // _LANES, per_vblock, 0)

        def outer(t2, carry):
            for b in range(2):
                t = t2 * 2 + b
                c = wid + t * _NW

                @pl.when(c < n_full)
                def _process():
                    icopy(c, b).wait()

                    @pl.when(t2 >= 1)
                    def _():
                        ocopy(c, b).wait()

                    transpose_chunk(b, VCHUNK)
                    ocopy(c, b).start()

                    @pl.when(c + 2 * _NW < n_full)
                    def _():
                        icopy(c + 2 * _NW, b).start()
            return carry

        lax.fori_loop(0, t2_max, outer, 0)
        ocopy(wid, 0).wait()
        ocopy(wid, 1).wait()

        if tail:
            @pl.when(wid == _NW - 1)
            def _tail():
                pltpu.sync_copy(tailf_hbm, out_v0.at[pl.ds(0, tail * D)])
                pltpu.sync_copy(
                    out_v0.at[pl.ds(0, tail * D)],
                    out_hbm.at[pl.ds(n_full * VCHUNK * D, tail * D)])

    return pl.kernel(
        body,
        out_type=jax.ShapeDtypeStruct((V * D,), jnp.float32),
        mesh=mesh,
        compiler_params=pltpu.CompilerParams(
            use_tc_tiling_on_sc=True, needs_layout_passes=False),
        scratch_types=[
            pltpu.VMEM((D, VCHUNK), jnp.float32),
            pltpu.VMEM((D, VCHUNK), jnp.float32),
            pltpu.VMEM((VCHUNK * D,), jnp.float32),
            pltpu.VMEM((VCHUNK * D,), jnp.float32),
            pltpu.SemaphoreType.DMA,
            pltpu.SemaphoreType.DMA,
            pltpu.SemaphoreType.DMA,
            pltpu.SemaphoreType.DMA,
        ],
    )


def _tc_head(sums, lens, w, b):
    def body(s_ref, l_ref, w_ref, b_ref, o_ref):
        pooled = s_ref[...] / l_ref[...]
        o_ref[...] = jnp.dot(
            pooled, w_ref[...], preferred_element_type=jnp.float32) + b_ref[...]

    return pl.pallas_call(
        body,
        out_shape=jax.ShapeDtypeStruct((sums.shape[0], w.shape[1]), jnp.float32),
    )(sums, lens, w, b)


def kernel(train_x, train_x_len, emb_table, W4, b4):
    B, L = train_x.shape
    D = emb_table.shape[1]
    C = W4.shape[0]
    HL = 100
    V = emb_table.shape[0]
    sc_detile = _build_sc_detile(V, D, 256)
    sc_pool = _build_sc_pool(B, L, D, HL)
    idx = train_x.reshape(B * (L // HL), HL).astype(jnp.int32)
    n_full = V // 256
    tail_flat = emb_table[n_full * 256:, :].reshape(-1)
    flat = sc_detile(jnp.swapaxes(emb_table, 0, 1), tail_flat)
    sums = sc_pool(idx, flat.reshape(V, D))
    lens = train_x_len.reshape(B, 1).astype(jnp.float32)
    return _tc_head(sums, lens, W4.T, b4.reshape(1, C))

# --- scband reference (transcript-rebuilt; emitter-appended) ---
"""Pipeline reference for scband-bow-model-38122129719457 (READ-ONLY COPY).

The authoritative reference and input builder live on the scoring server;
editing this copy changes nothing except your own understanding.
"""

import jax, jax.numpy as jnp
import numpy as np

VOCAB = 1000000
EMBED = 64
BATCH = 4096
SEQLEN = 200
NUM_CLASSES = 10


def setup_inputs(seed: int = 0) -> dict:
    key = jax.random.key(seed)
    k1, k2, k3, k4 = jax.random.split(key, 4)
    train_x = jax.random.randint(k1, (BATCH, SEQLEN), 0, VOCAB)
    # lengths must be >= 1 to avoid division by zero
    train_x_len = jax.random.randint(k2, (BATCH,), 1, SEQLEN + 1)
    emb_table = jax.random.normal(k3, (VOCAB, EMBED), dtype=jnp.float32) * 0.02
    W4 = jax.random.normal(k4, (NUM_CLASSES, EMBED), dtype=jnp.float32) * (1.0 / np.sqrt(EMBED))
    b4 = jnp.zeros((NUM_CLASSES,), dtype=jnp.float32)
    return {"train_x": train_x, "train_x_len": train_x_len, "emb_table": emb_table, "W4": W4, "b4": b4}


def reference(train_x, train_x_len, emb_table, W4, b4):
    # embedding lookup: [B, L, D]
    embeds_x_tmp = jnp.take(emb_table, train_x, axis=0).astype(jnp.float32)
    # sum over sequence, divide by per-example length (bag-of-words average)
    embeds_x = jnp.sum(embeds_x_tmp, axis=1).reshape(-1, EMBED) / train_x_len.reshape(-1, 1).astype(jnp.float32)
    # linear4: embed_size -> num_classes
    out3 = embeds_x @ W4.T + b4
    return out3

if __name__ == "__main__":
    import jax
    _d = setup_inputs()
    print(jax.jit(kernel)(*tuple(_d.values())))

</pallas_src>

<mosaic_0001>
#map = affine_map<(d0, d1) -> (0, 0)>
#map1 = affine_map<(d0, d1) -> (0)>
module attributes {stable_mosaic.version = 14 : i64} {
  func.func @body(%arg0: i32, %arg1: i32, %arg2: memref<64x1000000xf32, #tpu.memory_space<hbm>>, %arg3: memref<4096xf32, #tpu.memory_space<hbm>>, %arg4: memref<64000000xf32, #tpu.memory_space<hbm>>, %arg5: memref<64x256xf32, #tpu.memory_space<vmem>>, %arg6: memref<64x256xf32, #tpu.memory_space<vmem>>, %arg7: memref<16384xf32, #tpu.memory_space<vmem>>, %arg8: memref<16384xf32, #tpu.memory_space<vmem>>, %arg9: memref<!tpu.dma_semaphore, #tpu.memory_space<semaphore_mem>>, %arg10: memref<!tpu.dma_semaphore, #tpu.memory_space<semaphore_mem>>, %arg11: memref<!tpu.dma_semaphore, #tpu.memory_space<semaphore_mem>>, %arg12: memref<!tpu.dma_semaphore, #tpu.memory_space<semaphore_mem>>) attributes {dimension_semantics = [#tpu.dimension_semantics<core_parallel>, #tpu.dimension_semantics<subcore_parallel>], iteration_bounds = array<i64: 2, 16>, scalar_prefetch = 0 : i64, scratch_operands = 8 : i64, tpu.core_type = #tpu.core_type<sc_vector_subcore>, window_params = [{transform_indices = #map}, {transform_indices = #map1}, {transform_indices = #map1}]} {
    %mul3A = arith.constant 2 : i32
    %mul3A_0 = arith.muli %arg1, %mul3A : i32
    %add3A = arith.addi %mul3A_0, %arg0 : i32
    %mul3A_1 = arith.constant 256 : i32
    %mul3A_2 = arith.muli %add3A, %mul3A_1 : i32
    %dma_start3A = arith.constant 0 : i32
    %dma_start3A_3 = tpu.memref_slice %arg2[%dma_start3A, %mul3A_2] : memref<64x1000000xf32, #tpu.memory_space<hbm>> -> memref<64x256xf32, #tpu.memory_space<hbm>>
    %dma_start3A_4 = arith.constant 0 : i32
    %dma_start3A_5 = tpu.memref_slice %arg2[%dma_start3A_4, %mul3A_2] : memref<64x1000000xf32, #tpu.memory_space<hbm>> -> memref<64x256xf32, #tpu.memory_space<hbm>>
    tpu.enqueue_dma source(%dma_start3A_5 : memref<64x256xf32, #tpu.memory_space<hbm>>) target(%arg5 : memref<64x256xf32, #tpu.memory_space<vmem>>) target_semaphore(%arg9 : memref<!tpu.dma_semaphore, #tpu.memory_space<semaphore_mem>>)
    %add3A_6 = arith.constant 32 : i32
    %add3A_7 = arith.addi %add3A, %add3A_6 : i32
    %mul3A_8 = arith.constant 256 : i32
    %mul3A_9 = arith.muli %add3A_7, %mul3A_8 : i32
    %dma_start3A_10 = arith.constant 0 : i32
    %dma_start3A_11 = tpu.memref_slice %arg2[%dma_start3A_10, %mul3A_9] : memref<64x1000000xf32, #tpu.memory_space<hbm>> -> memref<64x256xf32, #tpu.memory_space<hbm>>
    %dma_start3A_12 = arith.constant 0 : i32
    %dma_start3A_13 = tpu.memref_slice %arg2[%dma_start3A_12, %mul3A_9] : memref<64x1000000xf32, #tpu.memory_space<hbm>> -> memref<64x256xf32, #tpu.memory_space<hbm>>
    tpu.enqueue_dma source(%dma_start3A_13 : memref<64x256xf32, #tpu.memory_space<hbm>>) target(%arg6 : memref<64x256xf32, #tpu.memory_space<vmem>>) target_semaphore(%arg10 : memref<!tpu.dma_semaphore, #tpu.memory_space<semaphore_mem>>)
    %iota3A = tpu.iota {dimensions = array<i32: 0>} : vector<16xi32>
    %add3A_14 = arith.constant 0 : i32
    %add3A_15 = vector.broadcast %add3A_14 : i32 to vector<16xi32>
    %add3A_16 = arith.addi %iota3A, %add3A_15 : vector<16xi32>
    %and3A = arith.constant 15 : i32
    %and3A_17 = vector.broadcast %and3A : i32 to vector<16xi32>
    %and3A_18 = arith.andi %add3A_16, %and3A_17 : vector<16xi32>
    %add3A_19 = arith.constant 1 : i32
    %add3A_20 = vector.broadcast %add3A_19 : i32 to vector<16xi32>
    %add3A_21 = arith.addi %iota3A, %add3A_20 : vector<16xi32>
    %and3A_22 = arith.constant 15 : i32
    %and3A_23 = vector.broadcast %and3A_22 : i32 to vector<16xi32>
    %and3A_24 = arith.andi %add3A_21, %and3A_23 : vector<16xi32>
    %add3A_25 = arith.constant 2 : i32
    %add3A_26 = vector.broadcast %add3A_25 : i32 to vector<16xi32>
    %add3A_27 = arith.addi %iota3A, %add3A_26 : vector<16xi32>
    %and3A_28 = arith.constant 15 : i32
    %and3A_29 = vector.broadcast %and3A_28 : i32 to vector<16xi32>
    %and3A_30 = arith.andi %add3A_27, %and3A_29 : vector<16xi32>
    %add3A_31 = arith.constant 3 : i32
    %add3A_32 = vector.broadcast %add3A_31 : i32 to vector<16xi32>
    %add3A_33 = arith.addi %iota3A, %add3A_32 : vector<16xi32>
    %and3A_34 = arith.constant 15 : i32
    %and3A_35 = vector.broadcast %and3A_34 : i32 to vector<16xi32>
    %and3A_36 = arith.andi %add3A_33, %and3A_35 : vector<16xi32>
    %add3A_37 = arith.constant 4 : i32
    %add3A_38 = vector.broadcast %add3A_37 : i32 to vector<16xi32>
    %add3A_39 = arith.addi %iota3A, %add3A_38 : vector<16xi32>
    %and3A_40 = arith.constant 15 : i32
    %and3A_41 = vector.broadcast %and3A_40 : i32 to vector<16xi32>
    %and3A_42 = arith.andi %add3A_39, %and3A_41 : vector<16xi32>
    %add3A_43 = arith.constant 5 : i32
    %add3A_44 = vector.broadcast %add3A_43 : i32 to vector<16xi32>
    %add3A_45 = arith.addi %iota3A, %add3A_44 : vector<16xi32>
    %and3A_46 = arith.constant 15 : i32
    %and3A_47 = vector.broadcast %and3A_46 : i32 to vector<16xi32>
    %and3A_48 = arith.andi %add3A_45, %and3A_47 : vector<16xi32>
    %add3A_49 = arith.constant 6 : i32
    %add3A_50 = vector.broadcast %add3A_49 : i32 to vector<16xi32>
    %add3A_51 = arith.addi %iota3A, %add3A_50 : vector<16xi32>
    %and3A_52 = arith.constant 15 : i32
    %and3A_53 = vector.broadcast %and3A_52 : i32 to vector<16xi32>
    %and3A_54 = arith.andi %add3A_51, %and3A_53 : vector<16xi32>
    %add3A_55 = arith.constant 7 : i32
    %add3A_56 = vector.broadcast %add3A_55 : i32 to vector<16xi32>
    %add3A_57 = arith.addi %iota3A, %add3A_56 : vector<16xi32>
    %and3A_58 = arith.constant 15 : i32
    %and3A_59 = vector.broadcast %and3A_58 : i32 to vector<16xi32>
    %and3A_60 = arith.andi %add3A_57, %and3A_59 : vector<16xi32>
    %add3A_61 = arith.constant 8 : i32
    %add3A_62 = vector.broadcast %add3A_61 : i32 to vector<16xi32>
    %add3A_63 = arith.addi %iota3A, %add3A_62 : vector<16xi32>
    %and3A_64 = arith.constant 15 : i32
    %and3A_65 = vector.broadcast %and3A_64 : i32 to vector<16xi32>
    %and3A_66 = arith.andi %add3A_63, %and3A_65 : vector<16xi32>
    %add3A_67 = arith.constant 9 : i32
    %add3A_68 = vector.broadcast %add3A_67 : i32 to vector<16xi32>
    %add3A_69 = arith.addi %iota3A, %add3A_68 : vector<16xi32>
    %and3A_70 = arith.constant 15 : i32
    %and3A_71 = vector.broadcast %and3A_70 : i32 to vector<16xi32>
    %and3A_72 = arith.andi %add3A_69, %and3A_71 : vector<16xi32>
    %add3A_73 = arith.constant 10 : i32
    %add3A_74 = vector.broadcast %add3A_73 : i32 to vector<16xi32>
    %add3A_75 = arith.addi %iota3A, %add3A_74 : vector<16xi32>
    %and3A_76 = arith.constant 15 : i32
    %and3A_77 = vector.broadcast %and3A_76 : i32 to vector<16xi32>
    %and3A_78 = arith.andi %add3A_75, %and3A_77 : vector<16xi32>
    %add3A_79 = arith.constant 11 : i32
    %add3A_80 = vector.broadcast %add3A_79 : i32 to vector<16xi32>
    %add3A_81 = arith.addi %iota3A, %add3A_80 : vector<16xi32>
    %and3A_82 = arith.constant 15 : i32
    %and3A_83 = vector.broadcast %and3A_82 : i32 to vector<16xi32>
    %and3A_84 = arith.andi %add3A_81, %and3A_83 : vector<16xi32>
    %add3A_85 = arith.constant 12 : i32
    %add3A_86 = vector.broadcast %add3A_85 : i32 to vector<16xi32>
    %add3A_87 = arith.addi %iota3A, %add3A_86 : vector<16xi32>
    %and3A_88 = arith.constant 15 : i32
    %and3A_89 = vector.broadcast %and3A_88 : i32 to vector<16xi32>
    %and3A_90 = arith.andi %add3A_87, %and3A_89 : vector<16xi32>
    %add3A_91 = arith.constant 13 : i32
    %add3A_92 = vector.broadcast %add3A_91 : i32 to vector<16xi32>
    %add3A_93 = arith.addi %iota3A, %add3A_92 : vector<16xi32>
    %and3A_94 = arith.constant 15 : i32
    %and3A_95 = vector.broadcast %and3A_94 : i32 to vector<16xi32>
    %and3A_96 = arith.andi %add3A_93, %and3A_95 : vector<16xi32>
    %add3A_97 = arith.constant 14 : i32
    %add3A_98 = vector.broadcast %add3A_97 : i32 to vector<16xi32>
    %add3A_99 = arith.addi %iota3A, %add3A_98 : vector<16xi32>
    %and3A_100 = arith.constant 15 : i32
    %and3A_101 = vector.broadcast %and3A_100 : i32 to vector<16xi32>
    %and3A_102 = arith.andi %add3A_99, %and3A_101 : vector<16xi32>
    %add3A_103 = arith.constant 15 : i32
    %add3A_104 = vector.broadcast %add3A_103 : i32 to vector<16xi32>
    %add3A_105 = arith.addi %iota3A, %add3A_104 : vector<16xi32>
    %and3A_106 = arith.constant 15 : i32
    %and3A_107 = vector.broadcast %and3A_106 : i32 to vector<16xi32>
    %and3A_108 = arith.andi %add3A_105, %and3A_107 : vector<16xi32>
    %mul3A_109 = arith.constant 64 : i32
    %mul3A_110 = vector.broadcast %mul3A_109 : i32 to vector<16xi32>
    %mul3A_111 = arith.muli %iota3A, %mul3A_110 : vector<16xi32>
    %add3A_112 = arith.addi %mul3A_111, %and3A_18 : vector<16xi32>
    %mul3A_113 = arith.constant 64 : i32
    %mul3A_114 = vector.broadcast %mul3A_113 : i32 to vector<16xi32>
    %mul3A_115 = arith.muli %iota3A, %mul3A_114 : vector<16xi32>
    %add3A_116 = arith.addi %mul3A_115, %and3A_24 : vector<16xi32>
    %mul3A_117 = arith.constant 64 : i32
    %mul3A_118 = vector.broadcast %mul3A_117 : i32 to vector<16xi32>
    %mul3A_119 = arith.muli %iota3A, %mul3A_118 : vector<16xi32>
    %add3A_120 = arith.addi %mul3A_119, %and3A_30 : vector<16xi32>
    %mul3A_121 = arith.constant 64 : i32
    %mul3A_122 = vector.broadcast %mul3A_121 : i32 to vector<16xi32>
    %mul3A_123 = arith.muli %iota3A, %mul3A_122 : vector<16xi32>
    %add3A_124 = arith.addi %mul3A_123, %and3A_36 : vector<16xi32>
    %mul3A_125 = arith.constant 64 : i32
    %mul3A_126 = vector.broadcast %mul3A_125 : i32 to vector<16xi32>
    %mul3A_127 = arith.muli %iota3A, %mul3A_126 : vector<16xi32>
    %add3A_128 = arith.addi %mul3A_127, %and3A_42 : vector<16xi32>
    %mul3A_129 = arith.constant 64 : i32
    %mul3A_130 = vector.broadcast %mul3A_129 : i32 to vector<16xi32>
    %mul3A_131 = arith.muli %iota3A, %mul3A_130 : vector<16xi32>
    %add3A_132 = arith.addi %mul3A_131, %and3A_48 : vector<16xi32>
    %mul3A_133 = arith.constant 64 : i32
    %mul3A_134 = vector.broadcast %mul3A_133 : i32 to vector<16xi32>
    %mul3A_135 = arith.muli %iota3A, %mul3A_134 : vector<16xi32>
    %add3A_136 = arith.addi %mul3A_135, %and3A_54 : vector<16xi32>
    %mul3A_137 = arith.constant 64 : i32
    %mul3A_138 = vector.broadcast %mul3A_137 : i32 to vector<16xi32>
    %mul3A_139 = arith.muli %iota3A, %mul3A_138 : vector<16xi32>
    %add3A_140 = arith.addi %mul3A_139, %and3A_60 : vector<16xi32>
    %mul3A_141 = arith.constant 64 : i32
    %mul3A_142 = vector.broadcast %mul3A_141 : i32 to vector<16xi32>
    %mul3A_143 = arith.muli %iota3A, %mul3A_142 : vector<16xi32>
    %add3A_144 = arith.addi %mul3A_143, %and3A_66 : vector<16xi32>
    %mul3A_145 = arith.constant 64 : i32
    %mul3A_146 = vector.broadcast %mul3A_145 : i32 to vector<16xi32>
    %mul3A_147 = arith.muli %iota3A, %mul3A_146 : vector<16xi32>
    %add3A_148 = arith.addi %mul3A_147, %and3A_72 : vector<16xi32>
    %mul3A_149 = arith.constant 64 : i32
    %mul3A_150 = vector.broadcast %mul3A_149 : i32 to vector<16xi32>
    %mul3A_151 = arith.muli %iota3A, %mul3A_150 : vector<16xi32>
    %add3A_152 = arith.addi %mul3A_151, %and3A_78 : vector<16xi32>
    %mul3A_153 = arith.constant 64 : i32
    %mul3A_154 = vector.broadcast %mul3A_153 : i32 to vector<16xi32>
    %mul3A_155 = arith.muli %iota3A, %mul3A_154 : vector<16xi32>
    %add3A_156 = arith.addi %mul3A_155, %and3A_84 : vector<16xi32>
    %mul3A_157 = arith.constant 64 : i32
    %mul3A_158 = vector.broadcast %mul3A_157 : i32 to vector<16xi32>
    %mul3A_159 = arith.muli %iota3A, %mul3A_158 : vector<16xi32>
    %add3A_160 = arith.addi %mul3A_159, %and3A_90 : vector<16xi32>
    %mul3A_161 = arith.constant 64 : i32
    %mul3A_162 = vector.broadcast %mul3A_161 : i32 to vector<16xi32>
    %mul3A_163 = arith.muli %iota3A, %mul3A_162 : vector<16xi32>
    %add3A_164 = arith.addi %mul3A_163, %and3A_96 : vector<16xi32>
    %mul3A_165 = arith.constant 64 : i32
    %mul3A_166 = vector.broadcast %mul3A_165 : i32 to vector<16xi32>
    %mul3A_167 = arith.muli %iota3A, %mul3A_166 : vector<16xi32>
    %add3A_168 = arith.addi %mul3A_167, %and3A_102 : vector<16xi32>
    %mul3A_169 = arith.constant 64 : i32
    %mul3A_170 = vector.broadcast %mul3A_169 : i32 to vector<16xi32>
    %mul3A_171 = arith.muli %iota3A, %mul3A_170 : vector<16xi32>
    %add3A_172 = arith.addi %mul3A_171, %and3A_108 : vector<16xi32>
    %scan3A = arith.constant 0 : i32
    %scan3A_173 = arith.constant 0 : i32
    %scan3A_174 = arith.constant 62 : i32
    %scan3A_175 = arith.addi %scan3A_173, %scan3A_174 : i32
    %scan3A_176 = arith.constant 1 : i32
    scf.for %scan3A_187 = %scan3A_173 to %scan3A_175 step %scan3A_176  : i32 {
      %mul3A_188 = arith.constant 2 : i32
      %mul3A_189 = arith.muli %scan3A_187, %mul3A_188 : i32
      %add3A_190 = arith.constant 0 : i32
      %add3A_191 = arith.addi %mul3A_189, %add3A_190 : i32
      %mul3A_192 = arith.constant 32 : i32
      %mul3A_193 = arith.muli %add3A_191, %mul3A_192 : i32
      %add3A_194 = arith.addi %add3A, %mul3A_193 : i32
      %lt3A = arith.constant 3906 : i32
      %lt3A_195 = arith.cmpi slt, %add3A_194, %lt3A : i32
      %convert_element_type3A_196 = arith.extui %lt3A_195 : i1 to i32
      %cond3A_197 = arith.constant 0 : i32
      %cond3A_198 = arith.cmpi ne, %convert_element_type3A_196, %cond3A_197 : i32
      scf.if %cond3A_198 {
        %mul3A_211 = arith.constant 256 : i32
        %mul3A_212 = arith.muli %add3A_194, %mul3A_211 : i32
        %dma_wait3A_213 = arith.constant 0 : i32
        %dma_wait3A_214 = tpu.memref_slice %arg2[%dma_wait3A_213, %mul3A_212] : memref<64x1000000xf32, #tpu.memory_space<hbm>> -> memref<64x256xf32, #tpu.memory_space<hbm>>
        %dma_wait3A_215 = arith.constant 0 : i32
        %dma_wait3A_216 = tpu.memref_slice %arg2[%dma_wait3A_215, %mul3A_212] : memref<64x1000000xf32, #tpu.memory_space<hbm>> -> memref<64x256xf32, #tpu.memory_space<hbm>>
        tpu.wait_dma2 semaphore(%arg9 : memref<!tpu.dma_semaphore, #tpu.memory_space<semaphore_mem>>) src(%dma_wait3A_216 : memref<64x256xf32, #tpu.memory_space<hbm>>) dst(%arg5 : memref<64x256xf32, #tpu.memory_space<vmem>>)
        %ge3A = arith.constant 1 : i32
        %ge3A_217 = arith.cmpi sge, %scan3A_187, %ge3A : i32
        %convert_element_type3A_218 = arith.extui %ge3A_217 : i1 to i32
        %cond3A_219 = arith.constant 0 : i32
        %cond3A_220 = arith.cmpi ne, %convert_element_type3A_218, %cond3A_219 : i32
        scf.if %cond3A_220 {
          %mul3A_238 = arith.constant 16384 : i32
          %mul3A_239 = arith.muli %add3A_194, %mul3A_238 : i32
          %dma_wait3A_240 = tpu.memref_slice %arg4[%mul3A_239] : memref<64000000xf32, #tpu.memory_space<hbm>> -> memref<16384xf32, #tpu.memory_space<hbm>>
          %dma_wait3A_241 = tpu.memref_slice %arg4[%mul3A_239] : memref<64000000xf32, #tpu.memory_space<hbm>> -> memref<16384xf32, #tpu.memory_space<hbm>>
          tpu.wait_dma2 semaphore(%arg11 : memref<!tpu.dma_semaphore, #tpu.memory_space<semaphore_mem>>) src(%arg7 : memref<16384xf32, #tpu.memory_space<vmem>>) dst(%dma_wait3A_241 : memref<16384xf32, #tpu.memory_space<hbm>>)
        } else {
        }
        %scan3A_221 = arith.constant 0 : i32
        %scan3A_222 = arith.constant 0 : i32
        %scan3A_223 = arith.constant 16 : i32
        %scan3A_224 = arith.addi %scan3A_222, %scan3A_223 : i32
        %scan3A_225 = arith.constant 1 : i32
        scf.for %scan3A_238 = %scan3A_222 to %scan3A_224 step %scan3A_225  : i32 {
          %mul3A_239 = arith.constant 16 : i32
          %mul3A_240 = arith.muli %scan3A_238, %mul3A_239 : i32
          %add3A_241 = vector.broadcast %mul3A_240 : i32 to vector<16xi32>
          %add3A_242 = arith.addi %iota3A, %add3A_241 : vector<16xi32>
          %mul3A_243 = arith.constant 64 : i32
          %mul3A_244 = arith.muli %mul3A_240, %mul3A_243 : i32
          %add3A_245 = arith.constant 0 : i32
          %add3A_246 = vector.broadcast %add3A_245 : i32 to vector<16xi32>
          %add3A_247 = arith.addi %and3A_18, %add3A_246 : vector<16xi32>
          %gather3A = tpu.vector_load_idx %arg5[%add3A_247, %add3A_242] : memref<64x256xf32, #tpu.memory_space<vmem>>[vector<16xi32>, vector<16xi32>], vector<16xf32>,
          %add3A_248 = arith.constant 0 : i32
          %add3A_249 = vector.broadcast %add3A_248 : i32 to vector<16xi32>
          %add3A_250 = arith.addi %add3A_112, %add3A_249 : vector<16xi32>
          %scatter3A = tpu.memref_slice %arg7[%mul3A_244] : memref<16384xf32, #tpu.memory_space<vmem>> -> memref<1024xf32, #tpu.memory_space<vmem>>
          tpu.vector_store_idx %scatter3A[%add3A_250], %gather3A : memref<1024xf32, #tpu.memory_space<vmem>>[vector<16xi32>], vector<16xf32>,
          %add3A_251 = arith.constant 0 : i32
          %add3A_252 = vector.broadcast %add3A_251 : i32 to vector<16xi32>
          %add3A_253 = arith.addi %and3A_24, %add3A_252 : vector<16xi32>
          %gather3A_254 = tpu.vector_load_idx %arg5[%add3A_253, %add3A_242] : memref<64x256xf32, #tpu.memory_space<vmem>>[vector<16xi32>, vector<16xi32>], vector<16xf32>,
          %add3A_255 = arith.constant 0 : i32
          %add3A_256 = vector.broadcast %add3A_255 : i32 to vector<16xi32>
          %add3A_257 = arith.addi %add3A_116, %add3A_256 : vector<16xi32>
          %scatter3A_258 = tpu.memref_slice %arg7[%mul3A_244] : memref<16384xf32, #tpu.memory_space<vmem>> -> memref<1024xf32, #tpu.memory_space<vmem>>
          tpu.vector_store_idx %scatter3A_258[%add3A_257], %gather3A_254 : memref<1024xf32, #tpu.memory_space<vmem>>[vector<16xi32>], vector<16xf32>,
          %add3A_259 = arith.constant 0 : i32
          %add3A_260 = vector.broadcast %add3A_259 : i32 to vector<16xi32>
          %add3A_261 = arith.addi %and3A_30, %add3A_260 : vector<16xi32>
          %gather3A_262 = tpu.vector_load_idx %arg5[%add3A_261, %add3A_242] : memref<64x256xf32, #tpu.memory_space<vmem>>[vector<16xi32>, vector<16xi32>], vector<16xf32>,
          %add3A_263 = arith.constant 0 : i32
          %add3A_264 = vector.broadcast %add3A_263 : i32 to vector<16xi32>
          %add3A_265 = arith.addi %add3A_120, %add3A_264 : vector<16xi32>
          %scatter3A_266 = tpu.memref_slice %arg7[%mul3A_244] : memref<16384xf32, #tpu.memory_space<vmem>> -> memref<1024xf32, #tpu.memory_space<vmem>>
          tpu.vector_store_idx %scatter3A_266[%add3A_265], %gather3A_262 : memref<1024xf32, #tpu.memory_space<vmem>>[vector<16xi32>], vector<16xf32>,
          %add3A_267 = arith.constant 0 : i32
          %add3A_268 = vector.broadcast %add3A_267 : i32 to vector<16xi32>
          %add3A_269 = arith.addi %and3A_36, %add3A_268 : vector<16xi32>
          %gather3A_270 = tpu.vector_load_idx %arg5[%add3A_269, %add3A_242] : memref<64x256xf32, #tpu.memory_space<vmem>>[vector<16xi32>, vector<16xi32>], vector<16xf32>,
          %add3A_271 = arith.constant 0 : i32
          %add3A_272 = vector.broadcast %add3A_271 : i32 to vector<16xi32>
          %add3A_273 = arith.addi %add3A_124, %add3A_272 : vector<16xi32>
          %scatter3A_274 = tpu.memref_slice %arg7[%mul3A_244] : memref<16384xf32, #tpu.memory_space<vmem>> -> memref<1024xf32, #tpu.memory_space<vmem>>
          tpu.vector_store_idx %scatter3A_274[%add3A_273], %gather3A_270 : memref<1024xf32, #tpu.memory_space<vmem>>[vector<16xi32>], vector<16xf32>,
          %add3A_275 = arith.constant 0 : i32
          %add3A_276 = vector.broadcast %add3A_275 : i32 to vector<16xi32>
          %add3A_277 = arith.addi %and3A_42, %add3A_276 : vector<16xi32>
          %gather3A_278 = tpu.vector_load_idx %arg5[%add3A_277, %add3A_242] : memref<64x256xf32, #tpu.memory_space<vmem>>[vector<16xi32>, vector<16xi32>], vector<16xf32>,
          %add3A_279 = arith.constant 0 : i32
          %add3A_280 = vector.broadcast %add3A_279 : i32 to vector<16xi32>
          %add3A_281 = arith.addi %add3A_128, %add3A_280 : vector<16xi32>
          %scatter3A_282 = tpu.memref_slice %arg7[%mul3A_244] : memref<16384xf32, #tpu.memory_space<vmem>> -> memref<1024xf32, #tpu.memory_space<vmem>>
          tpu.vector_store_idx %scatter3A_282[%add3A_281], %gather3A_278 : memref<1024xf32, #tpu.memory_space<vmem>>[vector<16xi32>], vector<16xf32>,
          %add3A_283 = arith.constant 0 : i32
          %add3A_284 = vector.broadcast %add3A_283 : i32 to vector<16xi32>
          %add3A_285 = arith.addi %and3A_48, %add3A_284 : vector<16xi32>
          %gather3A_286 = tpu.vector_load_idx %arg5[%add3A_285, %add3A_242] : memref<64x256xf32, #tpu.memory_space<vmem>>[vector<16xi32>, vector<16xi32>], vector<16xf32>,
          %add3A_287 = arith.constant 0 : i32
          %add3A_288 = vector.broadcast %add3A_287 : i32 to vector<16xi32>
          %add3A_289 = arith.addi %add3A_132, %add3A_288 : vector<16xi32>
          %scatter3A_290 = tpu.memref_slice %arg7[%mul3A_244] : memref<16384xf32, #tpu.memory_space<vmem>> -> memref<1024xf32, #tpu.memory_space<vmem>>
          tpu.vector_store_idx %scatter3A_290[%add3A_289], %gather3A_286 : memref<1024xf32, #tpu.memory_space<vmem>>[vector<16xi32>], vector<16xf32>,
          %add3A_291 = arith.constant 0 : i32
          %add3A_292 = vector.broadcast %add3A_291 : i32 to vector<16xi32>
          %add3A_293 = arith.addi %and3A_54, %add3A_292 : vector<16xi32>
          %gather3A_294 = tpu.vector_load_idx %arg5[%add3A_293, %add3A_242] : memref<64x256xf32, #tpu.memory_space<vmem>>[vector<16xi32>, vector<16xi32>], vector<16xf32>,
          %add3A_295 = arith.constant 0 : i32
          %add3A_296 = vector.broadcast %add3A_295 : i32 to vector<16xi32>
          %add3A_297 = arith.addi %add3A_136, %add3A_296 : vector<16xi32>
          %scatter3A_298 = tpu.memref_slice %arg7[%mul3A_244] : memref<16384xf32, #tpu.memory_space<vmem>> -> memref<1024xf32, #tpu.memory_space<vmem>>
          tpu.vector_store_idx %scatter3A_298[%add3A_297], %gather3A_294 : memref<1024xf32, #tpu.memory_space<vmem>>[vector<16xi32>], vector<16xf32>,
          %add3A_299 = arith.constant 0 : i32
          %add3A_300 = vector.broadcast %add3A_299 : i32 to vector<16xi32>
          %add3A_301 = arith.addi %and3A_60, %add3A_300 : vector<16xi32>
          %gather3A_302 = tpu.vector_load_idx %arg5[%add3A_301, %add3A_242] : memref<64x256xf32, #tpu.memory_space<vmem>>[vector<16xi32>, vector<16xi32>], vector<16xf32>,
          %add3A_303 = arith.constant 0 : i32
          %add3A_304 = vector.broadcast %add3A_303 : i32 to vector<16xi32>
          %add3A_305 = arith.addi %add3A_140, %add3A_304 : vector<16xi32>
          %scatter3A_306 = tpu.memref_slice %arg7[%mul3A_244] : memref<16384xf32, #tpu.memory_space<vmem>> -> memref<1024xf32, #tpu.memory_space<vmem>>
          tpu.vector_store_idx %scatter3A_306[%add3A_305], %gather3A_302 : memref<1024xf32, #tpu.memory_space<vmem>>[vector<16xi32>], vector<16xf32>,
          %add3A_307 = arith.constant 0 : i32
          %add3A_308 = vector.broadcast %add3A_307 : i32 to vector<16xi32>
          %add3A_309 = arith.addi %and3A_66, %add3A_308 : vector<16xi32>
          %gather3A_310 = tpu.vector_load_idx %arg5[%add3A_309, %add3A_242] : memref<64x256xf32, #tpu.memory_space<vmem>>[vector<16xi32>, vector<16xi32>], vector<16xf32>,
          %add3A_311 = arith.constant 0 : i32
          %add3A_312 = vector.broadcast %add3A_311 : i32 to vector<16xi32>
          %add3A_313 = arith.addi %add3A_144, %add3A_312 : vector<16xi32>
          %scatter3A_314 = tpu.memref_slice %arg7[%mul3A_244] : memref<16384xf32, #tpu.memory_space<vmem>> -> memref<1024xf32, #tpu.memory_space<vmem>>
          tpu.vector_store_idx %scatter3A_314[%add3A_313], %gather3A_310 : memref<1024xf32, #tpu.memory_space<vmem>>[vector<16xi32>], vector<16xf32>,
          %add3A_315 = arith.constant 0 : i32
          %add3A_316 = vector.broadcast %add3A_315 : i32 to vector<16xi32>
          %add3A_317 = arith.addi %and3A_72, %add3A_316 : vector<16xi32>
          %gather3A_318 = tpu.vector_load_idx %arg5[%add3A_317, %add3A_242] : memref<64x256xf32, #tpu.memory_space<vmem>>[vector<16xi32>, vector<16xi32>], vector<16xf32>,
          %add3A_319 = arith.constant 0 : i32
          %add3A_320 = vector.broadcast %add3A_319 : i32 to vector<16xi32>
          %add3A_321 = arith.addi %add3A_148, %add3A_320 : vector<16xi32>
          %scatter3A_322 = tpu.memref_slice %arg7[%mul3A_244] : memref<16384xf32, #tpu.memory_space<vmem>> -> memref<1024xf32, #tpu.memory_space<vmem>>
          tpu.vector_store_idx %scatter3A_322[%add3A_321], %gather3A_318 : memref<1024xf32, #tpu.memory_space<vmem>>[vector<16xi32>], vector<16xf32>,
          %add3A_323 = arith.constant 0 : i32
          %add3A_324 = vector.broadcast %add3A_323 : i32 to vector<16xi32>
          %add3A_325 = arith.addi %and3A_78, %add3A_324 : vector<16xi32>
          %gather3A_326 = tpu.vector_load_idx %arg5[%add3A_325, %add3A_242] : memref<64x256xf32, #tpu.memory_space<vmem>>[vector<16xi32>, vector<16xi32>], vector<16xf32>,
          %add3A_327 = arith.constant 0 : i32
          %add3A_328 = vector.broadcast %add3A_327 : i32 to vector<16xi32>
          %add3A_329 = arith.addi %add3A_152, %add3A_328 : vector<16xi32>
          %scatter3A_330 = tpu.memref_slice %arg7[%mul3A_244] : memref<16384xf32, #tpu.memory_space<vmem>> -> memref<1024xf32, #tpu.memory_space<vmem>>
          tpu.vector_store_idx %scatter3A_330[%add3A_329], %gather3A_326 : memref<1024xf32, #tpu.memory_space<vmem>>[vector<16xi32>], vector<16xf32>,
          %add3A_331 = arith.constant 0 : i32
          %add3A_332 = vector.broadcast %add3A_331 : i32 to vector<16xi32>
          %add3A_333 = arith.addi %and3A_84, %add3A_332 : vector<16xi32>
          %gather3A_334 = tpu.vector_load_idx %arg5[%add3A_333, %add3A_242] : memref<64x256xf32, #tpu.memory_space<vmem>>[vector<16xi32>, vector<16xi32>], vector<16xf32>,
          %add3A_335 = arith.constant 0 : i32
          %add3A_336 = vector.broadcast %add3A_335 : i32 to vector<16xi32>
          %add3A_337 = arith.addi %add3A_156, %add3A_336 : vector<16xi32>
          %scatter3A_338 = tpu.memref_slice %arg7[%mul3A_244] : memref<16384xf32, #tpu.memory_space<vmem>> -> memref<1024xf32, #tpu.memory_space<vmem>>
          tpu.vector_store_idx %scatter3A_338[%add3A_337], %gather3A_334 : memref<1024xf32, #tpu.memory_space<vmem>>[vector<16xi32>], vector<16xf32>,
          %add3A_339 = arith.constant 0 : i32
          %add3A_340 = vector.broadcast %add3A_339 : i32 to vector<16xi32>
          %add3A_341 = arith.addi %and3A_90, %add3A_340 : vector<16xi32>
          %gather3A_342 = tpu.vector_load_idx %arg5[%add3A_341, %add3A_242] : memref<64x256xf32, #tpu.memory_space<vmem>>[vector<16xi32>, vector<16xi32>], vector<16xf32>,
          %add3A_343 = arith.constant 0 : i32
          %add3A_344 = vector.broadcast %add3A_343 : i32 to vector<16xi32>
          %add3A_345 = arith.addi %add3A_160, %add3A_344 : vector<16xi32>
          %scatter3A_346 = tpu.memref_slice %arg7[%mul3A_244] : memref<16384xf32, #tpu.memory_space<vmem>> -> memref<1024xf32, #tpu.memory_space<vmem>>
          tpu.vector_store_idx %scatter3A_346[%add3A_345], %gather3A_342 : memref<1024xf32, #tpu.memory_space<vmem>>[vector<16xi32>], vector<16xf32>,
          %add3A_347 = arith.constant 0 : i32
          %add3A_348 = vector.broadcast %add3A_347 : i32 to vector<16xi32>
          %add3A_349 = arith.addi %and3A_96, %add3A_348 : vector<16xi32>
          %gather3A_350 = tpu.vector_load_idx %arg5[%add3A_349, %add3A_242] : memref<64x256xf32, #tpu.memory_space<vmem>>[vector<16xi32>, vector<16xi32>], vector<16xf32>,
          %add3A_351 = arith.constant 0 : i32
          %add3A_352 = vector.broadcast %add3A_351 : i32 to vector<16xi32>
          %add3A_353 = arith.addi %add3A_164, %add3A_352 : vector<16xi32>
          %scatter3A_354 = tpu.memref_slice %arg7[%mul3A_244] : memref<16384xf32, #tpu.memory_space<vmem>> -> memref<1024xf32, #tpu.memory_space<vmem>>
          tpu.vector_store_idx %scatter3A_354[%add3A_353], %gather3A_350 : memref<1024xf32, #tpu.memory_space<vmem>>[vector<16xi32>], vector<16xf32>,
          %add3A_355 = arith.constant 0 : i32
          %add3A_356 = vector.broadcast %add3A_355 : i32 to vector<16xi32>
          %add3A_357 = arith.addi %and3A_102, %add3A_356 : vector<16xi32>
          %gather3A_358 = tpu.vector_load_idx %arg5[%add3A_357, %add3A_242] : memref<64x256xf32, #tpu.memory_space<vmem>>[vector<16xi32>, vector<16xi32>], vector<16xf32>,
          %add3A_359 = arith.constant 0 : i32
          %add3A_360 = vector.broadcast %add3A_359 : i32 to vector<16xi32>
          %add3A_361 = arith.addi %add3A_168, %add3A_360 : vector<16xi32>
          %scatter3A_362 = tpu.memref_slice %arg7[%mul3A_244] : memref<16384xf32, #tpu.memory_space<vmem>> -> memref<1024xf32, #tpu.memory_space<vmem>>
          tpu.vector_store_idx %scatter3A_362[%add3A_361], %gather3A_358 : memref<1024xf32, #tpu.memory_space<vmem>>[vector<16xi32>], vector<16xf32>,
          %add3A_363 = arith.constant 0 : i32
          %add3A_364 = vector.broadcast %add3A_363 : i32 to vector<16xi32>
          %add3A_365 = arith.addi %and3A_108, %add3A_364 : vector<16xi32>
          %gather3A_366 = tpu.vector_load_idx %arg5[%add3A_365, %add3A_242] : memref<64x256xf32, #tpu.memory_space<vmem>>[vector<16xi32>, vector<16xi32>], vector<16xf32>,
          %add3A_367 = arith.constant 0 : i32
          %add3A_368 = vector.broadcast %add3A_367 : i32 to vector<16xi32>
          %add3A_369 = arith.addi %add3A_172, %add3A_368 : vector<16xi32>
          %scatter3A_370 = tpu.memref_slice %arg7[%mul3A_244] : memref<16384xf32, #tpu.memory_space<vmem>> -> memref<1024xf32, #tpu.memory_space<vmem>>
          tpu.vector_store_idx %scatter3A_370[%add3A_369], %gather3A_366 : memref<1024xf32, #tpu.memory_space<vmem>>[vector<16xi32>], vector<16xf32>,
          %add3A_371 = arith.constant 16 : i32
          %add3A_372 = vector.broadcast %add3A_371 : i32 to vector<16xi32>
          %add3A_373 = arith.addi %and3A_18, %add3A_372 : vector<16xi32>
          %gather3A_374 = tpu.vector_load_idx %arg5[%add3A_373, %add3A_242] : memref<64x256xf32, #tpu.memory_space<vmem>>[vector<16xi32>, vector<16xi32>], vector<16xf32>,
          %add3A_375 = arith.constant 16 : i32
          %add3A_376 = vector.broadcast %add3A_375 : i32 to vector<16xi32>
          %add3A_377 = arith.addi %add3A_112, %add3A_376 : vector<16xi32>
          %scatter3A_378 = tpu.memref_slice %arg7[%mul3A_244] : memref<16384xf32, #tpu.memory_space<vmem>> -> memref<1024xf32, #tpu.memory_space<vmem>>
          tpu.vector_store_idx %scatter3A_378[%add3A_377], %gather3A_374 : memref<1024xf32, #tpu.memory_space<vmem>>[vector<16xi32>], vector<16xf32>,
          %add3A_379 = arith.constant 16 : i32
          %add3A_380 = vector.broadcast %add3A_379 : i32 to vector<16xi32>
          %add3A_381 = arith.addi %and3A_24, %add3A_380 : vector<16xi32>
          %gather3A_382 = tpu.vector_load_idx %arg5[%add3A_381, %add3A_242] : memref<64x256xf32, #tpu.memory_space<vmem>>[vector<16xi32>, vector<16xi32>], vector<16xf32>,
          %add3A_383 = arith.constant 16 : i32
          %add3A_384 = vector.broadcast %add3A_383 : i32 to vector<16xi32>
          %add3A_385 = arith.addi %add3A_116, %add3A_384 : vector<16xi32>
          %scatter3A_386 = tpu.memref_slice %arg7[%mul3A_244] : memref<16384xf32, #tpu.memory_space<vmem>> -> memref<1024xf32, #tpu.memory_space<vmem>>
          tpu.vector_store_idx %scatter3A_386[%add3A_385], %gather3A_382 : memref<1024xf32, #tpu.memory_space<vmem>>[vector<16xi32>], vector<16xf32>,
          %add3A_387 = arith.constant 16 : i32
          %add3A_388 = vector.broadcast %add3A_387 : i32 to vector<16xi32>
          %add3A_389 = arith.addi %and3A_30, %add3A_388 : vector<16xi32>
          %gather3A_390 = tpu.vector_load_idx %arg5[%add3A_389, %add3A_242] : memref<64x256xf32, #tpu.memory_space<vmem>>[vector<16xi32>, vector<16xi32>], vector<16xf32>,
          %add3A_391 = arith.constant 16 : i32
          %add3A_392 = vector.broadcast %add3A_391 : i32 to vector<16xi32>
          %add3A_393 = arith.addi %add3A_120, %add3A_392 : vector<16xi32>
          %scatter3A_394 = tpu.memref_slice %arg7[%mul3A_244] : memref<16384xf32, #tpu.memory_space<vmem>> -> memref<1024xf32, #tpu.memory_space<vmem>>
          tpu.vector_store_idx %scatter3A_394[%add3A_393], %gather3A_390 : memref<1024xf32, #tpu.memory_space<vmem>>[vector<16xi32>], vector<16xf32>,
          %add3A_395 = arith.constant 16 : i32
          %add3A_396 = vector.broadcast %add3A_395 : i32 to vector<16xi32>
          %add3A_397 = arith.addi %and3A_36, %add3A_396 : vector<16xi32>
          %gather3A_398 = tpu.vector_load_idx %arg5[%add3A_397, %add3A_242] : memref<64x256xf32, #tpu.memory_space<vmem>>[vector<16xi32>, vector<16xi32>], vector<16xf32>,
          %add3A_399 = arith.constant 16 : i32
          %add3A_400 = vector.broadcast %add3A_399 : i32 to vector<16xi32>
          %add3A_401 = arith.addi %add3A_124, %add3A_400 : vector<16xi32>
          %scatter3A_402 = tpu.memref_slice %arg7[%mul3A_244] : memref<16384xf32, #tpu.memory_space<vmem>> -> memref<1024xf32, #tpu.memory_space<vmem>>
          tpu.vector_store_idx %scatter3A_402[%add3A_401], %gather3A_398 : memref<1024xf32, #tpu.memory_space<vmem>>[vector<16xi32>], vector<16xf32>,
          %add3A_403 = arith.constant 16 : i32
          %add3A_404 = vector.broadcast %add3A_403 : i32 to vector<16xi32>
          %add3A_405 = arith.addi %and3A_42, %add3A_404 : vector<16xi32>
          %gather3A_406 = tpu.vector_load_idx %arg5[%add3A_405, %add3A_242] : memref<64x256xf32, #tpu.memory_space<vmem>>[vector<16xi32>, vector<16xi32>], vector<16xf32>,
          %add3A_407 = arith.constant 16 : i32
          %add3A_408 = vector.broadcast %add3A_407 : i32 to vector<16xi32>
          %add3A_409 = arith.addi %add3A_128, %add3A_408 : vector<16xi32>
          %scatter3A_410 = tpu.memref_slice %arg7[%mul3A_244] : memref<16384xf32, #tpu.memory_space<vmem>> -> memref<1024xf32, #tpu.memory_space<vmem>>
          tpu.vector_store_idx %scatter3A_410[%add3A_409], %gather3A_406 : memref<1024xf32, #tpu.memory_space<vmem>>[vector<16xi32>], vector<16xf32>,
          %add3A_411 = arith.constant 16 : i32
          %add3A_412 = vector.broadcast %add3A_411 : i32 to vector<16xi32>
          %add3A_413 = arith.addi %and3A_48, %add3A_412 : vector<16xi32>
          %gather3A_414 = tpu.vector_load_idx %arg5[%add3A_413, %add3A_242] : memref<64x256xf32, #tpu.memory_space<vmem>>[vector<16xi32>, vector<16xi32>], vector<16xf32>,
          %add3A_415 = arith.constant 16 : i32
          %add3A_416 = vector.broadcast %add3A_415 : i32 to vector<16xi32>
          %add3A_417 = arith.addi %add3A_132, %add3A_416 : vector<16xi32>
          %scatter3A_418 = tpu.memref_slice %arg7[%mul3A_244] : memref<16384xf32, #tpu.memory_space<vmem>> -> memref<1024xf32, #tpu.memory_space<vmem>>
          tpu.vector_store_idx %scatter3A_418[%add3A_417], %gather3A_414 : memref<1024xf32, #tpu.memory_space<vmem>>[vector<16xi32>], vector<16xf32>,
          %add3A_419 = arith.constant 16 : i32
          %add3A_420 = vector.broadcast %add3A_419 : i32 to vector<16xi32>
          %add3A_421 = arith.addi %and3A_54, %add3A_420 : vector<16xi32>
          %gather3A_422 = tpu.vector_load_idx %arg5[%add3A_421, %add3A_242] : memref<64x256xf32, #tpu.memory_space<vmem>>[vector<16xi32>, vector<16xi32>], vector<16xf32>,
          %add3A_423 = arith.constant 16 : i32
          %add3A_424 = vector.broadcast %add3A_423 : i32 to vector<16xi32>
          %add3A_425 = arith.addi %add3A_136, %add3A_424 : vector<16xi32>
          %scatter3A_426 = tpu.memref_slice %arg7[%mul3A_244] : memref<16384xf32, #tpu.memory_space<vmem>> -> memref<1024xf32, #tpu.memory_space<vmem>>
          tpu.vector_store_idx %scatter3A_426[%add3A_425], %gather3A_422 : memref<1024xf32, #tpu.memory_space<vmem>>[vector<16xi32>], vector<16xf32>,
          %add3A_427 = arith.constant 16 : i32
          %add3A_428 = vector.broadcast %add3A_427 : i32 to vector<16xi32>
          %add3A_429 = arith.addi %and3A_60, %add3A_428 : vector<16xi32>
          %gather3A_430 = tpu.vector_load_idx %arg5[%add3A_429, %add3A_242] : memref<64x256xf32, #tpu.memory_space<vmem>>[vector<16xi32>, vector<16xi32>], vector<16xf32>,
          %add3A_431 = arith.constant 16 : i32
          %add3A_432 = vector.broadcast %add3A_431 : i32 to vector<16xi32>
          %add3A_433 = arith.addi %add3A_140, %add3A_432 : vector<16xi32>
          %scatter3A_434 = tpu.memref_slice %arg7[%mul3A_244] : memref<16384xf32, #tpu.memory_space<vmem>> -> memref<1024xf32, #tpu.memory_space<vmem>>
          tpu.vector_store_idx %scatter3A_434[%add3A_433], %gather3A_430 : memref<1024xf32, #tpu.memory_space<vmem>>[vector<16xi32>], vector<16xf32>,
          %add3A_435 = arith.constant 16 : i32
          %add3A_436 = vector.broadcast %add3A_435 : i32 to vector<16xi32>
          %add3A_437 = arith.addi %and3A_66, %add3A_436 : vector<16xi32>
          %gather3A_438 = tpu.vector_load_idx %arg5[%add3A_437, %add3A_242] : memref<64x256xf32, #tpu.memory_space<vmem>>[vector<16xi32>, vector<16xi32>], vector<16xf32>,
          %add3A_439 = arith.constant 16 : i32
          %add3A_440 = vector.broadcast %add3A_439 : i32 to vector<16xi32>
          %add3A_441 = arith.addi %add3A_144, %add3A_440 : vector<16xi32>
          %scatter3A_442 = tpu.memref_slice %arg7[%mul3A_244] : memref<16384xf32, #tpu.memory_space<vmem>> -> memref<1024xf32, #tpu.memory_space<vmem>>
          tpu.vector_store_idx %scatter3A_442[%add3A_441], %gather3A_438 : memref<1024xf32, #tpu.memory_space<vmem>>[vector<16xi32>], vector<16xf32>,
          %add3A_443 = arith.constant 16 : i32
          %add3A_444 = vector.broadcast %add3A_443 : i32 to vector<16xi32>
          %add3A_445 = arith.addi %and3A_72, %add3A_444 : vector<16xi32>
          %gather3A_446 = tpu.vector_load_idx %arg5[%add3A_445, %add3A_242] : memref<64x256xf32, #tpu.memory_space<vmem>>[vector<16xi32>, vector<16xi32>], vector<16xf32>,
          %add3A_447 = arith.constant 16 : i32
          %add3A_448 = vector.broadcast %add3A_447 : i32 to vector<16xi32>
          %add3A_449 = arith.addi %add3A_148, %add3A_448 : vector<16xi32>
          %scatter3A_450 = tpu.memref_slice %arg7[%mul3A_244] : memref<16384xf32, #tpu.memory_space<vmem>> -> memref<1024xf32, #tpu.memory_space<vmem>>
          tpu.vector_store_idx %scatter3A_450[%add3A_449], %gather3A_446 : memref<1024xf32, #tpu.memory_space<vmem>>[vector<16xi32>], vector<16xf32>,
          %add3A_451 = arith.constant 16 : i32
          %add3A_452 = vector.broadcast %add3A_451 : i32 to vector<16xi32>
          %add3A_453 = arith.addi %and3A_78, %add3A_452 : vector<16xi32>
          %gather3A_454 = tpu.vector_load_idx %arg5[%add3A_453, %add3A_242] : memref<64x256xf32, #tpu.memory_space<vmem>>[vector<16xi32>, vector<16xi32>], vector<16xf32>,
          %add3A_455 = arith.constant 16 : i32
          %add3A_456 = vector.broadcast %add3A_455 : i32 to vector<16xi32>
          %add3A_457 = arith.addi %add3A_152, %add3A_456 : vector<16xi32>
          %scatter3A_458 = tpu.memref_slice %arg7[%mul3A_244] : memref<16384xf32, #tpu.memory_space<vmem>> -> memref<1024xf32, #tpu.memory_space<vmem>>
          tpu.vector_store_idx %scatter3A_458[%add3A_457], %gather3A_454 : memref<1024xf32, #tpu.memory_space<vmem>>[vector<16xi32>], vector<16xf32>,
          %add3A_459 = arith.constant 16 : i32
          %add3A_460 = vector.broadcast %add3A_459 : i32 to vector<16xi32>
          %add3A_461 = arith.addi %and3A_84, %add3A_460 : vector<16xi32>
          %gather3A_462 = tpu.vector_load_idx %arg5[%add3A_461, %add3A_242] : memref<64x256xf32, #tpu.memory_space<vmem>>[vector<16xi32>, vector<16xi32>], vector<16xf32>,
          %add3A_463 = arith.constant 16 : i32
          %add3A_464 = vector.broadcast %add3A_463 : i32 to vector<16xi32>
          %add3A_465 = arith.addi %add3A_156, %add3A_464 : vector<16xi32>
          %scatter3A_466 = tpu.memref_slice %arg7[%mul3A_244] : memref<16384xf32, #tpu.memory_space<vmem>> -> memref<1024xf32, #tpu.memory_space<vmem>>
          tpu.vector_store_idx %scatter3A_466[%add3A_465], %gather3A_462 : memref<1024xf32, #tpu.memory_space<vmem>>[vector<16xi32>], vector<16xf32>,
          %add3A_467 = arith.constant 16 : i32
          %add3A_468 = vector.broadcast %add3A_467 : i32 to vector<16xi32>
          %add3A_469 = arith.addi %and3A_90, %add3A_468 : vector<16xi32>
          %gather3A_470 = tpu.vector_load_idx %arg5[%add3A_469, %add3A_242] : memref<64x256xf32, #tpu.memory_space<vmem>>[vector<16xi32>, vector<16xi32>], vector<16xf32>,
          %add3A_471 = arith.constant 16 : i32
          %add3A_472 = vector.broadcast %add3A_471 : i32 to vector<16xi32>
          %add3A_473 = arith.addi %add3A_160, %add3A_472 : vector<16xi32>
          %scatter3A_474 = tpu.memref_slice %arg7[%mul3A_244] : memref<16384xf32, #tpu.memory_space<vmem>> -> memref<1024xf32, #tpu.memory_space<vmem>>
          tpu.vector_store_idx %scatter3A_474[%add3A_473], %gather3A_470 : memref<1024xf32, #tpu.memory_space<vmem>>[vector<16xi32>], vector<16xf32>,
          %add3A_475 = arith.constant 16 : i32
          %add3A_476 = vector.broadcast %add3A_475 : i32 to vector<16xi32>
          %add3A_477 = arith.addi %and3A_96, %add3A_476 : vector<16xi32>
          %gather3A_478 = tpu.vector_load_idx %arg5[%add3A_477, %add3A_242] : memref<64x256xf32, #tpu.memory_space<vmem>>[vector<16xi32>, vector<16xi32>], vector<16xf32>,
          %add3A_479 = arith.constant 16 : i32
          %add3A_480 = vector.broadcast %add3A_479 : i32 to vector<16xi32>
          %add3A_481 = arith.addi %add3A_164, %add3A_480 : vector<16xi32>
          %scatter3A_482 = tpu.memref_slice %arg7[%mul3A_244] : memref<16384xf32, #tpu.memory_space<vmem>> -> memref<1024xf32, #tpu.memory_space<vmem>>
          tpu.vector_store_idx %scatter3A_482[%add3A_481], %gather3A_478 : memref<1024xf32, #tpu.memory_space<vmem>>[vector<16xi32>], vector<16xf32>,
          %add3A_483 = arith.constant 16 : i32
          %add3A_484 = vector.broadcast %add3A_483 : i32 to vector<16xi32>
          %add3A_485 = arith.addi %and3A_102, %add3A_484 : vector<16xi32>
          %gather3A_486 = tpu.vector_load_idx %arg5[%add3A_485, %add3A_242] : memref<64x256xf32, #tpu.memory_space<vmem>>[vector<16xi32>, vector<16xi32>], vector<16xf32>,
          %add3A_487 = arith.constant 16 : i32
          %add3A_488 = vector.broadcast %add3A_487 : i32 to vector<16xi32>
          %add3A_489 = arith.addi %add3A_168, %add3A_488 : vector<16xi32>
          %scatter3A_490 = tpu.memref_slice %arg7[%mul3A_244] : memref<16384xf32, #tpu.memory_space<vmem>> -> memref<1024xf32, #tpu.memory_space<vmem>>
          tpu.vector_store_idx %scatter3A_490[%add3A_489], %gather3A_486 : memref<1024xf32, #tpu.memory_space<vmem>>[vector<16xi32>], vector<16xf32>,
          %add3A_491 = arith.constant 16 : i32
          %add3A_492 = vector.broadcast %add3A_491 : i32 to vector<16xi32>
          %add3A_493 = arith.addi %and3A_108, %add3A_492 : vector<16xi32>
          %gather3A_494 = tpu.vector_load_idx %arg5[%add3A_493, %add3A_242] : memref<64x256xf32, #tpu.memory_space<vmem>>[vector<16xi32>, vector<16xi32>], vector<16xf32>,
          %add3A_495 = arith.constant 16 : i32
          %add3A_496 = vector.broadcast %add3A_495 : i32 to vector<16xi32>
          %add3A_497 = arith.addi %add3A_172, %add3A_496 : vector<16xi32>
          %scatter3A_498 = tpu.memref_slice %arg7[%mul3A_244] : memref<16384xf32, #tpu.memory_space<vmem>> -> memref<1024xf32, #tpu.memory_space<vmem>>
          tpu.vector_store_idx %scatter3A_498[%add3A_497], %gather3A_494 : memref<1024xf32, #tpu.memory_space<vmem>>[vector<16xi32>], vector<16xf32>,
          %add3A_499 = arith.constant 32 : i32
          %add3A_500 = vector.broadcast %add3A_499 : i32 to vector<16xi32>
          %add3A_501 = arith.addi %and3A_18, %add3A_500 : vector<16xi32>
          %gather3A_502 = tpu.vector_load_idx %arg5[%add3A_501, %add3A_242] : memref<64x256xf32, #tpu.memory_space<vmem>>[vector<16xi32>, vector<16xi32>], vector<16xf32>,
          %add3A_503 = arith.constant 32 : i32
          %add3A_504 = vector.broadcast %add3A_503 : i32 to vector<16xi32>
          %add3A_505 = arith.addi %add3A_112, %add3A_504 : vector<16xi32>
          %scatter3A_506 = tpu.memref_slice %arg7[%mul3A_244] : memref<16384xf32, #tpu.memory_space<vmem>> -> memref<1024xf32, #tpu.memory_space<vmem>>
          tpu.vector_store_idx %scatter3A_506[%add3A_505], %gather3A_502 : memref<1024xf32, #tpu.memory_space<vmem>>[vector<16xi32>], vector<16xf32>,
          %add3A_507 = arith.constant 32 : i32
          %add3A_508 = vector.broadcast %add3A_507 : i32 to vector<16xi32>
          %add3A_509 = arith.addi %and3A_24, %add3A_508 : vector<16xi32>
          %gather3A_510 = tpu.vector_load_idx %arg5[%add3A_509, %add3A_242] : memref<64x256xf32, #tpu.memory_space<vmem>>[vector<16xi32>, vector<16xi32>], vector<16xf32>,
          %add3A_511 = arith.constant 32 : i32
          %add3A_512 = vector.broadcast %add3A_511 : i32 to vector<16xi32>
          %add3A_513 = arith.addi %add3A_116, %add3A_512 : vector<16xi32>
          %scatter3A_514 = tpu.memref_slice %arg7[%mul3A_244] : memref<16384xf32, #tpu.memory_space<vmem>> -> memref<1024xf32, #tpu.memory_space<vmem>>
          tpu.vector_store_idx %scatter3A_514[%add3A_513], %gather3A_510 : memref<1024xf32, #tpu.memory_space<vmem>>[vector<16xi32>], vector<16xf32>,
          %add3A_515 = arith.constant 32 : i32
          %add3A_516 = vector.broadcast %add3A_515 : i32 to vector<16xi32>
          %add3A_517 = arith.addi %and3A_30, %add3A_516 : vector<16xi32>
          %gather3A_518 = tpu.vector_load_idx %arg5[%add3A_517, %add3A_242] : memref<64x256xf32, #tpu.memory_space<vmem>>[vector<16xi32>, vector<16xi32>], vector<16xf32>,
          %add3A_519 = arith.constant 32 : i32
          %add3A_520 = vector.broadcast %add3A_519 : i32 to vector<16xi32>
          %add3A_521 = arith.addi %add3A_120, %add3A_520 : vector<16xi32>
          %scatter3A_522 = tpu.memref_slice %arg7[%mul3A_244] : memref<16384xf32, #tpu.memory_space<vmem>> -> memref<1024xf32, #tpu.memory_space<vmem>>
          tpu.vector_store_idx %scatter3A_522[%add3A_521], %gather3A_518 : memref<1024xf32, #tpu.memory_space<vmem>>[vector<16xi32>], vector<16xf32>,
          %add3A_523 = arith.constant 32 : i32
          %add3A_524 = vector.broadcast %add3A_523 : i32 to vector<16xi32>
          %add3A_525 = arith.addi %and3A_36, %add3A_524 : vector<16xi32>
          %gather3A_526 = tpu.vector_load_idx %arg5[%add3A_525, %add3A_242] : memref<64x256xf32, #tpu.memory_space<vmem>>[vector<16xi32>, vector<16xi32>], vector<16xf32>,
          %add3A_527 = arith.constant 32 : i32
          %add3A_528 = vector.broadcast %add3A_527 : i32 to vector<16xi32>
          %add3A_529 = arith.addi %add3A_124, %add3A_528 : vector<16xi32>
          %scatter3A_530 = tpu.memref_slice %arg7[%mul3A_244] : memref<16384xf32, #tpu.memory_space<vmem>> -> memref<1024xf32, #tpu.memory_space<vmem>>
          tpu.vector_store_idx %scatter3A_530[%add3A_529], %gather3A_526 : memref<1024xf32, #tpu.memory_space<vmem>>[vector<16xi32>], vector<16xf32>,
          %add3A_531 = arith.constant 32 : i32
          %add3A_532 = vector.broadcast %add3A_531 : i32 to vector<16xi32>
          %add3A_533 = arith.addi %and3A_42, %add3A_532 : vector<16xi32>
          %gather3A_534 = tpu.vector_load_idx %arg5[%add3A_533, %add3A_242] : memref<64x256xf32, #tpu.memory_space<vmem>>[vector<16xi32>, vector<16xi32>], vector<16xf32>,
          %add3A_535 = arith.constant 32 : i32
          %add3A_536 = vector.broadcast %add3A_535 : i32 to vector<16xi32>
          %add3A_537 = arith.addi %add3A_128, %add3A_536 : vector<16xi32>
          %scatter3A_538 = tpu.memref_slice %arg7[%mul3A_244] : memref<16384xf32, #tpu.memory_space<vmem>> -> memref<1024xf32, #tpu.memory_space<vmem>>
          tpu.vector_store_idx %scatter3A_538[%add3A_537], %gather3A_534 : memref<1024xf32, #tpu.memory_space<vmem>>[vector<16xi32>], vector<16xf32>,
          %add3A_539 = arith.constant 32 : i32
          %add3A_540 = vector.broadcast %add3A_539 : i32 to vector<16xi32>
          %add3A_541 = arith.addi %and3A_48, %add3A_540 : vector<16xi32>
          %gather3A_542 = tpu.vector_load_idx %arg5[%add3A_541, %add3A_242] : memref<64x256xf32, #tpu.memory_space<vmem>>[vector<16xi32>, vector<16xi32>], vector<16xf32>,
          %add3A_543 = arith.constant 32 : i32
          %add3A_544 = vector.broadcast %add3A_543 : i32 to vector<16xi32>
          %add3A_545 = arith.addi %add3A_132, %add3A_544 : vector<16xi32>
          %scatter3A_546 = tpu.memref_slice %arg7[%mul3A_244] : memref<16384xf32, #tpu.memory_space<vmem>> -> memref<1024xf32, #tpu.memory_space<vmem>>
          tpu.vector_store_idx %scatter3A_546[%add3A_545], %gather3A_542 : memref<1024xf32, #tpu.memory_space<vmem>>[vector<16xi32>], vector<16xf32>,
          %add3A_547 = arith.constant 32 : i32
          %add3A_548 = vector.broadcast %add3A_547 : i32 to vector<16xi32>
          %add3A_549 = arith.addi %and3A_54, %add3A_548 : vector<16xi32>
          %gather3A_550 = tpu.vector_load_idx %arg5[%add3A_549, %add3A_242] : memref<64x256xf32, #tpu.memory_space<vmem>>[vector<16xi32>, vector<16xi32>], vector<16xf32>,
          %add3A_551 = arith.constant 32 : i32
          %add3A_552 = vector.broadcast %add3A_551 : i32 to vector<16xi32>
          %add3A_553 = arith.addi %add3A_136, %add3A_552 : vector<16xi32>
          %scatter3A_554 = tpu.memref_slice %arg7[%mul3A_244] : memref<16384xf32, #tpu.memory_space<vmem>> -> memref<1024xf32, #tpu.memory_space<vmem>>
          tpu.vector_store_idx %scatter3A_554[%add3A_553], %gather3A_550 : memref<1024xf32, #tpu.memory_space<vmem>>[vector<16xi32>], vector<16xf32>,
          %add3A_555 = arith.constant 32 : i32
          %add3A_556 = vector.broadcast %add3A_555 : i32 to vector<16xi32>
          %add3A_557 = arith.addi %and3A_60, %add3A_556 : vector<16xi32>
          %gather3A_558 = tpu.vector_load_idx %arg5[%add3A_557, %add3A_242] : memref<64x256xf32, #tpu.memory_space<vmem>>[vector<16xi32>, vector<16xi32>], vector<16xf32>,
          %add3A_559 = arith.constant 32 : i32
          %add3A_560 = vector.broadcast %add3A_559 : i32 to vector<16xi32>
          %add3A_561 = arith.addi %add3A_140, %add3A_560 : vector<16xi32>
          %scatter3A_562 = tpu.memref_slice %arg7[%mul3A_244] : memref<16384xf32, #tpu.memory_space<vmem>> -> memref<1024xf32, #tpu.memory_space<vmem>>
          tpu.vector_store_idx %scatter3A_562[%add3A_561], %gather3A_558 : memref<1024xf32, #tpu.memory_space<vmem>>[vector<16xi32>], vector<16xf32>,
          %add3A_563 = arith.constant 32 : i32
          %add3A_564 = vector.broadcast %add3A_563 : i32 to vector<16xi32>
          %add3A_565 = arith.addi %and3A_66, %add3A_564 : vector<16xi32>
          %gather3A_566 = tpu.vector_load_idx %arg5[%add3A_565, %add3A_242] : memref<64x256xf32, #tpu.memory_space<vmem>>[vector<16xi32>, vector<16xi32>], vector<16xf32>,
          %add3A_567 = arith.constant 32 : i32
          %add3A_568 = vector.broadcast %add3A_567 : i32 to vector<16xi32>
          %add3A_569 = arith.addi %add3A_144, %add3A_568 : vector<16xi32>
          %scatter3A_570 = tpu.memref_slice %arg7[%mul3A_244] : memref<16384xf32, #tpu.memory_space<vmem>> -> memref<1024xf32, #tpu.memory_space<vmem>>
          tpu.vector_store_idx %scatter3A_570[%add3A_569], %gather3A_566 : memref<1024xf32, #tpu.memory_space<vmem>>[vector<16xi32>], vector<16xf32>,
          %add3A_571 = arith.constant 32 : i32
          %add3A_572 = vector.broadcast %add3A_571 : i32 to vector<16xi32>
          %add3A_573 = arith.addi %and3A_72, %add3A_572 : vector<16xi32>
          %gather3A_574 = tpu.vector_load_idx %arg5[%add3A_573, %add3A_242] : memref<64x256xf32, #tpu.memory_space<vmem>>[vector<16xi32>, vector<16xi32>], vector<16xf32>,
          %add3A_575 = arith.constant 32 : i32
          %add3A_576 = vector.broadcast %add3A_575 : i32 to vector<16xi32>
          %add3A_577 = arith.addi %add3A_148, %add3A_576 : vector<16xi32>
          %scatter3A_578 = tpu.memref_slice %arg7[%mul3A_244] : memref<16384xf32, #tpu.memory_space<vmem>> -> memref<1024xf32, #tpu.memory_space<vmem>>
          tpu.vector_store_idx %scatter3A_578[%add3A_577], %gather3A_574 : memref<1024xf32, #tpu.memory_space<vmem>>[vector<16xi32>], vector<16xf32>,
          %add3A_579 = arith.constant 32 : i32
          %add3A_580 = vector.broadcast %add3A_579 : i32 to vector<16xi32>
          %add3A_581 = arith.addi %and3A_78, %add3A_580 : vector<16xi32>
          %gather3A_582 = tpu.vector_load_idx %arg5[%add3A_581, %add3A_242] : memref<64x256xf32, #tpu.memory_space<vmem>>[vector<16xi32>, vector<16xi32>], vector<16xf32>,
          %add3A_583 = arith.constant 32 : i32
          %add3A_584 = vector.broadcast %add3A_583 : i32 to vector<16xi32>
          %add3A_585 = arith.addi %add3A_152, %add3A_584 : vector<16xi32>
          %scatter3A_586 = tpu.memref_slice %arg7[%mul3A_244] : memref<16384xf32, #tpu.memory_space<vmem>> -> memref<1024xf32, #tpu.memory_space<vmem>>
          tpu.vector_store_idx %scatter3A_586[%add3A_585], %gather3A_582 : memref<1024xf32, #tpu.memory_space<vmem>>[vector<16xi32>], vector<16xf32>,
          %add3A_587 = arith.constant 32 : i32
          %add3A_588 = vector.broadcast %add3A_587 : i32 to vector<16xi32>
          %add3A_589 = arith.addi %and3A_84, %add3A_588 : vector<16xi32>
          %gather3A_590 = tpu.vector_load_idx %arg5[%add3A_589, %add3A_242] : memref<64x256xf32, #tpu.memory_space<vmem>>[vector<16xi32>, vector<16xi32>], vector<16xf32>,
          %add3A_591 = arith.constant 32 : i32
          %add3A_592 = vector.broadcast %add3A_591 : i32 to vector<16xi32>
          %add3A_593 = arith.addi %add3A_156, %add3A_592 : vector<16xi32>
          %scatter3A_594 = tpu.memref_slice %arg7[%mul3A_244] : memref<16384xf32, #tpu.memory_space<vmem>> -> memref<1024xf32, #tpu.memory_space<vmem>>
          tpu.vector_store_idx %scatter3A_594[%add3A_593], %gather3A_590 : memref<1024xf32, #tpu.memory_space<vmem>>[vector<16xi32>], vector<16xf32>,
          %add3A_595 = arith.constant 32 : i32
          %add3A_596 = vector.broadcast %add3A_595 : i32 to vector<16xi32>
          %add3A_597 = arith.addi %and3A_90, %add3A_596 : vector<16xi32>
          %gather3A_598 = tpu.vector_load_idx %arg5[%add3A_597, %add3A_242] : memref<64x256xf32, #tpu.memory_space<vmem>>[vector<16xi32>, vector<16xi32>], vector<16xf32>,
          %add3A_599 = arith.constant 32 : i32
          %add3A_600 = vector.broadcast %add3A_599 : i32 to vector<16xi32>
          %add3A_601 = arith.addi %add3A_160, %add3A_600 : vector<16xi32>
          %scatter3A_602 = tpu.memref_slice %arg7[%mul3A_244] : memref<16384xf32, #tpu.memory_space<vmem>> -> memref<1024xf32, #tpu.memory_space<vmem>>
          tpu.vector_store_idx %scatter3A_602[%add3A_601], %gather3A_598 : memref<1024xf32, #tpu.memory_space<vmem>>[vector<16xi32>], vector<16xf32>,
          %add3A_603 = arith.constant 32 : i32
          %add3A_604 = vector.broadcast %add3A_603 : i32 to vector<16xi32>
          %add3A_605 = arith.addi %and3A_96, %add3A_604 : vector<16xi32>
          %gather3A_606 = tpu.vector_load_idx %arg5[%add3A_605, %add3A_242] : memref<64x256xf32, #tpu.memory_space<vmem>>[vector<16xi32>, vector<16xi32>], vector<16xf32>,
          %add3A_607 = arith.constant 32 : i32
          %add3A_608 = vector.broadcast %add3A_607 : i32 to vector<16xi32>
          %add3A_609 = arith.addi %add3A_164, %add3A_608 : vector<16xi32>
          %scatter3A_610 = tpu.memref_slice %arg7[%mul3A_244] : memref<16384xf32, #tpu.memory_space<vmem>> -> memref<1024xf32, #tpu.memory_space<vmem>>
          tpu.vector_store_idx %scatter3A_610[%add3A_609], %gather3A_606 : memref<1024xf32, #tpu.memory_space<vmem>>[vector<16xi32>], vector<16xf32>,
          %add3A_611 = arith.constant 32 : i32
          %add3A_612 = vector.broadcast %add3A_611 : i32 to vector<16xi32>
          %add3A_613 = arith.addi %and3A_102, %add3A_612 : vector<16xi32>
          %gather3A_614 = tpu.vector_load_idx %arg5[%add3A_613, %add3A_242] : memref<64x256xf32, #tpu.memory_space<vmem>>[vector<16xi32>, vector<16xi32>], vector<16xf32>,
          %add3A_615 = arith.constant 32 : i32
          %add3A_616 = vector.broadcast %add3A_615 : i32 to vector<16xi32>
          %add3A_617 = arith.addi %add3A_168, %add3A_616 : vector<16xi32>
          %scatter3A_618 = tpu.memref_slice %arg7[%mul3A_244] : memref<16384xf32, #tpu.memory_space<vmem>> -> memref<1024xf32, #tpu.memory_space<vmem>>
          tpu.vector_store_idx %scatter3A_618[%add3A_617], %gather3A_614 : memref<1024xf32, #tpu.memory_space<vmem>>[vector<16xi32>], vector<16xf32>,
          %add3A_619 = arith.constant 32 : i32
          %add3A_620 = vector.broadcast %add3A_619 : i32 to vector<16xi32>
          %add3A_621 = arith.addi %and3A_108, %add3A_620 : vector<16xi32>
          %gather3A_622 = tpu.vector_load_idx %arg5[%add3A_621, %add3A_242] : memref<64x256xf32, #tpu.memory_space<vmem>>[vector<16xi32>, vector<16xi32>], vector<16xf32>,
          %add3A_623 = arith.constant 32 : i32
          %add3A_624 = vector.broadcast %add3A_623 : i32 to vector<16xi32>
          %add3A_625 = arith.addi %add3A_172, %add3A_624 : vector<16xi32>
          %scatter3A_626 = tpu.memref_slice %arg7[%mul3A_244] : memref<16384xf32, #tpu.memory_space<vmem>> -> memref<1024xf32, #tpu.memory_space<vmem>>
          tpu.vector_store_idx %scatter3A_626[%add3A_625], %gather3A_622 : memref<1024xf32, #tpu.memory_space<vmem>>[vector<16xi32>], vector<16xf32>,
          %add3A_627 = arith.constant 48 : i32
          %add3A_628 = vector.broadcast %add3A_627 : i32 to vector<16xi32>
          %add3A_629 = arith.addi %and3A_18, %add3A_628 : vector<16xi32>
          %gather3A_630 = tpu.vector_load_idx %arg5[%add3A_629, %add3A_242] : memref<64x256xf32, #tpu.memory_space<vmem>>[vector<16xi32>, vector<16xi32>], vector<16xf32>,
          %add3A_631 = arith.constant 48 : i32
          %add3A_632 = vector.broadcast %add3A_631 : i32 to vector<16xi32>
          %add3A_633 = arith.addi %add3A_112, %add3A_632 : vector<16xi32>
          %scatter3A_634 = tpu.memref_slice %arg7[%mul3A_244] : memref<16384xf32, #tpu.memory_space<vmem>> -> memref<1024xf32, #tpu.memory_space<vmem>>
          tpu.vector_store_idx %scatter3A_634[%add3A_633], %gather3A_630 : memref<1024xf32, #tpu.memory_space<vmem>>[vector<16xi32>], vector<16xf32>,
          %add3A_635 = arith.constant 48 : i32
          %add3A_636 = vector.broadcast %add3A_635 : i32 to vector<16xi32>
          %add3A_637 = arith.addi %and3A_24, %add3A_636 : vector<16xi32>
          %gather3A_638 = tpu.vector_load_idx %arg5[%add3A_637, %add3A_242] : memref<64x256xf32, #tpu.memory_space<vmem>>[vector<16xi32>, vector<16xi32>], vector<16xf32>,
          %add3A_639 = arith.constant 48 : i32
          %add3A_640 = vector.broadcast %add3A_639 : i32 to vector<16xi32>
          %add3A_641 = arith.addi %add3A_116, %add3A_640 : vector<16xi32>
          %scatter3A_642 = tpu.memref_slice %arg7[%mul3A_244] : memref<16384xf32, #tpu.memory_space<vmem>> -> memref<1024xf32, #tpu.memory_space<vmem>>
          tpu.vector_store_idx %scatter3A_642[%add3A_641], %gather3A_638 : memref<1024xf32, #tpu.memory_space<vmem>>[vector<16xi32>], vector<16xf32>,
          %add3A_643 = arith.constant 48 : i32
          %add3A_644 = vector.broadcast %add3A_643 : i32 to vector<16xi32>
          %add3A_645 = arith.addi %and3A_30, %add3A_644 : vector<16xi32>
          %gather3A_646 = tpu.vector_load_idx %arg5[%add3A_645, %add3A_242] : memref<64x256xf32, #tpu.memory_space<vmem>>[vector<16xi32>, vector<16xi32>], vector<16xf32>,
          %add3A_647 = arith.constant 48 : i32
          %add3A_648 = vector.broadcast %add3A_647 : i32 to vector<16xi32>
          %add3A_649 = arith.addi %add3A_120, %add3A_648 : vector<16xi32>
          %scatter3A_650 = tpu.memref_slice %arg7[%mul3A_244] : memref<16384xf32, #tpu.memory_space<vmem>> -> memref<1024xf32, #tpu.memory_space<vmem>>
          tpu.vector_store_idx %scatter3A_650[%add3A_649], %gather3A_646 : memref<1024xf32, #tpu.memory_space<vmem>>[vector<16xi32>], vector<16xf32>,
          %add3A_651 = arith.constant 48 : i32
          %add3A_652 = vector.broadcast %add3A_651 : i32 to vector<16xi32>
          %add3A_653 = arith.addi %and3A_36, %add3A_652 : vector<16xi32>
          %gather3A_654 = tpu.vector_load_idx %arg5[%add3A_653, %add3A_242] : memref<64x256xf32, #tpu.memory_space<vmem>>[vector<16xi32>, vector<16xi32>], vector<16xf32>,
          %add3A_655 = arith.constant 48 : i32
          %add3A_656 = vector.broadcast %add3A_655 : i32 to vector<16xi32>
          %add3A_657 = arith.addi %add3A_124, %add3A_656 : vector<16xi32>
          %scatter3A_658 = tpu.memref_slice %arg7[%mul3A_244] : memref<16384xf32, #tpu.memory_space<vmem>> -> memref<1024xf32, #tpu.memory_space<vmem>>
          tpu.vector_store_idx %scatter3A_658[%add3A_657], %gather3A_654 : memref<1024xf32, #tpu.memory_space<vmem>>[vector<16xi32>], vector<16xf32>,
          %add3A_659 = arith.constant 48 : i32
          %add3A_660 = vector.broadcast %add3A_659 : i32 to vector<16xi32>
          %add3A_661 = arith.addi %and3A_42, %add3A_660 : vector<16xi32>
          %gather3A_662 = tpu.vector_load_idx %arg5[%add3A_661, %add3A_242] : memref<64x256xf32, #tpu.memory_space<vmem>>[vector<16xi32>, vector<16xi32>], vector<16xf32>,
          %add3A_663 = arith.constant 48 : i32
          %add3A_664 = vector.broadcast %add3A_663 : i32 to vector<16xi32>
          %add3A_665 = arith.addi %add3A_128, %add3A_664 : vector<16xi32>
          %scatter3A_666 = tpu.memref_slice %arg7[%mul3A_244] : memref<16384xf32, #tpu.memory_space<vmem>> -> memref<1024xf32, #tpu.memory_space<vmem>>
          tpu.vector_store_idx %scatter3A_666[%add3A_665], %gather3A_662 : memref<1024xf32, #tpu.memory_space<vmem>>[vector<16xi32>], vector<16xf32>,
          %add3A_667 = arith.constant 48 : i32
          %add3A_668 = vector.broadcast %add3A_667 : i32 to vector<16xi32>
          %add3A_669 = arith.addi %and3A_48, %add3A_668 : vector<16xi32>
          %gather3A_670 = tpu.vector_load_idx %arg5[%add3A_669, %add3A_242] : memref<64x256xf32, #tpu.memory_space<vmem>>[vector<16xi32>, vector<16xi32>], vector<16xf32>,
          %add3A_671 = arith.constant 48 : i32
          %add3A_672 = vector.broadcast %add3A_671 : i32 to vector<16xi32>
          %add3A_673 = arith.addi %add3A_132, %add3A_672 : vector<16xi32>
          %scatter3A_674 = tpu.memref_slice %arg7[%mul3A_244] : memref<16384xf32, #tpu.memory_space<vmem>> -> memref<1024xf32, #tpu.memory_space<vmem>>
          tpu.vector_store_idx %scatter3A_674[%add3A_673], %gather3A_670 : memref<1024xf32, #tpu.memory_space<vmem>>[vector<16xi32>], vector<16xf32>,
          %add3A_675 = arith.constant 48 : i32
          %add3A_676 = vector.broadcast %add3A_675 : i32 to vector<16xi32>
          %add3A_677 = arith.addi %and3A_54, %add3A_676 : vector<16xi32>
          %gather3A_678 = tpu.vector_load_idx %arg5[%add3A_677, %add3A_242] : memref<64x256xf32, #tpu.memory_space<vmem>>[vector<16xi32>, vector<16xi32>], vector<16xf32>,
          %add3A_679 = arith.constant 48 : i32
          %add3A_680 = vector.broadcast %add3A_679 : i32 to vector<16xi32>
          %add3A_681 = arith.addi %add3A_136, %add3A_680 : vector<16xi32>
          %scatter3A_682 = tpu.memref_slice %arg7[%mul3A_244] : memref<16384xf32, #tpu.memory_space<vmem>> -> memref<1024xf32, #tpu.memory_space<vmem>>
          tpu.vector_store_idx %scatter3A_682[%add3A_681], %gather3A_678 : memref<1024xf32, #tpu.memory_space<vmem>>[vector<16xi32>], vector<16xf32>,
          %add3A_683 = arith.constant 48 : i32
          %add3A_684 = vector.broadcast %add3A_683 : i32 to vector<16xi32>
          %add3A_685 = arith.addi %and3A_60, %add3A_684 : vector<16xi32>
          %gather3A_686 = tpu.vector_load_idx %arg5[%add3A_685, %add3A_242] : memref<64x256xf32, #tpu.memory_space<vmem>>[vector<16xi32>, vector<16xi32>], vector<16xf32>,
          %add3A_687 = arith.constant 48 : i32
          %add3A_688 = vector.broadcast %add3A_687 : i32 to vector<16xi32>
          %add3A_689 = arith.addi %add3A_140, %add3A_688 : vector<16xi32>
          %scatter3A_690 = tpu.memref_slice %arg7[%mul3A_244] : memref<16384xf32, #tpu.memory_space<vmem>> -> memref<1024xf32, #tpu.memory_space<vmem>>
          tpu.vector_store_idx %scatter3A_690[%add3A_689], %gather3A_686 : memref<1024xf32, #tpu.memory_space<vmem>>[vector<16xi32>], vector<16xf32>,
          %add3A_691 = arith.constant 48 : i32
          %add3A_692 = vector.broadcast %add3A_691 : i32 to vector<16xi32>
          %add3A_693 = arith.addi %and3A_66, %add3A_692 : vector<16xi32>
          %gather3A_694 = tpu.vector_load_idx %arg5[%add3A_693, %add3A_242] : memref<64x256xf32, #tpu.memory_space<vmem>>[vector<16xi32>, vector<16xi32>], vector<16xf32>,
          %add3A_695 = arith.constant 48 : i32
          %add3A_696 = vector.broadcast %add3A_695 : i32 to vector<16xi32>
          %add3A_697 = arith.addi %add3A_144, %add3A_696 : vector<16xi32>
          %scatter3A_698 = tpu.memref_slice %arg7[%mul3A_244] : memref<16384xf32, #tpu.memory_space<vmem>> -> memref<1024xf32, #tpu.memory_space<vmem>>
          tpu.vector_store_idx %scatter3A_698[%add3A_697], %gather3A_694 : memref<1024xf32, #tpu.memory_space<vmem>>[vector<16xi32>], vector<16xf32>,
          %add3A_699 = arith.constant 48 : i32
          %add3A_700 = vector.broadcast %add3A_699 : i32 to vector<16xi32>
          %add3A_701 = arith.addi %and3A_72, %add3A_700 : vector<16xi32>
          %gather3A_702 = tpu.vector_load_idx %arg5[%add3A_701, %add3A_242] : memref<64x256xf32, #tpu.memory_space<vmem>>[vector<16xi32>, vector<16xi32>], vector<16xf32>,
          %add3A_703 = arith.constant 48 : i32
          %add3A_704 = vector.broadcast %add3A_703 : i32 to vector<16xi32>
          %add3A_705 = arith.addi %add3A_148, %add3A_704 : vector<16xi32>
          %scatter3A_706 = tpu.memref_slice %arg7[%mul3A_244] : memref<16384xf32, #tpu.memory_space<vmem>> -> memref<1024xf32, #tpu.memory_space<vmem>>
          tpu.vector_store_idx %scatter3A_706[%add3A_705], %gather3A_702 : memref<1024xf32, #tpu.memory_space<vmem>>[vector<16xi32>], vector<16xf32>,
          %add3A_707 = arith.constant 48 : i32
          %add3A_708 = vector.broadcast %add3A_707 : i32 to vector<16xi32>
          %add3A_709 = arith.addi %and3A_78, %add3A_708 : vector<16xi32>
          %gather3A_710 = tpu.vector_load_idx %arg5[%add3A_709, %add3A_242] : memref<64x256xf32, #tpu.memory_space<vmem>>[vector<16xi32>, vector<16xi32>], vector<16xf32>,
          %add3A_711 = arith.constant 48 : i32
          %add3A_712 = vector.broadcast %add3A_711 : i32 to vector<16xi32>
          %add3A_713 = arith.addi %add3A_152, %add3A_712 : vector<16xi32>
          %scatter3A_714 = tpu.memref_slice %arg7[%mul3A_244] : memref<16384xf32, #tpu.memory_space<vmem>> -> memref<1024xf32, #tpu.memory_space<vmem>>
          tpu.vector_store_idx %scatter3A_714[%add3A_713], %gather3A_710 : memref<1024xf32, #tpu.memory_space<vmem>>[vector<16xi32>], vector<16xf32>,
          %add3A_715 = arith.constant 48 : i32
          %add3A_716 = vector.broadcast %add3A_715 : i32 to vector<16xi32>
          %add3A_717 = arith.addi %and3A_84, %add3A_716 : vector<16xi32>
          %gather3A_718 = tpu.vector_load_idx %arg5[%add3A_717, %add3A_242] : memref<64x256xf32, #tpu.memory_space<vmem>>[vector<16xi32>, vector<16xi32>], vector<16xf32>,
          %add3A_719 = arith.constant 48 : i32
          %add3A_720 = vector.broadcast %add3A_719 : i32 to vector<16xi32>
          %add3A_721 = arith.addi %add3A_156, %add3A_720 : vector<16xi32>
          %scatter3A_722 = tpu.memref_slice %arg7[%mul3A_244] : memref<16384xf32, #tpu.memory_space<vmem>> -> memref<1024xf32, #tpu.memory_space<vmem>>
          tpu.vector_store_idx %scatter3A_722[%add3A_721], %gather3A_718 : memref<1024xf32, #tpu.memory_space<vmem>>[vector<16xi32>], vector<16xf32>,
          %add3A_723 = arith.constant 48 : i32
          %add3A_724 = vector.broadcast %add3A_723 : i32 to vector<16xi32>
          %add3A_725 = arith.addi %and3A_90, %add3A_724 : vector<16xi32>
          %gather3A_726 = tpu.vector_load_idx %arg5[%add3A_725, %add3A_242] : memref<64x256xf32, #tpu.memory_space<vmem>>[vector<16xi32>, vector<16xi32>], vector<16xf32>,
          %add3A_727 = arith.constant 48 : i32
          %add3A_728 = vector.broadcast %add3A_727 : i32 to vector<16xi32>
          %add3A_729 = arith.addi %add3A_160, %add3A_728 : vector<16xi32>
          %scatter3A_730 = tpu.memref_slice %arg7[%mul3A_244] : memref<16384xf32, #tpu.memory_space<vmem>> -> memref<1024xf32, #tpu.memory_space<vmem>>
          tpu.vector_store_idx %scatter3A_730[%add3A_729], %gather3A_726 : memref<1024xf32, #tpu.memory_space<vmem>>[vector<16xi32>], vector<16xf32>,
          %add3A_731 = arith.constant 48 : i32
          %add3A_732 = vector.broadcast %add3A_731 : i32 to vector<16xi32>
          %add3A_733 = arith.addi %and3A_96, %add3A_732 : vector<16xi32>
          %gather3A_734 = tpu.vector_load_idx %arg5[%add3A_733, %add3A_242] : memref<64x256xf32, #tpu.memory_space<vmem>>[vector<16xi32>, vector<16xi32>], vector<16xf32>,
          %add3A_735 = arith.constant 48 : i32
          %add3A_736 = vector.broadcast %add3A_735 : i32 to vector<16xi32>
          %add3A_737 = arith.addi %add3A_164, %add3A_736 : vector<16xi32>
          %scatter3A_738 = tpu.memref_slice %arg7[%mul3A_244] : memref<16384xf32, #tpu.memory_space<vmem>> -> memref<1024xf32, #tpu.memory_space<vmem>>
          tpu.vector_store_idx %scatter3A_738[%add3A_737], %gather3A_734 : memref<1024xf32, #tpu.memory_space<vmem>>[vector<16xi32>], vector<16xf32>,
          %add3A_739 = arith.constant 48 : i32
          %add3A_740 = vector.broadcast %add3A_739 : i32 to vector<16xi32>
          %add3A_741 = arith.addi %and3A_102, %add3A_740 : vector<16xi32>
          %gather3A_742 = tpu.vector_load_idx %arg5[%add3A_741, %add3A_242] : memref<64x256xf32, #tpu.memory_space<vmem>>[vector<16xi32>, vector<16xi32>], vector<16xf32>,
          %add3A_743 = arith.constant 48 : i32
          %add3A_744 = vector.broadcast %add3A_743 : i32 to vector<16xi32>
          %add3A_745 = arith.addi %add3A_168, %add3A_744 : vector<16xi32>
          %scatter3A_746 = tpu.memref_slice %arg7[%mul3A_244] : memref<16384xf32, #tpu.memory_space<vmem>> -> memref<1024xf32, #tpu.memory_space<vmem>>
          tpu.vector_store_idx %scatter3A_746[%add3A_745], %gather3A_742 : memref<1024xf32, #tpu.memory_space<vmem>>[vector<16xi32>], vector<16xf32>,
          %add3A_747 = arith.constant 48 : i32
          %add3A_748 = vector.broadcast %add3A_747 : i32 to vector<16xi32>
          %add3A_749 = arith.addi %and3A_108, %add3A_748 : vector<16xi32>
          %gather3A_750 = tpu.vector_load_idx %arg5[%add3A_749, %add3A_242] : memref<64x256xf32, #tpu.memory_space<vmem>>[vector<16xi32>, vector<16xi32>], vector<16xf32>,
          %add3A_751 = arith.constant 48 : i32
          %add3A_752 = vector.broadcast %add3A_751 : i32 to vector<16xi32>
          %add3A_753 = arith.addi %add3A_172, %add3A_752 : vector<16xi32>
          %scatter3A_754 = tpu.memref_slice %arg7[%mul3A_244] : memref<16384xf32, #tpu.memory_space<vmem>> -> memref<1024xf32, #tpu.memory_space<vmem>>
          tpu.vector_store_idx %scatter3A_754[%add3A_753], %gather3A_750 : memref<1024xf32, #tpu.memory_space<vmem>>[vector<16xi32>], vector<16xf32>,
        }
        %scan3A_226 = arith.constant 16 : i32
        %mul3A_227 = arith.constant 16384 : i32
        %mul3A_228 = arith.muli %add3A_194, %mul3A_227 : i32
        %dma_start3A_229 = tpu.memref_slice %arg4[%mul3A_228] : memref<64000000xf32, #tpu.memory_space<hbm>> -> memref<16384xf32, #tpu.memory_space<hbm>>
        %dma_start3A_230 = tpu.memref_slice %arg4[%mul3A_228] : memref<64000000xf32, #tpu.memory_space<hbm>> -> memref<16384xf32, #tpu.memory_space<hbm>>
        tpu.enqueue_dma source(%arg7 : memref<16384xf32, #tpu.memory_space<vmem>>) target(%dma_start3A_230 : memref<16384xf32, #tpu.memory_space<hbm>>) target_semaphore(%arg11 : memref<!tpu.dma_semaphore, #tpu.memory_space<semaphore_mem>>)
        %add3A_231 = arith.constant 64 : i32
        %add3A_232 = arith.addi %add3A_194, %add3A_231 : i32
        %lt3A_233 = arith.constant 3906 : i32
        %lt3A_234 = arith.cmpi slt, %add3A_232, %lt3A_233 : i32
        %convert_element_type3A_235 = arith.extui %lt3A_234 : i1 to i32
        %cond3A_236 = arith.constant 0 : i32
        %cond3A_237 = arith.cmpi ne, %convert_element_type3A_235, %cond3A_236 : i32
        scf.if %cond3A_237 {
          %add3A_238 = arith.constant 64 : i32
          %add3A_239 = arith.addi %add3A_194, %add3A_238 : i32
          %mul3A_240 = arith.constant 256 : i32
          %mul3A_241 = arith.muli %add3A_239, %mul3A_240 : i32
          %dma_start3A_242 = arith.constant 0 : i32
          %dma_start3A_243 = tpu.memref_slice %arg2[%dma_start3A_242, %mul3A_241] : memref<64x1000000xf32, #tpu.memory_space<hbm>> -> memref<64x256xf32, #tpu.memory_space<hbm>>
          %dma_start3A_244 = arith.constant 0 : i32
          %dma_start3A_245 = tpu.memref_slice %arg2[%dma_start3A_244, %mul3A_241] : memref<64x1000000xf32, #tpu.memory_space<hbm>> -> memref<64x256xf32, #tpu.memory_space<hbm>>
          tpu.enqueue_dma source(%dma_start3A_245 : memref<64x256xf32, #tpu.memory_space<hbm>>) target(%arg5 : memref<64x256xf32, #tpu.memory_space<vmem>>) target_semaphore(%arg9 : memref<!tpu.dma_semaphore, #tpu.memory_space<semaphore_mem>>)
        } else {
        }
      } else {
      }
      %mul3A_199 = arith.constant 2 : i32
      %mul3A_200 = arith.muli %scan3A_187, %mul3A_199 : i32
      %add3A_201 = arith.constant 1 : i32
      %add3A_202 = arith.addi %mul3A_200, %add3A_201 : i32
      %mul3A_203 = arith.constant 32 : i32
      %mul3A_204 = arith.muli %add3A_202, %mul3A_203 : i32
      %add3A_205 = arith.addi %add3A, %mul3A_204 : i32
      %lt3A_206 = arith.constant 3906 : i32
      %lt3A_207 = arith.cmpi slt, %add3A_205, %lt3A_206 : i32
      %convert_element_type3A_208 = arith.extui %lt3A_207 : i1 to i32
      %cond3A_209 = arith.constant 0 : i32
      %cond3A_210 = arith.cmpi ne, %convert_element_type3A_208, %cond3A_209 : i32
      scf.if %cond3A_210 {
        %mul3A_211 = arith.constant 256 : i32
        %mul3A_212 = arith.muli %add3A_205, %mul3A_211 : i32
        %dma_wait3A_213 = arith.constant 0 : i32
        %dma_wait3A_214 = tpu.memref_slice %arg2[%dma_wait3A_213, %mul3A_212] : memref<64x1000000xf32, #tpu.memory_space<hbm>> -> memref<64x256xf32, #tpu.memory_space<hbm>>
        %dma_wait3A_215 = arith.constant 0 : i32
        %dma_wait3A_216 = tpu.memref_slice %arg2[%dma_wait3A_215, %mul3A_212] : memref<64x1000000xf32, #tpu.memory_space<hbm>> -> memref<64x256xf32, #tpu.memory_space<hbm>>
        tpu.wait_dma2 semaphore(%arg10 : memref<!tpu.dma_semaphore, #tpu.memory_space<semaphore_mem>>) src(%dma_wait3A_216 : memref<64x256xf32, #tpu.memory_space<hbm>>) dst(%arg6 : memref<64x256xf32, #tpu.memory_space<vmem>>)
        %ge3A = arith.constant 1 : i32
        %ge3A_217 = arith.cmpi sge, %scan3A_187, %ge3A : i32
        %convert_element_type3A_218 = arith.extui %ge3A_217 : i1 to i32
        %cond3A_219 = arith.constant 0 : i32
        %cond3A_220 = arith.cmpi ne, %convert_element_type3A_218, %cond3A_219 : i32
        scf.if %cond3A_220 {
          %mul3A_238 = arith.constant 16384 : i32
          %mul3A_239 = arith.muli %add3A_205, %mul3A_238 : i32
          %dma_wait3A_240 = tpu.memref_slice %arg4[%mul3A_239] : memref<64000000xf32, #tpu.memory_space<hbm>> -> memref<16384xf32, #tpu.memory_space<hbm>>
          %dma_wait3A_241 = tpu.memref_slice %arg4[%mul3A_239] : memref<64000000xf32, #tpu.memory_space<hbm>> -> memref<16384xf32, #tpu.memory_space<hbm>>
          tpu.wait_dma2 semaphore(%arg12 : memref<!tpu.dma_semaphore, #tpu.memory_space<semaphore_mem>>) src(%arg8 : memref<16384xf32, #tpu.memory_space<vmem>>) dst(%dma_wait3A_241 : memref<16384xf32, #tpu.memory_space<hbm>>)
        } else {
        }
        %scan3A_221 = arith.constant 0 : i32
        %scan3A_222 = arith.constant 0 : i32
        %scan3A_223 = arith.constant 16 : i32
        %scan3A_224 = arith.addi %scan3A_222, %scan3A_223 : i32
        %scan3A_225 = arith.constant 1 : i32
        scf.for %scan3A_238 = %scan3A_222 to %scan3A_224 step %scan3A_225  : i32 {
          %mul3A_239 = arith.constant 16 : i32
          %mul3A_240 = arith.muli %scan3A_238, %mul3A_239 : i32
          %add3A_241 = vector.broadcast %mul3A_240 : i32 to vector<16xi32>
          %add3A_242 = arith.addi %iota3A, %add3A_241 : vector<16xi32>
          %mul3A_243 = arith.constant 64 : i32
          %mul3A_244 = arith.muli %mul3A_240, %mul3A_243 : i32
          %add3A_245 = arith.constant 0 : i32
          %add3A_246 = vector.broadcast %add3A_245 : i32 to vector<16xi32>
          %add3A_247 = arith.addi %and3A_18, %add3A_246 : vector<16xi32>
          %gather3A = tpu.vector_load_idx %arg6[%add3A_247, %add3A_242] : memref<64x256xf32, #tpu.memory_space<vmem>>[vector<16xi32>, vector<16xi32>], vector<16xf32>,
          %add3A_248 = arith.constant 0 : i32
          %add3A_249 = vector.broadcast %add3A_248 : i32 to vector<16xi32>
          %add3A_250 = arith.addi %add3A_112, %add3A_249 : vector<16xi32>
          %scatter3A = tpu.memref_slice %arg8[%mul3A_244] : memref<16384xf32, #tpu.memory_space<vmem>> -> memref<1024xf32, #tpu.memory_space<vmem>>
          tpu.vector_store_idx %scatter3A[%add3A_250], %gather3A : memref<1024xf32, #tpu.memory_space<vmem>>[vector<16xi32>], vector<16xf32>,
          %add3A_251 = arith.constant 0 : i32
          %add3A_252 = vector.broadcast %add3A_251 : i32 to vector<16xi32>
          %add3A_253 = arith.addi %and3A_24, %add3A_252 : vector<16xi32>
          %gather3A_254 = tpu.vector_load_idx %arg6[%add3A_253, %add3A_242] : memref<64x256xf32, #tpu.memory_space<vmem>>[vector<16xi32>, vector<16xi32>], vector<16xf32>,
          %add3A_255 = arith.constant 0 : i32
          %add3A_256 = vector.broadcast %add3A_255 : i32 to vector<16xi32>
          %add3A_257 = arith.addi %add3A_116, %add3A_256 : vector<16xi32>
          %scatter3A_258 = tpu.memref_slice %arg8[%mul3A_244] : memref<16384xf32, #tpu.memory_space<vmem>> -> memref<1024xf32, #tpu.memory_space<vmem>>
          tpu.vector_store_idx %scatter3A_258[%add3A_257], %gather3A_254 : memref<1024xf32, #tpu.memory_space<vmem>>[vector<16xi32>], vector<16xf32>,
          %add3A_259 = arith.constant 0 : i32
          %add3A_260 = vector.broadcast %add3A_259 : i32 to vector<16xi32>
          %add3A_261 = arith.addi %and3A_30, %add3A_260 : vector<16xi32>
          %gather3A_262 = tpu.vector_load_idx %arg6[%add3A_261, %add3A_242] : memref<64x256xf32, #tpu.memory_space<vmem>>[vector<16xi32>, vector<16xi32>], vector<16xf32>,
          %add3A_263 = arith.constant 0 : i32
          %add3A_264 = vector.broadcast %add3A_263 : i32 to vector<16xi32>
          %add3A_265 = arith.addi %add3A_120, %add3A_264 : vector<16xi32>
          %scatter3A_266 = tpu.memref_slice %arg8[%mul3A_244] : memref<16384xf32, #tpu.memory_space<vmem>> -> memref<1024xf32, #tpu.memory_space<vmem>>
          tpu.vector_store_idx %scatter3A_266[%add3A_265], %gather3A_262 : memref<1024xf32, #tpu.memory_space<vmem>>[vector<16xi32>], vector<16xf32>,
          %add3A_267 = arith.constant 0 : i32
          %add3A_268 = vector.broadcast %add3A_267 : i32 to vector<16xi32>
          %add3A_269 = arith.addi %and3A_36, %add3A_268 : vector<16xi32>
          %gather3A_270 = tpu.vector_load_idx %arg6[%add3A_269, %add3A_242] : memref<64x256xf32, #tpu.memory_space<vmem>>[vector<16xi32>, vector<16xi32>], vector<16xf32>,
          %add3A_271 = arith.constant 0 : i32
          %add3A_272 = vector.broadcast %add3A_271 : i32 to vector<16xi32>
          %add3A_273 = arith.addi %add3A_124, %add3A_272 : vector<16xi32>
          %scatter3A_274 = tpu.memref_slice %arg8[%mul3A_244] : memref<16384xf32, #tpu.memory_space<vmem>> -> memref<1024xf32, #tpu.memory_space<vmem>>
          tpu.vector_store_idx %scatter3A_274[%add3A_273], %gather3A_270 : memref<1024xf32, #tpu.memory_space<vmem>>[vector<16xi32>], vector<16xf32>,
          %add3A_275 = arith.constant 0 : i32
          %add3A_276 = vector.broadcast %add3A_275 : i32 to vector<16xi32>
          %add3A_277 = arith.addi %and3A_42, %add3A_276 : vector<16xi32>
          %gather3A_278 = tpu.vector_load_idx %arg6[%add3A_277, %add3A_242] : memref<64x256xf32, #tpu.memory_space<vmem>>[vector<16xi32>, vector<16xi32>], vector<16xf32>,
          %add3A_279 = arith.constant 0 : i32
          %add3A_280 = vector.broadcast %add3A_279 : i32 to vector<16xi32>
          %add3A_281 = arith.addi %add3A_128, %add3A_280 : vector<16xi32>
          %scatter3A_282 = tpu.memref_slice %arg8[%mul3A_244] : memref<16384xf32, #tpu.memory_space<vmem>> -> memref<1024xf32, #tpu.memory_space<vmem>>
          tpu.vector_store_idx %scatter3A_282[%add3A_281], %gather3A_278 : memref<1024xf32, #tpu.memory_space<vmem>>[vector<16xi32>], vector<16xf32>,
          %add3A_283 = arith.constant 0 : i32
          %add3A_284 = vector.broadcast %add3A_283 : i32 to vector<16xi32>
          %add3A_285 = arith.addi %and3A_48, %add3A_284 : vector<16xi32>
          %gather3A_286 = tpu.vector_load_idx %arg6[%add3A_285, %add3A_242] : memref<64x256xf32, #tpu.memory_space<vmem>>[vector<16xi32>, vector<16xi32>], vector<16xf32>,
          %add3A_287 = arith.constant 0 : i32
          %add3A_288 = vector.broadcast %add3A_287 : i32 to vector<16xi32>
          %add3A_289 = arith.addi %add3A_132, %add3A_288 : vector<16xi32>
          %scatter3A_290 = tpu.memref_slice %arg8[%mul3A_244] : memref<16384xf32, #tpu.memory_space<vmem>> -> memref<1024xf32, #tpu.memory_space<vmem>>
          tpu.vector_store_idx %scatter3A_290[%add3A_289], %gather3A_286 : memref<1024xf32, #tpu.memory_space<vmem>>[vector<16xi32>], vector<16xf32>,
          %add3A_291 = arith.constant 0 : i32
          %add3A_292 = vector.broadcast %add3A_291 : i32 to vector<16xi32>
          %add3A_293 = arith.addi %and3A_54, %add3A_292 : vector<16xi32>
          %gather3A_294 = tpu.vector_load_idx %arg6[%add3A_293, %add3A_242] : memref<64x256xf32, #tpu.memory_space<vmem>>[vector<16xi32>, vector<16xi32>], vector<16xf32>,
          %add3A_295 = arith.constant 0 : i32
          %add3A_296 = vector.broadcast %add3A_295 : i32 to vector<16xi32>
          %add3A_297 = arith.addi %add3A_136, %add3A_296 : vector<16xi32>
          %scatter3A_298 = tpu.memref_slice %arg8[%mul3A_244] : memref<16384xf32, #tpu.memory_space<vmem>> -> memref<1024xf32, #tpu.memory_space<vmem>>
          tpu.vector_store_idx %scatter3A_298[%add3A_297], %gather3A_294 : memref<1024xf32, #tpu.memory_space<vmem>>[vector<16xi32>], vector<16xf32>,
          %add3A_299 = arith.constant 0 : i32
          %add3A_300 = vector.broadcast %add3A_299 : i32 to vector<16xi32>
          %add3A_301 = arith.addi %and3A_60, %add3A_300 : vector<16xi32>
          %gather3A_302 = tpu.vector_load_idx %arg6[%add3A_301, %add3A_242] : memref<64x256xf32, #tpu.memory_space<vmem>>[vector<16xi32>, vector<16xi32>], vector<16xf32>,
          %add3A_303 = arith.constant 0 : i32
          %add3A_304 = vector.broadcast %add3A_303 : i32 to vector<16xi32>
          %add3A_305 = arith.addi %add3A_140, %add3A_304 : vector<16xi32>
          %scatter3A_306 = tpu.memref_slice %arg8[%mul3A_244] : memref<16384xf32, #tpu.memory_space<vmem>> -> memref<1024xf32, #tpu.memory_space<vmem>>
          tpu.vector_store_idx %scatter3A_306[%add3A_305], %gather3A_302 : memref<1024xf32, #tpu.memory_space<vmem>>[vector<16xi32>], vector<16xf32>,
          %add3A_307 = arith.constant 0 : i32
          %add3A_308 = vector.broadcast %add3A_307 : i32 to vector<16xi32>
          %add3A_309 = arith.addi %and3A_66, %add3A_308 : vector<16xi32>
          %gather3A_310 = tpu.vector_load_idx %arg6[%add3A_309, %add3A_242] : memref<64x256xf32, #tpu.memory_space<vmem>>[vector<16xi32>, vector<16xi32>], vector<16xf32>,
          %add3A_311 = arith.constant 0 : i32
          %add3A_312 = vector.broadcast %add3A_311 : i32 to vector<16xi32>
          %add3A_313 = arith.addi %add3A_144, %add3A_312 : vector<16xi32>
          %scatter3A_314 = tpu.memref_slice %arg8[%mul3A_244] : memref<16384xf32, #tpu.memory_space<vmem>> -> memref<1024xf32, #tpu.memory_space<vmem>>
          tpu.vector_store_idx %scatter3A_314[%add3A_313], %gather3A_310 : memref<1024xf32, #tpu.memory_space<vmem>>[vector<16xi32>], vector<16xf32>,
          %add3A_315 = arith.constant 0 : i32
          %add3A_316 = vector.broadcast %add3A_315 : i32 to vector<16xi32>
          %add3A_317 = arith.addi %and3A_72, %add3A_316 : vector<16xi32>
          %gather3A_318 = tpu.vector_load_idx %arg6[%add3A_317, %add3A_242] : memref<64x256xf32, #tpu.memory_space<vmem>>[vector<16xi32>, vector<16xi32>], vector<16xf32>,
          %add3A_319 = arith.constant 0 : i32
          %add3A_320 = vector.broadcast %add3A_319 : i32 to vector<16xi32>
          %add3A_321 = arith.addi %add3A_148, %add3A_320 : vector<16xi32>
          %scatter3A_322 = tpu.memref_slice %arg8[%mul3A_244] : memref<16384xf32, #tpu.memory_space<vmem>> -> memref<1024xf32, #tpu.memory_space<vmem>>
          tpu.vector_store_idx %scatter3A_322[%add3A_321], %gather3A_318 : memref<1024xf32, #tpu.memory_space<vmem>>[vector<16xi32>], vector<16xf32>,
          %add3A_323 = arith.constant 0 : i32
          %add3A_324 = vector.broadcast %add3A_323 : i32 to vector<16xi32>
          %add3A_325 = arith.addi %and3A_78, %add3A_324 : vector<16xi32>
          %gather3A_326 = tpu.vector_load_idx %arg6[%add3A_325, %add3A_242] : memref<64x256xf32, #tpu.memory_space<vmem>>[vector<16xi32>, vector<16xi32>], vector<16xf32>,
          %add3A_327 = arith.constant 0 : i32
          %add3A_328 = vector.broadcast %add3A_327 : i32 to vector<16xi32>
          %add3A_329 = arith.addi %add3A_152, %add3A_328 : vector<16xi32>
          %scatter3A_330 = tpu.memref_slice %arg8[%mul3A_244] : memref<16384xf32, #tpu.memory_space<vmem>> -> memref<1024xf32, #tpu.memory_space<vmem>>
          tpu.vector_store_idx %scatter3A_330[%add3A_329], %gather3A_326 : memref<1024xf32, #tpu.memory_space<vmem>>[vector<16xi32>], vector<16xf32>,
          %add3A_331 = arith.constant 0 : i32
          %add3A_332 = vector.broadcast %add3A_331 : i32 to vector<16xi32>
          %add3A_333 = arith.addi %and3A_84, %add3A_332 : vector<16xi32>
          %gather3A_334 = tpu.vector_load_idx %arg6[%add3A_333, %add3A_242] : memref<64x256xf32, #tpu.memory_space<vmem>>[vector<16xi32>, vector<16xi32>], vector<16xf32>,
          %add3A_335 = arith.constant 0 : i32
          %add3A_336 = vector.broadcast %add3A_335 : i32 to vector<16xi32>
          %add3A_337 = arith.addi %add3A_156, %add3A_336 : vector<16xi32>
          %scatter3A_338 = tpu.memref_slice %arg8[%mul3A_244] : memref<16384xf32, #tpu.memory_space<vmem>> -> memref<1024xf32, #tpu.memory_space<vmem>>
          tpu.vector_store_idx %scatter3A_338[%add3A_337], %gather3A_334 : memref<1024xf32, #tpu.memory_space<vmem>>[vector<16xi32>], vector<16xf32>,
          %add3A_339 = arith.constant 0 : i32
          %add3A_340 = vector.broadcast %add3A_339 : i32 to vector<16xi32>
          %add3A_341 = arith.addi %and3A_90, %add3A_340 : vector<16xi32>
          %gather3A_342 = tpu.vector_load_idx %arg6[%add3A_341, %add3A_242] : memref<64x256xf32, #tpu.memory_space<vmem>>[vector<16xi32>, vector<16xi32>], vector<16xf32>,
          %add3A_343 = arith.constant 0 : i32
          %add3A_344 = vector.broadcast %add3A_343 : i32 to vector<16xi32>
          %add3A_345 = arith.addi %add3A_160, %add3A_344 : vector<16xi32>
          %scatter3A_346 = tpu.memref_slice %arg8[%mul3A_244] : memref<16384xf32, #tpu.memory_space<vmem>> -> memref<1024xf32, #tpu.memory_space<vmem>>
          tpu.vector_store_idx %scatter3A_346[%add3A_345], %gather3A_342 : memref<1024xf32, #tpu.memory_space<vmem>>[vector<16xi32>], vector<16xf32>,
          %add3A_347 = arith.constant 0 : i32
          %add3A_348 = vector.broadcast %add3A_347 : i32 to vector<16xi32>
          %add3A_349 = arith.addi %and3A_96, %add3A_348 : vector<16xi32>
          %gather3A_350 = tpu.vector_load_idx %arg6[%add3A_349, %add3A_242] : memref<64x256xf32, #tpu.memory_space<vmem>>[vector<16xi32>, vector<16xi32>], vector<16xf32>,
          %add3A_351 = arith.constant 0 : i32
          %add3A_352 = vector.broadcast %add3A_351 : i32 to vector<16xi32>
          %add3A_353 = arith.addi %add3A_164, %add3A_352 : vector<16xi32>
          %scatter3A_354 = tpu.memref_slice %arg8[%mul3A_244] : memref<16384xf32, #tpu.memory_space<vmem>> -> memref<1024xf32, #tpu.memory_space<vmem>>
          tpu.vector_store_idx %scatter3A_354[%add3A_353], %gather3A_350 : memref<1024xf32, #tpu.memory_space<vmem>>[vector<16xi32>], vector<16xf32>,
          %add3A_355 = arith.constant 0 : i32
          %add3A_356 = vector.broadcast %add3A_355 : i32 to vector<16xi32>
          %add3A_357 = arith.addi %and3A_102, %add3A_356 : vector<16xi32>
          %gather3A_358 = tpu.vector_load_idx %arg6[%add3A_357, %add3A_242] : memref<64x256xf32, #tpu.memory_space<vmem>>[vector<16xi32>, vector<16xi32>], vector<16xf32>,
          %add3A_359 = arith.constant 0 : i32
          %add3A_360 = vector.broadcast %add3A_359 : i32 to vector<16xi32>
          %add3A_361 = arith.addi %add3A_168, %add3A_360 : vector<16xi32>
          %scatter3A_362 = tpu.memref_slice %arg8[%mul3A_244] : memref<16384xf32, #tpu.memory_space<vmem>> -> memref<1024xf32, #tpu.memory_space<vmem>>
          tpu.vector_store_idx %scatter3A_362[%add3A_361], %gather3A_358 : memref<1024xf32, #tpu.memory_space<vmem>>[vector<16xi32>], vector<16xf32>,
          %add3A_363 = arith.constant 0 : i32
          %add3A_364 = vector.broadcast %add3A_363 : i32 to vector<16xi32>
          %add3A_365 = arith.addi %and3A_108, %add3A_364 : vector<16xi32>
          %gather3A_366 = tpu.vector_load_idx %arg6[%add3A_365, %add3A_242] : memref<64x256xf32, #tpu.memory_space<vmem>>[vector<16xi32>, vector<16xi32>], vector<16xf32>,
          %add3A_367 = arith.constant 0 : i32
          %add3A_368 = vector.broadcast %add3A_367 : i32 to vector<16xi32>
          %add3A_369 = arith.addi %add3A_172, %add3A_368 : vector<16xi32>
          %scatter3A_370 = tpu.memref_slice %arg8[%mul3A_244] : memref<16384xf32, #tpu.memory_space<vmem>> -> memref<1024xf32, #tpu.memory_space<vmem>>
          tpu.vector_store_idx %scatter3A_370[%add3A_369], %gather3A_366 : memref<1024xf32, #tpu.memory_space<vmem>>[vector<16xi32>], vector<16xf32>,
          %add3A_371 = arith.constant 16 : i32
          %add3A_372 = vector.broadcast %add3A_371 : i32 to vector<16xi32>
          %add3A_373 = arith.addi %and3A_18, %add3A_372 : vector<16xi32>
          %gather3A_374 = tpu.vector_load_idx %arg6[%add3A_373, %add3A_242] : memref<64x256xf32, #tpu.memory_space<vmem>>[vector<16xi32>, vector<16xi32>], vector<16xf32>,
          %add3A_375 = arith.constant 16 : i32
          %add3A_376 = vector.broadcast %add3A_375 : i32 to vector<16xi32>
          %add3A_377 = arith.addi %add3A_112, %add3A_376 : vector<16xi32>
          %scatter3A_378 = tpu.memref_slice %arg8[%mul3A_244] : memref<16384xf32, #tpu.memory_space<vmem>> -> memref<1024xf32, #tpu.memory_space<vmem>>
          tpu.vector_store_idx %scatter3A_378[%add3A_377], %gather3A_374 : memref<1024xf32, #tpu.memory_space<vmem>>[vector<16xi32>], vector<16xf32>,
          %add3A_379 = arith.constant 16 : i32
          %add3A_380 = vector.broadcast %add3A_379 : i32 to vector<16xi32>
          %add3A_381 = arith.addi %and3A_24, %add3A_380 : vector<16xi32>
          %gather3A_382 = tpu.vector_load_idx %arg6[%add3A_381, %add3A_242] : memref<64x256xf32, #tpu.memory_space<vmem>>[vector<16xi32>, vector<16xi32>], vector<16xf32>,
          %add3A_383 = arith.constant 16 : i32
          %add3A_384 = vector.broadcast %add3A_383 : i32 to vector<16xi32>
          %add3A_385 = arith.addi %add3A_116, %add3A_384 : vector<16xi32>
          %scatter3A_386 = tpu.memref_slice %arg8[%mul3A_244] : memref<16384xf32, #tpu.memory_space<vmem>> -> memref<1024xf32, #tpu.memory_space<vmem>>
          tpu.vector_store_idx %scatter3A_386[%add3A_385], %gather3A_382 : memref<1024xf32, #tpu.memory_space<vmem>>[vector<16xi32>], vector<16xf32>,
          %add3A_387 = arith.constant 16 : i32
          %add3A_388 = vector.broadcast %add3A_387 : i32 to vector<16xi32>
          %add3A_389 = arith.addi %and3A_30, %add3A_388 : vector<16xi32>
          %gather3A_390 = tpu.vector_load_idx %arg6[%add3A_389, %add3A_242] : memref<64x256xf32, #tpu.memory_space<vmem>>[vector<16xi32>, vector<16xi32>], vector<16xf32>,
          %add3A_391 = arith.constant 16 : i32
          %add3A_392 = vector.broadcast %add3A_391 : i32 to vector<16xi32>
          %add3A_393 = arith.addi %add3A_120, %add3A_392 : vector<16xi32>
          %scatter3A_394 = tpu.memref_slice %arg8[%mul3A_244] : memref<16384xf32, #tpu.memory_space<vmem>> -> memref<1024xf32, #tpu.memory_space<vmem>>
          tpu.vector_store_idx %scatter3A_394[%add3A_393], %gather3A_390 : memref<1024xf32, #tpu.memory_space<vmem>>[vector<16xi32>], vector<16xf32>,
          %add3A_395 = arith.constant 16 : i32
          %add3A_396 = vector.broadcast %add3A_395 : i32 to vector<16xi32>
          %add3A_397 = arith.addi %and3A_36, %add3A_396 : vector<16xi32>
          %gather3A_398 = tpu.vector_load_idx %arg6[%add3A_397, %add3A_242] : memref<64x256xf32, #tpu.memory_space<vmem>>[vector<16xi32>, vector<16xi32>], vector<16xf32>,
          %add3A_399 = arith.constant 16 : i32
          %add3A_400 = vector.broadcast %add3A_399 : i32 to vector<16xi32>
          %add3A_401 = arith.addi %add3A_124, %add3A_400 : vector<16xi32>
          %scatter3A_402 = tpu.memref_slice %arg8[%mul3A_244] : memref<16384xf32, #tpu.memory_space<vmem>> -> memref<1024xf32, #tpu.memory_space<vmem>>
          tpu.vector_store_idx %scatter3A_402[%add3A_401], %gather3A_398 : memref<1024xf32, #tpu.memory_space<vmem>>[vector<16xi32>], vector<16xf32>,
          %add3A_403 = arith.constant 16 : i32
          %add3A_404 = vector.broadcast %add3A_403 : i32 to vector<16xi32>
          %add3A_405 = arith.addi %and3A_42, %add3A_404 : vector<16xi32>
          %gather3A_406 = tpu.vector_load_idx %arg6[%add3A_405, %add3A_242] : memref<64x256xf32, #tpu.memory_space<vmem>>[vector<16xi32>, vector<16xi32>], vector<16xf32>,
          %add3A_407 = arith.constant 16 : i32
          %add3A_408 = vector.broadcast %add3A_407 : i32 to vector<16xi32>
          %add3A_409 = arith.addi %add3A_128, %add3A_408 : vector<16xi32>
          %scatter3A_410 = tpu.memref_slice %arg8[%mul3A_244] : memref<16384xf32, #tpu.memory_space<vmem>> -> memref<1024xf32, #tpu.memory_space<vmem>>
          tpu.vector_store_idx %scatter3A_410[%add3A_409], %gather3A_406 : memref<1024xf32, #tpu.memory_space<vmem>>[vector<16xi32>], vector<16xf32>,
          %add3A_411 = arith.constant 16 : i32
          %add3A_412 = vector.broadcast %add3A_411 : i32 to vector<16xi32>
          %add3A_413 = arith.addi %and3A_48, %add3A_412 : vector<16xi32>
          %gather3A_414 = tpu.vector_load_idx %arg6[%add3A_413, %add3A_242] : memref<64x256xf32, #tpu.memory_space<vmem>>[vector<16xi32>, vector<16xi32>], vector<16xf32>,
          %add3A_415 = arith.constant 16 : i32
          %add3A_416 = vector.broadcast %add3A_415 : i32 to vector<16xi32>
          %add3A_417 = arith.addi %add3A_132, %add3A_416 : vector<16xi32>
          %scatter3A_418 = tpu.memref_slice %arg8[%mul3A_244] : memref<16384xf32, #tpu.memory_space<vmem>> -> memref<1024xf32, #tpu.memory_space<vmem>>
          tpu.vector_store_idx %scatter3A_418[%add3A_417], %gather3A_414 : memref<1024xf32, #tpu.memory_space<vmem>>[vector<16xi32>], vector<16xf32>,
          %add3A_419 = arith.constant 16 : i32
          %add3A_420 = vector.broadcast %add3A_419 : i32 to vector<16xi32>
          %add3A_421 = arith.addi %and3A_54, %add3A_420 : vector<16xi32>
          %gather3A_422 = tpu.vector_load_idx %arg6[%add3A_421, %add3A_242] : memref<64x256xf32, #tpu.memory_space<vmem>>[vector<16xi32>, vector<16xi32>], vector<16xf32>,
          %add3A_423 = arith.constant 16 : i32
          %add3A_424 = vector.broadcast %add3A_423 : i32 to vector<16xi32>
          %add3A_425 = arith.addi %add3A_136, %add3A_424 : vector<16xi32>
          %scatter3A_426 = tpu.memref_slice %arg8[%mul3A_244] : memref<16384xf32, #tpu.memory_space<vmem>> -> memref<1024xf32, #tpu.memory_space<vmem>>
          tpu.vector_store_idx %scatter3A_426[%add3A_425], %gather3A_422 : memref<1024xf32, #tpu.memory_space<vmem>>[vector<16xi32>], vector<16xf32>,
          %add3A_427 = arith.constant 16 : i32
          %add3A_428 = vector.broadcast %add3A_427 : i32 to vector<16xi32>
          %add3A_429 = arith.addi %and3A_60, %add3A_428 : vector<16xi32>
          %gather3A_430 = tpu.vector_load_idx %arg6[%add3A_429, %add3A_242] : memref<64x256xf32, #tpu.memory_space<vmem>>[vector<16xi32>, vector<16xi32>], vector<16xf32>,
          %add3A_431 = arith.constant 16 : i32
          %add3A_432 = vector.broadcast %add3A_431 : i32 to vector<16xi32>
          %add3A_433 = arith.addi %add3A_140, %add3A_432 : vector<16xi32>
          %scatter3A_434 = tpu.memref_slice %arg8[%mul3A_244] : memref<16384xf32, #tpu.memory_space<vmem>> -> memref<1024xf32, #tpu.memory_space<vmem>>
          tpu.vector_store_idx %scatter3A_434[%add3A_433], %gather3A_430 : memref<1024xf32, #tpu.memory_space<vmem>>[vector<16xi32>], vector<16xf32>,
          %add3A_435 = arith.constant 16 : i32
          %add3A_436 = vector.broadcast %add3A_435 : i32 to vector<16xi32>
          %add3A_437 = arith.addi %and3A_66, %add3A_436 : vector<16xi32>
          %gather3A_438 = tpu.vector_load_idx %arg6[%add3A_437, %add3A_242] : memref<64x256xf32, #tpu.memory_space<vmem>>[vector<16xi32>, vector<16xi32>], vector<16xf32>,
          %add3A_439 = arith.constant 16 : i32
          %add3A_440 = vector.broadcast %add3A_439 : i32 to vector<16xi32>
          %add3A_441 = arith.addi %add3A_144, %add3A_440 : vector<16xi32>
          %scatter3A_442 = tpu.memref_slice %arg8[%mul3A_244] : memref<16384xf32, #tpu.memory_space<vmem>> -> memref<1024xf32, #tpu.memory_space<vmem>>
          tpu.vector_store_idx %scatter3A_442[%add3A_441], %gather3A_438 : memref<1024xf32, #tpu.memory_space<vmem>>[vector<16xi32>], vector<16xf32>,
          %add3A_443 = arith.constant 16 : i32
          %add3A_444 = vector.broadcast %add3A_443 : i32 to vector<16xi32>
          %add3A_445 = arith.addi %and3A_72, %add3A_444 : vector<16xi32>
          %gather3A_446 = tpu.vector_load_idx %arg6[%add3A_445, %add3A_242] : memref<64x256xf32, #tpu.memory_space<vmem>>[vector<16xi32>, vector<16xi32>], vector<16xf32>,
          %add3A_447 = arith.constant 16 : i32
          %add3A_448 = vector.broadcast %add3A_447 : i32 to vector<16xi32>
          %add3A_449 = arith.addi %add3A_148, %add3A_448 : vector<16xi32>
          %scatter3A_450 = tpu.memref_slice %arg8[%mul3A_244] : memref<16384xf32, #tpu.memory_space<vmem>> -> memref<1024xf32, #tpu.memory_space<vmem>>
          tpu.vector_store_idx %scatter3A_450[%add3A_449], %gather3A_446 : memref<1024xf32, #tpu.memory_space<vmem>>[vector<16xi32>], vector<16xf32>,
          %add3A_451 = arith.constant 16 : i32
          %add3A_452 = vector.broadcast %add3A_451 : i32 to vector<16xi32>
          %add3A_453 = arith.addi %and3A_78, %add3A_452 : vector<16xi32>
          %gather3A_454 = tpu.vector_load_idx %arg6[%add3A_453, %add3A_242] : memref<64x256xf32, #tpu.memory_space<vmem>>[vector<16xi32>, vector<16xi32>], vector<16xf32>,
          %add3A_455 = arith.constant 16 : i32
          %add3A_456 = vector.broadcast %add3A_455 : i32 to vector<16xi32>
          %add3A_457 = arith.addi %add3A_152, %add3A_456 : vector<16xi32>
          %scatter3A_458 = tpu.memref_slice %arg8[%mul3A_244] : memref<16384xf32, #tpu.memory_space<vmem>> -> memref<1024xf32, #tpu.memory_space<vmem>>
          tpu.vector_store_idx %scatter3A_458[%add3A_457], %gather3A_454 : memref<1024xf32, #tpu.memory_space<vmem>>[vector<16xi32>], vector<16xf32>,
          %add3A_459 = arith.constant 16 : i32
          %add3A_460 = vector.broadcast %add3A_459 : i32 to vector<16xi32>
          %add3A_461 = arith.addi %and3A_84, %add3A_460 : vector<16xi32>
          %gather3A_462 = tpu.vector_load_idx %arg6[%add3A_461, %add3A_242] : memref<64x256xf32, #tpu.memory_space<vmem>>[vector<16xi32>, vector<16xi32>], vector<16xf32>,
          %add3A_463 = arith.constant 16 : i32
          %add3A_464 = vector.broadcast %add3A_463 : i32 to vector<16xi32>
          %add3A_465 = arith.addi %add3A_156, %add3A_464 : vector<16xi32>
          %scatter3A_466 = tpu.memref_slice %arg8[%mul3A_244] : memref<16384xf32, #tpu.memory_space<vmem>> -> memref<1024xf32, #tpu.memory_space<vmem>>
          tpu.vector_store_idx %scatter3A_466[%add3A_465], %gather3A_462 : memref<1024xf32, #tpu.memory_space<vmem>>[vector<16xi32>], vector<16xf32>,
          %add3A_467 = arith.constant 16 : i32
          %add3A_468 = vector.broadcast %add3A_467 : i32 to vector<16xi32>
          %add3A_469 = arith.addi %and3A_90, %add3A_468 : vector<16xi32>
          %gather3A_470 = tpu.vector_load_idx %arg6[%add3A_469, %add3A_242] : memref<64x256xf32, #tpu.memory_space<vmem>>[vector<16xi32>, vector<16xi32>], vector<16xf32>,
          %add3A_471 = arith.constant 16 : i32
          %add3A_472 = vector.broadcast %add3A_471 : i32 to vector<16xi32>
          %add3A_473 = arith.addi %add3A_160, %add3A_472 : vector<16xi32>
          %scatter3A_474 = tpu.memref_slice %arg8[%mul3A_244] : memref<16384xf32, #tpu.memory_space<vmem>> -> memref<1024xf32, #tpu.memory_space<vmem>>
          tpu.vector_store_idx %scatter3A_474[%add3A_473], %gather3A_470 : memref<1024xf32, #tpu.memory_space<vmem>>[vector<16xi32>], vector<16xf32>,
          %add3A_475 = arith.constant 16 : i32
          %add3A_476 = vector.broadcast %add3A_475 : i32 to vector<16xi32>
          %add3A_477 = arith.addi %and3A_96, %add3A_476 : vector<16xi32>
          %gather3A_478 = tpu.vector_load_idx %arg6[%add3A_477, %add3A_242] : memref<64x256xf32, #tpu.memory_space<vmem>>[vector<16xi32>, vector<16xi32>], vector<16xf32>,
          %add3A_479 = arith.constant 16 : i32
          %add3A_480 = vector.broadcast %add3A_479 : i32 to vector<16xi32>
          %add3A_481 = arith.addi %add3A_164, %add3A_480 : vector<16xi32>
          %scatter3A_482 = tpu.memref_slice %arg8[%mul3A_244] : memref<16384xf32, #tpu.memory_space<vmem>> -> memref<1024xf32, #tpu.memory_space<vmem>>
          tpu.vector_store_idx %scatter3A_482[%add3A_481], %gather3A_478 : memref<1024xf32, #tpu.memory_space<vmem>>[vector<16xi32>], vector<16xf32>,
          %add3A_483 = arith.constant 16 : i32
          %add3A_484 = vector.broadcast %add3A_483 : i32 to vector<16xi32>
          %add3A_485 = arith.addi %and3A_102, %add3A_484 : vector<16xi32>
          %gather3A_486 = tpu.vector_load_idx %arg6[%add3A_485, %add3A_242] : memref<64x256xf32, #tpu.memory_space<vmem>>[vector<16xi32>, vector<16xi32>], vector<16xf32>,
          %add3A_487 = arith.constant 16 : i32
          %add3A_488 = vector.broadcast %add3A_487 : i32 to vector<16xi32>
          %add3A_489 = arith.addi %add3A_168, %add3A_488 : vector<16xi32>
          %scatter3A_490 = tpu.memref_slice %arg8[%mul3A_244] : memref<16384xf32, #tpu.memory_space<vmem>> -> memref<1024xf32, #tpu.memory_space<vmem>>
          tpu.vector_store_idx %scatter3A_490[%add3A_489], %gather3A_486 : memref<1024xf32, #tpu.memory_space<vmem>>[vector<16xi32>], vector<16xf32>,
          %add3A_491 = arith.constant 16 : i32
          %add3A_492 = vector.broadcast %add3A_491 : i32 to vector<16xi32>
          %add3A_493 = arith.addi %and3A_108, %add3A_492 : vector<16xi32>
          %gather3A_494 = tpu.vector_load_idx %arg6[%add3A_493, %add3A_242] : memref<64x256xf32, #tpu.memory_space<vmem>>[vector<16xi32>, vector<16xi32>], vector<16xf32>,
          %add3A_495 = arith.constant 16 : i32
          %add3A_496 = vector.broadcast %add3A_495 : i32 to vector<16xi32>
          %add3A_497 = arith.addi %add3A_172, %add3A_496 : vector<16xi32>
          %scatter3A_498 = tpu.memref_slice %arg8[%mul3A_244] : memref<16384xf32, #tpu.memory_space<vmem>> -> memref<1024xf32, #tpu.memory_space<vmem>>
          tpu.vector_store_idx %scatter3A_498[%add3A_497], %gather3A_494 : memref<1024xf32, #tpu.memory_space<vmem>>[vector<16xi32>], vector<16xf32>,
          %add3A_499 = arith.constant 32 : i32
          %add3A_500 = vector.broadcast %add3A_499 : i32 to vector<16xi32>
          %add3A_501 = arith.addi %and3A_18, %add3A_500 : vector<16xi32>
          %gather3A_502 = tpu.vector_load_idx %arg6[%add3A_501, %add3A_242] : memref<64x256xf32, #tpu.memory_space<vmem>>[vector<16xi32>, vector<16xi32>], vector<16xf32>,
          %add3A_503 = arith.constant 32 : i32
          %add3A_504 = vector.broadcast %add3A_503 : i32 to vector<16xi32>
          %add3A_505 = arith.addi %add3A_112, %add3A_504 : vector<16xi32>
          %scatter3A_506 = tpu.memref_slice %arg8[%mul3A_244] : memref<16384xf32, #tpu.memory_space<vmem>> -> memref<1024xf32, #tpu.memory_space<vmem>>
          tpu.vector_store_idx %scatter3A_506[%add3A_505], %gather3A_502 : memref<1024xf32, #tpu.memory_space<vmem>>[vector<16xi32>], vector<16xf32>,
          %add3A_507 = arith.constant 32 : i32
          %add3A_508 = vector.broadcast %add3A_507 : i32 to vector<16xi32>
          %add3A_509 = arith.addi %and3A_24, %add3A_508 : vector<16xi32>
          %gather3A_510 = tpu.vector_load_idx %arg6[%add3A_509, %add3A_242] : memref<64x256xf32, #tpu.memory_space<vmem>>[vector<16xi32>, vector<16xi32>], vector<16xf32>,
          %add3A_511 = arith.constant 32 : i32
          %add3A_512 = vector.broadcast %add3A_511 : i32 to vector<16xi32>
          %add3A_513 = arith.addi %add3A_116, %add3A_512 : vector<16xi32>
          %scatter3A_514 = tpu.memref_slice %arg8[%mul3A_244] : memref<16384xf32, #tpu.memory_space<vmem>> -> memref<1024xf32, #tpu.memory_space<vmem>>
          tpu.vector_store_idx %scatter3A_514[%add3A_513], %gather3A_510 : memref<1024xf32, #tpu.memory_space<vmem>>[vector<16xi32>], vector<16xf32>,
          %add3A_515 = arith.constant 32 : i32
          %add3A_516 = vector.broadcast %add3A_515 : i32 to vector<16xi32>
          %add3A_517 = arith.addi %and3A_30, %add3A_516 : vector<16xi32>
          %gather3A_518 = tpu.vector_load_idx %arg6[%add3A_517, %add3A_242] : memref<64x256xf32, #tpu.memory_space<vmem>>[vector<16xi32>, vector<16xi32>], vector<16xf32>,
          %add3A_519 = arith.constant 32 : i32
          %add3A_520 = vector.broadcast %add3A_519 : i32 to vector<16xi32>
          %add3A_521 = arith.addi %add3A_120, %add3A_520 : vector<16xi32>
          %scatter3A_522 = tpu.memref_slice %arg8[%mul3A_244] : memref<16384xf32, #tpu.memory_space<vmem>> -> memref<1024xf32, #tpu.memory_space<vmem>>
          tpu.vector_store_idx %scatter3A_522[%add3A_521], %gather3A_518 : memref<1024xf32, #tpu.memory_space<vmem>>[vector<16xi32>], vector<16xf32>,
          %add3A_523 = arith.constant 32 : i32
          %add3A_524 = vector.broadcast %add3A_523 : i32 to vector<16xi32>
          %add3A_525 = arith.addi %and3A_36, %add3A_524 : vector<16xi32>
          %gather3A_526 = tpu.vector_load_idx %arg6[%add3A_525, %add3A_242] : memref<64x256xf32, #tpu.memory_space<vmem>>[vector<16xi32>, vector<16xi32>], vector<16xf32>,
          %add3A_527 = arith.constant 32 : i32
          %add3A_528 = vector.broadcast %add3A_527 : i32 to vector<16xi32>
          %add3A_529 = arith.addi %add3A_124, %add3A_528 : vector<16xi32>
          %scatter3A_530 = tpu.memref_slice %arg8[%mul3A_244] : memref<16384xf32, #tpu.memory_space<vmem>> -> memref<1024xf32, #tpu.memory_space<vmem>>
          tpu.vector_store_idx %scatter3A_530[%add3A_529], %gather3A_526 : memref<1024xf32, #tpu.memory_space<vmem>>[vector<16xi32>], vector<16xf32>,
          %add3A_531 = arith.constant 32 : i32
          %add3A_532 = vector.broadcast %add3A_531 : i32 to vector<16xi32>
          %add3A_533 = arith.addi %and3A_42, %add3A_532 : vector<16xi32>
          %gather3A_534 = tpu.vector_load_idx %arg6[%add3A_533, %add3A_242] : memref<64x256xf32, #tpu.memory_space<vmem>>[vector<16xi32>, vector<16xi32>], vector<16xf32>,
          %add3A_535 = arith.constant 32 : i32
          %add3A_536 = vector.broadcast %add3A_535 : i32 to vector<16xi32>
          %add3A_537 = arith.addi %add3A_128, %add3A_536 : vector<16xi32>
          %scatter3A_538 = tpu.memref_slice %arg8[%mul3A_244] : memref<16384xf32, #tpu.memory_space<vmem>> -> memref<1024xf32, #tpu.memory_space<vmem>>
          tpu.vector_store_idx %scatter3A_538[%add3A_537], %gather3A_534 : memref<1024xf32, #tpu.memory_space<vmem>>[vector<16xi32>], vector<16xf32>,
          %add3A_539 = arith.constant 32 : i32
          %add3A_540 = vector.broadcast %add3A_539 : i32 to vector<16xi32>
          %add3A_541 = arith.addi %and3A_48, %add3A_540 : vector<16xi32>
          %gather3A_542 = tpu.vector_load_idx %arg6[%add3A_541, %add3A_242] : memref<64x256xf32, #tpu.memory_space<vmem>>[vector<16xi32>, vector<16xi32>], vector<16xf32>,
          %add3A_543 = arith.constant 32 : i32
          %add3A_544 = vector.broadcast %add3A_543 : i32 to vector<16xi32>
          %add3A_545 = arith.addi %add3A_132, %add3A_544 : vector<16xi32>
          %scatter3A_546 = tpu.memref_slice %arg8[%mul3A_244] : memref<16384xf32, #tpu.memory_space<vmem>> -> memref<1024xf32, #tpu.memory_space<vmem>>
          tpu.vector_store_idx %scatter3A_546[%add3A_545], %gather3A_542 : memref<1024xf32, #tpu.memory_space<vmem>>[vector<16xi32>], vector<16xf32>,
          %add3A_547 = arith.constant 32 : i32
          %add3A_548 = vector.broadcast %add3A_547 : i32 to vector<16xi32>
          %add3A_549 = arith.addi %and3A_54, %add3A_548 : vector<16xi32>
          %gather3A_550 = tpu.vector_load_idx %arg6[%add3A_549, %add3A_242] : memref<64x256xf32, #tpu.memory_space<vmem>>[vector<16xi32>, vector<16xi32>], vector<16xf32>,
          %add3A_551 = arith.constant 32 : i32
          %add3A_552 = vector.broadcast %add3A_551 : i32 to vector<16xi32>
          %add3A_553 = arith.addi %add3A_136, %add3A_552 : vector<16xi32>
          %scatter3A_554 = tpu.memref_slice %arg8[%mul3A_244] : memref<16384xf32, #tpu.memory_space<vmem>> -> memref<1024xf32, #tpu.memory_space<vmem>>
          tpu.vector_store_idx %scatter3A_554[%add3A_553], %gather3A_550 : memref<1024xf32, #tpu.memory_space<vmem>>[vector<16xi32>], vector<16xf32>,
          %add3A_555 = arith.constant 32 : i32
          %add3A_556 = vector.broadcast %add3A_555 : i32 to vector<16xi32>
          %add3A_557 = arith.addi %and3A_60, %add3A_556 : vector<16xi32>
          %gather3A_558 = tpu.vector_load_idx %arg6[%add3A_557, %add3A_242] : memref<64x256xf32, #tpu.memory_space<vmem>>[vector<16xi32>, vector<16xi32>], vector<16xf32>,
          %add3A_559 = arith.constant 32 : i32
          %add3A_560 = vector.broadcast %add3A_559 : i32 to vector<16xi32>
          %add3A_561 = arith.addi %add3A_140, %add3A_560 : vector<16xi32>
          %scatter3A_562 = tpu.memref_slice %arg8[%mul3A_244] : memref<16384xf32, #tpu.memory_space<vmem>> -> memref<1024xf32, #tpu.memory_space<vmem>>
          tpu.vector_store_idx %scatter3A_562[%add3A_561], %gather3A_558 : memref<1024xf32, #tpu.memory_space<vmem>>[vector<16xi32>], vector<16xf32>,
          %add3A_563 = arith.constant 32 : i32
          %add3A_564 = vector.broadcast %add3A_563 : i32 to vector<16xi32>
          %add3A_565 = arith.addi %and3A_66, %add3A_564 : vector<16xi32>
          %gather3A_566 = tpu.vector_load_idx %arg6[%add3A_565, %add3A_242] : memref<64x256xf32, #tpu.memory_space<vmem>>[vector<16xi32>, vector<16xi32>], vector<16xf32>,
          %add3A_567 = arith.constant 32 : i32
          %add3A_568 = vector.broadcast %add3A_567 : i32 to vector<16xi32>
          %add3A_569 = arith.addi %add3A_144, %add3A_568 : vector<16xi32>
          %scatter3A_570 = tpu.memref_slice %arg8[%mul3A_244] : memref<16384xf32, #tpu.memory_space<vmem>> -> memref<1024xf32, #tpu.memory_space<vmem>>
          tpu.vector_store_idx %scatter3A_570[%add3A_569], %gather3A_566 : memref<1024xf32, #tpu.memory_space<vmem>>[vector<16xi32>], vector<16xf32>,
          %add3A_571 = arith.constant 32 : i32
          %add3A_572 = vector.broadcast %add3A_571 : i32 to vector<16xi32>
          %add3A_573 = arith.addi %and3A_72, %add3A_572 : vector<16xi32>
          %gather3A_574 = tpu.vector_load_idx %arg6[%add3A_573, %add3A_242] : memref<64x256xf32, #tpu.memory_space<vmem>>[vector<16xi32>, vector<16xi32>], vector<16xf32>,
          %add3A_575 = arith.constant 32 : i32
          %add3A_576 = vector.broadcast %add3A_575 : i32 to vector<16xi32>
          %add3A_577 = arith.addi %add3A_148, %add3A_576 : vector<16xi32>
          %scatter3A_578 = tpu.memref_slice %arg8[%mul3A_244] : memref<16384xf32, #tpu.memory_space<vmem>> -> memref<1024xf32, #tpu.memory_space<vmem>>
          tpu.vector_store_idx %scatter3A_578[%add3A_577], %gather3A_574 : memref<1024xf32, #tpu.memory_space<vmem>>[vector<16xi32>], vector<16xf32>,
          %add3A_579 = arith.constant 32 : i32
          %add3A_580 = vector.broadcast %add3A_579 : i32 to vector<16xi32>
          %add3A_581 = arith.addi %and3A_78, %add3A_580 : vector<16xi32>
          %gather3A_582 = tpu.vector_load_idx %arg6[%add3A_581, %add3A_242] : memref<64x256xf32, #tpu.memory_space<vmem>>[vector<16xi32>, vector<16xi32>], vector<16xf32>,
          %add3A_583 = arith.constant 32 : i32
          %add3A_584 = vector.broadcast %add3A_583 : i32 to vector<16xi32>
          %add3A_585 = arith.addi %add3A_152, %add3A_584 : vector<16xi32>
          %scatter3A_586 = tpu.memref_slice %arg8[%mul3A_244] : memref<16384xf32, #tpu.memory_space<vmem>> -> memref<1024xf32, #tpu.memory_space<vmem>>
          tpu.vector_store_idx %scatter3A_586[%add3A_585], %gather3A_582 : memref<1024xf32, #tpu.memory_space<vmem>>[vector<16xi32>], vector<16xf32>,
          %add3A_587 = arith.constant 32 : i32
          %add3A_588 = vector.broadcast %add3A_587 : i32 to vector<16xi32>
          %add3A_589 = arith.addi %and3A_84, %add3A_588 : vector<16xi32>
          %gather3A_590 = tpu.vector_load_idx %arg6[%add3A_589, %add3A_242] : memref<64x256xf32, #tpu.memory_space<vmem>>[vector<16xi32>, vector<16xi32>], vector<16xf32>,
          %add3A_591 = arith.constant 32 : i32
          %add3A_592 = vector.broadcast %add3A_591 : i32 to vector<16xi32>
          %add3A_593 = arith.addi %add3A_156, %add3A_592 : vector<16xi32>
          %scatter3A_594 = tpu.memref_slice %arg8[%mul3A_244] : memref<16384xf32, #tpu.memory_space<vmem>> -> memref<1024xf32, #tpu.memory_space<vmem>>
          tpu.vector_store_idx %scatter3A_594[%add3A_593], %gather3A_590 : memref<1024xf32, #tpu.memory_space<vmem>>[vector<16xi32>], vector<16xf32>,
          %add3A_595 = arith.constant 32 : i32
          %add3A_596 = vector.broadcast %add3A_595 : i32 to vector<16xi32>
          %add3A_597 = arith.addi %and3A_90, %add3A_596 : vector<16xi32>
          %gather3A_598 = tpu.vector_load_idx %arg6[%add3A_597, %add3A_242] : memref<64x256xf32, #tpu.memory_space<vmem>>[vector<16xi32>, vector<16xi32>], vector<16xf32>,
          %add3A_599 = arith.constant 32 : i32
          %add3A_600 = vector.broadcast %add3A_599 : i32 to vector<16xi32>
          %add3A_601 = arith.addi %add3A_160, %add3A_600 : vector<16xi32>
          %scatter3A_602 = tpu.memref_slice %arg8[%mul3A_244] : memref<16384xf32, #tpu.memory_space<vmem>> -> memref<1024xf32, #tpu.memory_space<vmem>>
          tpu.vector_store_idx %scatter3A_602[%add3A_601], %gather3A_598 : memref<1024xf32, #tpu.memory_space<vmem>>[vector<16xi32>], vector<16xf32>,
          %add3A_603 = arith.constant 32 : i32
          %add3A_604 = vector.broadcast %add3A_603 : i32 to vector<16xi32>
          %add3A_605 = arith.addi %and3A_96, %add3A_604 : vector<16xi32>
          %gather3A_606 = tpu.vector_load_idx %arg6[%add3A_605, %add3A_242] : memref<64x256xf32, #tpu.memory_space<vmem>>[vector<16xi32>, vector<16xi32>], vector<16xf32>,
          %add3A_607 = arith.constant 32 : i32
          %add3A_608 = vector.broadcast %add3A_607 : i32 to vector<16xi32>
          %add3A_609 = arith.addi %add3A_164, %add3A_608 : vector<16xi32>
          %scatter3A_610 = tpu.memref_slice %arg8[%mul3A_244] : memref<16384xf32, #tpu.memory_space<vmem>> -> memref<1024xf32, #tpu.memory_space<vmem>>
          tpu.vector_store_idx %scatter3A_610[%add3A_609], %gather3A_606 : memref<1024xf32, #tpu.memory_space<vmem>>[vector<16xi32>], vector<16xf32>,
          %add3A_611 = arith.constant 32 : i32
          %add3A_612 = vector.broadcast %add3A_611 : i32 to vector<16xi32>
          %add3A_613 = arith.addi %and3A_102, %add3A_612 : vector<16xi32>
          %gather3A_614 = tpu.vector_load_idx %arg6[%add3A_613, %add3A_242] : memref<64x256xf32, #tpu.memory_space<vmem>>[vector<16xi32>, vector<16xi32>], vector<16xf32>,
          %add3A_615 = arith.constant 32 : i32
          %add3A_616 = vector.broadcast %add3A_615 : i32 to vector<16xi32>
          %add3A_617 = arith.addi %add3A_168, %add3A_616 : vector<16xi32>
          %scatter3A_618 = tpu.memref_slice %arg8[%mul3A_244] : memref<16384xf32, #tpu.memory_space<vmem>> -> memref<1024xf32, #tpu.memory_space<vmem>>
          tpu.vector_store_idx %scatter3A_618[%add3A_617], %gather3A_614 : memref<1024xf32, #tpu.memory_space<vmem>>[vector<16xi32>], vector<16xf32>,
          %add3A_619 = arith.constant 32 : i32
          %add3A_620 = vector.broadcast %add3A_619 : i32 to vector<16xi32>
          %add3A_621 = arith.addi %and3A_108, %add3A_620 : vector<16xi32>
          %gather3A_622 = tpu.vector_load_idx %arg6[%add3A_621, %add3A_242] : memref<64x256xf32, #tpu.memory_space<vmem>>[vector<16xi32>, vector<16xi32>], vector<16xf32>,
          %add3A_623 = arith.constant 32 : i32
          %add3A_624 = vector.broadcast %add3A_623 : i32 to vector<16xi32>
          %add3A_625 = arith.addi %add3A_172, %add3A_624 : vector<16xi32>
          %scatter3A_626 = tpu.memref_slice %arg8[%mul3A_244] : memref<16384xf32, #tpu.memory_space<vmem>> -> memref<1024xf32, #tpu.memory_space<vmem>>
          tpu.vector_store_idx %scatter3A_626[%add3A_625], %gather3A_622 : memref<1024xf32, #tpu.memory_space<vmem>>[vector<16xi32>], vector<16xf32>,
          %add3A_627 = arith.constant 48 : i32
          %add3A_628 = vector.broadcast %add3A_627 : i32 to vector<16xi32>
          %add3A_629 = arith.addi %and3A_18, %add3A_628 : vector<16xi32>
          %gather3A_630 = tpu.vector_load_idx %arg6[%add3A_629, %add3A_242] : memref<64x256xf32, #tpu.memory_space<vmem>>[vector<16xi32>, vector<16xi32>], vector<16xf32>,
          %add3A_631 = arith.constant 48 : i32
          %add3A_632 = vector.broadcast %add3A_631 : i32 to vector<16xi32>
          %add3A_633 = arith.addi %add3A_112, %add3A_632 : vector<16xi32>
          %scatter3A_634 = tpu.memref_slice %arg8[%mul3A_244] : memref<16384xf32, #tpu.memory_space<vmem>> -> memref<1024xf32, #tpu.memory_space<vmem>>
          tpu.vector_store_idx %scatter3A_634[%add3A_633], %gather3A_630 : memref<1024xf32, #tpu.memory_space<vmem>>[vector<16xi32>], vector<16xf32>,
          %add3A_635 = arith.constant 48 : i32
          %add3A_636 = vector.broadcast %add3A_635 : i32 to vector<16xi32>
          %add3A_637 = arith.addi %and3A_24, %add3A_636 : vector<16xi32>
          %gather3A_638 = tpu.vector_load_idx %arg6[%add3A_637, %add3A_242] : memref<64x256xf32, #tpu.memory_space<vmem>>[vector<16xi32>, vector<16xi32>], vector<16xf32>,
          %add3A_639 = arith.constant 48 : i32
          %add3A_640 = vector.broadcast %add3A_639 : i32 to vector<16xi32>
          %add3A_641 = arith.addi %add3A_116, %add3A_640 : vector<16xi32>
          %scatter3A_642 = tpu.memref_slice %arg8[%mul3A_244] : memref<16384xf32, #tpu.memory_space<vmem>> -> memref<1024xf32, #tpu.memory_space<vmem>>
          tpu.vector_store_idx %scatter3A_642[%add3A_641], %gather3A_638 : memref<1024xf32, #tpu.memory_space<vmem>>[vector<16xi32>], vector<16xf32>,
          %add3A_643 = arith.constant 48 : i32
          %add3A_644 = vector.broadcast %add3A_643 : i32 to vector<16xi32>
          %add3A_645 = arith.addi %and3A_30, %add3A_644 : vector<16xi32>
          %gather3A_646 = tpu.vector_load_idx %arg6[%add3A_645, %add3A_242] : memref<64x256xf32, #tpu.memory_space<vmem>>[vector<16xi32>, vector<16xi32>], vector<16xf32>,
          %add3A_647 = arith.constant 48 : i32
          %add3A_648 = vector.broadcast %add3A_647 : i32 to vector<16xi32>
          %add3A_649 = arith.addi %add3A_120, %add3A_648 : vector<16xi32>
          %scatter3A_650 = tpu.memref_slice %arg8[%mul3A_244] : memref<16384xf32, #tpu.memory_space<vmem>> -> memref<1024xf32, #tpu.memory_space<vmem>>
          tpu.vector_store_idx %scatter3A_650[%add3A_649], %gather3A_646 : memref<1024xf32, #tpu.memory_space<vmem>>[vector<16xi32>], vector<16xf32>,
          %add3A_651 = arith.constant 48 : i32
          %add3A_652 = vector.broadcast %add3A_651 : i32 to vector<16xi32>
          %add3A_653 = arith.addi %and3A_36, %add3A_652 : vector<16xi32>
          %gather3A_654 = tpu.vector_load_idx %arg6[%add3A_653, %add3A_242] : memref<64x256xf32, #tpu.memory_space<vmem>>[vector<16xi32>, vector<16xi32>], vector<16xf32>,
          %add3A_655 = arith.constant 48 : i32
          %add3A_656 = vector.broadcast %add3A_655 : i32 to vector<16xi32>
          %add3A_657 = arith.addi %add3A_124, %add3A_656 : vector<16xi32>
          %scatter3A_658 = tpu.memref_slice %arg8[%mul3A_244] : memref<16384xf32, #tpu.memory_space<vmem>> -> memref<1024xf32, #tpu.memory_space<vmem>>
          tpu.vector_store_idx %scatter3A_658[%add3A_657], %gather3A_654 : memref<1024xf32, #tpu.memory_space<vmem>>[vector<16xi32>], vector<16xf32>,
          %add3A_659 = arith.constant 48 : i32
          %add3A_660 = vector.broadcast %add3A_659 : i32 to vector<16xi32>
          %add3A_661 = arith.addi %and3A_42, %add3A_660 : vector<16xi32>
          %gather3A_662 = tpu.vector_load_idx %arg6[%add3A_661, %add3A_242] : memref<64x256xf32, #tpu.memory_space<vmem>>[vector<16xi32>, vector<16xi32>], vector<16xf32>,
          %add3A_663 = arith.constant 48 : i32
          %add3A_664 = vector.broadcast %add3A_663 : i32 to vector<16xi32>
          %add3A_665 = arith.addi %add3A_128, %add3A_664 : vector<16xi32>
          %scatter3A_666 = tpu.memref_slice %arg8[%mul3A_244] : memref<16384xf32, #tpu.memory_space<vmem>> -> memref<1024xf32, #tpu.memory_space<vmem>>
          tpu.vector_store_idx %scatter3A_666[%add3A_665], %gather3A_662 : memref<1024xf32, #tpu.memory_space<vmem>>[vector<16xi32>], vector<16xf32>,
          %add3A_667 = arith.constant 48 : i32
          %add3A_668 = vector.broadcast %add3A_667 : i32 to vector<16xi32>
          %add3A_669 = arith.addi %and3A_48, %add3A_668 : vector<16xi32>
          %gather3A_670 = tpu.vector_load_idx %arg6[%add3A_669, %add3A_242] : memref<64x256xf32, #tpu.memory_space<vmem>>[vector<16xi32>, vector<16xi32>], vector<16xf32>,
          %add3A_671 = arith.constant 48 : i32
          %add3A_672 = vector.broadcast %add3A_671 : i32 to vector<16xi32>
          %add3A_673 = arith.addi %add3A_132, %add3A_672 : vector<16xi32>
          %scatter3A_674 = tpu.memref_slice %arg8[%mul3A_244] : memref<16384xf32, #tpu.memory_space<vmem>> -> memref<1024xf32, #tpu.memory_space<vmem>>
          tpu.vector_store_idx %scatter3A_674[%add3A_673], %gather3A_670 : memref<1024xf32, #tpu.memory_space<vmem>>[vector<16xi32>], vector<16xf32>,
          %add3A_675 = arith.constant 48 : i32
          %add3A_676 = vector.broadcast %add3A_675 : i32 to vector<16xi32>
          %add3A_677 = arith.addi %and3A_54, %add3A_676 : vector<16xi32>
          %gather3A_678 = tpu.vector_load_idx %arg6[%add3A_677, %add3A_242] : memref<64x256xf32, #tpu.memory_space<vmem>>[vector<16xi32>, vector<16xi32>], vector<16xf32>,
          %add3A_679 = arith.constant 48 : i32
          %add3A_680 = vector.broadcast %add3A_679 : i32 to vector<16xi32>
          %add3A_681 = arith.addi %add3A_136, %add3A_680 : vector<16xi32>
          %scatter3A_682 = tpu.memref_slice %arg8[%mul3A_244] : memref<16384xf32, #tpu.memory_space<vmem>> -> memref<1024xf32, #tpu.memory_space<vmem>>
          tpu.vector_store_idx %scatter3A_682[%add3A_681], %gather3A_678 : memref<1024xf32, #tpu.memory_space<vmem>>[vector<16xi32>], vector<16xf32>,
          %add3A_683 = arith.constant 48 : i32
          %add3A_684 = vector.broadcast %add3A_683 : i32 to vector<16xi32>
          %add3A_685 = arith.addi %and3A_60, %add3A_684 : vector<16xi32>
          %gather3A_686 = tpu.vector_load_idx %arg6[%add3A_685, %add3A_242] : memref<64x256xf32, #tpu.memory_space<vmem>>[vector<16xi32>, vector<16xi32>], vector<16xf32>,
          %add3A_687 = arith.constant 48 : i32
          %add3A_688 = vector.broadcast %add3A_687 : i32 to vector<16xi32>
          %add3A_689 = arith.addi %add3A_140, %add3A_688 : vector<16xi32>
          %scatter3A_690 = tpu.memref_slice %arg8[%mul3A_244] : memref<16384xf32, #tpu.memory_space<vmem>> -> memref<1024xf32, #tpu.memory_space<vmem>>
          tpu.vector_store_idx %scatter3A_690[%add3A_689], %gather3A_686 : memref<1024xf32, #tpu.memory_space<vmem>>[vector<16xi32>], vector<16xf32>,
          %add3A_691 = arith.constant 48 : i32
          %add3A_692 = vector.broadcast %add3A_691 : i32 to vector<16xi32>
          %add3A_693 = arith.addi %and3A_66, %add3A_692 : vector<16xi32>
          %gather3A_694 = tpu.vector_load_idx %arg6[%add3A_693, %add3A_242] : memref<64x256xf32, #tpu.memory_space<vmem>>[vector<16xi32>, vector<16xi32>], vector<16xf32>,
          %add3A_695 = arith.constant 48 : i32
          %add3A_696 = vector.broadcast %add3A_695 : i32 to vector<16xi32>
          %add3A_697 = arith.addi %add3A_144, %add3A_696 : vector<16xi32>
          %scatter3A_698 = tpu.memref_slice %arg8[%mul3A_244] : memref<16384xf32, #tpu.memory_space<vmem>> -> memref<1024xf32, #tpu.memory_space<vmem>>
          tpu.vector_store_idx %scatter3A_698[%add3A_697], %gather3A_694 : memref<1024xf32, #tpu.memory_space<vmem>>[vector<16xi32>], vector<16xf32>,
          %add3A_699 = arith.constant 48 : i32
          %add3A_700 = vector.broadcast %add3A_699 : i32 to vector<16xi32>
          %add3A_701 = arith.addi %and3A_72, %add3A_700 : vector<16xi32>
          %gather3A_702 = tpu.vector_load_idx %arg6[%add3A_701, %add3A_242] : memref<64x256xf32, #tpu.memory_space<vmem>>[vector<16xi32>, vector<16xi32>], vector<16xf32>,
          %add3A_703 = arith.constant 48 : i32
          %add3A_704 = vector.broadcast %add3A_703 : i32 to vector<16xi32>
          %add3A_705 = arith.addi %add3A_148, %add3A_704 : vector<16xi32>
          %scatter3A_706 = tpu.memref_slice %arg8[%mul3A_244] : memref<16384xf32, #tpu.memory_space<vmem>> -> memref<1024xf32, #tpu.memory_space<vmem>>
          tpu.vector_store_idx %scatter3A_706[%add3A_705], %gather3A_702 : memref<1024xf32, #tpu.memory_space<vmem>>[vector<16xi32>], vector<16xf32>,
          %add3A_707 = arith.constant 48 : i32
          %add3A_708 = vector.broadcast %add3A_707 : i32 to vector<16xi32>
          %add3A_709 = arith.addi %and3A_78, %add3A_708 : vector<16xi32>
          %gather3A_710 = tpu.vector_load_idx %arg6[%add3A_709, %add3A_242] : memref<64x256xf32, #tpu.memory_space<vmem>>[vector<16xi32>, vector<16xi32>], vector<16xf32>,
          %add3A_711 = arith.constant 48 : i32
          %add3A_712 = vector.broadcast %add3A_711 : i32 to vector<16xi32>
          %add3A_713 = arith.addi %add3A_152, %add3A_712 : vector<16xi32>
          %scatter3A_714 = tpu.memref_slice %arg8[%mul3A_244] : memref<16384xf32, #tpu.memory_space<vmem>> -> memref<1024xf32, #tpu.memory_space<vmem>>
          tpu.vector_store_idx %scatter3A_714[%add3A_713], %gather3A_710 : memref<1024xf32, #tpu.memory_space<vmem>>[vector<16xi32>], vector<16xf32>,
          %add3A_715 = arith.constant 48 : i32
          %add3A_716 = vector.broadcast %add3A_715 : i32 to vector<16xi32>
          %add3A_717 = arith.addi %and3A_84, %add3A_716 : vector<16xi32>
          %gather3A_718 = tpu.vector_load_idx %arg6[%add3A_717, %add3A_242] : memref<64x256xf32, #tpu.memory_space<vmem>>[vector<16xi32>, vector<16xi32>], vector<16xf32>,
          %add3A_719 = arith.constant 48 : i32
          %add3A_720 = vector.broadcast %add3A_719 : i32 to vector<16xi32>
          %add3A_721 = arith.addi %add3A_156, %add3A_720 : vector<16xi32>
          %scatter3A_722 = tpu.memref_slice %arg8[%mul3A_244] : memref<16384xf32, #tpu.memory_space<vmem>> -> memref<1024xf32, #tpu.memory_space<vmem>>
          tpu.vector_store_idx %scatter3A_722[%add3A_721], %gather3A_718 : memref<1024xf32, #tpu.memory_space<vmem>>[vector<16xi32>], vector<16xf32>,
          %add3A_723 = arith.constant 48 : i32
          %add3A_724 = vector.broadcast %add3A_723 : i32 to vector<16xi32>
          %add3A_725 = arith.addi %and3A_90, %add3A_724 : vector<16xi32>
          %gather3A_726 = tpu.vector_load_idx %arg6[%add3A_725, %add3A_242] : memref<64x256xf32, #tpu.memory_space<vmem>>[vector<16xi32>, vector<16xi32>], vector<16xf32>,
          %add3A_727 = arith.constant 48 : i32
          %add3A_728 = vector.broadcast %add3A_727 : i32 to vector<16xi32>
          %add3A_729 = arith.addi %add3A_160, %add3A_728 : vector<16xi32>
          %scatter3A_730 = tpu.memref_slice %arg8[%mul3A_244] : memref<16384xf32, #tpu.memory_space<vmem>> -> memref<1024xf32, #tpu.memory_space<vmem>>
          tpu.vector_store_idx %scatter3A_730[%add3A_729], %gather3A_726 : memref<1024xf32, #tpu.memory_space<vmem>>[vector<16xi32>], vector<16xf32>,
          %add3A_731 = arith.constant 48 : i32
          %add3A_732 = vector.broadcast %add3A_731 : i32 to vector<16xi32>
          %add3A_733 = arith.addi %and3A_96, %add3A_732 : vector<16xi32>
          %gather3A_734 = tpu.vector_load_idx %arg6[%add3A_733, %add3A_242] : memref<64x256xf32, #tpu.memory_space<vmem>>[vector<16xi32>, vector<16xi32>], vector<16xf32>,
          %add3A_735 = arith.constant 48 : i32
          %add3A_736 = vector.broadcast %add3A_735 : i32 to vector<16xi32>
          %add3A_737 = arith.addi %add3A_164, %add3A_736 : vector<16xi32>
          %scatter3A_738 = tpu.memref_slice %arg8[%mul3A_244] : memref<16384xf32, #tpu.memory_space<vmem>> -> memref<1024xf32, #tpu.memory_space<vmem>>
          tpu.vector_store_idx %scatter3A_738[%add3A_737], %gather3A_734 : memref<1024xf32, #tpu.memory_space<vmem>>[vector<16xi32>], vector<16xf32>,
          %add3A_739 = arith.constant 48 : i32
          %add3A_740 = vector.broadcast %add3A_739 : i32 to vector<16xi32>
          %add3A_741 = arith.addi %and3A_102, %add3A_740 : vector<16xi32>
          %gather3A_742 = tpu.vector_load_idx %arg6[%add3A_741, %add3A_242] : memref<64x256xf32, #tpu.memory_space<vmem>>[vector<16xi32>, vector<16xi32>], vector<16xf32>,
          %add3A_743 = arith.constant 48 : i32
          %add3A_744 = vector.broadcast %add3A_743 : i32 to vector<16xi32>
          %add3A_745 = arith.addi %add3A_168, %add3A_744 : vector<16xi32>
          %scatter3A_746 = tpu.memref_slice %arg8[%mul3A_244] : memref<16384xf32, #tpu.memory_space<vmem>> -> memref<1024xf32, #tpu.memory_space<vmem>>
          tpu.vector_store_idx %scatter3A_746[%add3A_745], %gather3A_742 : memref<1024xf32, #tpu.memory_space<vmem>>[vector<16xi32>], vector<16xf32>,
          %add3A_747 = arith.constant 48 : i32
          %add3A_748 = vector.broadcast %add3A_747 : i32 to vector<16xi32>
          %add3A_749 = arith.addi %and3A_108, %add3A_748 : vector<16xi32>
          %gather3A_750 = tpu.vector_load_idx %arg6[%add3A_749, %add3A_242] : memref<64x256xf32, #tpu.memory_space<vmem>>[vector<16xi32>, vector<16xi32>], vector<16xf32>,
          %add3A_751 = arith.constant 48 : i32
          %add3A_752 = vector.broadcast %add3A_751 : i32 to vector<16xi32>
          %add3A_753 = arith.addi %add3A_172, %add3A_752 : vector<16xi32>
          %scatter3A_754 = tpu.memref_slice %arg8[%mul3A_244] : memref<16384xf32, #tpu.memory_space<vmem>> -> memref<1024xf32, #tpu.memory_space<vmem>>
          tpu.vector_store_idx %scatter3A_754[%add3A_753], %gather3A_750 : memref<1024xf32, #tpu.memory_space<vmem>>[vector<16xi32>], vector<16xf32>,
        }
        %scan3A_226 = arith.constant 16 : i32
        %mul3A_227 = arith.constant 16384 : i32
        %mul3A_228 = arith.muli %add3A_205, %mul3A_227 : i32
        %dma_start3A_229 = tpu.memref_slice %arg4[%mul3A_228] : memref<64000000xf32, #tpu.memory_space<hbm>> -> memref<16384xf32, #tpu.memory_space<hbm>>
        %dma_start3A_230 = tpu.memref_slice %arg4[%mul3A_228] : memref<64000000xf32, #tpu.memory_space<hbm>> -> memref<16384xf32, #tpu.memory_space<hbm>>
        tpu.enqueue_dma source(%arg8 : memref<16384xf32, #tpu.memory_space<vmem>>) target(%dma_start3A_230 : memref<16384xf32, #tpu.memory_space<hbm>>) target_semaphore(%arg12 : memref<!tpu.dma_semaphore, #tpu.memory_space<semaphore_mem>>)
        %add3A_231 = arith.constant 64 : i32
        %add3A_232 = arith.addi %add3A_205, %add3A_231 : i32
        %lt3A_233 = arith.constant 3906 : i32
        %lt3A_234 = arith.cmpi slt, %add3A_232, %lt3A_233 : i32
        %convert_element_type3A_235 = arith.extui %lt3A_234 : i1 to i32
        %cond3A_236 = arith.constant 0 : i32
        %cond3A_237 = arith.cmpi ne, %convert_element_type3A_235, %cond3A_236 : i32
        scf.if %cond3A_237 {
          %add3A_238 = arith.constant 64 : i32
          %add3A_239 = arith.addi %add3A_205, %add3A_238 : i32
          %mul3A_240 = arith.constant 256 : i32
          %mul3A_241 = arith.muli %add3A_239, %mul3A_240 : i32
          %dma_start3A_242 = arith.constant 0 : i32
          %dma_start3A_243 = tpu.memref_slice %arg2[%dma_start3A_242, %mul3A_241] : memref<64x1000000xf32, #tpu.memory_space<hbm>> -> memref<64x256xf32, #tpu.memory_space<hbm>>
          %dma_start3A_244 = arith.constant 0 : i32
          %dma_start3A_245 = tpu.memref_slice %arg2[%dma_start3A_244, %mul3A_241] : memref<64x1000000xf32, #tpu.memory_space<hbm>> -> memref<64x256xf32, #tpu.memory_space<hbm>>
          tpu.enqueue_dma source(%dma_start3A_245 : memref<64x256xf32, #tpu.memory_space<hbm>>) target(%arg6 : memref<64x256xf32, #tpu.memory_space<vmem>>) target_semaphore(%arg10 : memref<!tpu.dma_semaphore, #tpu.memory_space<semaphore_mem>>)
        } else {
        }
      } else {
      }
    }
    %scan3A_177 = arith.constant 62 : i32
    %mul3A_178 = arith.constant 16384 : i32
    %mul3A_179 = arith.muli %add3A, %mul3A_178 : i32
    %dma_wait3A = tpu.memref_slice %arg4[%mul3A_179] : memref<64000000xf32, #tpu.memory_space<hbm>> -> memref<16384xf32, #tpu.memory_space<hbm>>
    %dma_wait3A_180 = tpu.memref_slice %arg4[%mul3A_179] : memref<64000000xf32, #tpu.memory_space<hbm>> -> memref<16384xf32, #tpu.memory_space<hbm>>
    tpu.wait_dma2 semaphore(%arg11 : memref<!tpu.dma_semaphore, #tpu.memory_space<semaphore_mem>>) src(%arg7 : memref<16384xf32, #tpu.memory_space<vmem>>) dst(%dma_wait3A_180 : memref<16384xf32, #tpu.memory_space<hbm>>)
    %mul3A_181 = arith.constant 16384 : i32
    %mul3A_182 = arith.muli %add3A, %mul3A_181 : i32
    %dma_wait3A_183 = tpu.memref_slice %arg4[%mul3A_182] : memref<64000000xf32, #tpu.memory_space<hbm>> -> memref<16384xf32, #tpu.memory_space<hbm>>
    %dma_wait3A_184 = tpu.memref_slice %arg4[%mul3A_182] : memref<64000000xf32, #tpu.memory_space<hbm>> -> memref<16384xf32, #tpu.memory_space<hbm>>
    tpu.wait_dma2 semaphore(%arg12 : memref<!tpu.dma_semaphore, #tpu.memory_space<semaphore_mem>>) src(%arg8 : memref<16384xf32, #tpu.memory_space<vmem>>) dst(%dma_wait3A_184 : memref<16384xf32, #tpu.memory_space<hbm>>)
    %eq3A = arith.constant 31 : i32
    %eq3A_185 = arith.cmpi eq, %add3A, %eq3A : i32
    %convert_element_type3A = arith.extui %eq3A_185 : i1 to i32
    %cond3A = arith.constant 0 : i32
    %cond3A_186 = arith.cmpi ne, %convert_element_type3A, %cond3A : i32
    scf.if %cond3A_186 {
      "tpu.region"() ({
        %run_scoped3A = tpu.sem_alloc : memref<!tpu.dma_semaphore, #tpu.memory_space<semaphore_mem>>
        %dma_start3A_187 = arith.constant 0 : i32
        %dma_start3A_188 = tpu.memref_slice %arg7[%dma_start3A_187] : memref<16384xf32, #tpu.memory_space<vmem>> -> memref<4096xf32, #tpu.memory_space<vmem>>
        %dma_start3A_189 = arith.constant 0 : i32
        %dma_start3A_190 = tpu.memref_slice %arg7[%dma_start3A_189] : memref<16384xf32, #tpu.memory_space<vmem>> -> memref<4096xf32, #tpu.memory_space<vmem>>
        tpu.enqueue_dma source(%arg3 : memref<4096xf32, #tpu.memory_space<hbm>>) target(%dma_start3A_190 : memref<4096xf32, #tpu.memory_space<vmem>>) target_semaphore(%run_scoped3A : memref<!tpu.dma_semaphore, #tpu.memory_space<semaphore_mem>>)
        %dma_wait3A_191 = arith.constant 0 : i32
        %dma_wait3A_192 = tpu.memref_slice %arg7[%dma_wait3A_191] : memref<16384xf32, #tpu.memory_space<vmem>> -> memref<4096xf32, #tpu.memory_space<vmem>>
        %dma_wait3A_193 = arith.constant 0 : i32
        %dma_wait3A_194 = tpu.memref_slice %arg7[%dma_wait3A_193] : memref<16384xf32, #tpu.memory_space<vmem>> -> memref<4096xf32, #tpu.memory_space<vmem>>
        tpu.wait_dma2 semaphore(%run_scoped3A : memref<!tpu.dma_semaphore, #tpu.memory_space<semaphore_mem>>) src(%arg3 : memref<4096xf32, #tpu.memory_space<hbm>>) dst(%dma_wait3A_194 : memref<4096xf32, #tpu.memory_space<vmem>>)
        tpu.yield
      }) : () -> ()
      "tpu.region"() ({
        %run_scoped3A = tpu.sem_alloc : memref<!tpu.dma_semaphore, #tpu.memory_space<semaphore_mem>>
        %dma_start3A_187 = arith.constant 0 : i32
        %dma_start3A_188 = tpu.memref_slice %arg7[%dma_start3A_187] : memref<16384xf32, #tpu.memory_space<vmem>> -> memref<4096xf32, #tpu.memory_space<vmem>>
        %dma_start3A_189 = arith.constant 63995904 : i32
        %dma_start3A_190 = tpu.memref_slice %arg4[%dma_start3A_189] : memref<64000000xf32, #tpu.memory_space<hbm>> -> memref<4096xf32, #tpu.memory_space<hbm>>
        %dma_start3A_191 = arith.constant 63995904 : i32
        %dma_start3A_192 = tpu.memref_slice %arg4[%dma_start3A_191] : memref<64000000xf32, #tpu.memory_space<hbm>> -> memref<4096xf32, #tpu.memory_space<hbm>>
        %dma_start3A_193 = arith.constant 0 : i32
        %dma_start3A_194 = tpu.memref_slice %arg7[%dma_start3A_193] : memref<16384xf32, #tpu.memory_space<vmem>> -> memref<4096xf32, #tpu.memory_space<vmem>>
        tpu.enqueue_dma source(%dma_start3A_194 : memref<4096xf32, #tpu.memory_space<vmem>>) target(%dma_start3A_192 : memref<4096xf32, #tpu.memory_space<hbm>>) target_semaphore(%run_scoped3A : memref<!tpu.dma_semaphore, #tpu.memory_space<semaphore_mem>>)
        %dma_wait3A_195 = arith.constant 0 : i32
        %dma_wait3A_196 = tpu.memref_slice %arg7[%dma_wait3A_195] : memref<16384xf32, #tpu.memory_space<vmem>> -> memref<4096xf32, #tpu.memory_space<vmem>>
        %dma_wait3A_197 = arith.constant 63995904 : i32
        %dma_wait3A_198 = tpu.memref_slice %arg4[%dma_wait3A_197] : memref<64000000xf32, #tpu.memory_space<hbm>> -> memref<4096xf32, #tpu.memory_space<hbm>>
        %dma_wait3A_199 = arith.constant 63995904 : i32
        %dma_wait3A_200 = tpu.memref_slice %arg4[%dma_wait3A_199] : memref<64000000xf32, #tpu.memory_space<hbm>> -> memref<4096xf32, #tpu.memory_space<hbm>>
        %dma_wait3A_201 = arith.constant 0 : i32
        %dma_wait3A_202 = tpu.memref_slice %arg7[%dma_wait3A_201] : memref<16384xf32, #tpu.memory_space<vmem>> -> memref<4096xf32, #tpu.memory_space<vmem>>
        tpu.wait_dma2 semaphore(%run_scoped3A : memref<!tpu.dma_semaphore, #tpu.memory_space<semaphore_mem>>) src(%dma_wait3A_202 : memref<4096xf32, #tpu.memory_space<vmem>>) dst(%dma_wait3A_200 : memref<4096xf32, #tpu.memory_space<hbm>>)
        tpu.yield
      }) : () -> ()
    } else {
    }
    return
  }
}

#map = affine_map<(d0, d1) -> (0, 0)>
module attributes {stable_mosaic.version = 14 : i64} {
  func.func @body(%arg0: i32, %arg1: i32, %arg2: memref<8192x100xi32, #tpu.memory_space<hbm>>, %arg3: memref<1000000x64xf32, #tpu.memory_space<hbm>>, %arg4: memref<4096x64xf32, #tpu.memory_space<hbm>>, %arg5: memref<256x100xi32, #tpu.memory_space<vmem>>, %arg6: memref<2x100x64xf32, #tpu.memory_space<vmem>>, %arg7: memref<128x64xf32, #tpu.memory_space<vmem>>, %arg8: memref<!tpu.dma_semaphore, #tpu.memory_space<semaphore_mem>>, %arg9: memref<!tpu.dma_semaphore, #tpu.memory_space<semaphore_mem>>) attributes {dimension_semantics = [#tpu.dimension_semantics<core_parallel>, #tpu.dimension_semantics<subcore_parallel>], iteration_bounds = array<i64: 2, 16>, scalar_prefetch = 0 : i64, scratch_operands = 5 : i64, tpu.core_type = #tpu.core_type<sc_vector_subcore>, window_params = [{transform_indices = #map}, {transform_indices = #map}, {transform_indices = #map}]} {
    %mul3A = arith.constant 2 : i32
    %mul3A_0 = arith.muli %arg1, %mul3A : i32
    %add3A = arith.addi %mul3A_0, %arg0 : i32
    %mul3A_1 = arith.constant 256 : i32
    %mul3A_2 = arith.muli %add3A, %mul3A_1 : i32
    "tpu.region"() ({
      %run_scoped3A = tpu.sem_alloc : memref<!tpu.dma_semaphore, #tpu.memory_space<semaphore_mem>>
      %dma_start3A_33 = arith.constant 0 : i32
      %dma_start3A_34 = tpu.memref_slice %arg2[%mul3A_2, %dma_start3A_33] : memref<8192x100xi32, #tpu.memory_space<hbm>> -> memref<256x100xi32, #tpu.memory_space<hbm>>
      %dma_start3A_35 = arith.constant 0 : i32
      %dma_start3A_36 = tpu.memref_slice %arg2[%mul3A_2, %dma_start3A_35] : memref<8192x100xi32, #tpu.memory_space<hbm>> -> memref<256x100xi32, #tpu.memory_space<hbm>>
      tpu.enqueue_dma source(%dma_start3A_36 : memref<256x100xi32, #tpu.memory_space<hbm>>) target(%arg5 : memref<256x100xi32, #tpu.memory_space<vmem>>) target_semaphore(%run_scoped3A : memref<!tpu.dma_semaphore, #tpu.memory_space<semaphore_mem>>)
      %dma_wait3A = arith.constant 0 : i32
      %dma_wait3A_37 = tpu.memref_slice %arg2[%mul3A_2, %dma_wait3A] : memref<8192x100xi32, #tpu.memory_space<hbm>> -> memref<256x100xi32, #tpu.memory_space<hbm>>
      %dma_wait3A_38 = arith.constant 0 : i32
      %dma_wait3A_39 = tpu.memref_slice %arg2[%mul3A_2, %dma_wait3A_38] : memref<8192x100xi32, #tpu.memory_space<hbm>> -> memref<256x100xi32, #tpu.memory_space<hbm>>
      tpu.wait_dma2 semaphore(%run_scoped3A : memref<!tpu.dma_semaphore, #tpu.memory_space<semaphore_mem>>) src(%dma_wait3A_39 : memref<256x100xi32, #tpu.memory_space<hbm>>) dst(%arg5 : memref<256x100xi32, #tpu.memory_space<vmem>>)
      tpu.yield
    }) : () -> ()
    %dma_start3A = arith.constant 0 : i32
    %dma_start3A_3 = arith.constant 0 : i32
    %dma_start3A_4 = arith.constant 0 : i32
    %dma_start3A_5 = arith.constant 0 : i32
    %dma_start3A_6 = tpu.memref_slice %arg6[%dma_start3A_3, %dma_start3A_4, %dma_start3A_5] : memref<2x100x64xf32, #tpu.memory_space<vmem>> -> memref<1x100x64xf32, #tpu.memory_space<vmem>>
    %dma_start3A_7 = tpu.memref_squeeze %dma_start3A_6 : memref<1x100x64xf32, #tpu.memory_space<vmem>> -> memref<100x64xf32, #tpu.memory_space<vmem>>
    %dma_start3A_8 = arith.constant 0 : i32
    %dma_start3A_9 = tpu.memref_slice %arg5[%dma_start3A, %dma_start3A_8] : memref<256x100xi32, #tpu.memory_space<vmem>> -> memref<1x100xi32, #tpu.memory_space<vmem>>
    %dma_start3A_10 = tpu.memref_squeeze %dma_start3A_9 : memref<1x100xi32, #tpu.memory_space<vmem>> -> memref<100xi32, #tpu.memory_space<vmem>>
    %dma_start3A_11 = arith.constant 0 : i32
    %dma_start3A_12 = arith.constant 0 : i32
    %dma_start3A_13 = tpu.memref_slice %arg3[%dma_start3A_11, %dma_start3A_12] : memref<1000000x64xf32, #tpu.memory_space<hbm>> -> memref<1000000x64xf32, #tpu.memory_space<hbm>>
    tpu.enqueue_indirect_dma source(%dma_start3A_13 : memref<1000000x64xf32, #tpu.memory_space<hbm>>) target(%dma_start3A_7 : memref<100x64xf32, #tpu.memory_space<vmem>>) offsets(%dma_start3A_10 : memref<100xi32, #tpu.memory_space<vmem>>) semaphore(%arg8 : memref<!tpu.dma_semaphore, #tpu.memory_space<semaphore_mem>>)
    %dma_start3A_14 = arith.constant 1 : i32
    %dma_start3A_15 = arith.constant 1 : i32
    %dma_start3A_16 = arith.constant 0 : i32
    %dma_start3A_17 = arith.constant 0 : i32
    %dma_start3A_18 = tpu.memref_slice %arg6[%dma_start3A_15, %dma_start3A_16, %dma_start3A_17] : memref<2x100x64xf32, #tpu.memory_space<vmem>> -> memref<1x100x64xf32, #tpu.memory_space<vmem>>
    %dma_start3A_19 = tpu.memref_squeeze %dma_start3A_18 : memref<1x100x64xf32, #tpu.memory_space<vmem>> -> memref<100x64xf32, #tpu.memory_space<vmem>>
    %dma_start3A_20 = arith.constant 0 : i32
    %dma_start3A_21 = tpu.memref_slice %arg5[%dma_start3A_14, %dma_start3A_20] : memref<256x100xi32, #tpu.memory_space<vmem>> -> memref<1x100xi32, #tpu.memory_space<vmem>>
    %dma_start3A_22 = tpu.memref_squeeze %dma_start3A_21 : memref<1x100xi32, #tpu.memory_space<vmem>> -> memref<100xi32, #tpu.memory_space<vmem>>
    %dma_start3A_23 = arith.constant 0 : i32
    %dma_start3A_24 = arith.constant 0 : i32
    %dma_start3A_25 = tpu.memref_slice %arg3[%dma_start3A_23, %dma_start3A_24] : memref<1000000x64xf32, #tpu.memory_space<hbm>> -> memref<1000000x64xf32, #tpu.memory_space<hbm>>
    tpu.enqueue_indirect_dma source(%dma_start3A_25 : memref<1000000x64xf32, #tpu.memory_space<hbm>>) target(%dma_start3A_19 : memref<100x64xf32, #tpu.memory_space<vmem>>) offsets(%dma_start3A_22 : memref<100xi32, #tpu.memory_space<vmem>>) semaphore(%arg9 : memref<!tpu.dma_semaphore, #tpu.memory_space<semaphore_mem>>)
    %scan3A = arith.constant 0 : i32
    %scan3A_26 = arith.constant 0 : i32
    %scan3A_27 = arith.constant 128 : i32
    %scan3A_28 = arith.addi %scan3A_26, %scan3A_27 : i32
    %scan3A_29 = arith.constant 1 : i32
    scf.for %scan3A_33 = %scan3A_26 to %scan3A_28 step %scan3A_29  : i32 {
      %broadcast_in_dim3A = arith.constant 0.000000e+00 : f32
      %broadcast_in_dim3A_34 = vector.broadcast %broadcast_in_dim3A : f32 to vector<16xf32>
      %mul3A_35 = arith.constant 2 : i32
      %mul3A_36 = arith.muli %scan3A_33, %mul3A_35 : i32
      %add3A_37 = arith.constant 0 : i32
      %add3A_38 = arith.addi %mul3A_36, %add3A_37 : i32
      %dma_wait3A = arith.constant 0 : i32
      %dma_wait3A_39 = arith.constant 0 : i32
      %dma_wait3A_40 = arith.constant 0 : i32
      %dma_wait3A_41 = tpu.memref_slice %arg6[%dma_wait3A, %dma_wait3A_39, %dma_wait3A_40] : memref<2x100x64xf32, #tpu.memory_space<vmem>> -> memref<1x100x64xf32, #tpu.memory_space<vmem>>
      %dma_wait3A_42 = tpu.memref_squeeze %dma_wait3A_41 : memref<1x100x64xf32, #tpu.memory_space<vmem>> -> memref<100x64xf32, #tpu.memory_space<vmem>>
      %dma_wait3A_43 = arith.constant 0 : i32
      %dma_wait3A_44 = tpu.memref_slice %arg5[%add3A_38, %dma_wait3A_43] : memref<256x100xi32, #tpu.memory_space<vmem>> -> memref<1x100xi32, #tpu.memory_space<vmem>>
      %dma_wait3A_45 = tpu.memref_squeeze %dma_wait3A_44 : memref<1x100xi32, #tpu.memory_space<vmem>> -> memref<100xi32, #tpu.memory_space<vmem>>
      %dma_wait3A_46 = arith.constant 0 : i32
      %dma_wait3A_47 = arith.constant 0 : i32
      %dma_wait3A_48 = tpu.memref_slice %arg3[%dma_wait3A_46, %dma_wait3A_47] : memref<1000000x64xf32, #tpu.memory_space<hbm>> -> memref<1000000x64xf32, #tpu.memory_space<hbm>>
      tpu.wait_indirect_dma semaphore(%arg8 : memref<!tpu.dma_semaphore, #tpu.memory_space<semaphore_mem>>) src(%dma_wait3A_48 : memref<1000000x64xf32, #tpu.memory_space<hbm>>) dst(%dma_wait3A_42 : memref<100x64xf32, #tpu.memory_space<vmem>>)
      %scan3A_49 = arith.constant 0 : i32
      %scan3A_50 = arith.constant 100 : i32
      %scan3A_51 = arith.addi %scan3A_49, %scan3A_50 : i32
      %scan3A_52 = arith.constant 4 : i32
      %scan3A_53:4 = scf.for %scan3A_106 = %scan3A_49 to %scan3A_51 step %scan3A_52 iter_args(%scan3A_107 = %broadcast_in_dim3A_34, %scan3A_108 = %broadcast_in_dim3A_34, %scan3A_109 = %broadcast_in_dim3A_34, %scan3A_110 = %broadcast_in_dim3A_34) -> (vector<16xf32>, vector<16xf32>, vector<16xf32>, vector<16xf32>)  : i32 {
        %get3A = arith.constant 0 : i32
        %get3A_111 = arith.index_cast %get3A : i32 to index
        %get3A_112 = arith.index_cast %scan3A_106 : i32 to index
        %get3A_113 = arith.constant 0 : index
        %get3A_114 = tpu.vector_load %arg6[%get3A_111, %get3A_112, %get3A_113] {strides = array<i32>} : memref<2x100x64xf32, #tpu.memory_space<vmem>>, vector<1x1x16xf32>,
        %get3A_115 = vector.shape_cast %get3A_114 : vector<1x1x16xf32> to vector<16xf32>
        %add3A_116 = arith.addf %scan3A_107, %get3A_115 : vector<16xf32>
        %get3A_117 = arith.constant 0 : i32
        %get3A_118 = arith.index_cast %get3A_117 : i32 to index
        %get3A_119 = arith.index_cast %scan3A_106 : i32 to index
        %get3A_120 = arith.constant 16 : index
        %get3A_121 = tpu.vector_load %arg6[%get3A_118, %get3A_119, %get3A_120] {strides = array<i32>} : memref<2x100x64xf32, #tpu.memory_space<vmem>>, vector<1x1x16xf32>,
        %get3A_122 = vector.shape_cast %get3A_121 : vector<1x1x16xf32> to vector<16xf32>
        %add3A_123 = arith.addf %scan3A_108, %get3A_122 : vector<16xf32>
        %get3A_124 = arith.constant 0 : i32
        %get3A_125 = arith.index_cast %get3A_124 : i32 to index
        %get3A_126 = arith.index_cast %scan3A_106 : i32 to index
        %get3A_127 = arith.constant 32 : index
        %get3A_128 = tpu.vector_load %arg6[%get3A_125, %get3A_126, %get3A_127] {strides = array<i32>} : memref<2x100x64xf32, #tpu.memory_space<vmem>>, vector<1x1x16xf32>,
        %get3A_129 = vector.shape_cast %get3A_128 : vector<1x1x16xf32> to vector<16xf32>
        %add3A_130 = arith.addf %scan3A_109, %get3A_129 : vector<16xf32>
        %get3A_131 = arith.constant 0 : i32
        %get3A_132 = arith.index_cast %get3A_131 : i32 to index
        %get3A_133 = arith.index_cast %scan3A_106 : i32 to index
        %get3A_134 = arith.constant 48 : index
        %get3A_135 = tpu.vector_load %arg6[%get3A_132, %get3A_133, %get3A_134] {strides = array<i32>} : memref<2x100x64xf32, #tpu.memory_space<vmem>>, vector<1x1x16xf32>,
        %get3A_136 = vector.shape_cast %get3A_135 : vector<1x1x16xf32> to vector<16xf32>
        %add3A_137 = arith.addf %scan3A_110, %get3A_136 : vector<16xf32>
        %scan3A_138 = arith.constant 1 : i32
        %scan3A_139 = arith.addi %scan3A_106, %scan3A_138 : i32
        %get3A_140 = arith.constant 0 : i32
        %get3A_141 = arith.index_cast %get3A_140 : i32 to index
        %get3A_142 = arith.index_cast %scan3A_139 : i32 to index
        %get3A_143 = arith.constant 0 : index
        %get3A_144 = tpu.vector_load %arg6[%get3A_141, %get3A_142, %get3A_143] {strides = array<i32>} : memref<2x100x64xf32, #tpu.memory_space<vmem>>, vector<1x1x16xf32>,
        %get3A_145 = vector.shape_cast %get3A_144 : vector<1x1x16xf32> to vector<16xf32>
        %add3A_146 = arith.addf %add3A_116, %get3A_145 : vector<16xf32>
        %get3A_147 = arith.constant 0 : i32
        %get3A_148 = arith.index_cast %get3A_147 : i32 to index
        %get3A_149 = arith.index_cast %scan3A_139 : i32 to index
        %get3A_150 = arith.constant 16 : index
        %get3A_151 = tpu.vector_load %arg6[%get3A_148, %get3A_149, %get3A_150] {strides = array<i32>} : memref<2x100x64xf32, #tpu.memory_space<vmem>>, vector<1x1x16xf32>,
        %get3A_152 = vector.shape_cast %get3A_151 : vector<1x1x16xf32> to vector<16xf32>
        %add3A_153 = arith.addf %add3A_123, %get3A_152 : vector<16xf32>
        %get3A_154 = arith.constant 0 : i32
        %get3A_155 = arith.index_cast %get3A_154 : i32 to index
        %get3A_156 = arith.index_cast %scan3A_139 : i32 to index
        %get3A_157 = arith.constant 32 : index
        %get3A_158 = tpu.vector_load %arg6[%get3A_155, %get3A_156, %get3A_157] {strides = array<i32>} : memref<2x100x64xf32, #tpu.memory_space<vmem>>, vector<1x1x16xf32>,
        %get3A_159 = vector.shape_cast %get3A_158 : vector<1x1x16xf32> to vector<16xf32>
        %add3A_160 = arith.addf %add3A_130, %get3A_159 : vector<16xf32>
        %get3A_161 = arith.constant 0 : i32
        %get3A_162 = arith.index_cast %get3A_161 : i32 to index
        %get3A_163 = arith.index_cast %scan3A_139 : i32 to index
        %get3A_164 = arith.constant 48 : index
        %get3A_165 = tpu.vector_load %arg6[%get3A_162, %get3A_163, %get3A_164] {strides = array<i32>} : memref<2x100x64xf32, #tpu.memory_space<vmem>>, vector<1x1x16xf32>,
        %get3A_166 = vector.shape_cast %get3A_165 : vector<1x1x16xf32> to vector<16xf32>
        %add3A_167 = arith.addf %add3A_137, %get3A_166 : vector<16xf32>
        %scan3A_168 = arith.constant 2 : i32
        %scan3A_169 = arith.addi %scan3A_106, %scan3A_168 : i32
        %get3A_170 = arith.constant 0 : i32
        %get3A_171 = arith.index_cast %get3A_170 : i32 to index
        %get3A_172 = arith.index_cast %scan3A_169 : i32 to index
        %get3A_173 = arith.constant 0 : index
        %get3A_174 = tpu.vector_load %arg6[%get3A_171, %get3A_172, %get3A_173] {strides = array<i32>} : memref<2x100x64xf32, #tpu.memory_space<vmem>>, vector<1x1x16xf32>,
        %get3A_175 = vector.shape_cast %get3A_174 : vector<1x1x16xf32> to vector<16xf32>
        %add3A_176 = arith.addf %add3A_146, %get3A_175 : vector<16xf32>
        %get3A_177 = arith.constant 0 : i32
        %get3A_178 = arith.index_cast %get3A_177 : i32 to index
        %get3A_179 = arith.index_cast %scan3A_169 : i32 to index
        %get3A_180 = arith.constant 16 : index
        %get3A_181 = tpu.vector_load %arg6[%get3A_178, %get3A_179, %get3A_180] {strides = array<i32>} : memref<2x100x64xf32, #tpu.memory_space<vmem>>, vector<1x1x16xf32>,
        %get3A_182 = vector.shape_cast %get3A_181 : vector<1x1x16xf32> to vector<16xf32>
        %add3A_183 = arith.addf %add3A_153, %get3A_182 : vector<16xf32>
        %get3A_184 = arith.constant 0 : i32
        %get3A_185 = arith.index_cast %get3A_184 : i32 to index
        %get3A_186 = arith.index_cast %scan3A_169 : i32 to index
        %get3A_187 = arith.constant 32 : index
        %get3A_188 = tpu.vector_load %arg6[%get3A_185, %get3A_186, %get3A_187] {strides = array<i32>} : memref<2x100x64xf32, #tpu.memory_space<vmem>>, vector<1x1x16xf32>,
        %get3A_189 = vector.shape_cast %get3A_188 : vector<1x1x16xf32> to vector<16xf32>
        %add3A_190 = arith.addf %add3A_160, %get3A_189 : vector<16xf32>
        %get3A_191 = arith.constant 0 : i32
        %get3A_192 = arith.index_cast %get3A_191 : i32 to index
        %get3A_193 = arith.index_cast %scan3A_169 : i32 to index
        %get3A_194 = arith.constant 48 : index
        %get3A_195 = tpu.vector_load %arg6[%get3A_192, %get3A_193, %get3A_194] {strides = array<i32>} : memref<2x100x64xf32, #tpu.memory_space<vmem>>, vector<1x1x16xf32>,
        %get3A_196 = vector.shape_cast %get3A_195 : vector<1x1x16xf32> to vector<16xf32>
        %add3A_197 = arith.addf %add3A_167, %get3A_196 : vector<16xf32>
        %scan3A_198 = arith.constant 3 : i32
        %scan3A_199 = arith.addi %scan3A_106, %scan3A_198 : i32
        %get3A_200 = arith.constant 0 : i32
        %get3A_201 = arith.index_cast %get3A_200 : i32 to index
        %get3A_202 = arith.index_cast %scan3A_199 : i32 to index
        %get3A_203 = arith.constant 0 : index
        %get3A_204 = tpu.vector_load %arg6[%get3A_201, %get3A_202, %get3A_203] {strides = array<i32>} : memref<2x100x64xf32, #tpu.memory_space<vmem>>, vector<1x1x16xf32>,
        %get3A_205 = vector.shape_cast %get3A_204 : vector<1x1x16xf32> to vector<16xf32>
        %add3A_206 = arith.addf %add3A_176, %get3A_205 : vector<16xf32>
        %get3A_207 = arith.constant 0 : i32
        %get3A_208 = arith.index_cast %get3A_207 : i32 to index
        %get3A_209 = arith.index_cast %scan3A_199 : i32 to index
        %get3A_210 = arith.constant 16 : index
        %get3A_211 = tpu.vector_load %arg6[%get3A_208, %get3A_209, %get3A_210] {strides = array<i32>} : memref<2x100x64xf32, #tpu.memory_space<vmem>>, vector<1x1x16xf32>,
        %get3A_212 = vector.shape_cast %get3A_211 : vector<1x1x16xf32> to vector<16xf32>
        %add3A_213 = arith.addf %add3A_183, %get3A_212 : vector<16xf32>
        %get3A_214 = arith.constant 0 : i32
        %get3A_215 = arith.index_cast %get3A_214 : i32 to index
        %get3A_216 = arith.index_cast %scan3A_199 : i32 to index
        %get3A_217 = arith.constant 32 : index
        %get3A_218 = tpu.vector_load %arg6[%get3A_215, %get3A_216, %get3A_217] {strides = array<i32>} : memref<2x100x64xf32, #tpu.memory_space<vmem>>, vector<1x1x16xf32>,
        %get3A_219 = vector.shape_cast %get3A_218 : vector<1x1x16xf32> to vector<16xf32>
        %add3A_220 = arith.addf %add3A_190, %get3A_219 : vector<16xf32>
        %get3A_221 = arith.constant 0 : i32
        %get3A_222 = arith.index_cast %get3A_221 : i32 to index
        %get3A_223 = arith.index_cast %scan3A_199 : i32 to index
        %get3A_224 = arith.constant 48 : index
        %get3A_225 = tpu.vector_load %arg6[%get3A_222, %get3A_223, %get3A_224] {strides = array<i32>} : memref<2x100x64xf32, #tpu.memory_space<vmem>>, vector<1x1x16xf32>,
        %get3A_226 = vector.shape_cast %get3A_225 : vector<1x1x16xf32> to vector<16xf32>
        %add3A_227 = arith.addf %add3A_197, %get3A_226 : vector<16xf32>
        scf.yield %add3A_206, %add3A_213, %add3A_220, %add3A_227 : vector<16xf32>, vector<16xf32>, vector<16xf32>, vector<16xf32>
      }
      %scan3A_54 = arith.constant 100 : i32
      %add3A_55 = arith.constant 2 : i32
      %add3A_56 = arith.addi %add3A_38, %add3A_55 : i32
      %lt3A = arith.constant 256 : i32
      %lt3A_57 = arith.cmpi slt, %add3A_56, %lt3A : i32
      %convert_element_type3A = arith.extui %lt3A_57 : i1 to i32
      %cond3A = arith.constant 0 : i32
      %cond3A_58 = arith.cmpi ne, %convert_element_type3A, %cond3A : i32
      scf.if %cond3A_58 {
        %add3A_106 = arith.constant 2 : i32
        %add3A_107 = arith.addi %add3A_38, %add3A_106 : i32
        %dma_start3A_108 = arith.constant 0 : i32
        %dma_start3A_109 = arith.constant 0 : i32
        %dma_start3A_110 = arith.constant 0 : i32
        %dma_start3A_111 = tpu.memref_slice %arg6[%dma_start3A_108, %dma_start3A_109, %dma_start3A_110] : memref<2x100x64xf32, #tpu.memory_space<vmem>> -> memref<1x100x64xf32, #tpu.memory_space<vmem>>
        %dma_start3A_112 = tpu.memref_squeeze %dma_start3A_111 : memref<1x100x64xf32, #tpu.memory_space<vmem>> -> memref<100x64xf32, #tpu.memory_space<vmem>>
        %dma_start3A_113 = arith.constant 0 : i32
        %dma_start3A_114 = tpu.memref_slice %arg5[%add3A_107, %dma_start3A_113] : memref<256x100xi32, #tpu.memory_space<vmem>> -> memref<1x100xi32, #tpu.memory_space<vmem>>
        %dma_start3A_115 = tpu.memref_squeeze %dma_start3A_114 : memref<1x100xi32, #tpu.memory_space<vmem>> -> memref<100xi32, #tpu.memory_space<vmem>>
        %dma_start3A_116 = arith.constant 0 : i32
        %dma_start3A_117 = arith.constant 0 : i32
        %dma_start3A_118 = tpu.memref_slice %arg3[%dma_start3A_116, %dma_start3A_117] : memref<1000000x64xf32, #tpu.memory_space<hbm>> -> memref<1000000x64xf32, #tpu.memory_space<hbm>>
        tpu.enqueue_indirect_dma source(%dma_start3A_118 : memref<1000000x64xf32, #tpu.memory_space<hbm>>) target(%dma_start3A_112 : memref<100x64xf32, #tpu.memory_space<vmem>>) offsets(%dma_start3A_115 : memref<100xi32, #tpu.memory_space<vmem>>) semaphore(%arg8 : memref<!tpu.dma_semaphore, #tpu.memory_space<semaphore_mem>>)
      } else {
      }
      %mul3A_59 = arith.constant 2 : i32
      %mul3A_60 = arith.muli %scan3A_33, %mul3A_59 : i32
      %add3A_61 = arith.constant 1 : i32
      %add3A_62 = arith.addi %mul3A_60, %add3A_61 : i32
      %dma_wait3A_63 = arith.constant 1 : i32
      %dma_wait3A_64 = arith.constant 0 : i32
      %dma_wait3A_65 = arith.constant 0 : i32
      %dma_wait3A_66 = tpu.memref_slice %arg6[%dma_wait3A_63, %dma_wait3A_64, %dma_wait3A_65] : memref<2x100x64xf32, #tpu.memory_space<vmem>> -> memref<1x100x64xf32, #tpu.memory_space<vmem>>
      %dma_wait3A_67 = tpu.memref_squeeze %dma_wait3A_66 : memref<1x100x64xf32, #tpu.memory_space<vmem>> -> memref<100x64xf32, #tpu.memory_space<vmem>>
      %dma_wait3A_68 = arith.constant 0 : i32
      %dma_wait3A_69 = tpu.memref_slice %arg5[%add3A_62, %dma_wait3A_68] : memref<256x100xi32, #tpu.memory_space<vmem>> -> memref<1x100xi32, #tpu.memory_space<vmem>>
      %dma_wait3A_70 = tpu.memref_squeeze %dma_wait3A_69 : memref<1x100xi32, #tpu.memory_space<vmem>> -> memref<100xi32, #tpu.memory_space<vmem>>
      %dma_wait3A_71 = arith.constant 0 : i32
      %dma_wait3A_72 = arith.constant 0 : i32
      %dma_wait3A_73 = tpu.memref_slice %arg3[%dma_wait3A_71, %dma_wait3A_72] : memref<1000000x64xf32, #tpu.memory_space<hbm>> -> memref<1000000x64xf32, #tpu.memory_space<hbm>>
      tpu.wait_indirect_dma semaphore(%arg9 : memref<!tpu.dma_semaphore, #tpu.memory_space<semaphore_mem>>) src(%dma_wait3A_73 : memref<1000000x64xf32, #tpu.memory_space<hbm>>) dst(%dma_wait3A_67 : memref<100x64xf32, #tpu.memory_space<vmem>>)
      %scan3A_74 = arith.constant 0 : i32
      %scan3A_75 = arith.constant 100 : i32
      %scan3A_76 = arith.addi %scan3A_74, %scan3A_75 : i32
      %scan3A_77 = arith.constant 4 : i32
      %scan3A_78:4 = scf.for %scan3A_106 = %scan3A_74 to %scan3A_76 step %scan3A_77 iter_args(%scan3A_107 = %scan3A_53#0, %scan3A_108 = %scan3A_53#1, %scan3A_109 = %scan3A_53#2, %scan3A_110 = %scan3A_53#3) -> (vector<16xf32>, vector<16xf32>, vector<16xf32>, vector<16xf32>)  : i32 {
        %get3A = arith.constant 1 : i32
        %get3A_111 = arith.index_cast %get3A : i32 to index
        %get3A_112 = arith.index_cast %scan3A_106 : i32 to index
        %get3A_113 = arith.constant 0 : index
        %get3A_114 = tpu.vector_load %arg6[%get3A_111, %get3A_112, %get3A_113] {strides = array<i32>} : memref<2x100x64xf32, #tpu.memory_space<vmem>>, vector<1x1x16xf32>,
        %get3A_115 = vector.shape_cast %get3A_114 : vector<1x1x16xf32> to vector<16xf32>
        %add3A_116 = arith.addf %scan3A_107, %get3A_115 : vector<16xf32>
        %get3A_117 = arith.constant 1 : i32
        %get3A_118 = arith.index_cast %get3A_117 : i32 to index
        %get3A_119 = arith.index_cast %scan3A_106 : i32 to index
        %get3A_120 = arith.constant 16 : index
        %get3A_121 = tpu.vector_load %arg6[%get3A_118, %get3A_119, %get3A_120] {strides = array<i32>} : memref<2x100x64xf32, #tpu.memory_space<vmem>>, vector<1x1x16xf32>,
        %get3A_122 = vector.shape_cast %get3A_121 : vector<1x1x16xf32> to vector<16xf32>
        %add3A_123 = arith.addf %scan3A_108, %get3A_122 : vector<16xf32>
        %get3A_124 = arith.constant 1 : i32
        %get3A_125 = arith.index_cast %get3A_124 : i32 to index
        %get3A_126 = arith.index_cast %scan3A_106 : i32 to index
        %get3A_127 = arith.constant 32 : index
        %get3A_128 = tpu.vector_load %arg6[%get3A_125, %get3A_126, %get3A_127] {strides = array<i32>} : memref<2x100x64xf32, #tpu.memory_space<vmem>>, vector<1x1x16xf32>,
        %get3A_129 = vector.shape_cast %get3A_128 : vector<1x1x16xf32> to vector<16xf32>
        %add3A_130 = arith.addf %scan3A_109, %get3A_129 : vector<16xf32>
        %get3A_131 = arith.constant 1 : i32
        %get3A_132 = arith.index_cast %get3A_131 : i32 to index
        %get3A_133 = arith.index_cast %scan3A_106 : i32 to index
        %get3A_134 = arith.constant 48 : index
        %get3A_135 = tpu.vector_load %arg6[%get3A_132, %get3A_133, %get3A_134] {strides = array<i32>} : memref<2x100x64xf32, #tpu.memory_space<vmem>>, vector<1x1x16xf32>,
        %get3A_136 = vector.shape_cast %get3A_135 : vector<1x1x16xf32> to vector<16xf32>
        %add3A_137 = arith.addf %scan3A_110, %get3A_136 : vector<16xf32>
        %scan3A_138 = arith.constant 1 : i32
        %scan3A_139 = arith.addi %scan3A_106, %scan3A_138 : i32
        %get3A_140 = arith.constant 1 : i32
        %get3A_141 = arith.index_cast %get3A_140 : i32 to index
        %get3A_142 = arith.index_cast %scan3A_139 : i32 to index
        %get3A_143 = arith.constant 0 : index
        %get3A_144 = tpu.vector_load %arg6[%get3A_141, %get3A_142, %get3A_143] {strides = array<i32>} : memref<2x100x64xf32, #tpu.memory_space<vmem>>, vector<1x1x16xf32>,
        %get3A_145 = vector.shape_cast %get3A_144 : vector<1x1x16xf32> to vector<16xf32>
        %add3A_146 = arith.addf %add3A_116, %get3A_145 : vector<16xf32>
        %get3A_147 = arith.constant 1 : i32
        %get3A_148 = arith.index_cast %get3A_147 : i32 to index
        %get3A_149 = arith.index_cast %scan3A_139 : i32 to index
        %get3A_150 = arith.constant 16 : index
        %get3A_151 = tpu.vector_load %arg6[%get3A_148, %get3A_149, %get3A_150] {strides = array<i32>} : memref<2x100x64xf32, #tpu.memory_space<vmem>>, vector<1x1x16xf32>,
        %get3A_152 = vector.shape_cast %get3A_151 : vector<1x1x16xf32> to vector<16xf32>
        %add3A_153 = arith.addf %add3A_123, %get3A_152 : vector<16xf32>
        %get3A_154 = arith.constant 1 : i32
        %get3A_155 = arith.index_cast %get3A_154 : i32 to index
        %get3A_156 = arith.index_cast %scan3A_139 : i32 to index
        %get3A_157 = arith.constant 32 : index
        %get3A_158 = tpu.vector_load %arg6[%get3A_155, %get3A_156, %get3A_157] {strides = array<i32>} : memref<2x100x64xf32, #tpu.memory_space<vmem>>, vector<1x1x16xf32>,
        %get3A_159 = vector.shape_cast %get3A_158 : vector<1x1x16xf32> to vector<16xf32>
        %add3A_160 = arith.addf %add3A_130, %get3A_159 : vector<16xf32>
        %get3A_161 = arith.constant 1 : i32
        %get3A_162 = arith.index_cast %get3A_161 : i32 to index
        %get3A_163 = arith.index_cast %scan3A_139 : i32 to index
        %get3A_164 = arith.constant 48 : index
        %get3A_165 = tpu.vector_load %arg6[%get3A_162, %get3A_163, %get3A_164] {strides = array<i32>} : memref<2x100x64xf32, #tpu.memory_space<vmem>>, vector<1x1x16xf32>,
        %get3A_166 = vector.shape_cast %get3A_165 : vector<1x1x16xf32> to vector<16xf32>
        %add3A_167 = arith.addf %add3A_137, %get3A_166 : vector<16xf32>
        %scan3A_168 = arith.constant 2 : i32
        %scan3A_169 = arith.addi %scan3A_106, %scan3A_168 : i32
        %get3A_170 = arith.constant 1 : i32
        %get3A_171 = arith.index_cast %get3A_170 : i32 to index
        %get3A_172 = arith.index_cast %scan3A_169 : i32 to index
        %get3A_173 = arith.constant 0 : index
        %get3A_174 = tpu.vector_load %arg6[%get3A_171, %get3A_172, %get3A_173] {strides = array<i32>} : memref<2x100x64xf32, #tpu.memory_space<vmem>>, vector<1x1x16xf32>,
        %get3A_175 = vector.shape_cast %get3A_174 : vector<1x1x16xf32> to vector<16xf32>
        %add3A_176 = arith.addf %add3A_146, %get3A_175 : vector<16xf32>
        %get3A_177 = arith.constant 1 : i32
        %get3A_178 = arith.index_cast %get3A_177 : i32 to index
        %get3A_179 = arith.index_cast %scan3A_169 : i32 to index
        %get3A_180 = arith.constant 16 : index
        %get3A_181 = tpu.vector_load %arg6[%get3A_178, %get3A_179, %get3A_180] {strides = array<i32>} : memref<2x100x64xf32, #tpu.memory_space<vmem>>, vector<1x1x16xf32>,
        %get3A_182 = vector.shape_cast %get3A_181 : vector<1x1x16xf32> to vector<16xf32>
        %add3A_183 = arith.addf %add3A_153, %get3A_182 : vector<16xf32>
        %get3A_184 = arith.constant 1 : i32
        %get3A_185 = arith.index_cast %get3A_184 : i32 to index
        %get3A_186 = arith.index_cast %scan3A_169 : i32 to index
        %get3A_187 = arith.constant 32 : index
        %get3A_188 = tpu.vector_load %arg6[%get3A_185, %get3A_186, %get3A_187] {strides = array<i32>} : memref<2x100x64xf32, #tpu.memory_space<vmem>>, vector<1x1x16xf32>,
        %get3A_189 = vector.shape_cast %get3A_188 : vector<1x1x16xf32> to vector<16xf32>
        %add3A_190 = arith.addf %add3A_160, %get3A_189 : vector<16xf32>
        %get3A_191 = arith.constant 1 : i32
        %get3A_192 = arith.index_cast %get3A_191 : i32 to index
        %get3A_193 = arith.index_cast %scan3A_169 : i32 to index
        %get3A_194 = arith.constant 48 : index
        %get3A_195 = tpu.vector_load %arg6[%get3A_192, %get3A_193, %get3A_194] {strides = array<i32>} : memref<2x100x64xf32, #tpu.memory_space<vmem>>, vector<1x1x16xf32>,
        %get3A_196 = vector.shape_cast %get3A_195 : vector<1x1x16xf32> to vector<16xf32>
        %add3A_197 = arith.addf %add3A_167, %get3A_196 : vector<16xf32>
        %scan3A_198 = arith.constant 3 : i32
        %scan3A_199 = arith.addi %scan3A_106, %scan3A_198 : i32
        %get3A_200 = arith.constant 1 : i32
        %get3A_201 = arith.index_cast %get3A_200 : i32 to index
        %get3A_202 = arith.index_cast %scan3A_199 : i32 to index
        %get3A_203 = arith.constant 0 : index
        %get3A_204 = tpu.vector_load %arg6[%get3A_201, %get3A_202, %get3A_203] {strides = array<i32>} : memref<2x100x64xf32, #tpu.memory_space<vmem>>, vector<1x1x16xf32>,
        %get3A_205 = vector.shape_cast %get3A_204 : vector<1x1x16xf32> to vector<16xf32>
        %add3A_206 = arith.addf %add3A_176, %get3A_205 : vector<16xf32>
        %get3A_207 = arith.constant 1 : i32
        %get3A_208 = arith.index_cast %get3A_207 : i32 to index
        %get3A_209 = arith.index_cast %scan3A_199 : i32 to index
        %get3A_210 = arith.constant 16 : index
        %get3A_211 = tpu.vector_load %arg6[%get3A_208, %get3A_209, %get3A_210] {strides = array<i32>} : memref<2x100x64xf32, #tpu.memory_space<vmem>>, vector<1x1x16xf32>,
        %get3A_212 = vector.shape_cast %get3A_211 : vector<1x1x16xf32> to vector<16xf32>
        %add3A_213 = arith.addf %add3A_183, %get3A_212 : vector<16xf32>
        %get3A_214 = arith.constant 1 : i32
        %get3A_215 = arith.index_cast %get3A_214 : i32 to index
        %get3A_216 = arith.index_cast %scan3A_199 : i32 to index
        %get3A_217 = arith.constant 32 : index
        %get3A_218 = tpu.vector_load %arg6[%get3A_215, %get3A_216, %get3A_217] {strides = array<i32>} : memref<2x100x64xf32, #tpu.memory_space<vmem>>, vector<1x1x16xf32>,
        %get3A_219 = vector.shape_cast %get3A_218 : vector<1x1x16xf32> to vector<16xf32>
        %add3A_220 = arith.addf %add3A_190, %get3A_219 : vector<16xf32>
        %get3A_221 = arith.constant 1 : i32
        %get3A_222 = arith.index_cast %get3A_221 : i32 to index
        %get3A_223 = arith.index_cast %scan3A_199 : i32 to index
        %get3A_224 = arith.constant 48 : index
        %get3A_225 = tpu.vector_load %arg6[%get3A_222, %get3A_223, %get3A_224] {strides = array<i32>} : memref<2x100x64xf32, #tpu.memory_space<vmem>>, vector<1x1x16xf32>,
        %get3A_226 = vector.shape_cast %get3A_225 : vector<1x1x16xf32> to vector<16xf32>
        %add3A_227 = arith.addf %add3A_197, %get3A_226 : vector<16xf32>
        scf.yield %add3A_206, %add3A_213, %add3A_220, %add3A_227 : vector<16xf32>, vector<16xf32>, vector<16xf32>, vector<16xf32>
      }
      %scan3A_79 = arith.constant 100 : i32
      %add3A_80 = arith.constant 2 : i32
      %add3A_81 = arith.addi %add3A_62, %add3A_80 : i32
      %lt3A_82 = arith.constant 256 : i32
      %lt3A_83 = arith.cmpi slt, %add3A_81, %lt3A_82 : i32
      %convert_element_type3A_84 = arith.extui %lt3A_83 : i1 to i32
      %cond3A_85 = arith.constant 0 : i32
      %cond3A_86 = arith.cmpi ne, %convert_element_type3A_84, %cond3A_85 : i32
      scf.if %cond3A_86 {
        %add3A_106 = arith.constant 2 : i32
        %add3A_107 = arith.addi %add3A_62, %add3A_106 : i32
        %dma_start3A_108 = arith.constant 1 : i32
        %dma_start3A_109 = arith.constant 0 : i32
        %dma_start3A_110 = arith.constant 0 : i32
        %dma_start3A_111 = tpu.memref_slice %arg6[%dma_start3A_108, %dma_start3A_109, %dma_start3A_110] : memref<2x100x64xf32, #tpu.memory_space<vmem>> -> memref<1x100x64xf32, #tpu.memory_space<vmem>>
        %dma_start3A_112 = tpu.memref_squeeze %dma_start3A_111 : memref<1x100x64xf32, #tpu.memory_space<vmem>> -> memref<100x64xf32, #tpu.memory_space<vmem>>
        %dma_start3A_113 = arith.constant 0 : i32
        %dma_start3A_114 = tpu.memref_slice %arg5[%add3A_107, %dma_start3A_113] : memref<256x100xi32, #tpu.memory_space<vmem>> -> memref<1x100xi32, #tpu.memory_space<vmem>>
        %dma_start3A_115 = tpu.memref_squeeze %dma_start3A_114 : memref<1x100xi32, #tpu.memory_space<vmem>> -> memref<100xi32, #tpu.memory_space<vmem>>
        %dma_start3A_116 = arith.constant 0 : i32
        %dma_start3A_117 = arith.constant 0 : i32
        %dma_start3A_118 = tpu.memref_slice %arg3[%dma_start3A_116, %dma_start3A_117] : memref<1000000x64xf32, #tpu.memory_space<hbm>> -> memref<1000000x64xf32, #tpu.memory_space<hbm>>
        tpu.enqueue_indirect_dma source(%dma_start3A_118 : memref<1000000x64xf32, #tpu.memory_space<hbm>>) target(%dma_start3A_112 : memref<100x64xf32, #tpu.memory_space<vmem>>) offsets(%dma_start3A_115 : memref<100xi32, #tpu.memory_space<vmem>>) semaphore(%arg9 : memref<!tpu.dma_semaphore, #tpu.memory_space<semaphore_mem>>)
      } else {
      }
      %swap3A = arith.index_cast %scan3A_33 : i32 to index
      %swap3A_87 = arith.constant 0 : index
      %swap3A_88 = tpu.vector_load %arg7[%swap3A, %swap3A_87] {strides = array<i32>} : memref<128x64xf32, #tpu.memory_space<vmem>>, vector<1x16xf32>,
      %swap3A_89 = vector.shape_cast %swap3A_88 : vector<1x16xf32> to vector<16xf32>
      %swap3A_90 = vector.shape_cast %scan3A_78#0 : vector<16xf32> to vector<1x16xf32>
      tpu.vector_store %arg7[%swap3A, %swap3A_87], %swap3A_90 {strides = array<i32>} : memref<128x64xf32, #tpu.memory_space<vmem>>, vector<1x16xf32>,
      %swap3A_91 = arith.index_cast %scan3A_33 : i32 to index
      %swap3A_92 = arith.constant 16 : index
      %swap3A_93 = tpu.vector_load %arg7[%swap3A_91, %swap3A_92] {strides = array<i32>} : memref<128x64xf32, #tpu.memory_space<vmem>>, vector<1x16xf32>,
      %swap3A_94 = vector.shape_cast %swap3A_93 : vector<1x16xf32> to vector<16xf32>
      %swap3A_95 = vector.shape_cast %scan3A_78#1 : vector<16xf32> to vector<1x16xf32>
      tpu.vector_store %arg7[%swap3A_91, %swap3A_92], %swap3A_95 {strides = array<i32>} : memref<128x64xf32, #tpu.memory_space<vmem>>, vector<1x16xf32>,
      %swap3A_96 = arith.index_cast %scan3A_33 : i32 to index
      %swap3A_97 = arith.constant 32 : index
      %swap3A_98 = tpu.vector_load %arg7[%swap3A_96, %swap3A_97] {strides = array<i32>} : memref<128x64xf32, #tpu.memory_space<vmem>>, vector<1x16xf32>,
      %swap3A_99 = vector.shape_cast %swap3A_98 : vector<1x16xf32> to vector<16xf32>
      %swap3A_100 = vector.shape_cast %scan3A_78#2 : vector<16xf32> to vector<1x16xf32>
      tpu.vector_store %arg7[%swap3A_96, %swap3A_97], %swap3A_100 {strides = array<i32>} : memref<128x64xf32, #tpu.memory_space<vmem>>, vector<1x16xf32>,
      %swap3A_101 = arith.index_cast %scan3A_33 : i32 to index
      %swap3A_102 = arith.constant 48 : index
      %swap3A_103 = tpu.vector_load %arg7[%swap3A_101, %swap3A_102] {strides = array<i32>} : memref<128x64xf32, #tpu.memory_space<vmem>>, vector<1x16xf32>,
      %swap3A_104 = vector.shape_cast %swap3A_103 : vector<1x16xf32> to vector<16xf32>
      %swap3A_105 = vector.shape_cast %scan3A_78#3 : vector<16xf32> to vector<1x16xf32>
      tpu.vector_store %arg7[%swap3A_101, %swap3A_102], %swap3A_105 {strides = array<i32>} : memref<128x64xf32, #tpu.memory_space<vmem>>, vector<1x16xf32>,
    }
    %scan3A_30 = arith.constant 128 : i32
    %mul3A_31 = arith.constant 128 : i32
    %mul3A_32 = arith.muli %add3A, %mul3A_31 : i32
    "tpu.region"() ({
      %run_scoped3A = tpu.sem_alloc : memref<!tpu.dma_semaphore, #tpu.memory_space<semaphore_mem>>
      %dma_start3A_33 = arith.constant 0 : i32
      %dma_start3A_34 = tpu.memref_slice %arg4[%mul3A_32, %dma_start3A_33] : memref<4096x64xf32, #tpu.memory_space<hbm>> -> memref<128x64xf32, #tpu.memory_space<hbm>>
      %dma_start3A_35 = arith.constant 0 : i32
      %dma_start3A_36 = tpu.memref_slice %arg4[%mul3A_32, %dma_start3A_35] : memref<4096x64xf32, #tpu.memory_space<hbm>> -> memref<128x64xf32, #tpu.memory_space<hbm>>
      tpu.enqueue_dma source(%arg7 : memref<128x64xf32, #tpu.memory_space<vmem>>) target(%dma_start3A_36 : memref<128x64xf32, #tpu.memory_space<hbm>>) target_semaphore(%run_scoped3A : memref<!tpu.dma_semaphore, #tpu.memory_space<semaphore_mem>>)
      %dma_wait3A = arith.constant 0 : i32
      %dma_wait3A_37 = tpu.memref_slice %arg4[%mul3A_32, %dma_wait3A] : memref<4096x64xf32, #tpu.memory_space<hbm>> -> memref<128x64xf32, #tpu.memory_space<hbm>>
      %dma_wait3A_38 = arith.constant 0 : i32
      %dma_wait3A_39 = tpu.memref_slice %arg4[%mul3A_32, %dma_wait3A_38] : memref<4096x64xf32, #tpu.memory_space<hbm>> -> memref<128x64xf32, #tpu.memory_space<hbm>>
      tpu.wait_dma2 semaphore(%run_scoped3A : memref<!tpu.dma_semaphore, #tpu.memory_space<semaphore_mem>>) src(%arg7 : memref<128x64xf32, #tpu.memory_space<vmem>>) dst(%dma_wait3A_39 : memref<128x64xf32, #tpu.memory_space<hbm>>)
      tpu.yield
    }) : () -> ()
    return
  }
}

module attributes {stable_mosaic.version = 14 : i64} {
  func.func @body(%arg0: memref<4096x64xf32, #tpu.memory_space<vmem>>, %arg1: memref<4096x1xf32, #tpu.memory_space<vmem>>, %arg2: memref<64x10xf32, #tpu.memory_space<vmem>>, %arg3: memref<1x10xf32, #tpu.memory_space<vmem>>, %arg4: memref<4096x10xf32, #tpu.memory_space<vmem>>) attributes {dimension_semantics = [], scalar_prefetch = 0 : i64, scratch_operands = 0 : i64, tpu.core_type = #tpu.core_type<tc>} {
    %get3A = arith.constant 0 : index
    %get3A_0 = arith.constant 0 : index
    %get3A_1 = vector.load %arg0[%get3A, %get3A_0] : memref<4096x64xf32, #tpu.memory_space<vmem>>, vector<4096x64xf32>
    %get3A_2 = arith.constant 0 : index
    %get3A_3 = arith.constant 0 : index
    %get3A_4 = vector.load %arg1[%get3A_2, %get3A_3] : memref<4096x1xf32, #tpu.memory_space<vmem>>, vector<4096x1xf32>
    %div3A = vector.broadcast %get3A_4 : vector<4096x1xf32> to vector<4096x64xf32>
    %div3A_5 = arith.divf %get3A_1, %div3A : vector<4096x64xf32>
    %get3A_6 = arith.constant 0 : index
    %get3A_7 = arith.constant 0 : index
    %get3A_8 = vector.load %arg2[%get3A_6, %get3A_7] : memref<64x10xf32, #tpu.memory_space<vmem>>, vector<64x10xf32>
    %dot_general3A = arith.constant dense<0.000000e+00> : vector<4096x10xf32>
    %dot_general3A_9 = tpu.matmul %div3A_5, %get3A_8, %dot_general3A {dimension_numbers = #tpu.dot_dimension_numbers<[1], [0], [0], [1], [0, 0, 1, 1], [], []>, transpose_lhs_hint = false} : vector<4096x64xf32>, vector<64x10xf32>, vector<4096x10xf32> -> vector<4096x10xf32>
    %get3A_10 = arith.constant 0 : index
    %get3A_11 = arith.constant 0 : index
    %get3A_12 = vector.load %arg3[%get3A_10, %get3A_11] : memref<1x10xf32, #tpu.memory_space<vmem>>, vector<1x10xf32>
    %add3A = vector.broadcast %get3A_12 : vector<1x10xf32> to vector<4096x10xf32>
    %add3A_13 = arith.addf %dot_general3A_9, %add3A : vector<4096x10xf32>
    %swap3A = arith.constant 0 : index
    %swap3A_14 = arith.constant 0 : index
    %swap3A_15 = vector.load %arg4[%swap3A, %swap3A_14] : memref<4096x10xf32, #tpu.memory_space<vmem>>, vector<4096x10xf32>
    tpu.vector_store %arg4[%swap3A, %swap3A_14], %add3A_13 {strides = array<i32>} : memref<4096x10xf32, #tpu.memory_space<vmem>>, vector<4096x10xf32>,
    return
  }
}

</mosaic_0001>

<sc_bundles>
// kernel: kernel.5.cloned.1.call-start
scs
__scs_entry_jumppad:
0x0: {  	(pc) =	sbr.rel $0x88, $3  }
0x1: {  	(tag) =	ssettag $0x0;
	lr =	simm.s32 $0x1  }
0x2: {  	[smem:$0x3F9C] =	sst lr;
	_ =	strace $0xD0000000  }
0x3: {  	_ = 	snop  }
0x4: {  	_ = 	snop  }
0x5: {  	_ = 	snop  }
0x6: {  	_ = 	snop  }
0x7: {  	_ = 	snop  }
__scs_overlays_trampoline_lowered:
0x8: {  	[smem:$0x3FAB] =	sst s0  }
0x9: {  	[smem:$0x3FAC] =	sst s1  }
0xa: {  	[smem:$0x3FAD] =	sst s2  }
0xb: {  	[smem:$0x3FAE] =	sst s3  }
0xc: {  	[smem:$0x3FAF] =	sst s4  }
0xd: {  	[smem:$0x3FB0] =	sst s5  }
0xe: {  	[smem:$0x3FB1] =	sst s6  }
0xf: {  	[smem:$0x3FB2] =	sst s7  }
0x10: {  	[smem:$0x3FB3] =	sst s8  }
0x11: {  	[smem:$0x3FB4] =	sst s9;
	s0 =	simm.s32 @!p0 $0x0  }
0x12: {  	s1 =	sld [smem:$0x3F9A];
	s0 =	simm.s32 @p0 $0x1  }
0x13: {  	[smem:$0x3FB5] =	sst s0;
	s0 =	simm.s32 @!p1 $0x0  }
0x14: {  	s2 =	sld [smem:$0x3F99];
	s0 =	simm.s32 @p1 $0x1  }
0x15: {  	[smem:$0x3FB6] =	sst s0;
	s0 =	simm.s32 @!p2 $0x0  }
0x16: {  	s3 =	sld [smem:$0x3FDB];
	s0 =	simm.s32 @p2 $0x1  }
0x17: {  	s4 =	simm.s32 $0x1BF5;
	[smem:$0x3FB8] =	sst s0  }
0x18: {  	s0 =	sld [smem:$0x3F9B];
	_ =	swait.ge [sflag:s4], $0x0  }
0x19: {  	s7 =	sld [smem:$0x3F9C]  }
0x1a: {  	s8 =	sadd.s32 $0xFFFFE003, lr  }
0x1b: {  	s9 =	sadd.s32 $0xFFFFFEF7, lr;
	s5 =	simm.s32 $0xFFFFFFFF;
	p2 =	slt.u32 s8, $0xFFFFF086  }
0x1c: {  	p1 =	slt.u32 s9, $0xF7A;
	s5 =	simm.s32 @!p2 $0x0  }
0x1d: {  	s5 =	simm.s32 @p1 $0x1;
	p0 =	seq.s32 s7, s2  }
0x1e: {  	s7 =	smul.u32 @!p0 $0xF7A, s2;
	p2 =	seq.s32 @!p0 s5, $0x0  }
0x1f: {  	s9 =	smul.u32 $0xF7A, s1;
	s8 =	simm.s32 @!p0 $0x1BF5;
	p2 =	por !p2, p0  }
0x20: {  	[sflag:s8] =	ssyncset.s32 @!p0 $0xFFFFF086;
	s6 =	sadd.s32 @!p0 s3, s7;
	s7 =	simm.s32 @!p0 $0x108  }
0x21: {  	s3 =	sadd.s32 s3, s9;
	s6 =	sadd.s32 @!p0 $0x88, s6;
	s7 =	simm.s32 @p2 $0x1082  }
0x22: {  	[simem:s7], [sflag:s8] =	dma.local @!p0 [hbm:s6], $0xF7A  }
0x23: {  	s9 =	sor.u32 $0xD0000000, s2;
	s6 =	simm.s32 $0x108;
	_ =	swait.ge @!p0 [sflag:s8], $0x0  }
0x24: {  	s3 =	sadd.s32 $0x88, s3;
	s6 =	simm.s32 @!p1 $0x1082;
	[sflag:s4] =	ssyncset.s32 $0xFFFFF086  }
0x25: {  	[simem:s6], [sflag:s4] =	dma.local [hbm:s3], $0xF7A  }
0x26: {  	[smem:$0x3F9C] =	sst s1;
	(tag) =	ssettag s2;
	_ =	strace s9  }
0x27: {  	s1 =	sld [smem:$0x3FAC]  }
0x28: {  	s2 =	sld [smem:$0x3FAD]  }
0x29: {  	s4 =	sld [smem:$0x3FAF]  }
0x2a: {  	p0 =	seq.s32 s5, $0x0;
	s5 =	sld [smem:$0x3FB0]  }
0x2b: {  	s6 =	sld [smem:$0x3FB1]  }
0x2c: {  	s7 =	sld [smem:$0x3FB2]  }
0x2d: {  	s3 =	simm.s32 $0x108;
	s8 =	sld [smem:$0x3FB3]  }
0x2e: {  	s3 =	simm.s32 @!p0 $0x1082;
	s9 =	sld [smem:$0x3FB4]  }
0x2f: {  	lr =	sadd.s32 s0, s3;
	s0 =	sld [smem:$0x3FAB]  }
0x30: {  	s3 =	sld [smem:$0x3FAE]  }
0x31: {  	[smem:$0x3FB7] =	sst s10  }
0x32: {  	s10 =	sld [smem:$0x3FB5];
	_ =	sdelay $0x3  }
0x33: {  	p0 =	seq.s32 s10, $0x1;
	s10 =	sld [smem:$0x3FB7];
	_ =	sdelay $0x3  }
0x34: {  	[smem:$0x3FB7] =	sst s10  }
0x35: {  	s10 =	sld [smem:$0x3FB6];
	_ =	sdelay $0x3  }
0x36: {  	p1 =	seq.s32 s10, $0x1;
	s10 =	sld [smem:$0x3FB7];
	_ =	sdelay $0x3  }
0x37: {  	[smem:$0x3FB7] =	sst s10  }
0x38: {  	s10 =	sld [smem:$0x3FB8]  }
0x39: {  	_ = 	snop;
	(pc) =	sbr.ind lr, $3  }
0x3a: {  	_ = 	snop  }
0x3b: {  	_ = 	snop  }
0x3c: {  	p2 =	seq.s32 s10, $0x1;
	s10 =	sld [smem:$0x3FB7]  }
0x3d: {  	_ =	shalt  }
0x3e: {  	_ =	shalt  }
0x3f: {  	_ =	shalt  }
0x40: {  	_ =	shalt  }
0x41: {  	_ =	shalt  }
0x42: {  	_ =	shalt  }
0x43: {  	_ =	shalt  }
0x44: {  	_ =	shalt  }
0x45: {  	_ =	shalt  }
0x46: {  	_ =	shalt  }
0x47: {  	_ =	shalt  }
0x48: {  	_ =	shalt  }
0x49: {  	_ =	shalt  }
0x4a: {  	_ =	shalt  }
0x4b: {  	_ =	shalt  }
0x4c: {  	_ =	shalt  }
0x4d: {  	_ =	shalt  }
0x4e: {  	_ =	shalt  }
0x4f: {  	_ =	shalt  }
0x50: {  	_ =	shalt  }
0x51: {  	_ =	shalt  }
0x52: {  	_ =	shalt  }
0x53: {  	_ =	shalt  }
0x54: {  	_ =	shalt  }
0x55: {  	_ =	shalt  }
0x56: {  	_ =	shalt  }
0x57: {  	_ =	shalt  }
0x58: {  	_ =	shalt  }
0x59: {  	_ =	shalt  }
0x5a: {  	_ =	shalt  }
0x5b: {  	_ =	shalt  }
0x5c: {  	_ =	shalt  }
0x5d: {  	_ =	shalt  }
0x5e: {  	_ =	shalt  }
0x5f: {  	_ =	shalt  }
0x60: {  	_ =	shalt  }
0x61: {  	_ =	shalt  }
0x62: {  	_ =	shalt  }
0x63: {  	_ =	shalt  }
0x64: {  	_ =	shalt  }
0x65: {  	_ =	shalt  }
0x66: {  	_ =	shalt  }
0x67: {  	_ =	shalt  }
0x68: {  	_ =	shalt  }
0x69: {  	_ =	shalt  }
0x6a: {  	_ =	shalt  }
0x6b: {  	_ =	shalt  }
0x6c: {  	_ =	shalt  }
0x6d: {  	_ =	shalt  }
0x6e: {  	_ =	shalt  }
0x6f: {  	_ =	shalt  }
0x70: {  	_ =	shalt  }
0x71: {  	_ =	shalt  }
0x72: {  	_ =	shalt  }
0x73: {  	_ =	shalt  }
0x74: {  	_ =	shalt  }
0x75: {  	_ =	shalt  }
0x76: {  	_ =	shalt  }
0x77: {  	_ =	shalt  }
0x78: {  	_ =	shalt  }
0x79: {  	_ =	shalt  }
0x7a: {  	_ =	shalt  }
0x7b: {  	_ =	shalt  }
0x7c: {  	_ =	shalt  }
0x7d: {  	_ =	shalt  }
0x7e: {  	_ =	shalt  }
0x7f: {  	_ =	shalt  }
0x80: {  	_ =	shalt  }
0x81: {  	_ =	shalt  }
0x82: {  	_ =	shalt  }
0x83: {  	_ =	shalt  }
0x84: {  	_ =	shalt  }
0x85: {  	_ =	shalt  }
0x86: {  	_ =	shalt  }
0x87: {  	_ =	shalt  }
.Lfunc_end0:
.L_simem_size_0:
called_computation_lowered:
.L_overlay_start_0:
0x88: {  	s2 =	sld [smem:$0x3FD9]  }
0x89: {  	s3 =	sld [smem:$0x3FFE];
	_ =	sdelay $0x1  }
0x8a: {  	s1 =	srdreg.scid  }
0x8b: {  	s0 =	sand.u32 $0x1, s1  }
0x8c: {  	s17 =	sshll.u32 s0, $0xA;
	s2 =	sadd.s32 s3, s2  }
0x8d: {  	s2 =	sadd.s32 s2, s17  }
0x8e: {  	[smem:$0x3FC3] =	sst s2  }
0x8f: {  	_ = 	snop  }
0x90: {  	s2 =	sld [smem:$0x3FC7]  }
0x91: {  	s18 =	sld [smem:$0x3FD0];
	(tm) =	ssettm $0x1  }
0x92: {  	s4 =	sld [smem:$0x3FFB];
	_ =	sdelay $0x3  }
0x93: {  	_ =	strace s4  }
0x94: {  	s4 =	sld [smem:$0x3FFC];
	_ =	sdelay $0x3  }
0x95: {  	_ =	strace s4  }
0x96: {  	s4 =	sld [smem:$0x3FFD];
	_ =	sdelay $0x3  }
0x97: {  	_ =	strace s4  }
0x98: {  	_ =	strace $0x8FFFFFFF  }
0x99: {  	s19 =	sld [smem:$0x3FDB];
	_ =	sdelay $0x1  }
0x9a: {  	s5 =	simm.s32 $_scs_section_size  }
0x9b: {  	s6 =	simm.s32 $_size__tile_overlayer_lowered;
	s7 =	simm.s32 $_tile_overlayer_lowered  }
0x9c: {  	s22 =	simm.s32 $0x1BFF;
	s21 =	sshll.u32 s7, $0x1;
	s4 =	sadd.s32 s5, s19  }
0x9d: {  	s8 =	simm.s32 $0x0;
	s20 =	sshll.u32 s6, $0x1;
	s6 =	sadd.s32 s21, s4  }
0x9e: {  	[timem:s8], [sflag:s22] =	dma.local [hbm:s6], s20  }
0x9f: {  	_ =	swait.ge [sflag:s22], s20  }
0xa0: {  	s5 =	ssub.s32 $0x0, s20;
	[sflag:s22] =	ssyncset.done $0x0  }
0xa1: {  	[sflag:s22] =	ssyncadd.s32 s5;
	_ =	sdelay $0x1  }
0xa2: {  	s23 =	simm.s32 $0x1B8B  }
0xa3: {  	_ =	swait.ge [sflag:s23], $0x1  }
0xa4: {  	[sflag:s23] =	ssyncset.done $0x0  }
0xa5: {  	s25 =	simm.s32 $0x1B8E;
	s24 =	sld [smem:$0x3FFE];
	[sflag:s23] =	ssyncadd.s32 $0xFFFFFFFF  }
0xa6: {  	s26 =	simm.s32 $execute0_lowered;
	[smem:$0x3FD2] =	sst s25  }
0xa7: {  	s6 =	sshll.u32 s26, $0x1;
	_ =	strace $0x80000046;
	[dreg:$0x1] =	wrdreg $0xFFFFFFFF  }
0xa8: {  	s28 =	simm.s32 $_size_execute0_lowered;
	s4 =	sadd.s32 s4, s6;
	[dreg:$0x0] =	wrdreg $0x0  }
0xa9: {  	s6 =	sshll.u32 s28, $0x1;
	[dreg:$0x2] =	wrdreg s4  }
0xaa: {  	[dreg:$0x3] =	wrdreg s6  }
0xab: {  	[dreg:$0x4] =	wrdreg $0xC0  }
0xac: {  	_ =	task [dreg:s8], $0x5FFFF  }
0xad: {  	[dreg:$0x1] =	wrdreg $0xFFFFFFFF  }
0xae: {  	[dreg:$0x0] =	wrdreg $0x60  }
0xaf: {  	[dreg:$0x2] =	wrdreg s2  }
0xb0: {  	[dreg:$0x3] =	wrdreg s18  }
0xb1: {  	[dreg:$0x4] =	wrdreg s24  }
0xb2: {  	[dreg:$0x5] =	wrdreg $0x9  }
0xb3: {  	_ =	task.clear_ibuf [dreg:s8], $0x6FFFF;
	_ =	strace $0x90000046  }
0xb4: {  	s29 =	simm.s32 $0x9;
	_ =	strace $0x80000048  }
0xb5: {  	_ =	swait.ge [sflag:s29], $0x1  }
0xb6: {  	[sflag:s29] =	ssyncadd.s32 $0xFFFFFFFF  }
0xb7: {  	_ =	strace $0x90000048  }
0xb8: {  	_ =	sfence  }
0xb9: {  	s30 =	sld [smem:$0x0];
	_ =	sdelay $0x2  }
0xba: {  	s31 =	sshll.u32 s1, $0xD;
	s1 =	sshrl.u32 s1, $0x2  }
0xbb: {  	s3 =	sand.u32 $0x4000, s31;
	s1 =	sadd.s32 s1, s30  }
0xbc: {  	s0 =	sor.u32 s3, s0;
	s1 =	sshll.u32 s1, $0x11  }
0xbd: {  	s0 =	sor.u32 s1, s0  }
0xbe: {  	s0 =	sadd.s32 $0x8F2B, s0  }
0xbf: {  	[sflag:s0] =	ssyncadd.remote.s32 $0x1  }
0xc0: {  	_ =	sfence.sel $0xFFFF  }
0xc1: {  	[dreg:$0x0] =	wrdreg $0xFFFFFFFF;
	(pc) =	sbr.abs _section_cstart, $3  }
0xc2: {  	[dreg:$0x1] =	wrdreg $0xFFFFFFFF  }
0xc3: {  	_ =	task.clear_ibuf [dreg:s8], $0x2FFFF;
	_ =	strace $0x9FFFFFFF  }
0xc4: {  	(tm) =	ssettm $0x7FFFFFFF  }
0xc5: {  	_ =	shalt  }
tec
execute0_lowered:
.L_overlay_start_1:
0x0: {  	(tag) =	ssettag $0x1  }
0x1: {  	vm4 =	vcmask $0x300  }
0x2: {  	v0 =	vimm.s32 $0xB80;
	vm3 =	vcmask $0x704;
	v1 =	vimm.s32 $0x0  }
0x3: {  	vm2 =	vcmask $0xB08;
	v2 =	vimm.s32 $0xC4834201;
	vm1 =	vcmask $0xF0C  }
0x4: {  	vm0 =	vcmask $0xF00;
	v0 =	vsel vm4, $0x0, v0;
	v1 =	vsel vm4, $0x80, v1  }
0x5: {  	v3 =	vimm.s32 $0x1B80;
	v0 =	vsel vm3, $0x80, v0;
	v1 =	vsel vm3, $0x100, v1  }
0x6: {  	v2 =	vunpack.c.0.s8.s32 v2;
	v0 =	vsel vm2, $0x100, v0;
	v1 =	vsel vm2, $0x180, v1  }
0x7: {  	v38 =	vsel vm1, $0x180, v0;
	v39 =	vsel vm1, $0x200, v1;
	v0 =	vimm.s32 $0x80  }
0x8: {  	v1 =	vand.u32 $0xFF, v2;
	v2 =	vimm.s32 $0xC5844302;
	v0 =	vsel vm4, $0x100, v0  }
0x9: {  	v4 =	vimm.s32 $0x1B00;
	v2 =	vunpack.c.0.s8.s32 v2;
	v0 =	vsel vm3, $0x180, v0  }
0xa: {  	v40 =	vnsel vm0, $0x3C0, v1;
	v1 =	vimm.s32 $0x100;
	v0 =	vsel vm2, $0x200, v0  }
0xb: {  	v1 =	vsel vm4, $0x180, v1;
	v41 =	vsel vm1, $0x280, v0;
	v0 =	vand.u32 $0xFF, v2  }
0xc: {  	v42 =	vnsel vm0, $0x3C1, v0;
	v0 =	vsel vm3, $0x200, v1;
	v1 =	vimm.s32 $0xC6854403  }
0xd: {  	v2 =	vimm.s32 $0x180;
	v0 =	vsel vm2, $0x280, v0;
	v1 =	vunpack.c.0.s8.s32 v1  }
0xe: {  	v43 =	vsel vm1, $0x300, v0;
	v0 =	vsel vm4, $0x200, v2;
	v2 =	vimm.s32 $0xC7864504  }
0xf: {  	v1 =	vand.u32 $0xFF, v1;
	v0 =	vsel vm3, $0x280, v0;
	v2 =	vunpack.c.0.s8.s32 v2  }
0x10: {  	v44 =	vnsel vm0, $0x3C2, v1;
	v0 =	vsel vm2, $0x300, v0;
	v1 =	vimm.s32 $0x200  }
0x11: {  	v45 =	vsel vm1, $0x380, v0;
	v0 =	vand.u32 $0xFF, v2;
	v1 =	vsel vm4, $0x280, v1  }
0x12: {  	v46 =	vnsel vm0, $0x3C3, v0;
	v0 =	vsel vm3, $0x300, v1;
	v1 =	vimm.s32 $0xC8874605  }
0x13: {  	v2 =	vimm.s32 $0x280;
	v0 =	vsel vm2, $0x380, v0;
	v1 =	vunpack.c.0.s8.s32 v1  }
0x14: {  	v47 =	vsel vm1, $0x800, v0;
	v0 =	vsel vm4, $0x300, v2;
	v2 =	vimm.s32 $0xC9884706  }
0x15: {  	v1 =	vand.u32 $0xFF, v1;
	v0 =	vsel vm3, $0x380, v0;
	v2 =	vunpack.c.0.s8.s32 v2  }
0x16: {  	v48 =	vnsel vm0, $0x3C4, v1;
	v0 =	vsel vm2, $0x800, v0;
	v1 =	vimm.s32 $0x300  }
0x17: {  	v49 =	vsel vm1, $0x880, v0;
	v0 =	vand.u32 $0xFF, v2;
	v1 =	vsel vm4, $0x380, v1  }
0x18: {  	v50 =	vnsel vm0, $0x3C5, v0;
	v0 =	vsel vm3, $0x800, v1;
	v1 =	vimm.s32 $0xCA894807  }
0x19: {  	v2 =	vimm.s32 $0x380;
	v0 =	vsel vm2, $0x880, v0;
	v1 =	vunpack.c.0.s8.s32 v1  }
0x1a: {  	v51 =	vsel vm1, $0x900, v0;
	v0 =	vsel vm4, $0x800, v2;
	v2 =	vimm.s32 $0xCB8A4908  }
0x1b: {  	v1 =	vand.u32 $0xFF, v1;
	v0 =	vsel vm3, $0x880, v0;
	v2 =	vunpack.c.0.s8.s32 v2  }
0x1c: {  	v52 =	vnsel vm0, $0x3C6, v1;
	v0 =	vsel vm2, $0x900, v0;
	v1 =	vimm.s32 $0x800  }
0x1d: {  	v55 =	vsel vm1, $0x980, v0;
	v0 =	vand.u32 $0xFF, v2;
	v1 =	vsel vm4, $0x880, v1  }
0x1e: {  	v56 =	vnsel vm0, $0x3C7, v0;
	v0 =	vsel vm3, $0x900, v1;
	v1 =	vimm.s32 $0xCC8B4A09  }
0x1f: {  	v2 =	vimm.s32 $0x880;
	v0 =	vsel vm2, $0x980, v0;
	v1 =	vunpack.c.0.s8.s32 v1  }
0x20: {  	v58 =	vsel vm1, $0xA00, v0;
	v0 =	vsel vm4, $0x900, v2;
	v2 =	vimm.s32 $0xCD8C4B0A  }
0x21: {  	v1 =	vand.u32 $0xFF, v1;
	v0 =	vsel vm3, $0x980, v0;
	v2 =	vunpack.c.0.s8.s32 v2  }
0x22: {  	v5 =	vimm.s32 $0x2B80;
	v62 =	vnsel vm0, $0x3C8, v1;
	v0 =	vsel vm2, $0xA00, v0  }
0x23: {  	v1 =	vimm.s32 $0x900;
	v63 =	vsel vm1, $0xA80, v0;
	v0 =	vand.u32 $0xFF, v2  }
0x24: {  	v6 =	vimm.s32 $0x2000;
	v1 =	vsel vm4, $0x980, v1;
	v0 =	vnsel vm0, $0x3C9, v0  }
0x25: {  	v7 =	vimm.s32 $0x2080;
	v8 =	vimm.s32 $0x2100;
	[tilespmem:$0x1CBB0] =	vst v0;
	v0 =	vsel vm3, $0xA00, v1  }
0x26: {  	v9 =	vimm.s32 $0x2180;
	v1 =	vimm.s32 $0xCE8D4C0B;
	v0 =	vsel vm2, $0xA80, v0  }
0x27: {  	v2 =	vimm.s32 $0x980;
	v1 =	vunpack.c.0.s8.s32 v1;
	v0 =	vsel vm1, $0xB00, v0  }
0x28: {  	v10 =	vimm.s32 $0x2200;
	v11 =	vimm.s32 $0x2280;
	[tilespmem:$0x1CBC0] =	vst v0;
	v0 =	vsel vm4, $0xA00, v2  }
0x29: {  	v2 =	vimm.s32 $0xCF8E4D0C;
	v1 =	vand.u32 $0xFF, v1;
	v0 =	vsel vm3, $0xA80, v0  }
0x2a: {  	v2 =	vunpack.c.0.s8.s32 v2;
	v1 =	vnsel vm0, $0x3CA, v1;
	v0 =	vsel vm2, $0xB00, v0  }
0x2b: {  	v12 =	vimm.s32 $0x2300;
	v13 =	vimm.s32 $0x2380;
	[tilespmem:$0x1CBD0] =	vst v1;
	v0 =	vsel vm1, $0xB80, v0  }
0x2c: {  	v14 =	vimm.s32 $0x2800;
	v1 =	vimm.s32 $0xA00;
	[tilespmem:$0x1CBE0] =	vst v0;
	v0 =	vand.u32 $0xFF, v2  }
0x2d: {  	v15 =	vimm.s32 $0x2880;
	v1 =	vsel vm4, $0xA80, v1;
	v0 =	vnsel vm0, $0x3CB, v0  }
0x2e: {  	v16 =	vimm.s32 $0x2900;
	[tilespmem:$0x1CBF0] =	vst v0;
	v0 =	vsel vm3, $0xB00, v1;
	v1 =	vimm.s32 $0xC08F4E0D  }
0x2f: {  	v17 =	vimm.s32 $0x2980;
	v0 =	vsel vm2, $0xB80, v0;
	v1 =	vunpack.c.0.s8.s32 v1  }
0x30: {  	v18 =	vimm.s32 $0x2A00;
	v2 =	vimm.s32 $0xA80;
	v0 =	vsel vm1, $0x0, v0  }
0x31: {  	v19 =	vimm.s32 $0x2A80;
	[tilespmem:$0x1CC00] =	vst v0;
	v0 =	vsel vm4, $0xB00, v2;
	v1 =	vand.u32 $0xFF, v1  }
0x32: {  	v2 =	vimm.s32 $0xC1804F0E;
	v0 =	vsel vm3, $0xB80, v0;
	v1 =	vnsel vm0, $0x3CC, v1  }
0x33: {  	v2 =	vunpack.c.0.s8.s32 v2;
	[tilespmem:$0x1CC10] =	vst v1;
	v0 =	vsel vm2, $0x0, v0;
	v1 =	vimm.s32 $0xB00  }
0x34: {  	v20 =	vimm.s32 $0x2B00;
	v0 =	vsel vm1, $0x80, v0;
	v1 =	vsel vm4, $0xB80, v1  }
0x35: {  	v21 =	vimm.s32 $0x3B80;
	[tilespmem:$0x1CC20] =	vst v0;
	v0 =	vand.u32 $0xFF, v2;
	v1 =	vsel vm3, $0x0, v1  }
0x36: {  	v22 =	vimm.s32 $0x3000;
	v1 =	vsel vm2, $0x80, v1;
	v0 =	vnsel vm0, $0x3CD, v0  }
0x37: {  	v3 =	vsel vm4, $0x1000, v3;
	v2 =	vimm.s32 $0xC281400F;
	[tilespmem:$0x1CC30] =	vst v0;
	v0 =	vsel vm1, $0x100, v1  }
0x38: {  	v23 =	vimm.s32 $0x3080;
	v2 =	vunpack.c.0.s8.s32 v2;
	[tilespmem:$0x1CC40] =	vst v0;
	v0 =	vsel vm3, $0x1080, v3  }
0x39: {  	v24 =	vimm.s32 $0x3100;
	v25 =	vimm.s32 $0x3180;
	v0 =	vsel vm2, $0x1100, v0  }
0x3a: {  	v1 =	vand.u32 $0xFF, v2;
	v2 =	vimm.s32 $0x1000;
	v0 =	vsel vm1, $0x1180, v0  }
0x3b: {  	v26 =	vimm.s32 $0x3200;
	v1 =	vnsel vm0, $0x3CE, v1;
	[tilespmem:$0x1CC60] =	vst v0;
	v0 =	vsel vm4, $0x1080, v2  }
0x3c: {  	v27 =	vimm.s32 $0x3280;
	[tilespmem:$0x1CC50] =	vst v1;
	v1 =	vimm.s32 $0xD4935211;
	v0 =	vsel vm3, $0x1100, v0  }
0x3d: {  	v2 =	vimm.s32 $0x1080;
	v1 =	vunpack.c.0.s8.s32 v1;
	v0 =	vsel vm2, $0x1180, v0  }
0x3e: {  	v28 =	vimm.s32 $0x3300;
	v2 =	vsel vm4, $0x1100, v2;
	v0 =	vsel vm1, $0x1200, v0  }
0x3f: {  	v1 =	vand.u32 $0xFF, v1;
	[tilespmem:$0x1CC70] =	vst v0;
	v0 =	vsel vm3, $0x1180, v2;
	v2 =	vimm.s32 $0xD5945312  }
0x40: {  	v1 =	vnsel vm0, $0x3D0, v1;
	v0 =	vsel vm2, $0x1200, v0;
	v2 =	vunpack.c.0.s8.s32 v2  }
0x41: {  	v29 =	vimm.s32 $0x3380;
	v30 =	vimm.s32 $0x3800;
	[tilespmem:$0x1CC80] =	vst v1;
	v0 =	vsel vm1, $0x1280, v0  }
0x42: {  	v31 =	vimm.s32 $0x3880;
	[tilespmem:$0x1CC90] =	vst v0;
	v0 =	vimm.s32 $0x1100;
	v1 =	vand.u32 $0xFF, v2  }
0x43: {  	v2 =	vimm.s32 $0xD6955413;
	v0 =	vsel vm4, $0x1180, v0;
	v1 =	vnsel vm0, $0x3D1, v1  }
0x44: {  	v32 =	vimm.s32 $0x3900;
	[tilespmem:$0x1CCA0] =	vst v1;
	v0 =	vsel vm3, $0x1200, v0;
	v1 =	vunpack.c.0.s8.s32 v2  }
0x45: {  	v33 =	vimm.s32 $0x3980;
	v34 =	vimm.s32 $0x3A00;
	v0 =	vsel vm2, $0x1280, v0  }
0x46: {  	v2 =	vimm.s32 $0x1180;
	v1 =	vand.u32 $0xFF, v1;
	v0 =	vsel vm1, $0x1300, v0  }
0x47: {  	v3 =	vimm.s32 $0xD7965514;
	v2 =	vsel vm4, $0x1200, v2;
	[tilespmem:$0x1CCB0] =	vst v0;
	v0 =	vnsel vm0, $0x3D2, v1  }
0x48: {  	v35 =	vimm.s32 $0x3A80;
	v3 =	vunpack.c.0.s8.s32 v3;
	[tilespmem:$0x1CCC0] =	vst v0;
	v0 =	vsel vm3, $0x1280, v2  }
0x49: {  	v36 =	vimm.s32 $0x3B00;
	v37 =	vimm.s32 $0xD09F5E1D;
	v0 =	vsel vm2, $0x1300, v0  }
0x4a: {  	v61 =	vimm.s32 $0xD1905F1E;
	v1 =	vand.u32 $0xFF, v3;
	v0 =	vsel vm1, $0x1380, v0  }
0x4b: {  	v4 =	vsel vm4, $0x1B80, v4;
	v2 =	vimm.s32 $0x1200;
	[tilespmem:$0x1CCD0] =	vst v0;
	v0 =	vnsel vm0, $0x3D3, v1  }
0x4c: {  	v5 =	vsel vm4, $0x2000, v5;
	v6 =	vsel vm4, $0x2080, v6;
	[tilespmem:$0x1CCE0] =	vst v0;
	v0 =	vsel vm4, $0x1280, v2  }
0x4d: {  	v7 =	vsel vm4, $0x2100, v7;
	v1 =	vimm.s32 $0xD8975615;
	v0 =	vsel vm3, $0x1300, v0  }
0x4e: {  	v2 =	vimm.s32 $0x1280;
	v1 =	vunpack.c.0.s8.s32 v1;
	v0 =	vsel vm2, $0x1380, v0  }
0x4f: {  	v8 =	vsel vm4, $0x2180, v8;
	v2 =	vsel vm4, $0x1300, v2;
	v0 =	vsel vm1, $0x1800, v0  }
0x50: {  	v1 =	vand.u32 $0xFF, v1;
	[tilespmem:$0x1CCF0] =	vst v0;
	v0 =	vsel vm3, $0x1380, v2;
	v2 =	vimm.s32 $0xD9985716  }
0x51: {  	v1 =	vnsel vm0, $0x3D4, v1;
	v0 =	vsel vm2, $0x1800, v0;
	v2 =	vunpack.c.0.s8.s32 v2  }
0x52: {  	v9 =	vsel vm4, $0x2200, v9;
	v10 =	vsel vm4, $0x2280, v10;
	[tilespmem:$0x1CD00] =	vst v1;
	v0 =	vsel vm1, $0x1880, v0  }
0x53: {  	v11 =	vsel vm4, $0x2300, v11;
	[tilespmem:$0x1CD10] =	vst v0;
	v0 =	vimm.s32 $0x1300;
	v1 =	vand.u32 $0xFF, v2  }
0x54: {  	v2 =	vimm.s32 $0xDA995817;
	v0 =	vsel vm4, $0x1380, v0;
	v1 =	vnsel vm0, $0x3D5, v1  }
0x55: {  	v12 =	vsel vm4, $0x2380, v12;
	[tilespmem:$0x1CD20] =	vst v1;
	v0 =	vsel vm3, $0x1800, v0;
	v1 =	vunpack.c.0.s8.s32 v2  }
0x56: {  	v13 =	vsel vm4, $0x2800, v13;
	v14 =	vsel vm4, $0x2880, v14;
	v0 =	vsel vm2, $0x1880, v0  }
0x57: {  	v2 =	vimm.s32 $0x1380;
	v1 =	vand.u32 $0xFF, v1;
	v0 =	vsel vm1, $0x1900, v0  }
0x58: {  	v3 =	vimm.s32 $0xDB9A5918;
	v2 =	vsel vm4, $0x1800, v2;
	[tilespmem:$0x1CD30] =	vst v0;
	v0 =	vnsel vm0, $0x3D6, v1  }
0x59: {  	v15 =	vsel vm4, $0x2900, v15;
	v3 =	vunpack.c.0.s8.s32 v3;
	[tilespmem:$0x1CD40] =	vst v0;
	v0 =	vsel vm3, $0x1880, v2  }
0x5a: {  	v16 =	vsel vm4, $0x2980, v16;
	v17 =	vsel vm4, $0x2A00, v17;
	v0 =	vsel vm2, $0x1900, v0  }
0x5b: {  	v18 =	vsel vm4, $0x2A80, v18;
	v1 =	vand.u32 $0xFF, v3;
	v0 =	vsel vm1, $0x1980, v0  }
0x5c: {  	v19 =	vsel vm4, $0x2B00, v19;
	v2 =	vimm.s32 $0x1800;
	[tilespmem:$0x1CD50] =	vst v0;
	v0 =	vnsel vm0, $0x3D7, v1  }
0x5d: {  	v20 =	vsel vm4, $0x2B80, v20;
	v21 =	vsel vm4, $0x3000, v21;
	[tilespmem:$0x1CD60] =	vst v0;
	v0 =	vsel vm4, $0x1880, v2  }
0x5e: {  	v22 =	vsel vm4, $0x3080, v22;
	v23 =	vsel vm4, $0x3100, v23;
	v0 =	vsel vm3, $0x1900, v0  }
0x5f: {  	v24 =	vsel vm4, $0x3180, v24;
	v2 =	vimm.s32 $0x1880;
	v0 =	vsel vm2, $0x1980, v0  }
0x60: {  	v25 =	vsel vm4, $0x3200, v25;
	v2 =	vsel vm4, $0x1900, v2;
	v0 =	vsel vm1, $0x1A00, v0  }
0x61: {  	v26 =	vsel vm4, $0x3280, v26;
	v1 =	vimm.s32 $0xDC9B5A19;
	[tilespmem:$0x1CD70] =	vst v0;
	v0 =	vsel vm3, $0x1980, v2  }
0x62: {  	v27 =	vsel vm4, $0x3300, v27;
	v1 =	vunpack.c.0.s8.s32 v1;
	v0 =	vsel vm2, $0x1A00, v0  }
0x63: {  	v28 =	vsel vm4, $0x3380, v28;
	v2 =	vimm.s32 $0xDD9C5B1A;
	v0 =	vsel vm1, $0x1A80, v0  }
0x64: {  	v1 =	vand.u32 $0xFF, v1;
	v2 =	vunpack.c.0.s8.s32 v2;
	[tilespmem:$0x1CD90] =	vst v0;
	v0 =	vimm.s32 $0x1900  }
0x65: {  	v29 =	vsel vm4, $0x3800, v29;
	v1 =	vnsel vm0, $0x3D8, v1;
	v0 =	vsel vm4, $0x1980, v0  }
0x66: {  	[tilespmem:$0x1CD80] =	vst v1;
	v1 =	vand.u32 $0xFF, v2;
	v2 =	vimm.s32 $0xDE9D5C1B;
	v0 =	vsel vm3, $0x1A00, v0  }
0x67: {  	v2 =	vunpack.c.0.s8.s32 v2;
	v1 =	vnsel vm0, $0x3D9, v1;
	v0 =	vsel vm2, $0x1A80, v0  }
0x68: {  	v30 =	vsel vm4, $0x3880, v30;
	v3 =	vimm.s32 $0x1980;
	[tilespmem:$0x1CDA0] =	vst v1;
	v0 =	vsel vm1, $0x1B00, v0  }
0x69: {  	v31 =	vsel vm4, $0x3900, v31;
	v1 =	vsel vm4, $0x1A00, v3;
	[tilespmem:$0x1CDB0] =	vst v0;
	v0 =	vand.u32 $0xFF, v2  }
0x6a: {  	v32 =	vsel vm4, $0x3980, v32;
	v1 =	vsel vm3, $0x1A80, v1;
	v0 =	vnsel vm0, $0x3DA, v0  }
0x6b: {  	v33 =	vsel vm4, $0x3A00, v33;
	[tilespmem:$0x1CDC0] =	vst v0;
	v0 =	vsel vm2, $0x1B00, v1;
	v1 =	vimm.s32 $0xDF9E5D1C  }
0x6c: {  	v34 =	vsel vm4, $0x3A80, v34;
	v35 =	vsel vm4, $0x3B00, v35;
	v1 =	vunpack.c.0.s8.s32 v1  }
0x6d: {  	v36 =	vsel vm4, $0x3B80, v36;
	v37 =	vunpack.c.0.s8.s32 v37;
	v2 =	vimm.s32 $0x1A00  }
0x6e: {  	v2 =	vsel vm4, $0x1A80, v2;
	v0 =	vsel vm1, $0x1B80, v0;
	v1 =	vand.u32 $0xFF, v1  }
0x6f: {  	v3 =	vimm.s32 $0x1A80;
	v2 =	vsel vm3, $0x1B00, v2;
	[tilespmem:$0x1CDD0] =	vst v0;
	v0 =	vnsel vm0, $0x3DB, v1  }
0x70: {  	v3 =	vsel vm4, $0x1B00, v3;
	[tilespmem:$0x1CDE0] =	vst v0;
	v0 =	vsel vm2, $0x1B80, v2;
	v2 =	vsel vm3, $0x2080, v5  }
0x71: {  	v1 =	vsel vm3, $0x1B80, v3;
	v0 =	vsel vm1, $0x1000, v0;
	v2 =	vsel vm2, $0x2100, v2  }
0x72: {  	v3 =	vsel vm3, $0x2100, v6;
	[tilespmem:$0x1CDF0] =	vst v0;
	v0 =	vand.u32 $0xFF, v37;
	v2 =	vsel vm1, $0x2180, v2  }
0x73: {  	v6 =	vsel vm3, $0x2280, v9;
	v3 =	vsel vm2, $0x2180, v3;
	v0 =	vnsel vm0, $0x3DC, v0;
	[tilespmem:$0x1CE50] =	vst v2  }
0x74: {  	v2 =	vsel vm1, $0x2200, v3;
	[tilespmem:$0x1CE00] =	vst v0;
	v0 =	vsel vm2, $0x1000, v1;
	v1 =	vsel vm3, $0x1000, v4  }
0x75: {  	v4 =	vsel vm3, $0x2180, v7;
	[tilespmem:$0x1CE60] =	vst v2;
	v0 =	vsel vm1, $0x1080, v0;
	v1 =	vsel vm2, $0x1080, v1  }
0x76: {  	v5 =	vsel vm3, $0x2200, v8;
	v4 =	vsel vm2, $0x2200, v4;
	[tilespmem:$0x1CE10] =	vst v0;
	v1 =	vsel vm1, $0x1100, v1  }
0x77: {  	v9 =	vsel vm3, $0x2800, v12;
	v5 =	vsel vm2, $0x2280, v5;
	v2 =	vsel vm1, $0x2280, v4;
	[tilespmem:$0x1CE30] =	vst v1  }
0x78: {  	v6 =	vsel vm2, $0x2300, v6;
	v7 =	vsel vm3, $0x2300, v10;
	[tilespmem:$0x1CE80] =	vst v2;
	v2 =	vsel vm1, $0x2300, v5  }
0x79: {  	v8 =	vsel vm3, $0x2380, v11;
	v7 =	vsel vm2, $0x2380, v7;
	[tilespmem:$0x1CEA0] =	vst v2;
	v2 =	vsel vm1, $0x2380, v6  }
0x7a: {  	v12 =	vsel vm3, $0x2980, v15;
	v8 =	vsel vm2, $0x2800, v8;
	[tilespmem:$0x1CEC0] =	vst v2;
	v2 =	vsel vm1, $0x2800, v7  }
0x7b: {  	v9 =	vsel vm2, $0x2880, v9;
	v10 =	vsel vm3, $0x2880, v13;
	[tilespmem:$0x1CEE0] =	vst v2;
	v2 =	vsel vm1, $0x2880, v8  }
0x7c: {  	v11 =	vsel vm3, $0x2900, v14;
	v10 =	vsel vm2, $0x2900, v10;
	[tilespmem:$0x1CF00] =	vst v2;
	v2 =	vsel vm1, $0x2900, v9  }
0x7d: {  	v15 =	vsel vm3, $0x2B00, v18;
	v11 =	vsel vm2, $0x2980, v11;
	[tilespmem:$0x1CF20] =	vst v2;
	v2 =	vsel vm1, $0x2980, v10  }
0x7e: {  	v12 =	vsel vm2, $0x2A00, v12;
	v13 =	vsel vm3, $0x2A00, v16;
	[tilespmem:$0x1CF40] =	vst v2;
	v2 =	vsel vm1, $0x2A00, v11  }
0x7f: {  	v14 =	vsel vm3, $0x2A80, v17;
	v13 =	vsel vm2, $0x2A80, v13;
	[tilespmem:$0x1CF60] =	vst v2;
	v2 =	vsel vm1, $0x2A80, v12  }
0x80: {  	v18 =	vsel vm3, $0x3080, v21;
	v14 =	vsel vm2, $0x2B00, v14;
	[tilespmem:$0x1CF80] =	vst v2;
	v2 =	vsel vm1, $0x2B00, v13  }
0x81: {  	v15 =	vsel vm2, $0x2B80, v15;
	v16 =	vsel vm3, $0x2B80, v19;
	[tilespmem:$0x1CFA0] =	vst v2;
	v2 =	vsel vm1, $0x2B80, v14  }
0x82: {  	v17 =	vsel vm3, $0x2000, v20;
	v16 =	vsel vm2, $0x2000, v16;
	[tilespmem:$0x1CFC0] =	vst v2;
	v2 =	vsel vm1, $0x2000, v15  }
0x83: {  	v21 =	vsel vm3, $0x3200, v24;
	v17 =	vsel vm2, $0x2080, v17;
	[tilespmem:$0x1CFE0] =	vst v2;
	v2 =	vsel vm1, $0x2080, v16  }
0x84: {  	v18 =	vsel vm2, $0x3100, v18;
	v19 =	vsel vm3, $0x3100, v22;
	[tilespmem:$0x1D000] =	vst v2;
	v2 =	vsel vm1, $0x2100, v17  }
0x85: {  	v20 =	vsel vm3, $0x3180, v23;
	v19 =	vsel vm2, $0x3180, v19;
	[tilespmem:$0x1D020] =	vst v2;
	v2 =	vsel vm1, $0x3180, v18  }
0x86: {  	v24 =	vsel vm3, $0x3380, v27;
	v20 =	vsel vm2, $0x3200, v20;
	[tilespmem:$0x1D040] =	vst v2;
	v2 =	vsel vm1, $0x3200, v19  }
0x87: {  	v21 =	vsel vm2, $0x3280, v21;
	v22 =	vsel vm3, $0x3280, v25;
	[tilespmem:$0x1D050] =	vst v2;
	v2 =	vsel vm1, $0x3280, v20  }
0x88: {  	v23 =	vsel vm3, $0x3300, v26;
	v22 =	vsel vm2, $0x3300, v22;
	[tilespmem:$0x1D070] =	vst v2;
	v2 =	vsel vm1, $0x3300, v21  }
0x89: {  	v27 =	vsel vm3, $0x3900, v30;
	v23 =	vsel vm2, $0x3380, v23;
	[tilespmem:$0x1D090] =	vst v2;
	v2 =	vsel vm1, $0x3380, v22  }
0x8a: {  	v24 =	vsel vm2, $0x3800, v24;
	v25 =	vsel vm3, $0x3800, v28;
	[tilespmem:$0x1D0B0] =	vst v2;
	v2 =	vsel vm1, $0x3800, v23  }
0x8b: {  	v26 =	vsel vm3, $0x3880, v29;
	v25 =	vsel vm2, $0x3880, v25;
	[tilespmem:$0x1D0D0] =	vst v2;
	v2 =	vsel vm1, $0x3880, v24  }
0x8c: {  	v30 =	vsel vm3, $0x3A80, v33;
	v26 =	vsel vm2, $0x3900, v26;
	[tilespmem:$0x1D0F0] =	vst v2;
	v2 =	vsel vm1, $0x3900, v25  }
0x8d: {  	v53 =	vsel vm2, $0x3980, v27;
	v28 =	vsel vm3, $0x3980, v31;
	[tilespmem:$0x1D110] =	vst v2;
	v2 =	vsel vm1, $0x3980, v26  }
0x8e: {  	v29 =	vsel vm3, $0x3A00, v32;
	v54 =	vsel vm2, $0x3A00, v28;
	[tilespmem:$0x1D130] =	vst v2;
	v2 =	vsel vm1, $0x3A00, v53  }
0x8f: {  	v32 =	vsel vm3, $0x3B80, v35;
	v59 =	vsel vm2, $0x3A80, v29;
	[tilespmem:$0x1D150] =	vst v2;
	v2 =	vsel vm1, $0x3A80, v54  }
0x90: {  	v60 =	vsel vm2, $0x3B00, v30;
	v31 =	vsel vm3, $0x3B00, v34;
	[tilespmem:$0x1D170] =	vst v2;
	v2 =	vsel vm1, $0x3B00, v59  }
0x91: {  	v0 =	vunpack.c.0.s8.s32 v61;
	v61 =	vsel vm2, $0x3B80, v31;
	[tilespmem:$0x1D190] =	vst v2;
	v2 =	vsel vm1, $0x3B80, v60  }
0x92: {  	v27 =	vsel vm2, $0x3000, v32;
	v37 =	vsel vm3, $0x3000, v36;
	[tilespmem:$0x1D1A0] =	vst v2;
	v2 =	vsel vm1, $0x3000, v61  }
0x93: {  	v28 =	vsel vm2, $0x3080, v37;
	[tilespmem:$0x1D1B0] =	vst v2;
	v2 =	vsel vm1, $0x3080, v27  }
0x94: {  	v29 =	vimm.s32 $0xD291501F;
	v0 =	vand.u32 $0xFF, v0;
	[tilespmem:$0x1D1C0] =	vst v2;
	v2 =	vsel vm1, $0x3100, v28  }
0x95: {  	v1 =	vunpack.c.0.s8.s32 v29;
	v0 =	vnsel vm0, $0x3DD, v0;
	[tilespmem:$0x1D1D0] =	vst v2;
	v2 =	vimm.s32 $0xE4A36221  }
0x96: {  	[tilespmem:$0x1CE20] =	vst v0;
	v0 =	vunpack.c.0.s8.s32 v2  }
0x97: {  	v3 =	vimm.s32 $0xE6A56423;
	v1 =	vand.u32 $0xFF, v1;
	v2 =	vimm.s32 $0xE5A46322  }
0x98: {  	v1 =	vnsel vm0, $0x3DE, v1;
	v2 =	vunpack.c.0.s8.s32 v2;
	v0 =	vand.u32 $0xFF, v0  }
0x99: {  	[tilespmem:$0x1CE40] =	vst v1;
	v1 =	vunpack.c.0.s8.s32 v3;
	v0 =	vnsel vm0, $0x3E0, v0  }
0x9a: {  	[tilespmem:$0x1CE70] =	vst v0;
	v0 =	vand.u32 $0xFF, v2  }
0x9b: {  	v1 =	vand.u32 $0xFF, v1;
	v2 =	vimm.s32 $0xE7A66524;
	v0 =	vnsel vm0, $0x3E1, v0  }
0x9c: {  	v3 =	vimm.s32 $0xE8A76625;
	v2 =	vunpack.c.0.s8.s32 v2;
	[tilespmem:$0x1CE90] =	vst v0;
	v0 =	vnsel vm0, $0x3E2, v1  }
0x9d: {  	[tilespmem:$0x1CEB0] =	vst v0;
	v0 =	vunpack.c.0.s8.s32 v3  }
0x9e: {  	v1 =	vand.u32 $0xFF, v2;
	v2 =	vimm.s32 $0xE9A86726;
	v3 =	vimm.s32 $0xEAA96827  }
0x9f: {  	v2 =	vunpack.c.0.s8.s32 v2;
	v1 =	vnsel vm0, $0x3E3, v1;
	v0 =	vand.u32 $0xFF, v0  }
0xa0: {  	v3 =	vunpack.c.0.s8.s32 v3;
	[tilespmem:$0x1CED0] =	vst v1;
	v0 =	vnsel vm0, $0x3E4, v0  }
0xa1: {  	v1 =	vand.u32 $0xFF, v2;
	[tilespmem:$0x1CEF0] =	vst v0;
	v0 =	vimm.s32 $0xEBAA6928  }
0xa2: {  	v2 =	vand.u32 $0xFF, v3;
	v1 =	vnsel vm0, $0x3E5, v1;
	v0 =	vunpack.c.0.s8.s32 v0  }
0xa3: {  	[tilespmem:$0x1CF10] =	vst v1;
	v1 =	vnsel vm0, $0x3E6, v2  }
0xa4: {  	[tilespmem:$0x1CF30] =	vst v1;
	v1 =	vimm.s32 $0xECAB6A29;
	v0 =	vand.u32 $0xFF, v0  }
0xa5: {  	v2 =	vimm.s32 $0xEDAC6B2A;
	v1 =	vunpack.c.0.s8.s32 v1;
	v0 =	vnsel vm0, $0x3E7, v0  }
0xa6: {  	[tilespmem:$0x1CF50] =	vst v0;
	v0 =	vunpack.c.0.s8.s32 v2  }
0xa7: {  	v3 =	vimm.s32 $0xEFAE6D2C;
	v2 =	vimm.s32 $0xEEAD6C2B;
	v1 =	vand.u32 $0xFF, v1  }
0xa8: {  	v2 =	vunpack.c.0.s8.s32 v2;
	v1 =	vnsel vm0, $0x3E8, v1;
	v0 =	vand.u32 $0xFF, v0  }
0xa9: {  	[tilespmem:$0x1CF70] =	vst v1;
	v1 =	vunpack.c.0.s8.s32 v3;
	v0 =	vnsel vm0, $0x3E9, v0  }
0xaa: {  	[tilespmem:$0x1CF90] =	vst v0;
	v0 =	vand.u32 $0xFF, v2  }
0xab: {  	v2 =	vimm.s32 $0xE0AF6E2D;
	v1 =	vand.u32 $0xFF, v1;
	v0 =	vnsel vm0, $0x3EA, v0  }
0xac: {  	v3 =	vimm.s32 $0xE1A06F2E;
	v2 =	vunpack.c.0.s8.s32 v2;
	[tilespmem:$0x1CFB0] =	vst v0;
	v0 =	vnsel vm0, $0x3EB, v1  }
0xad: {  	[tilespmem:$0x1CFD0] =	vst v0;
	v0 =	vunpack.c.0.s8.s32 v3  }
0xae: {  	v1 =	vand.u32 $0xFF, v2;
	v2 =	vimm.s32 $0xE2A1602F;
	v3 =	vimm.s32 $0xF4B37231  }
0xaf: {  	v2 =	vunpack.c.0.s8.s32 v2;
	v1 =	vnsel vm0, $0x3EC, v1;
	v0 =	vand.u32 $0xFF, v0  }
0xb0: {  	v3 =	vunpack.c.0.s8.s32 v3;
	[tilespmem:$0x1CFF0] =	vst v1;
	v0 =	vnsel vm0, $0x3ED, v0  }
0xb1: {  	v1 =	vand.u32 $0xFF, v2;
	[tilespmem:$0x1D010] =	vst v0;
	v0 =	vimm.s32 $0xF5B47332  }
0xb2: {  	v2 =	vand.u32 $0xFF, v3;
	v1 =	vnsel vm0, $0x3EE, v1;
	v0 =	vunpack.c.0.s8.s32 v0  }
0xb3: {  	[tilespmem:$0x1D030] =	vst v1;
	v1 =	vnsel vm0, $0x3F0, v2  }
0xb4: {  	[tilespmem:$0x1D060] =	vst v1;
	v1 =	vimm.s32 $0xF6B57433;
	v0 =	vand.u32 $0xFF, v0  }
0xb5: {  	v2 =	vimm.s32 $0xF7B67534;
	v1 =	vunpack.c.0.s8.s32 v1;
	v0 =	vnsel vm0, $0x3F1, v0  }
0xb6: {  	[tilespmem:$0x1D080] =	vst v0;
	v0 =	vunpack.c.0.s8.s32 v2  }
0xb7: {  	v3 =	vimm.s32 $0xF9B87736;
	v2 =	vimm.s32 $0xF8B77635;
	v1 =	vand.u32 $0xFF, v1  }
0xb8: {  	v2 =	vunpack.c.0.s8.s32 v2;
	v1 =	vnsel vm0, $0x3F2, v1;
	v0 =	vand.u32 $0xFF, v0  }
0xb9: {  	[tilespmem:$0x1D0A0] =	vst v1;
	v1 =	vunpack.c.0.s8.s32 v3;
	v0 =	vnsel vm0, $0x3F3, v0  }
0xba: {  	[tilespmem:$0x1D0C0] =	vst v0;
	v0 =	vand.u32 $0xFF, v2;
	v2 =	vimm.s32 $0xFAB97837  }
0xbb: {  	v1 =	vand.u32 $0xFF, v1;
	v2 =	vunpack.c.0.s8.s32 v2;
	v0 =	vnsel vm0, $0x3F4, v0  }
0xbc: {  	v3 =	vimm.s32 $0xFBBA7938;
	[tilespmem:$0x1D0E0] =	vst v0;
	v0 =	vnsel vm0, $0x3F5, v1  }
0xbd: {  	[tilespmem:$0x1D100] =	vst v0;
	v0 =	vunpack.c.0.s8.s32 v3;
	v1 =	vand.u32 $0xFF, v2;
	v2 =	vimm.s32 $0xFCBB7A39  }
0xbe: {  	vm5 =	vcmask $0x1310;
	v3 =	vimm.s32 $0xFDBC7B3A;
	v27 =	vunpack.c.0.s8.s32 v2  }
0xbf: {  	v28 =	vunpack.c.0.s8.s32 v3;
	v1 =	vnsel vm0, $0x3F6, v1;
	v0 =	vand.u32 $0xFF, v0  }
0xc0: {  	v5 =	vsel vm5, $0x106, v42;
	[tilespmem:$0x1D120] =	vst v1;
	v0 =	vnsel vm0, $0x3F7, v0  }
0xc1: {  	v1 =	vand.u32 $0xFF, v27;
	v27 =	vand.u32 $0xFF, v28;
	[tilespmem:$0x1D140] =	vst v0;
	v0 =	vimm.s32 $0xFEBD7C3B  }
0xc2: {  	v42 =	vld [tilespmem:$0x1CCA0];
	v28 =	vunpack.c.0.s8.s32 v0;
	v0 =	vnsel vm0, $0x3F8, v1;
	v1 =	vimm.s32 $0xF2B1703F  }
0xc3: {  	v9 =	vsel vm5, $0x108, v46;
	v46 =	vld [tilespmem:$0x1CCE0];
	v1 =	vunpack.c.0.s8.s32 v1  }
0xc4: {  	v13 =	vsel vm5, $0x10A, v50;
	v50 =	vld [tilespmem:$0x1CD20]  }
0xc5: {  	v54 =	vld [tilespmem:$0x1CD60];
	v1 =	vand.u32 $0xFF, v1  }
0xc6: {  	v20 =	vsel vm5, $0xB00, v63;
	v63 =	vld [tilespmem:$0x1CDE0];
	v1 =	vnsel vm0, $0x3FE, v1  }
0xc7: {  	[tilespmem:$0x1D1E0] =	vst v1;
	v1 =	vsel vm5, $0x200, v38;
	v38 =	vld [tilespmem:$0x1CC60]  }
0xc8: {  	v59 =	vld [tilespmem:$0x1CDA0]  }
0xc9: {  	[tilespmem:$0x1D1F0] =	vst v1;
	v1 =	vld [tilespmem:$0x1CE20];
	_ =	sdelay $0x2  }
0xca: {  	v34 =	vsel vm5, $0x1200, v38;
	v38 =	vsel vm5, $0x116, v42  }
0xcb: {  	v42 =	vsel vm5, $0x118, v46;
	v46 =	vsel vm5, $0x11A, v50;
	v50 =	vsel vm5, $0x11C, v54  }
0xcc: {  	v54 =	vsel vm5, $0x11E, v59;
	v59 =	vsel vm5, $0x110, v63;
	v63 =	vsel vm5, $0x112, v1;
	v1 =	vld [tilespmem:$0x1CE30];
	_ =	sdelay $0x4  }
0xcd: {  	v1 =	vsel vm5, $0x1180, v1  }
0xce: {  	[tilespmem:$0x1D200] =	vst v1;
	v1 =	vld [tilespmem:$0x1CE40];
	_ =	sdelay $0x4  }
0xcf: {  	v1 =	vsel vm5, $0x113, v1  }
0xd0: {  	[tilespmem:$0x1D210] =	vst v1;
	v1 =	vld [tilespmem:$0x1CE50];
	_ =	sdelay $0x4  }
0xd1: {  	v1 =	vsel vm5, $0x2200, v1  }
0xd2: {  	[tilespmem:$0x1D220] =	vst v1;
	v1 =	vld [tilespmem:$0x1CE60];
	_ =	sdelay $0x4  }
0xd3: {  	v1 =	vsel vm5, $0x2280, v1  }
0xd4: {  	[tilespmem:$0x1D230] =	vst v1;
	v1 =	vld [tilespmem:$0x1CE70];
	_ =	sdelay $0x4  }
0xd5: {  	v1 =	vsel vm5, $0x125, v1  }
0xd6: {  	[tilespmem:$0x1D240] =	vst v1;
	v1 =	vld [tilespmem:$0x1CE80];
	_ =	sdelay $0x4  }
0xd7: {  	v1 =	vsel vm5, $0x2300, v1  }
0xd8: {  	[tilespmem:$0x1D250] =	vst v1;
	v1 =	vld [tilespmem:$0x1CE90];
	_ =	sdelay $0x4  }
0xd9: {  	v1 =	vsel vm5, $0x126, v1  }
0xda: {  	[tilespmem:$0x1D260] =	vst v1;
	v1 =	vld [tilespmem:$0x1CEA0];
	_ =	sdelay $0x4  }
0xdb: {  	v1 =	vsel vm5, $0x2380, v1  }
0xdc: {  	[tilespmem:$0x1D270] =	vst v1;
	v1 =	vld [tilespmem:$0x1CEB0];
	_ =	sdelay $0x4  }
0xdd: {  	v1 =	vsel vm5, $0x127, v1  }
0xde: {  	[tilespmem:$0x1D280] =	vst v1;
	v1 =	vld [tilespmem:$0x1CEC0];
	_ =	sdelay $0x4  }
0xdf: {  	v1 =	vsel vm5, $0x2800, v1  }
0xe0: {  	[tilespmem:$0x1D290] =	vst v1;
	v1 =	vld [tilespmem:$0x1CED0];
	_ =	sdelay $0x4  }
0xe1: {  	v1 =	vsel vm5, $0x128, v1  }
0xe2: {  	[tilespmem:$0x1D2A0] =	vst v1;
	v1 =	vld [tilespmem:$0x1CEE0];
	_ =	sdelay $0x4  }
0xe3: {  	v1 =	vsel vm5, $0x2880, v1  }
0xe4: {  	[tilespmem:$0x1D2B0] =	vst v1;
	v1 =	vld [tilespmem:$0x1CEF0];
	_ =	sdelay $0x4  }
0xe5: {  	v1 =	vsel vm5, $0x129, v1  }
0xe6: {  	[tilespmem:$0x1D2C0] =	vst v1;
	v1 =	vld [tilespmem:$0x1CF00];
	_ =	sdelay $0x4  }
0xe7: {  	v1 =	vsel vm5, $0x2900, v1  }
0xe8: {  	[tilespmem:$0x1D2D0] =	vst v1;
	v1 =	vld [tilespmem:$0x1CF10];
	_ =	sdelay $0x4  }
0xe9: {  	v1 =	vsel vm5, $0x12A, v1  }
0xea: {  	[tilespmem:$0x1D2E0] =	vst v1;
	v1 =	vld [tilespmem:$0x1CF20];
	_ =	sdelay $0x4  }
0xeb: {  	v1 =	vsel vm5, $0x2980, v1  }
0xec: {  	[tilespmem:$0x1D2F0] =	vst v1;
	v1 =	vld [tilespmem:$0x1CF30];
	_ =	sdelay $0x4  }
0xed: {  	v1 =	vsel vm5, $0x12B, v1  }
0xee: {  	[tilespmem:$0x1D300] =	vst v1;
	v1 =	vld [tilespmem:$0x1CF40];
	_ =	sdelay $0x4  }
0xef: {  	v1 =	vsel vm5, $0x2A00, v1  }
0xf0: {  	[tilespmem:$0x1D310] =	vst v1;
	v1 =	vld [tilespmem:$0x1CF50];
	_ =	sdelay $0x4  }
0xf1: {  	v1 =	vsel vm5, $0x12C, v1  }
0xf2: {  	[tilespmem:$0x1D320] =	vst v1;
	v1 =	vld [tilespmem:$0x1CF60];
	_ =	sdelay $0x4  }
0xf3: {  	v1 =	vsel vm5, $0x2A80, v1  }
0xf4: {  	[tilespmem:$0x1D330] =	vst v1;
	v1 =	vld [tilespmem:$0x1CF70];
	_ =	sdelay $0x4  }
0xf5: {  	v1 =	vsel vm5, $0x12D, v1  }
0xf6: {  	[tilespmem:$0x1D340] =	vst v1;
	v1 =	vld [tilespmem:$0x1CF80];
	_ =	sdelay $0x4  }
0xf7: {  	v1 =	vsel vm5, $0x2B00, v1  }
0xf8: {  	[tilespmem:$0x1D350] =	vst v1;
	v1 =	vld [tilespmem:$0x1CF90];
	_ =	sdelay $0x4  }
0xf9: {  	v1 =	vsel vm5, $0x12E, v1  }
0xfa: {  	[tilespmem:$0x1D360] =	vst v1;
	v1 =	vld [tilespmem:$0x1CFA0];
	_ =	sdelay $0x4  }
0xfb: {  	v1 =	vsel vm5, $0x2B80, v1  }
0xfc: {  	[tilespmem:$0x1D370] =	vst v1;
	v1 =	vld [tilespmem:$0x1CFB0];
	_ =	sdelay $0x4  }
0xfd: {  	v1 =	vsel vm5, $0x12F, v1  }
0xfe: {  	[tilespmem:$0x1D380] =	vst v1;
	v1 =	vld [tilespmem:$0x1CFC0];
	_ =	sdelay $0x4  }
0xff: {  	v1 =	vsel vm5, $0x2000, v1  }
0x100: {  	[tilespmem:$0x1D390] =	vst v1;
	v1 =	vld [tilespmem:$0x1CFD0];
	_ =	sdelay $0x4  }
0x101: {  	v1 =	vsel vm5, $0x120, v1  }
0x102: {  	[tilespmem:$0x1D3A0] =	vst v1;
	v1 =	vld [tilespmem:$0x1CFE0];
	_ =	sdelay $0x4  }
0x103: {  	v1 =	vsel vm5, $0x2080, v1  }
0x104: {  	[tilespmem:$0x1D3B0] =	vst v1;
	v1 =	vld [tilespmem:$0x1CFF0];
	_ =	sdelay $0x4  }
0x105: {  	v1 =	vsel vm5, $0x121, v1  }
0x106: {  	[tilespmem:$0x1D3C0] =	vst v1;
	v1 =	vld [tilespmem:$0x1D000];
	_ =	sdelay $0x4  }
0x107: {  	v1 =	vsel vm5, $0x2100, v1  }
0x108: {  	[tilespmem:$0x1D3D0] =	vst v1;
	v1 =	vld [tilespmem:$0x1D010];
	_ =	sdelay $0x4  }
0x109: {  	v1 =	vsel vm5, $0x122, v1  }
0x10a: {  	[tilespmem:$0x1D3E0] =	vst v1;
	v1 =	vld [tilespmem:$0x1D020];
	_ =	sdelay $0x4  }
0x10b: {  	v1 =	vsel vm5, $0x2180, v1  }
0x10c: {  	[tilespmem:$0x1D3F0] =	vst v1;
	v1 =	vld [tilespmem:$0x1D030];
	_ =	sdelay $0x4  }
0x10d: {  	v1 =	vsel vm5, $0x123, v1  }
0x10e: {  	[tilespmem:$0x1D400] =	vst v1;
	v1 =	vld [tilespmem:$0x1D040];
	_ =	sdelay $0x4  }
0x10f: {  	v1 =	vsel vm5, $0x3200, v1  }
0x110: {  	[tilespmem:$0x1D410] =	vst v1;
	v1 =	vld [tilespmem:$0x1D050];
	_ =	sdelay $0x4  }
0x111: {  	v1 =	vsel vm5, $0x3280, v1  }
0x112: {  	[tilespmem:$0x1D420] =	vst v1;
	v1 =	vld [tilespmem:$0x1D060];
	_ =	sdelay $0x4  }
0x113: {  	v1 =	vsel vm5, $0x135, v1  }
0x114: {  	[tilespmem:$0x1D430] =	vst v1;
	v1 =	vld [tilespmem:$0x1D070];
	_ =	sdelay $0x4  }
0x115: {  	v1 =	vsel vm5, $0x3300, v1  }
0x116: {  	[tilespmem:$0x1D440] =	vst v1;
	v1 =	vld [tilespmem:$0x1D080];
	_ =	sdelay $0x4  }
0x117: {  	v1 =	vsel vm5, $0x136, v1  }
0x118: {  	[tilespmem:$0x1D450] =	vst v1;
	v1 =	vld [tilespmem:$0x1D090];
	_ =	sdelay $0x4  }
0x119: {  	v1 =	vsel vm5, $0x3380, v1  }
0x11a: {  	[tilespmem:$0x1D460] =	vst v1;
	v1 =	vld [tilespmem:$0x1D0A0];
	_ =	sdelay $0x4  }
0x11b: {  	v1 =	vsel vm5, $0x137, v1  }
0x11c: {  	[tilespmem:$0x1D470] =	vst v1;
	v1 =	vld [tilespmem:$0x1D0B0];
	_ =	sdelay $0x4  }
0x11d: {  	v1 =	vsel vm5, $0x3800, v1  }
0x11e: {  	[tilespmem:$0x1D480] =	vst v1;
	v1 =	vld [tilespmem:$0x1D0C0];
	_ =	sdelay $0x4  }
0x11f: {  	v1 =	vsel vm5, $0x138, v1  }
0x120: {  	[tilespmem:$0x1D490] =	vst v1;
	v1 =	vld [tilespmem:$0x1D0D0];
	_ =	sdelay $0x4  }
0x121: {  	v1 =	vsel vm5, $0x3880, v1  }
0x122: {  	[tilespmem:$0x1D4A0] =	vst v1;
	v1 =	vld [tilespmem:$0x1D0E0];
	_ =	sdelay $0x4  }
0x123: {  	v1 =	vsel vm5, $0x139, v1  }
0x124: {  	[tilespmem:$0x1D4B0] =	vst v1;
	v1 =	vld [tilespmem:$0x1D0F0];
	_ =	sdelay $0x4  }
0x125: {  	v1 =	vsel vm5, $0x3900, v1  }
0x126: {  	[tilespmem:$0x1D4C0] =	vst v1;
	v1 =	vld [tilespmem:$0x1D100];
	_ =	sdelay $0x4  }
0x127: {  	v1 =	vsel vm5, $0x13A, v1  }
0x128: {  	[tilespmem:$0x1D4D0] =	vst v1;
	v1 =	vld [tilespmem:$0x1D110];
	_ =	sdelay $0x4  }
0x129: {  	v1 =	vsel vm5, $0x3980, v1  }
0x12a: {  	[tilespmem:$0x1D4E0] =	vst v1;
	v1 =	vld [tilespmem:$0x1D120];
	_ =	sdelay $0x4  }
0x12b: {  	v1 =	vsel vm5, $0x13B, v1  }
0x12c: {  	[tilespmem:$0x1D4F0] =	vst v1;
	v1 =	vld [tilespmem:$0x1D130];
	_ =	sdelay $0x4  }
0x12d: {  	v1 =	vsel vm5, $0x3A00, v1  }
0x12e: {  	[tilespmem:$0x1D500] =	vst v1;
	v1 =	vld [tilespmem:$0x1D140];
	_ =	sdelay $0x4  }
0x12f: {  	v1 =	vsel vm5, $0x13C, v1  }
0x130: {  	[tilespmem:$0x1D510] =	vst v1;
	v1 =	vld [tilespmem:$0x1D150];
	_ =	sdelay $0x4  }
0x131: {  	[tilespmem:$0x1D160] =	vst v0;
	v1 =	vsel vm5, $0x3A80, v1  }
0x132: {  	[tilespmem:$0x1D520] =	vst v1;
	v1 =	vld [tilespmem:$0x1D160];
	_ =	sdelay $0x4  }
0x133: {  	v1 =	vsel vm5, $0x13D, v1  }
0x134: {  	[tilespmem:$0x1D530] =	vst v1;
	v1 =	vld [tilespmem:$0x1D170];
	_ =	sdelay $0x3  }
0x135: {  	v0 =	vnsel vm0, $0x3F9, v27  }
0x136: {  	[tilespmem:$0x1D180] =	vst v0;
	v1 =	vsel vm5, $0x3B00, v1  }
0x137: {  	[tilespmem:$0x1D540] =	vst v1;
	v1 =	vld [tilespmem:$0x1D180];
	_ =	sdelay $0x4  }
0x138: {  	v1 =	vsel vm5, $0x13E, v1  }
0x139: {  	[tilespmem:$0x1D550] =	vst v1;
	v1 =	vld [tilespmem:$0x1D190];
	_ =	sdelay $0x4  }
0x13a: {  	v1 =	vsel vm5, $0x3B80, v1  }
0x13b: {  	[tilespmem:$0x1D560] =	vst v1;
	v1 =	vld [tilespmem:$0x1D1A0];
	_ =	sdelay $0x4  }
0x13c: {  	v1 =	vsel vm5, $0x3000, v1  }
0x13d: {  	[tilespmem:$0x1D570] =	vst v1;
	v1 =	vld [tilespmem:$0x1D1B0];
	_ =	sdelay $0x4  }
0x13e: {  	v1 =	vsel vm5, $0x3080, v1  }
0x13f: {  	[tilespmem:$0x1D580] =	vst v1;
	v1 =	vld [tilespmem:$0x1D1C0];
	_ =	sdelay $0x4  }
0x140: {  	v1 =	vsel vm5, $0x3100, v1  }
0x141: {  	[tilespmem:$0x1D590] =	vst v1;
	v1 =	vld [tilespmem:$0x1D1E0];
	_ =	sdelay $0x4  }
0x142: {  	v1 =	vsel vm5, $0x133, v1  }
0x143: {  	[tilespmem:$0x1D5B0] =	vst v1;
	v1 =	vld [tilespmem:$0x1D1F0];
	_ =	sdelay $0x3  }
0x144: {  	vm6 =	vcmask $0x1714  }
0x145: {  	v1 =	vsel vm6, $0x280, v1  }
0x146: {  	[tilespmem:$0x1D5C0] =	vst v1;
	v1 =	vld [tilespmem:$0x1D200];
	_ =	sdelay $0x4  }
0x147: {  	v1 =	vsel vm6, $0x1200, v1  }
0x148: {  	[tilespmem:$0x1D5D0] =	vst v1;
	v1 =	vld [tilespmem:$0x1D210];
	_ =	sdelay $0x4  }
0x149: {  	v1 =	vsel vm6, $0x154, v1  }
0x14a: {  	[tilespmem:$0x1D5E0] =	vst v1;
	v1 =	vld [tilespmem:$0x1D220];
	_ =	sdelay $0x4  }
0x14b: {  	v1 =	vsel vm6, $0x2280, v1  }
0x14c: {  	[tilespmem:$0x1D5F0] =	vst v1;
	v1 =	vld [tilespmem:$0x1D230];
	_ =	sdelay $0x4  }
0x14d: {  	v1 =	vsel vm6, $0x2300, v1  }
0x14e: {  	[tilespmem:$0x1D600] =	vst v1;
	v1 =	vld [tilespmem:$0x1D240];
	_ =	sdelay $0x4  }
0x14f: {  	v1 =	vsel vm6, $0x166, v1  }
0x150: {  	[tilespmem:$0x1D610] =	vst v1;
	v1 =	vld [tilespmem:$0x1D250];
	_ =	sdelay $0x4  }
0x151: {  	v1 =	vsel vm6, $0x2380, v1  }
0x152: {  	[tilespmem:$0x1D620] =	vst v1;
	v1 =	vld [tilespmem:$0x1D260];
	_ =	sdelay $0x4  }
0x153: {  	v1 =	vsel vm6, $0x167, v1  }
0x154: {  	[tilespmem:$0x1D630] =	vst v1;
	v1 =	vld [tilespmem:$0x1D270];
	_ =	sdelay $0x4  }
0x155: {  	v1 =	vsel vm6, $0x2800, v1  }
0x156: {  	[tilespmem:$0x1D640] =	vst v1;
	v1 =	vld [tilespmem:$0x1D280];
	_ =	sdelay $0x4  }
0x157: {  	v1 =	vsel vm6, $0x168, v1  }
0x158: {  	[tilespmem:$0x1D650] =	vst v1;
	v1 =	vld [tilespmem:$0x1D290];
	_ =	sdelay $0x4  }
0x159: {  	v1 =	vsel vm6, $0x2880, v1  }
0x15a: {  	[tilespmem:$0x1D660] =	vst v1;
	v1 =	vld [tilespmem:$0x1D2A0];
	_ =	sdelay $0x4  }
0x15b: {  	v1 =	vsel vm6, $0x169, v1  }
0x15c: {  	[tilespmem:$0x1D670] =	vst v1;
	v1 =	vld [tilespmem:$0x1D2B0];
	_ =	sdelay $0x4  }
0x15d: {  	v1 =	vsel vm6, $0x2900, v1  }
0x15e: {  	[tilespmem:$0x1D680] =	vst v1;
	v1 =	vld [tilespmem:$0x1D2C0];
	_ =	sdelay $0x4  }
0x15f: {  	v1 =	vsel vm6, $0x16A, v1  }
0x160: {  	[tilespmem:$0x1D690] =	vst v1;
	v1 =	vld [tilespmem:$0x1D2D0];
	_ =	sdelay $0x4  }
0x161: {  	v1 =	vsel vm6, $0x2980, v1  }
0x162: {  	[tilespmem:$0x1D6A0] =	vst v1;
	v1 =	vld [tilespmem:$0x1D2E0];
	_ =	sdelay $0x4  }
0x163: {  	v1 =	vsel vm6, $0x16B, v1  }
0x164: {  	[tilespmem:$0x1D6B0] =	vst v1;
	v1 =	vld [tilespmem:$0x1D2F0];
	_ =	sdelay $0x4  }
0x165: {  	v1 =	vsel vm6, $0x2A00, v1  }
0x166: {  	[tilespmem:$0x1D6C0] =	vst v1;
	v1 =	vld [tilespmem:$0x1D300];
	_ =	sdelay $0x4  }
0x167: {  	v1 =	vsel vm6, $0x16C, v1  }
0x168: {  	[tilespmem:$0x1D6D0] =	vst v1;
	v1 =	vld [tilespmem:$0x1D310];
	_ =	sdelay $0x4  }
0x169: {  	v1 =	vsel vm6, $0x2A80, v1  }
0x16a: {  	[tilespmem:$0x1D6E0] =	vst v1;
	v1 =	vld [tilespmem:$0x1D320];
	_ =	sdelay $0x4  }
0x16b: {  	v1 =	vsel vm6, $0x16D, v1  }
0x16c: {  	[tilespmem:$0x1D6F0] =	vst v1;
	v1 =	vld [tilespmem:$0x1D330];
	_ =	sdelay $0x4  }
0x16d: {  	v1 =	vsel vm6, $0x2B00, v1  }
0x16e: {  	[tilespmem:$0x1D700] =	vst v1;
	v1 =	vld [tilespmem:$0x1D340];
	_ =	sdelay $0x4  }
0x16f: {  	v1 =	vsel vm6, $0x16E, v1  }
0x170: {  	[tilespmem:$0x1D710] =	vst v1;
	v1 =	vld [tilespmem:$0x1D350];
	_ =	sdelay $0x4  }
0x171: {  	v1 =	vsel vm6, $0x2B80, v1  }
0x172: {  	[tilespmem:$0x1D720] =	vst v1;
	v1 =	vld [tilespmem:$0x1D360];
	_ =	sdelay $0x4  }
0x173: {  	v1 =	vsel vm6, $0x16F, v1  }
0x174: {  	[tilespmem:$0x1D730] =	vst v1;
	v1 =	vld [tilespmem:$0x1D370];
	_ =	sdelay $0x4  }
0x175: {  	v1 =	vsel vm6, $0x2000, v1  }
0x176: {  	[tilespmem:$0x1D740] =	vst v1;
	v1 =	vld [tilespmem:$0x1D380];
	_ =	sdelay $0x4  }
0x177: {  	v1 =	vsel vm6, $0x160, v1  }
0x178: {  	[tilespmem:$0x1D750] =	vst v1;
	v1 =	vld [tilespmem:$0x1D390];
	_ =	sdelay $0x4  }
0x179: {  	v1 =	vsel vm6, $0x2080, v1  }
0x17a: {  	[tilespmem:$0x1D760] =	vst v1;
	v1 =	vld [tilespmem:$0x1D3A0];
	_ =	sdelay $0x4  }
0x17b: {  	v1 =	vsel vm6, $0x161, v1  }
0x17c: {  	[tilespmem:$0x1D770] =	vst v1;
	v1 =	vld [tilespmem:$0x1D3B0];
	_ =	sdelay $0x4  }
0x17d: {  	v1 =	vsel vm6, $0x2100, v1  }
0x17e: {  	[tilespmem:$0x1D780] =	vst v1;
	v1 =	vld [tilespmem:$0x1D3C0];
	_ =	sdelay $0x4  }
0x17f: {  	v1 =	vsel vm6, $0x162, v1  }
0x180: {  	[tilespmem:$0x1D790] =	vst v1;
	v1 =	vld [tilespmem:$0x1D3D0];
	_ =	sdelay $0x4  }
0x181: {  	v1 =	vsel vm6, $0x2180, v1  }
0x182: {  	[tilespmem:$0x1D7A0] =	vst v1;
	v1 =	vld [tilespmem:$0x1D3E0];
	_ =	sdelay $0x4  }
0x183: {  	v1 =	vsel vm6, $0x163, v1  }
0x184: {  	[tilespmem:$0x1D7B0] =	vst v1;
	v1 =	vld [tilespmem:$0x1D3F0];
	_ =	sdelay $0x4  }
0x185: {  	v1 =	vsel vm6, $0x2200, v1  }
0x186: {  	[tilespmem:$0x1D7C0] =	vst v1;
	v1 =	vld [tilespmem:$0x1D400];
	_ =	sdelay $0x4  }
0x187: {  	v1 =	vsel vm6, $0x164, v1  }
0x188: {  	[tilespmem:$0x1D7D0] =	vst v1;
	v1 =	vld [tilespmem:$0x1D410];
	_ =	sdelay $0x4  }
0x189: {  	v1 =	vsel vm6, $0x3280, v1  }
0x18a: {  	[tilespmem:$0x1D7E0] =	vst v1;
	v1 =	vld [tilespmem:$0x1D420];
	_ =	sdelay $0x4  }
0x18b: {  	v1 =	vsel vm6, $0x3300, v1  }
0x18c: {  	[tilespmem:$0x1D7F0] =	vst v1;
	v1 =	vld [tilespmem:$0x1D430];
	_ =	sdelay $0x4  }
0x18d: {  	v1 =	vsel vm6, $0x176, v1  }
0x18e: {  	[tilespmem:$0x1D800] =	vst v1;
	v1 =	vld [tilespmem:$0x1D440];
	_ =	sdelay $0x4  }
0x18f: {  	v1 =	vsel vm6, $0x3380, v1  }
0x190: {  	[tilespmem:$0x1D810] =	vst v1;
	v1 =	vld [tilespmem:$0x1D450];
	_ =	sdelay $0x4  }
0x191: {  	v1 =	vsel vm6, $0x177, v1  }
0x192: {  	[tilespmem:$0x1D820] =	vst v1;
	v1 =	vld [tilespmem:$0x1D460];
	_ =	sdelay $0x4  }
0x193: {  	v1 =	vsel vm6, $0x3800, v1  }
0x194: {  	[tilespmem:$0x1D830] =	vst v1;
	v1 =	vld [tilespmem:$0x1D470];
	_ =	sdelay $0x4  }
0x195: {  	v1 =	vsel vm6, $0x178, v1  }
0x196: {  	[tilespmem:$0x1D840] =	vst v1;
	v1 =	vld [tilespmem:$0x1D480];
	_ =	sdelay $0x4  }
0x197: {  	v1 =	vsel vm6, $0x3880, v1  }
0x198: {  	[tilespmem:$0x1D850] =	vst v1;
	v1 =	vld [tilespmem:$0x1D490];
	_ =	sdelay $0x4  }
0x199: {  	v1 =	vsel vm6, $0x179, v1  }
0x19a: {  	[tilespmem:$0x1D860] =	vst v1;
	v1 =	vld [tilespmem:$0x1D4A0];
	_ =	sdelay $0x4  }
0x19b: {  	v1 =	vsel vm6, $0x3900, v1  }
0x19c: {  	[tilespmem:$0x1D870] =	vst v1;
	v1 =	vld [tilespmem:$0x1D4B0];
	_ =	sdelay $0x4  }
0x19d: {  	v1 =	vsel vm6, $0x17A, v1  }
0x19e: {  	[tilespmem:$0x1D880] =	vst v1;
	v1 =	vld [tilespmem:$0x1D4C0];
	_ =	sdelay $0x4  }
0x19f: {  	v1 =	vsel vm6, $0x3980, v1  }
0x1a0: {  	[tilespmem:$0x1D890] =	vst v1;
	v1 =	vld [tilespmem:$0x1D4D0];
	_ =	sdelay $0x4  }
0x1a1: {  	v1 =	vsel vm6, $0x17B, v1  }
0x1a2: {  	[tilespmem:$0x1D8A0] =	vst v1;
	v1 =	vld [tilespmem:$0x1D4E0];
	_ =	sdelay $0x4  }
0x1a3: {  	v1 =	vsel vm6, $0x3A00, v1  }
0x1a4: {  	[tilespmem:$0x1D8B0] =	vst v1;
	v1 =	vld [tilespmem:$0x1D4F0];
	_ =	sdelay $0x4  }
0x1a5: {  	v1 =	vsel vm6, $0x17C, v1  }
0x1a6: {  	[tilespmem:$0x1D8C0] =	vst v1;
	v1 =	vld [tilespmem:$0x1D500];
	_ =	sdelay $0x4  }
0x1a7: {  	v1 =	vsel vm6, $0x3A80, v1  }
0x1a8: {  	[tilespmem:$0x1D8D0] =	vst v1;
	v1 =	vld [tilespmem:$0x1D510];
	_ =	sdelay $0x4  }
0x1a9: {  	v1 =	vsel vm6, $0x17D, v1  }
0x1aa: {  	[tilespmem:$0x1D8E0] =	vst v1;
	v1 =	vld [tilespmem:$0x1D520];
	_ =	sdelay $0x4  }
0x1ab: {  	v1 =	vsel vm6, $0x3B00, v1  }
0x1ac: {  	[tilespmem:$0x1D8F0] =	vst v1;
	v1 =	vld [tilespmem:$0x1D530];
	_ =	sdelay $0x4  }
0x1ad: {  	v1 =	vsel vm6, $0x17E, v1  }
0x1ae: {  	[tilespmem:$0x1D900] =	vst v1;
	v1 =	vld [tilespmem:$0x1D540];
	_ =	sdelay $0x4  }
0x1af: {  	v1 =	vsel vm6, $0x3B80, v1  }
0x1b0: {  	[tilespmem:$0x1D910] =	vst v1;
	v1 =	vld [tilespmem:$0x1D550];
	_ =	sdelay $0x4  }
0x1b1: {  	v1 =	vsel vm6, $0x17F, v1  }
0x1b2: {  	[tilespmem:$0x1D920] =	vst v1;
	v1 =	vld [tilespmem:$0x1D560];
	_ =	sdelay $0x4  }
0x1b3: {  	v1 =	vsel vm6, $0x3000, v1  }
0x1b4: {  	[tilespmem:$0x1D930] =	vst v1;
	v1 =	vld [tilespmem:$0x1D570];
	_ =	sdelay $0x4  }
0x1b5: {  	v1 =	vsel vm6, $0x3080, v1  }
0x1b6: {  	[tilespmem:$0x1D940] =	vst v1;
	v1 =	vld [tilespmem:$0x1D580];
	_ =	sdelay $0x4  }
0x1b7: {  	v0 =	vimm.s32 $0xF1B07F3E;
	v1 =	vsel vm6, $0x3100, v1  }
0x1b8: {  	v0 =	vunpack.c.0.s8.s32 v0;
	[tilespmem:$0x1D950] =	vst v1;
	v1 =	vld [tilespmem:$0x1D590];
	_ =	sdelay $0x1  }
0x1b9: {  	v0 =	vand.u32 $0xFF, v0  }
0x1ba: {  	v0 =	vnsel vm0, $0x3FD, v0  }
0x1bb: {  	v0 =	vsel vm5, $0x132, v0  }
0x1bc: {  	[tilespmem:$0x1D5A0] =	vst v0;
	v1 =	vsel vm6, $0x3180, v1  }
0x1bd: {  	[tilespmem:$0x1D960] =	vst v1;
	v1 =	vld [tilespmem:$0x1D5A0];
	_ =	sdelay $0x4  }
0x1be: {  	v1 =	vsel vm6, $0x173, v1  }
0x1bf: {  	[tilespmem:$0x1D970] =	vst v1;
	v1 =	vld [tilespmem:$0x1D5C0];
	_ =	sdelay $0x3  }
0x1c0: {  	vm7 =	vcmask $0x1B18  }
0x1c1: {  	v1 =	vsel vm7, $0x300, v1  }
0x1c2: {  	[tilespmem:$0x1D990] =	vst v1;
	v1 =	vld [tilespmem:$0x1D5D0];
	_ =	sdelay $0x4  }
0x1c3: {  	v1 =	vsel vm7, $0x1280, v1  }
0x1c4: {  	[tilespmem:$0x1D9A0] =	vst v1;
	v1 =	vld [tilespmem:$0x1D5E0];
	_ =	sdelay $0x4  }
0x1c5: {  	v1 =	vsel vm7, $0x195, v1  }
0x1c6: {  	[tilespmem:$0x1D9B0] =	vst v1;
	v1 =	vld [tilespmem:$0x1D5F0];
	_ =	sdelay $0x4  }
0x1c7: {  	v1 =	vsel vm7, $0x2300, v1  }
0x1c8: {  	[tilespmem:$0x1D9C0] =	vst v1;
	v1 =	vld [tilespmem:$0x1D600];
	_ =	sdelay $0x4  }
0x1c9: {  	v1 =	vsel vm7, $0x2380, v1  }
0x1ca: {  	[tilespmem:$0x1D9D0] =	vst v1;
	v1 =	vld [tilespmem:$0x1D610];
	_ =	sdelay $0x4  }
0x1cb: {  	v1 =	vsel vm7, $0x1A7, v1  }
0x1cc: {  	[tilespmem:$0x1D9E0] =	vst v1;
	v1 =	vld [tilespmem:$0x1D620];
	_ =	sdelay $0x4  }
0x1cd: {  	v1 =	vsel vm7, $0x2800, v1  }
0x1ce: {  	[tilespmem:$0x1D9F0] =	vst v1;
	v1 =	vld [tilespmem:$0x1D630];
	_ =	sdelay $0x4  }
0x1cf: {  	v1 =	vsel vm7, $0x1A8, v1  }
0x1d0: {  	[tilespmem:$0x1DA00] =	vst v1;
	v1 =	vld [tilespmem:$0x1D640];
	_ =	sdelay $0x4  }
0x1d1: {  	v1 =	vsel vm7, $0x2880, v1  }
0x1d2: {  	[tilespmem:$0x1DA10] =	vst v1;
	v1 =	vld [tilespmem:$0x1D650];
	_ =	sdelay $0x4  }
0x1d3: {  	v1 =	vsel vm7, $0x1A9, v1  }
0x1d4: {  	[tilespmem:$0x1DA20] =	vst v1;
	v1 =	vld [tilespmem:$0x1D660];
	_ =	sdelay $0x4  }
0x1d5: {  	v1 =	vsel vm7, $0x2900, v1  }
0x1d6: {  	[tilespmem:$0x1DA30] =	vst v1;
	v1 =	vld [tilespmem:$0x1D670];
	_ =	sdelay $0x4  }
0x1d7: {  	v1 =	vsel vm7, $0x1AA, v1  }
0x1d8: {  	[tilespmem:$0x1DA40] =	vst v1;
	v1 =	vld [tilespmem:$0x1D680];
	_ =	sdelay $0x4  }
0x1d9: {  	v1 =	vsel vm7, $0x2980, v1  }
0x1da: {  	[tilespmem:$0x1DA50] =	vst v1;
	v1 =	vld [tilespmem:$0x1D690];
	_ =	sdelay $0x4  }
0x1db: {  	v1 =	vsel vm7, $0x1AB, v1  }
0x1dc: {  	[tilespmem:$0x1DA60] =	vst v1;
	v1 =	vld [tilespmem:$0x1D6A0];
	_ =	sdelay $0x4  }
0x1dd: {  	v1 =	vsel vm7, $0x2A00, v1  }
0x1de: {  	[tilespmem:$0x1DA70] =	vst v1;
	v1 =	vld [tilespmem:$0x1D6B0];
	_ =	sdelay $0x4  }
0x1df: {  	v1 =	vsel vm7, $0x1AC, v1  }
0x1e0: {  	[tilespmem:$0x1DA80] =	vst v1;
	v1 =	vld [tilespmem:$0x1D6C0];
	_ =	sdelay $0x4  }
0x1e1: {  	v1 =	vsel vm7, $0x2A80, v1  }
0x1e2: {  	[tilespmem:$0x1DA90] =	vst v1;
	v1 =	vld [tilespmem:$0x1D6D0];
	_ =	sdelay $0x4  }
0x1e3: {  	v1 =	vsel vm7, $0x1AD, v1  }
0x1e4: {  	[tilespmem:$0x1DAA0] =	vst v1;
	v1 =	vld [tilespmem:$0x1D6E0];
	_ =	sdelay $0x4  }
0x1e5: {  	v1 =	vsel vm7, $0x2B00, v1  }
0x1e6: {  	[tilespmem:$0x1DAB0] =	vst v1;
	v1 =	vld [tilespmem:$0x1D6F0];
	_ =	sdelay $0x4  }
0x1e7: {  	v1 =	vsel vm7, $0x1AE, v1  }
0x1e8: {  	[tilespmem:$0x1DAC0] =	vst v1;
	v1 =	vld [tilespmem:$0x1D700];
	_ =	sdelay $0x4  }
0x1e9: {  	v1 =	vsel vm7, $0x2B80, v1  }
0x1ea: {  	[tilespmem:$0x1DAD0] =	vst v1;
	v1 =	vld [tilespmem:$0x1D710];
	_ =	sdelay $0x4  }
0x1eb: {  	v1 =	vsel vm7, $0x1AF, v1  }
0x1ec: {  	[tilespmem:$0x1DAE0] =	vst v1;
	v1 =	vld [tilespmem:$0x1D720];
	_ =	sdelay $0x4  }
0x1ed: {  	v1 =	vsel vm7, $0x2000, v1  }
0x1ee: {  	[tilespmem:$0x1DAF0] =	vst v1;
	v1 =	vld [tilespmem:$0x1D730];
	_ =	sdelay $0x4  }
0x1ef: {  	v1 =	vsel vm7, $0x1A0, v1  }
0x1f0: {  	[tilespmem:$0x1DB00] =	vst v1;
	v1 =	vld [tilespmem:$0x1D740];
	_ =	sdelay $0x4  }
0x1f1: {  	v1 =	vsel vm7, $0x2080, v1  }
0x1f2: {  	[tilespmem:$0x1DB10] =	vst v1;
	v1 =	vld [tilespmem:$0x1D750];
	_ =	sdelay $0x4  }
0x1f3: {  	v1 =	vsel vm7, $0x1A1, v1  }
0x1f4: {  	[tilespmem:$0x1DB20] =	vst v1;
	v1 =	vld [tilespmem:$0x1D760];
	_ =	sdelay $0x4  }
0x1f5: {  	v1 =	vsel vm7, $0x2100, v1  }
0x1f6: {  	[tilespmem:$0x1DB30] =	vst v1;
	v1 =	vld [tilespmem:$0x1D770];
	_ =	sdelay $0x4  }
0x1f7: {  	v1 =	vsel vm7, $0x1A2, v1  }
0x1f8: {  	[tilespmem:$0x1DB40] =	vst v1;
	v1 =	vld [tilespmem:$0x1D780];
	_ =	sdelay $0x4  }
0x1f9: {  	v1 =	vsel vm7, $0x2180, v1  }
0x1fa: {  	[tilespmem:$0x1DB50] =	vst v1;
	v1 =	vld [tilespmem:$0x1D790];
	_ =	sdelay $0x2  }
0x1fb: {  	v0 =	vld [tilespmem:$0x1D1D0];
	_ =	sdelay $0x1  }
0x1fc: {  	v1 =	vsel vm7, $0x1A3, v1  }
0x1fd: {  	[tilespmem:$0x1DB60] =	vst v1;
	v1 =	vld [tilespmem:$0x1D7A0];
	_ =	sdelay $0x1  }
0x1fe: {  	v0 =	vsel vm5, $0x3180, v0  }
0x1ff: {  	v0 =	vsel vm6, $0x3200, v0  }
0x200: {  	[tilespmem:$0x1D980] =	vst v0;
	v0 =	vld [tilespmem:$0x1D5B0]  }
0x201: {  	v1 =	vsel vm7, $0x2200, v1  }
0x202: {  	[tilespmem:$0x1DB70] =	vst v1;
	v1 =	vld [tilespmem:$0x1D7B0];
	_ =	sdelay $0x2  }
0x203: {  	v0 =	vsel vm6, $0x174, v0  }
0x204: {  	v0 =	vsel vm7, $0x1B5, v0  }
0x205: {  	[tilespmem:$0x1DD60] =	vst v0;
	v0 =	vld [tilespmem:$0x1D990];
	v1 =	vsel vm7, $0x1A4, v1  }
0x206: {  	[tilespmem:$0x1DB80] =	vst v1;
	v1 =	vld [tilespmem:$0x1D7C0];
	_ =	sdelay $0x2  }
0x207: {  	vm8 =	vcmask $0x1F1C  }
0x208: {  	v0 =	vsel vm8, $0x380, v0  }
0x209: {  	[tilespmem:$0x1DD70] =	vst v0;
	v0 =	vld [tilespmem:$0x1D9A0];
	v1 =	vsel vm7, $0x2280, v1  }
0x20a: {  	[tilespmem:$0x1DB90] =	vst v1;
	v1 =	vld [tilespmem:$0x1D7D0];
	_ =	sdelay $0x3  }
0x20b: {  	v0 =	vsel vm8, $0x1300, v0  }
0x20c: {  	[tilespmem:$0x1DD80] =	vst v0;
	v0 =	vld [tilespmem:$0x1D9B0];
	v1 =	vsel vm7, $0x1A5, v1  }
0x20d: {  	[tilespmem:$0x1DBA0] =	vst v1;
	v1 =	vld [tilespmem:$0x1D7E0];
	_ =	sdelay $0x3  }
0x20e: {  	v0 =	vsel vm8, $0x1D6, v0  }
0x20f: {  	[tilespmem:$0x1DD90] =	vst v0;
	v0 =	vld [tilespmem:$0x1D9C0];
	v1 =	vsel vm7, $0x3300, v1  }
0x210: {  	[tilespmem:$0x1DBB0] =	vst v1;
	v1 =	vld [tilespmem:$0x1D7F0];
	_ =	sdelay $0x3  }
0x211: {  	v0 =	vsel vm8, $0x2380, v0  }
0x212: {  	[tilespmem:$0x1DDA0] =	vst v0;
	v0 =	vld [tilespmem:$0x1D9D0];
	v1 =	vsel vm7, $0x3380, v1  }
0x213: {  	[tilespmem:$0x1DBC0] =	vst v1;
	v1 =	vld [tilespmem:$0x1D800];
	_ =	sdelay $0x3  }
0x214: {  	v0 =	vsel vm8, $0x2800, v0  }
0x215: {  	[tilespmem:$0x1DDB0] =	vst v0;
	v0 =	vld [tilespmem:$0x1D9E0];
	v1 =	vsel vm7, $0x1B7, v1  }
0x216: {  	[tilespmem:$0x1DBD0] =	vst v1;
	v1 =	vld [tilespmem:$0x1D810];
	_ =	sdelay $0x3  }
0x217: {  	v0 =	vsel vm8, $0x1E8, v0  }
0x218: {  	[tilespmem:$0x1DDC0] =	vst v0;
	v0 =	vld [tilespmem:$0x1D9F0];
	v1 =	vsel vm7, $0x3800, v1  }
0x219: {  	[tilespmem:$0x1DBE0] =	vst v1;
	v1 =	vld [tilespmem:$0x1D820];
	_ =	sdelay $0x3  }
0x21a: {  	v0 =	vsel vm8, $0x2880, v0  }
0x21b: {  	[tilespmem:$0x1DDD0] =	vst v0;
	v0 =	vld [tilespmem:$0x1DA00];
	v1 =	vsel vm7, $0x1B8, v1  }
0x21c: {  	[tilespmem:$0x1DBF0] =	vst v1;
	v1 =	vld [tilespmem:$0x1D830];
	_ =	sdelay $0x3  }
0x21d: {  	v0 =	vsel vm8, $0x1E9, v0  }
0x21e: {  	[tilespmem:$0x1DDE0] =	vst v0;
	v0 =	vld [tilespmem:$0x1DA10];
	v1 =	vsel vm7, $0x3880, v1  }
0x21f: {  	[tilespmem:$0x1DC00] =	vst v1;
	v1 =	vld [tilespmem:$0x1D840];
	_ =	sdelay $0x3  }
0x220: {  	v0 =	vsel vm8, $0x2900, v0  }
0x221: {  	[tilespmem:$0x1DDF0] =	vst v0;
	v0 =	vld [tilespmem:$0x1DA20];
	v1 =	vsel vm7, $0x1B9, v1  }
0x222: {  	[tilespmem:$0x1DC10] =	vst v1;
	v1 =	vld [tilespmem:$0x1D850];
	_ =	sdelay $0x3  }
0x223: {  	v0 =	vsel vm8, $0x1EA, v0  }
0x224: {  	[tilespmem:$0x1DE00] =	vst v0;
	v0 =	vld [tilespmem:$0x1DA30];
	v1 =	vsel vm7, $0x3900, v1  }
0x225: {  	[tilespmem:$0x1DC20] =	vst v1;
	v1 =	vld [tilespmem:$0x1D860];
	_ =	sdelay $0x3  }
0x226: {  	v0 =	vsel vm8, $0x2980, v0  }
0x227: {  	[tilespmem:$0x1DE10] =	vst v0;
	v0 =	vld [tilespmem:$0x1DA40];
	v1 =	vsel vm7, $0x1BA, v1  }
0x228: {  	[tilespmem:$0x1DC30] =	vst v1;
	v1 =	vld [tilespmem:$0x1D870];
	_ =	sdelay $0x3  }
0x229: {  	v0 =	vsel vm8, $0x1EB, v0  }
0x22a: {  	[tilespmem:$0x1DE20] =	vst v0;
	v0 =	vld [tilespmem:$0x1DA50];
	v1 =	vsel vm7, $0x3980, v1  }
0x22b: {  	[tilespmem:$0x1DC40] =	vst v1;
	v1 =	vld [tilespmem:$0x1D880];
	_ =	sdelay $0x3  }
0x22c: {  	v0 =	vsel vm8, $0x2A00, v0  }
0x22d: {  	[tilespmem:$0x1DE30] =	vst v0;
	v0 =	vld [tilespmem:$0x1DA60];
	v1 =	vsel vm7, $0x1BB, v1  }
0x22e: {  	[tilespmem:$0x1DC50] =	vst v1;
	v1 =	vld [tilespmem:$0x1D890];
	_ =	sdelay $0x3  }
0x22f: {  	v0 =	vsel vm8, $0x1EC, v0  }
0x230: {  	[tilespmem:$0x1DE40] =	vst v0;
	v0 =	vld [tilespmem:$0x1DA70];
	v1 =	vsel vm7, $0x3A00, v1  }
0x231: {  	[tilespmem:$0x1DC60] =	vst v1;
	v1 =	vld [tilespmem:$0x1D8A0];
	_ =	sdelay $0x3  }
0x232: {  	v0 =	vsel vm8, $0x2A80, v0  }
0x233: {  	[tilespmem:$0x1DE50] =	vst v0;
	v0 =	vld [tilespmem:$0x1DA80];
	v1 =	vsel vm7, $0x1BC, v1  }
0x234: {  	[tilespmem:$0x1DC70] =	vst v1;
	v1 =	vld [tilespmem:$0x1D8B0];
	_ =	sdelay $0x3  }
0x235: {  	v0 =	vsel vm8, $0x1ED, v0  }
0x236: {  	[tilespmem:$0x1DE60] =	vst v0;
	v0 =	vld [tilespmem:$0x1DA90];
	v1 =	vsel vm7, $0x3A80, v1  }
0x237: {  	[tilespmem:$0x1DC80] =	vst v1;
	v1 =	vld [tilespmem:$0x1D8C0];
	_ =	sdelay $0x3  }
0x238: {  	v0 =	vsel vm8, $0x2B00, v0  }
0x239: {  	[tilespmem:$0x1DE70] =	vst v0;
	v0 =	vld [tilespmem:$0x1DAA0];
	v1 =	vsel vm7, $0x1BD, v1  }
0x23a: {  	[tilespmem:$0x1DC90] =	vst v1;
	v1 =	vld [tilespmem:$0x1D8D0];
	_ =	sdelay $0x3  }
0x23b: {  	v0 =	vsel vm8, $0x1EE, v0  }
0x23c: {  	[tilespmem:$0x1DE80] =	vst v0;
	v0 =	vld [tilespmem:$0x1DAB0];
	v1 =	vsel vm7, $0x3B00, v1  }
0x23d: {  	[tilespmem:$0x1DCA0] =	vst v1;
	v1 =	vld [tilespmem:$0x1D8E0];
	_ =	sdelay $0x3  }
0x23e: {  	v0 =	vsel vm8, $0x2B80, v0  }
0x23f: {  	[tilespmem:$0x1DE90] =	vst v0;
	v0 =	vld [tilespmem:$0x1DAC0];
	v1 =	vsel vm7, $0x1BE, v1  }
0x240: {  	[tilespmem:$0x1DCB0] =	vst v1;
	v1 =	vld [tilespmem:$0x1D8F0];
	_ =	sdelay $0x3  }
0x241: {  	v0 =	vsel vm8, $0x1EF, v0  }
0x242: {  	[tilespmem:$0x1DEA0] =	vst v0;
	v0 =	vld [tilespmem:$0x1DAD0];
	v1 =	vsel vm7, $0x3B80, v1  }
0x243: {  	[tilespmem:$0x1DCC0] =	vst v1;
	v1 =	vld [tilespmem:$0x1D900];
	_ =	sdelay $0x3  }
0x244: {  	v0 =	vsel vm8, $0x2000, v0  }
0x245: {  	[tilespmem:$0x1DEB0] =	vst v0;
	v0 =	vld [tilespmem:$0x1DAE0];
	v1 =	vsel vm7, $0x1BF, v1  }
0x246: {  	[tilespmem:$0x1DCD0] =	vst v1;
	v1 =	vld [tilespmem:$0x1D910];
	_ =	sdelay $0x2  }
0x247: {  	v21 =	vld [tilespmem:$0x1CBB0]  }
0x248: {  	v22 =	vld [tilespmem:$0x1CBC0];
	v0 =	vsel vm8, $0x1E0, v0  }
0x249: {  	[tilespmem:$0x1DEC0] =	vst v0;
	v0 =	vld [tilespmem:$0x1DAF0];
	v1 =	vsel vm7, $0x3000, v1  }
0x24a: {  	[tilespmem:$0x1DCE0] =	vst v1;
	v1 =	vld [tilespmem:$0x1D920]  }
0x24b: {  	v23 =	vld [tilespmem:$0x1CBD0]  }
0x24c: {  	v24 =	vld [tilespmem:$0x1CBE0]  }
0x24d: {  	v25 =	vld [tilespmem:$0x1CBF0]  }
0x24e: {  	v26 =	vld [tilespmem:$0x1CC00];
	v0 =	vsel vm8, $0x2080, v0  }
0x24f: {  	[tilespmem:$0x1DED0] =	vst v0;
	v0 =	vld [tilespmem:$0x1DB00];
	v1 =	vsel vm7, $0x1B0, v1  }
0x250: {  	[tilespmem:$0x1DCF0] =	vst v1;
	v1 =	vld [tilespmem:$0x1D930]  }
0x251: {  	v29 =	vld [tilespmem:$0x1CC10]  }
0x252: {  	v36 =	vld [tilespmem:$0x1CC40]  }
0x253: {  	v37 =	vld [tilespmem:$0x1CC50]  }
0x254: {  	v4 =	vsel vm5, $0x300, v41;
	v41 =	vld [tilespmem:$0x1CC90];
	v0 =	vsel vm8, $0x1E1, v0  }
0x255: {  	[tilespmem:$0x1DEE0] =	vst v0;
	v0 =	vld [tilespmem:$0x1DB10];
	v1 =	vsel vm7, $0x3080, v1  }
0x256: {  	[tilespmem:$0x1DD00] =	vst v1;
	v1 =	vld [tilespmem:$0x1D940]  }
0x257: {  	v6 =	vsel vm5, $0x380, v43;
	v43 =	vld [tilespmem:$0x1CCB0]  }
0x258: {  	v7 =	vsel vm5, $0x107, v44;
	v44 =	vld [tilespmem:$0x1CCC0]  }
0x259: {  	v8 =	vsel vm5, $0x800, v45;
	v45 =	vld [tilespmem:$0x1CCD0]  }
0x25a: {  	v10 =	vsel vm5, $0x880, v47;
	v47 =	vld [tilespmem:$0x1CCF0];
	v0 =	vsel vm8, $0x2100, v0  }
0x25b: {  	[tilespmem:$0x1DEF0] =	vst v0;
	v0 =	vld [tilespmem:$0x1DB20];
	v1 =	vsel vm7, $0x3100, v1  }
0x25c: {  	[tilespmem:$0x1DD10] =	vst v1;
	v1 =	vld [tilespmem:$0x1D950]  }
0x25d: {  	v11 =	vsel vm5, $0x109, v48;
	v48 =	vld [tilespmem:$0x1CD00]  }
0x25e: {  	v12 =	vsel vm5, $0x900, v49;
	v49 =	vld [tilespmem:$0x1CD10]  }
0x25f: {  	v14 =	vsel vm5, $0x980, v51;
	v51 =	vld [tilespmem:$0x1CD30]  }
0x260: {  	v15 =	vsel vm5, $0x10B, v52;
	v52 =	vld [tilespmem:$0x1CD40];
	v0 =	vsel vm8, $0x1E2, v0  }
0x261: {  	[tilespmem:$0x1DF00] =	vst v0;
	v0 =	vld [tilespmem:$0x1DB30];
	v1 =	vsel vm7, $0x3180, v1  }
0x262: {  	[tilespmem:$0x1DD20] =	vst v1;
	v1 =	vld [tilespmem:$0x1D960]  }
0x263: {  	v53 =	vld [tilespmem:$0x1CD50]  }
0x264: {  	v16 =	vsel vm5, $0xA00, v55;
	v55 =	vld [tilespmem:$0x1CD70]  }
0x265: {  	v17 =	vsel vm5, $0x10C, v56;
	v56 =	vld [tilespmem:$0x1CD80]  }
0x266: {  	v18 =	vsel vm5, $0xA80, v58;
	v58 =	vld [tilespmem:$0x1CD90];
	v0 =	vsel vm8, $0x2180, v0  }
0x267: {  	[tilespmem:$0x1DF10] =	vst v0;
	v0 =	vld [tilespmem:$0x1DB40];
	v1 =	vsel vm7, $0x3200, v1  }
0x268: {  	[tilespmem:$0x1DD30] =	vst v1;
	v1 =	vld [tilespmem:$0x1D970]  }
0x269: {  	v19 =	vsel vm5, $0x10D, v62;
	v62 =	vld [tilespmem:$0x1CDD0]  }
0x26a: {  	v2 =	vsel vm5, $0x280, v39;
	v39 =	vld [tilespmem:$0x1CC70]  }
0x26b: {  	v3 =	vsel vm5, $0x105, v40;
	v40 =	vld [tilespmem:$0x1CC80]  }
0x26c: {  	v60 =	vld [tilespmem:$0x1CDB0];
	v0 =	vsel vm8, $0x1E3, v0  }
0x26d: {  	v32 =	vsel vm5, $0x180, v36;
	[tilespmem:$0x1DF20] =	vst v0;
	v0 =	vld [tilespmem:$0x1DB50];
	v1 =	vsel vm7, $0x1B4, v1  }
0x26e: {  	v33 =	vsel vm5, $0x103, v37;
	v37 =	vsel vm5, $0x1300, v41;
	v41 =	vsel vm5, $0x1800, v45;
	[tilespmem:$0x1DD40] =	vst v1;
	v1 =	vld [tilespmem:$0x1D980]  }
0x26f: {  	v61 =	vld [tilespmem:$0x1CDC0];
	v45 =	vsel vm5, $0x1900, v49;
	v49 =	vsel vm5, $0x1A00, v53;
	v53 =	vsel vm5, $0x1B00, v58  }
0x270: {  	v30 =	vld [tilespmem:$0x1CC20];
	v58 =	vsel vm5, $0x1000, v62;
	v35 =	vsel vm5, $0x1280, v39;
	v36 =	vsel vm5, $0x115, v40  }
0x271: {  	v31 =	vld [tilespmem:$0x1CC30];
	v39 =	vsel vm5, $0x1380, v43;
	v40 =	vsel vm5, $0x117, v44;
	v43 =	vsel vm5, $0x1880, v47  }
0x272: {  	v62 =	vld [tilespmem:$0x1CE10];
	v44 =	vsel vm5, $0x119, v48;
	v47 =	vsel vm5, $0x1980, v51;
	v0 =	vsel vm8, $0x2200, v0  }
0x273: {  	v51 =	vsel vm5, $0x1A80, v55;
	v55 =	vsel vm5, $0x1B80, v60;
	v60 =	vld [tilespmem:$0x1CDF0];
	[tilespmem:$0x1DF30] =	vst v0;
	v1 =	vsel vm7, $0x3280, v1  }
0x274: {  	v48 =	vsel vm5, $0x11B, v52;
	v52 =	vsel vm5, $0x11D, v56;
	v56 =	vsel vm5, $0x11F, v61;
	v61 =	vld [tilespmem:$0x1CE00];
	[tilespmem:$0x1DD50] =	vst v1  }
0x275: {  	v0 =	vld [tilespmem:$0x1DB60]  }
0x276: {  	v1 =	vld [tilespmem:$0x1DD60];
	_ =	sdelay $0x4  }
0x277: {  	v1 =	vsel vm8, $0x1F6, v1  }
0x278: {  	[tilespmem:$0x1E130] =	vst v1;
	v1 =	vld [tilespmem:$0x1DD70];
	_ =	sdelay $0x3  }
0x279: {  	vm9 =	vcmask $0x2320  }
0x27a: {  	v1 =	vsel vm9, $0x800, v1  }
0x27b: {  	[tilespmem:$0x1E140] =	vst v1;
	v1 =	vld [tilespmem:$0x1DD80];
	_ =	sdelay $0x4  }
0x27c: {  	v1 =	vsel vm9, $0x1380, v1  }
0x27d: {  	[tilespmem:$0x1E150] =	vst v1;
	v1 =	vld [tilespmem:$0x1DD90];
	_ =	sdelay $0x4  }
0x27e: {  	v1 =	vsel vm9, $0x217, v1  }
0x27f: {  	[tilespmem:$0x1E160] =	vst v1;
	v1 =	vld [tilespmem:$0x1DDA0];
	_ =	sdelay $0x4  }
0x280: {  	v1 =	vsel vm9, $0x2800, v1  }
0x281: {  	[tilespmem:$0x1E170] =	vst v1;
	v1 =	vld [tilespmem:$0x1DDB0];
	_ =	sdelay $0x4  }
0x282: {  	v1 =	vsel vm9, $0x2880, v1  }
0x283: {  	[tilespmem:$0x1E180] =	vst v1;
	v1 =	vld [tilespmem:$0x1DDC0];
	_ =	sdelay $0x4  }
0x284: {  	v1 =	vsel vm9, $0x229, v1  }
0x285: {  	[tilespmem:$0x1E190] =	vst v1;
	v1 =	vld [tilespmem:$0x1DDD0];
	_ =	sdelay $0x4  }
0x286: {  	v1 =	vsel vm9, $0x2900, v1  }
0x287: {  	[tilespmem:$0x1E1A0] =	vst v1;
	v1 =	vld [tilespmem:$0x1DDE0];
	_ =	sdelay $0x4  }
0x288: {  	v1 =	vsel vm9, $0x22A, v1  }
0x289: {  	[tilespmem:$0x1E1B0] =	vst v1;
	v1 =	vld [tilespmem:$0x1DDF0];
	_ =	sdelay $0x4  }
0x28a: {  	v1 =	vsel vm9, $0x2980, v1  }
0x28b: {  	[tilespmem:$0x1E1C0] =	vst v1;
	v1 =	vld [tilespmem:$0x1DE00];
	_ =	sdelay $0x4  }
0x28c: {  	v1 =	vsel vm9, $0x22B, v1  }
0x28d: {  	[tilespmem:$0x1E1D0] =	vst v1;
	v1 =	vld [tilespmem:$0x1DE10];
	_ =	sdelay $0x4  }
0x28e: {  	v1 =	vsel vm9, $0x2A00, v1  }
0x28f: {  	[tilespmem:$0x1E1E0] =	vst v1;
	v1 =	vld [tilespmem:$0x1DE20];
	_ =	sdelay $0x4  }
0x290: {  	v1 =	vsel vm9, $0x22C, v1  }
0x291: {  	[tilespmem:$0x1E1F0] =	vst v1;
	v1 =	vld [tilespmem:$0x1DE30];
	_ =	sdelay $0x4  }
0x292: {  	v1 =	vsel vm9, $0x2A80, v1  }
0x293: {  	[tilespmem:$0x1E200] =	vst v1;
	v1 =	vld [tilespmem:$0x1DE40];
	_ =	sdelay $0x4  }
0x294: {  	v1 =	vsel vm9, $0x22D, v1  }
0x295: {  	[tilespmem:$0x1E210] =	vst v1;
	v1 =	vld [tilespmem:$0x1DE50];
	_ =	sdelay $0x4  }
0x296: {  	v1 =	vsel vm9, $0x2B00, v1  }
0x297: {  	[tilespmem:$0x1E220] =	vst v1;
	v1 =	vld [tilespmem:$0x1DE60];
	_ =	sdelay $0x4  }
0x298: {  	v1 =	vsel vm9, $0x22E, v1  }
0x299: {  	[tilespmem:$0x1E230] =	vst v1;
	v1 =	vld [tilespmem:$0x1DE70];
	_ =	sdelay $0x4  }
0x29a: {  	v1 =	vsel vm9, $0x2B80, v1  }
0x29b: {  	[tilespmem:$0x1E240] =	vst v1;
	v1 =	vld [tilespmem:$0x1DE80];
	_ =	sdelay $0x4  }
0x29c: {  	v1 =	vsel vm9, $0x22F, v1  }
0x29d: {  	[tilespmem:$0x1E250] =	vst v1;
	v1 =	vld [tilespmem:$0x1DE90];
	_ =	sdelay $0x4  }
0x29e: {  	v1 =	vsel vm9, $0x2000, v1  }
0x29f: {  	[tilespmem:$0x1E260] =	vst v1;
	v1 =	vld [tilespmem:$0x1DEA0];
	_ =	sdelay $0x4  }
0x2a0: {  	v1 =	vsel vm9, $0x220, v1  }
0x2a1: {  	[tilespmem:$0x1E270] =	vst v1;
	v1 =	vld [tilespmem:$0x1DEB0];
	_ =	sdelay $0x4  }
0x2a2: {  	v1 =	vsel vm9, $0x2080, v1  }
0x2a3: {  	[tilespmem:$0x1E280] =	vst v1;
	v1 =	vld [tilespmem:$0x1DEC0];
	_ =	sdelay $0x4  }
0x2a4: {  	v1 =	vsel vm9, $0x221, v1  }
0x2a5: {  	[tilespmem:$0x1E290] =	vst v1;
	v1 =	vld [tilespmem:$0x1DED0];
	_ =	sdelay $0x4  }
0x2a6: {  	v1 =	vsel vm9, $0x2100, v1  }
0x2a7: {  	[tilespmem:$0x1E2A0] =	vst v1;
	v1 =	vld [tilespmem:$0x1DEE0];
	_ =	sdelay $0x4  }
0x2a8: {  	v1 =	vsel vm9, $0x222, v1  }
0x2a9: {  	[tilespmem:$0x1E2B0] =	vst v1;
	v1 =	vld [tilespmem:$0x1DEF0];
	_ =	sdelay $0x4  }
0x2aa: {  	v1 =	vsel vm9, $0x2180, v1  }
0x2ab: {  	[tilespmem:$0x1E2C0] =	vst v1;
	v1 =	vld [tilespmem:$0x1DF00];
	_ =	sdelay $0x4  }
0x2ac: {  	v1 =	vsel vm9, $0x223, v1  }
0x2ad: {  	[tilespmem:$0x1E2D0] =	vst v1;
	v1 =	vld [tilespmem:$0x1DF10];
	_ =	sdelay $0x4  }
0x2ae: {  	v1 =	vsel vm9, $0x2200, v1  }
0x2af: {  	[tilespmem:$0x1E2E0] =	vst v1;
	v1 =	vld [tilespmem:$0x1DF20];
	_ =	sdelay $0x4  }
0x2b0: {  	v1 =	vsel vm9, $0x224, v1  }
0x2b1: {  	[tilespmem:$0x1E2F0] =	vst v1;
	v1 =	vld [tilespmem:$0x1DF30];
	_ =	sdelay $0x3  }
0x2b2: {  	v0 =	vsel vm8, $0x1E4, v0  }
0x2b3: {  	[tilespmem:$0x1DF40] =	vst v0;
	v0 =	vld [tilespmem:$0x1DB70];
	v1 =	vsel vm9, $0x2280, v1  }
0x2b4: {  	[tilespmem:$0x1E300] =	vst v1;
	v1 =	vld [tilespmem:$0x1DF40];
	_ =	sdelay $0x3  }
0x2b5: {  	v0 =	vsel vm8, $0x2280, v0  }
0x2b6: {  	[tilespmem:$0x1DF50] =	vst v0;
	v0 =	vld [tilespmem:$0x1DB80];
	v1 =	vsel vm9, $0x225, v1  }
0x2b7: {  	[tilespmem:$0x1E310] =	vst v1;
	v1 =	vld [tilespmem:$0x1DF50];
	_ =	sdelay $0x3  }
0x2b8: {  	v0 =	vsel vm8, $0x1E5, v0  }
0x2b9: {  	[tilespmem:$0x1DF60] =	vst v0;
	v0 =	vld [tilespmem:$0x1DB90];
	v1 =	vsel vm9, $0x2300, v1  }
0x2ba: {  	[tilespmem:$0x1E320] =	vst v1;
	v1 =	vld [tilespmem:$0x1DF60];
	_ =	sdelay $0x3  }
0x2bb: {  	v0 =	vsel vm8, $0x2300, v0  }
0x2bc: {  	[tilespmem:$0x1DF70] =	vst v0;
	v0 =	vld [tilespmem:$0x1DBA0];
	v1 =	vsel vm9, $0x226, v1  }
0x2bd: {  	[tilespmem:$0x1E330] =	vst v1;
	v1 =	vld [tilespmem:$0x1DF70];
	_ =	sdelay $0x3  }
0x2be: {  	v0 =	vsel vm8, $0x1E6, v0  }
0x2bf: {  	[tilespmem:$0x1DF80] =	vst v0;
	v0 =	vld [tilespmem:$0x1DBB0];
	v1 =	vsel vm9, $0x2380, v1  }
0x2c0: {  	[tilespmem:$0x1E340] =	vst v1;
	v1 =	vld [tilespmem:$0x1DF80];
	_ =	sdelay $0x3  }
0x2c1: {  	v0 =	vsel vm8, $0x3380, v0  }
0x2c2: {  	[tilespmem:$0x1DF90] =	vst v0;
	v0 =	vld [tilespmem:$0x1DBC0];
	v1 =	vsel vm9, $0x227, v1  }
0x2c3: {  	[tilespmem:$0x1E350] =	vst v1;
	v1 =	vld [tilespmem:$0x1DF90];
	_ =	sdelay $0x3  }
0x2c4: {  	v0 =	vsel vm8, $0x3800, v0  }
0x2c5: {  	[tilespmem:$0x1DFA0] =	vst v0;
	v0 =	vld [tilespmem:$0x1DBD0];
	v1 =	vsel vm9, $0x3800, v1  }
0x2c6: {  	[tilespmem:$0x1E360] =	vst v1;
	v1 =	vld [tilespmem:$0x1DFA0];
	_ =	sdelay $0x3  }
0x2c7: {  	v0 =	vsel vm8, $0x1F8, v0  }
0x2c8: {  	[tilespmem:$0x1DFB0] =	vst v0;
	v0 =	vld [tilespmem:$0x1DBE0];
	v1 =	vsel vm9, $0x3880, v1  }
0x2c9: {  	[tilespmem:$0x1E370] =	vst v1;
	v1 =	vld [tilespmem:$0x1DFB0];
	_ =	sdelay $0x3  }
0x2ca: {  	v0 =	vsel vm8, $0x3880, v0  }
0x2cb: {  	[tilespmem:$0x1DFC0] =	vst v0;
	v0 =	vld [tilespmem:$0x1DBF0];
	v1 =	vsel vm9, $0x239, v1  }
0x2cc: {  	[tilespmem:$0x1E380] =	vst v1;
	v1 =	vld [tilespmem:$0x1DFC0];
	_ =	sdelay $0x3  }
0x2cd: {  	v0 =	vsel vm8, $0x1F9, v0  }
0x2ce: {  	[tilespmem:$0x1DFD0] =	vst v0;
	v0 =	vld [tilespmem:$0x1DC00];
	v1 =	vsel vm9, $0x3900, v1  }
0x2cf: {  	[tilespmem:$0x1E390] =	vst v1;
	v1 =	vld [tilespmem:$0x1DFD0];
	_ =	sdelay $0x3  }
0x2d0: {  	v0 =	vsel vm8, $0x3900, v0  }
0x2d1: {  	[tilespmem:$0x1DFE0] =	vst v0;
	v0 =	vld [tilespmem:$0x1DC10];
	v1 =	vsel vm9, $0x23A, v1  }
0x2d2: {  	[tilespmem:$0x1E3A0] =	vst v1;
	v1 =	vld [tilespmem:$0x1DFE0];
	_ =	sdelay $0x3  }
0x2d3: {  	v0 =	vsel vm8, $0x1FA, v0  }
0x2d4: {  	[tilespmem:$0x1DFF0] =	vst v0;
	v0 =	vld [tilespmem:$0x1DC20];
	v1 =	vsel vm9, $0x3980, v1  }
0x2d5: {  	[tilespmem:$0x1E3B0] =	vst v1;
	v1 =	vld [tilespmem:$0x1DFF0];
	_ =	sdelay $0x3  }
0x2d6: {  	v0 =	vsel vm8, $0x3980, v0  }
0x2d7: {  	[tilespmem:$0x1E000] =	vst v0;
	v0 =	vld [tilespmem:$0x1DC30];
	v1 =	vsel vm9, $0x23B, v1  }
0x2d8: {  	[tilespmem:$0x1E3C0] =	vst v1;
	v1 =	vld [tilespmem:$0x1E000];
	_ =	sdelay $0x3  }
0x2d9: {  	v0 =	vsel vm8, $0x1FB, v0  }
0x2da: {  	[tilespmem:$0x1E010] =	vst v0;
	v0 =	vld [tilespmem:$0x1DC40];
	v1 =	vsel vm9, $0x3A00, v1  }
0x2db: {  	[tilespmem:$0x1E3D0] =	vst v1;
	v1 =	vld [tilespmem:$0x1E010];
	_ =	sdelay $0x3  }
0x2dc: {  	v0 =	vsel vm8, $0x3A00, v0  }
0x2dd: {  	[tilespmem:$0x1E020] =	vst v0;
	v0 =	vld [tilespmem:$0x1DC50];
	v1 =	vsel vm9, $0x23C, v1  }
0x2de: {  	[tilespmem:$0x1E3E0] =	vst v1;
	v1 =	vld [tilespmem:$0x1E020];
	_ =	sdelay $0x3  }
0x2df: {  	v0 =	vsel vm8, $0x1FC, v0  }
0x2e0: {  	[tilespmem:$0x1E030] =	vst v0;
	v0 =	vld [tilespmem:$0x1DC60];
	v1 =	vsel vm9, $0x3A80, v1  }
0x2e1: {  	[tilespmem:$0x1E3F0] =	vst v1;
	v1 =	vld [tilespmem:$0x1E030];
	_ =	sdelay $0x3  }
0x2e2: {  	v0 =	vsel vm8, $0x3A80, v0  }
0x2e3: {  	[tilespmem:$0x1E040] =	vst v0;
	v0 =	vld [tilespmem:$0x1DC70];
	v1 =	vsel vm9, $0x23D, v1  }
0x2e4: {  	[tilespmem:$0x1E400] =	vst v1;
	v1 =	vld [tilespmem:$0x1E040];
	_ =	sdelay $0x3  }
0x2e5: {  	v0 =	vsel vm8, $0x1FD, v0  }
0x2e6: {  	[tilespmem:$0x1E050] =	vst v0;
	v0 =	vld [tilespmem:$0x1DC80];
	v1 =	vsel vm9, $0x3B00, v1  }
0x2e7: {  	[tilespmem:$0x1E410] =	vst v1;
	v1 =	vld [tilespmem:$0x1E050];
	_ =	sdelay $0x3  }
0x2e8: {  	v0 =	vsel vm8, $0x3B00, v0  }
0x2e9: {  	[tilespmem:$0x1E060] =	vst v0;
	v0 =	vld [tilespmem:$0x1DC90];
	v1 =	vsel vm9, $0x23E, v1  }
0x2ea: {  	[tilespmem:$0x1E420] =	vst v1;
	v1 =	vld [tilespmem:$0x1E060];
	_ =	sdelay $0x3  }
0x2eb: {  	v0 =	vsel vm8, $0x1FE, v0  }
0x2ec: {  	[tilespmem:$0x1E070] =	vst v0;
	v0 =	vld [tilespmem:$0x1DCA0];
	v1 =	vsel vm9, $0x3B80, v1  }
0x2ed: {  	[tilespmem:$0x1E430] =	vst v1;
	v1 =	vld [tilespmem:$0x1E070];
	_ =	sdelay $0x3  }
0x2ee: {  	v0 =	vsel vm8, $0x3B80, v0  }
0x2ef: {  	[tilespmem:$0x1E080] =	vst v0;
	v0 =	vld [tilespmem:$0x1DCB0];
	v1 =	vsel vm9, $0x23F, v1  }
0x2f0: {  	[tilespmem:$0x1E440] =	vst v1;
	v1 =	vld [tilespmem:$0x1E080];
	_ =	sdelay $0x3  }
0x2f1: {  	v0 =	vsel vm8, $0x1FF, v0  }
0x2f2: {  	[tilespmem:$0x1E090] =	vst v0;
	v0 =	vld [tilespmem:$0x1DCC0];
	v1 =	vsel vm9, $0x3000, v1  }
0x2f3: {  	[tilespmem:$0x1E450] =	vst v1;
	v1 =	vld [tilespmem:$0x1E090];
	_ =	sdelay $0x3  }
0x2f4: {  	v0 =	vsel vm8, $0x3000, v0  }
0x2f5: {  	[tilespmem:$0x1E0A0] =	vst v0;
	v0 =	vld [tilespmem:$0x1DCD0];
	v1 =	vsel vm9, $0x230, v1  }
0x2f6: {  	[tilespmem:$0x1E460] =	vst v1;
	v1 =	vld [tilespmem:$0x1E0A0];
	_ =	sdelay $0x3  }
0x2f7: {  	v0 =	vsel vm8, $0x1F0, v0  }
0x2f8: {  	[tilespmem:$0x1E0B0] =	vst v0;
	v0 =	vld [tilespmem:$0x1DCE0];
	v1 =	vsel vm9, $0x3080, v1  }
0x2f9: {  	[tilespmem:$0x1E470] =	vst v1;
	v1 =	vld [tilespmem:$0x1E0B0];
	_ =	sdelay $0x3  }
0x2fa: {  	v0 =	vsel vm8, $0x3080, v0  }
0x2fb: {  	[tilespmem:$0x1E0C0] =	vst v0;
	v0 =	vld [tilespmem:$0x1DCF0];
	v1 =	vsel vm9, $0x231, v1  }
0x2fc: {  	[tilespmem:$0x1E480] =	vst v1;
	v1 =	vld [tilespmem:$0x1E0C0];
	_ =	sdelay $0x3  }
0x2fd: {  	v0 =	vsel vm8, $0x1F1, v0  }
0x2fe: {  	[tilespmem:$0x1E0D0] =	vst v0;
	v0 =	vld [tilespmem:$0x1DD00];
	v1 =	vsel vm9, $0x3100, v1  }
0x2ff: {  	[tilespmem:$0x1E490] =	vst v1;
	v1 =	vld [tilespmem:$0x1E0D0];
	_ =	sdelay $0x3  }
0x300: {  	v0 =	vsel vm8, $0x3100, v0  }
0x301: {  	[tilespmem:$0x1E0E0] =	vst v0;
	v0 =	vld [tilespmem:$0x1DD10];
	v1 =	vsel vm9, $0x232, v1  }
0x302: {  	[tilespmem:$0x1E4A0] =	vst v1;
	v1 =	vld [tilespmem:$0x1E0E0];
	_ =	sdelay $0x3  }
0x303: {  	v0 =	vsel vm8, $0x3180, v0  }
0x304: {  	[tilespmem:$0x1E0F0] =	vst v0;
	v0 =	vld [tilespmem:$0x1DD20];
	v1 =	vsel vm9, $0x3180, v1  }
0x305: {  	[tilespmem:$0x1E4B0] =	vst v1;
	v1 =	vld [tilespmem:$0x1E0F0];
	_ =	sdelay $0x3  }
0x306: {  	v0 =	vsel vm8, $0x3200, v0  }
0x307: {  	[tilespmem:$0x1E100] =	vst v0;
	v0 =	vld [tilespmem:$0x1DD30];
	v1 =	vsel vm9, $0x3200, v1  }
0x308: {  	[tilespmem:$0x1E4C0] =	vst v1;
	v1 =	vld [tilespmem:$0x1E100];
	_ =	sdelay $0x3  }
0x309: {  	v0 =	vsel vm8, $0x3280, v0  }
0x30a: {  	[tilespmem:$0x1E110] =	vst v0;
	v0 =	vld [tilespmem:$0x1DD40];
	v1 =	vsel vm9, $0x3280, v1  }
0x30b: {  	[tilespmem:$0x1E4D0] =	vst v1;
	v1 =	vld [tilespmem:$0x1E110];
	_ =	sdelay $0x3  }
0x30c: {  	v0 =	vsel vm8, $0x1F5, v0  }
0x30d: {  	[tilespmem:$0x1E120] =	vst v0;
	v1 =	vsel vm9, $0x3300, v1  }
0x30e: {  	[tilespmem:$0x1E4E0] =	vst v1;
	v1 =	vld [tilespmem:$0x1E120];
	_ =	sdelay $0x4  }
0x30f: {  	v1 =	vsel vm9, $0x236, v1  }
0x310: {  	[tilespmem:$0x1E4F0] =	vst v1;
	v1 =	vld [tilespmem:$0x1E140];
	_ =	sdelay $0x3  }
0x311: {  	vm10 =	vcmask $0x2724  }
0x312: {  	v1 =	vsel vm10, $0x880, v1  }
0x313: {  	[tilespmem:$0x1E510] =	vst v1;
	v1 =	vld [tilespmem:$0x1E150];
	_ =	sdelay $0x4  }
0x314: {  	v1 =	vsel vm10, $0x1800, v1  }
0x315: {  	[tilespmem:$0x1E520] =	vst v1;
	v1 =	vld [tilespmem:$0x1E160];
	_ =	sdelay $0x4  }
0x316: {  	v1 =	vsel vm10, $0x258, v1  }
0x317: {  	[tilespmem:$0x1E530] =	vst v1;
	v1 =	vld [tilespmem:$0x1E170];
	_ =	sdelay $0x4  }
0x318: {  	v1 =	vsel vm10, $0x2880, v1  }
0x319: {  	[tilespmem:$0x1E540] =	vst v1;
	v1 =	vld [tilespmem:$0x1E180];
	_ =	sdelay $0x4  }
0x31a: {  	v1 =	vsel vm10, $0x2900, v1  }
0x31b: {  	[tilespmem:$0x1E550] =	vst v1;
	v1 =	vld [tilespmem:$0x1E190];
	_ =	sdelay $0x4  }
0x31c: {  	v1 =	vsel vm10, $0x26A, v1  }
0x31d: {  	[tilespmem:$0x1E560] =	vst v1;
	v1 =	vld [tilespmem:$0x1E1A0];
	_ =	sdelay $0x4  }
0x31e: {  	v1 =	vsel vm10, $0x2980, v1  }
0x31f: {  	[tilespmem:$0x1E570] =	vst v1;
	v1 =	vld [tilespmem:$0x1E1B0];
	_ =	sdelay $0x4  }
0x320: {  	v1 =	vsel vm10, $0x26B, v1  }
0x321: {  	[tilespmem:$0x1E580] =	vst v1;
	v1 =	vld [tilespmem:$0x1E1C0];
	_ =	sdelay $0x4  }
0x322: {  	v1 =	vsel vm10, $0x2A00, v1  }
0x323: {  	[tilespmem:$0x1E590] =	vst v1;
	v1 =	vld [tilespmem:$0x1E1D0];
	_ =	sdelay $0x4  }
0x324: {  	v1 =	vsel vm10, $0x26C, v1  }
0x325: {  	[tilespmem:$0x1E5A0] =	vst v1;
	v1 =	vld [tilespmem:$0x1E1E0];
	_ =	sdelay $0x4  }
0x326: {  	v1 =	vsel vm10, $0x2A80, v1  }
0x327: {  	[tilespmem:$0x1E5B0] =	vst v1;
	v1 =	vld [tilespmem:$0x1E1F0];
	_ =	sdelay $0x4  }
0x328: {  	v1 =	vsel vm10, $0x26D, v1  }
0x329: {  	[tilespmem:$0x1E5C0] =	vst v1;
	v1 =	vld [tilespmem:$0x1E200];
	_ =	sdelay $0x4  }
0x32a: {  	v1 =	vsel vm10, $0x2B00, v1  }
0x32b: {  	[tilespmem:$0x1E5D0] =	vst v1;
	v1 =	vld [tilespmem:$0x1E210];
	_ =	sdelay $0x4  }
0x32c: {  	v1 =	vsel vm10, $0x26E, v1  }
0x32d: {  	[tilespmem:$0x1E5E0] =	vst v1;
	v1 =	vld [tilespmem:$0x1E220];
	_ =	sdelay $0x4  }
0x32e: {  	v1 =	vsel vm10, $0x2B80, v1  }
0x32f: {  	[tilespmem:$0x1E5F0] =	vst v1;
	v1 =	vld [tilespmem:$0x1E230];
	_ =	sdelay $0x4  }
0x330: {  	v1 =	vsel vm10, $0x26F, v1  }
0x331: {  	[tilespmem:$0x1E600] =	vst v1;
	v1 =	vld [tilespmem:$0x1E240];
	_ =	sdelay $0x4  }
0x332: {  	v1 =	vsel vm10, $0x2000, v1  }
0x333: {  	[tilespmem:$0x1E610] =	vst v1;
	v1 =	vld [tilespmem:$0x1E250];
	_ =	sdelay $0x4  }
0x334: {  	v1 =	vsel vm10, $0x260, v1  }
0x335: {  	[tilespmem:$0x1E620] =	vst v1;
	v1 =	vld [tilespmem:$0x1E260];
	_ =	sdelay $0x4  }
0x336: {  	v1 =	vsel vm10, $0x2080, v1  }
0x337: {  	[tilespmem:$0x1E630] =	vst v1;
	v1 =	vld [tilespmem:$0x1E270];
	_ =	sdelay $0x4  }
0x338: {  	v1 =	vsel vm10, $0x261, v1  }
0x339: {  	[tilespmem:$0x1E640] =	vst v1;
	v1 =	vld [tilespmem:$0x1E280];
	_ =	sdelay $0x4  }
0x33a: {  	v1 =	vsel vm10, $0x2100, v1  }
0x33b: {  	[tilespmem:$0x1E650] =	vst v1;
	v1 =	vld [tilespmem:$0x1E290];
	_ =	sdelay $0x4  }
0x33c: {  	v1 =	vsel vm10, $0x262, v1  }
0x33d: {  	[tilespmem:$0x1E660] =	vst v1;
	v1 =	vld [tilespmem:$0x1E2A0];
	_ =	sdelay $0x4  }
0x33e: {  	v1 =	vsel vm10, $0x2180, v1  }
0x33f: {  	[tilespmem:$0x1E670] =	vst v1;
	v1 =	vld [tilespmem:$0x1E2B0];
	_ =	sdelay $0x4  }
0x340: {  	v1 =	vsel vm10, $0x263, v1  }
0x341: {  	[tilespmem:$0x1E680] =	vst v1;
	v1 =	vld [tilespmem:$0x1E2C0];
	_ =	sdelay $0x4  }
0x342: {  	v1 =	vsel vm10, $0x2200, v1  }
0x343: {  	[tilespmem:$0x1E690] =	vst v1;
	v1 =	vld [tilespmem:$0x1E2D0];
	_ =	sdelay $0x4  }
0x344: {  	v1 =	vsel vm10, $0x264, v1  }
0x345: {  	[tilespmem:$0x1E6A0] =	vst v1;
	v1 =	vld [tilespmem:$0x1E2E0];
	_ =	sdelay $0x4  }
0x346: {  	v1 =	vsel vm10, $0x2280, v1  }
0x347: {  	[tilespmem:$0x1E6B0] =	vst v1;
	v1 =	vld [tilespmem:$0x1E2F0];
	_ =	sdelay $0x4  }
0x348: {  	v1 =	vsel vm10, $0x265, v1  }
0x349: {  	[tilespmem:$0x1E6C0] =	vst v1;
	v1 =	vld [tilespmem:$0x1E300];
	_ =	sdelay $0x4  }
0x34a: {  	v1 =	vsel vm10, $0x2300, v1  }
0x34b: {  	[tilespmem:$0x1E6D0] =	vst v1;
	v1 =	vld [tilespmem:$0x1E310];
	_ =	sdelay $0x4  }
0x34c: {  	v1 =	vsel vm10, $0x266, v1  }
0x34d: {  	[tilespmem:$0x1E6E0] =	vst v1;
	v1 =	vld [tilespmem:$0x1E320];
	_ =	sdelay $0x4  }
0x34e: {  	v1 =	vsel vm10, $0x2380, v1  }
0x34f: {  	[tilespmem:$0x1E6F0] =	vst v1;
	v1 =	vld [tilespmem:$0x1E330];
	_ =	sdelay $0x4  }
0x350: {  	v1 =	vsel vm10, $0x267, v1  }
0x351: {  	[tilespmem:$0x1E700] =	vst v1;
	v1 =	vld [tilespmem:$0x1E340];
	_ =	sdelay $0x4  }
0x352: {  	v1 =	vsel vm10, $0x2800, v1  }
0x353: {  	[tilespmem:$0x1E710] =	vst v1;
	v1 =	vld [tilespmem:$0x1E350];
	_ =	sdelay $0x2  }
0x354: {  	v0 =	vld [tilespmem:$0x1DD50];
	_ =	sdelay $0x1  }
0x355: {  	v1 =	vsel vm10, $0x268, v1  }
0x356: {  	[tilespmem:$0x1E720] =	vst v1;
	v1 =	vld [tilespmem:$0x1E360];
	_ =	sdelay $0x1  }
0x357: {  	v0 =	vsel vm8, $0x3300, v0  }
0x358: {  	v0 =	vsel vm9, $0x3380, v0  }
0x359: {  	[tilespmem:$0x1E500] =	vst v0;
	v0 =	vld [tilespmem:$0x1E130]  }
0x35a: {  	v1 =	vsel vm10, $0x3880, v1  }
0x35b: {  	[tilespmem:$0x1E730] =	vst v1;
	v1 =	vld [tilespmem:$0x1E370];
	_ =	sdelay $0x2  }
0x35c: {  	v0 =	vsel vm9, $0x237, v0  }
0x35d: {  	v0 =	vsel vm10, $0x278, v0  }
0x35e: {  	[tilespmem:$0x1E8E0] =	vst v0;
	v0 =	vld [tilespmem:$0x1E510];
	v1 =	vsel vm10, $0x3900, v1  }
0x35f: {  	[tilespmem:$0x1E740] =	vst v1;
	v1 =	vld [tilespmem:$0x1E380];
	_ =	sdelay $0x2  }
0x360: {  	vm11 =	vcmask $0x2B28  }
0x361: {  	v0 =	vsel vm11, $0x900, v0  }
0x362: {  	[tilespmem:$0x1E8F0] =	vst v0;
	v0 =	vld [tilespmem:$0x1E520];
	v1 =	vsel vm10, $0x27A, v1  }
0x363: {  	[tilespmem:$0x1E750] =	vst v1;
	v1 =	vld [tilespmem:$0x1E390];
	_ =	sdelay $0x3  }
0x364: {  	v0 =	vsel vm11, $0x1880, v0  }
0x365: {  	[tilespmem:$0x1E900] =	vst v0;
	v0 =	vld [tilespmem:$0x1E530];
	v1 =	vsel vm10, $0x3980, v1  }
0x366: {  	[tilespmem:$0x1E760] =	vst v1;
	v1 =	vld [tilespmem:$0x1E3A0];
	_ =	sdelay $0x3  }
0x367: {  	v0 =	vsel vm11, $0x299, v0  }
0x368: {  	[tilespmem:$0x1E910] =	vst v0;
	v0 =	vld [tilespmem:$0x1E540];
	v1 =	vsel vm10, $0x27B, v1  }
0x369: {  	[tilespmem:$0x1E770] =	vst v1;
	v1 =	vld [tilespmem:$0x1E3B0];
	_ =	sdelay $0x3  }
0x36a: {  	v0 =	vsel vm11, $0x2900, v0  }
0x36b: {  	[tilespmem:$0x1E920] =	vst v0;
	v0 =	vld [tilespmem:$0x1E550];
	v1 =	vsel vm10, $0x3A00, v1  }
0x36c: {  	[tilespmem:$0x1E780] =	vst v1;
	v1 =	vld [tilespmem:$0x1E3C0];
	_ =	sdelay $0x3  }
0x36d: {  	v0 =	vsel vm11, $0x2980, v0  }
0x36e: {  	[tilespmem:$0x1E930] =	vst v0;
	v0 =	vld [tilespmem:$0x1E560];
	v1 =	vsel vm10, $0x27C, v1  }
0x36f: {  	[tilespmem:$0x1E790] =	vst v1;
	v1 =	vld [tilespmem:$0x1E3D0];
	_ =	sdelay $0x3  }
0x370: {  	v0 =	vsel vm11, $0x2AB, v0  }
0x371: {  	[tilespmem:$0x1E940] =	vst v0;
	v0 =	vld [tilespmem:$0x1E570];
	v1 =	vsel vm10, $0x3A80, v1  }
0x372: {  	[tilespmem:$0x1E7A0] =	vst v1;
	v1 =	vld [tilespmem:$0x1E3E0];
	_ =	sdelay $0x3  }
0x373: {  	v0 =	vsel vm11, $0x2A00, v0  }
0x374: {  	[tilespmem:$0x1E950] =	vst v0;
	v0 =	vld [tilespmem:$0x1E580];
	v1 =	vsel vm10, $0x27D, v1  }
0x375: {  	[tilespmem:$0x1E7B0] =	vst v1;
	v1 =	vld [tilespmem:$0x1E3F0];
	_ =	sdelay $0x3  }
0x376: {  	v0 =	vsel vm11, $0x2AC, v0  }
0x377: {  	[tilespmem:$0x1E960] =	vst v0;
	v0 =	vld [tilespmem:$0x1E590];
	v1 =	vsel vm10, $0x3B00, v1  }
0x378: {  	[tilespmem:$0x1E7C0] =	vst v1;
	v1 =	vld [tilespmem:$0x1E400];
	_ =	sdelay $0x3  }
0x379: {  	v0 =	vsel vm11, $0x2A80, v0  }
0x37a: {  	[tilespmem:$0x1E970] =	vst v0;
	v0 =	vld [tilespmem:$0x1E5A0];
	v1 =	vsel vm10, $0x27E, v1  }
0x37b: {  	[tilespmem:$0x1E7D0] =	vst v1;
	v1 =	vld [tilespmem:$0x1E410];
	_ =	sdelay $0x3  }
0x37c: {  	v0 =	vsel vm11, $0x2AD, v0  }
0x37d: {  	[tilespmem:$0x1E980] =	vst v0;
	v0 =	vld [tilespmem:$0x1E5B0];
	v1 =	vsel vm10, $0x3B80, v1  }
0x37e: {  	[tilespmem:$0x1E7E0] =	vst v1;
	v1 =	vld [tilespmem:$0x1E420];
	_ =	sdelay $0x3  }
0x37f: {  	v0 =	vsel vm11, $0x2B00, v0  }
0x380: {  	[tilespmem:$0x1E990] =	vst v0;
	v0 =	vld [tilespmem:$0x1E5C0];
	v1 =	vsel vm10, $0x27F, v1  }
0x381: {  	[tilespmem:$0x1E7F0] =	vst v1;
	v1 =	vld [tilespmem:$0x1E430];
	_ =	sdelay $0x3  }
0x382: {  	v0 =	vsel vm11, $0x2AE, v0  }
0x383: {  	[tilespmem:$0x1E9A0] =	vst v0;
	v0 =	vld [tilespmem:$0x1E5D0];
	v1 =	vsel vm10, $0x3000, v1  }
0x384: {  	[tilespmem:$0x1E800] =	vst v1;
	v1 =	vld [tilespmem:$0x1E440];
	_ =	sdelay $0x3  }
0x385: {  	v0 =	vsel vm11, $0x2B80, v0  }
0x386: {  	[tilespmem:$0x1E9B0] =	vst v0;
	v0 =	vld [tilespmem:$0x1E5E0];
	v1 =	vsel vm10, $0x270, v1  }
0x387: {  	[tilespmem:$0x1E810] =	vst v1;
	v1 =	vld [tilespmem:$0x1E450];
	_ =	sdelay $0x3  }
0x388: {  	v0 =	vsel vm11, $0x2AF, v0  }
0x389: {  	[tilespmem:$0x1E9C0] =	vst v0;
	v0 =	vld [tilespmem:$0x1E5F0];
	v1 =	vsel vm10, $0x3080, v1  }
0x38a: {  	[tilespmem:$0x1E820] =	vst v1;
	v1 =	vld [tilespmem:$0x1E460];
	_ =	sdelay $0x3  }
0x38b: {  	v0 =	vsel vm11, $0x2000, v0  }
0x38c: {  	[tilespmem:$0x1E9D0] =	vst v0;
	v0 =	vld [tilespmem:$0x1E600];
	v1 =	vsel vm10, $0x271, v1  }
0x38d: {  	[tilespmem:$0x1E830] =	vst v1;
	v1 =	vld [tilespmem:$0x1E470];
	_ =	sdelay $0x3  }
0x38e: {  	v0 =	vsel vm11, $0x2A0, v0  }
0x38f: {  	[tilespmem:$0x1E9E0] =	vst v0;
	v0 =	vld [tilespmem:$0x1E610];
	v1 =	vsel vm10, $0x3100, v1  }
0x390: {  	[tilespmem:$0x1E840] =	vst v1;
	v1 =	vld [tilespmem:$0x1E480];
	_ =	sdelay $0x3  }
0x391: {  	v0 =	vsel vm11, $0x2080, v0  }
0x392: {  	[tilespmem:$0x1E9F0] =	vst v0;
	v0 =	vld [tilespmem:$0x1E620];
	v1 =	vsel vm10, $0x272, v1  }
0x393: {  	[tilespmem:$0x1E850] =	vst v1;
	v1 =	vld [tilespmem:$0x1E490];
	_ =	sdelay $0x3  }
0x394: {  	v0 =	vsel vm11, $0x2A1, v0  }
0x395: {  	[tilespmem:$0x1EA00] =	vst v0;
	v0 =	vld [tilespmem:$0x1E630];
	v1 =	vsel vm10, $0x3180, v1  }
0x396: {  	[tilespmem:$0x1E860] =	vst v1;
	v1 =	vld [tilespmem:$0x1E4A0];
	_ =	sdelay $0x3  }
0x397: {  	v0 =	vsel vm11, $0x2100, v0  }
0x398: {  	[tilespmem:$0x1EA10] =	vst v0;
	v0 =	vld [tilespmem:$0x1E640];
	v1 =	vsel vm10, $0x273, v1  }
0x399: {  	[tilespmem:$0x1E870] =	vst v1;
	v1 =	vld [tilespmem:$0x1E4B0];
	_ =	sdelay $0x3  }
0x39a: {  	v0 =	vsel vm11, $0x2A2, v0  }
0x39b: {  	[tilespmem:$0x1EA20] =	vst v0;
	v0 =	vld [tilespmem:$0x1E650];
	v1 =	vsel vm10, $0x3200, v1  }
0x39c: {  	[tilespmem:$0x1E880] =	vst v1;
	v1 =	vld [tilespmem:$0x1E4C0];
	_ =	sdelay $0x3  }
0x39d: {  	v0 =	vsel vm11, $0x2180, v0  }
0x39e: {  	[tilespmem:$0x1EA30] =	vst v0;
	v0 =	vld [tilespmem:$0x1E660];
	v1 =	vsel vm10, $0x3280, v1  }
0x39f: {  	[tilespmem:$0x1E890] =	vst v1;
	v1 =	vld [tilespmem:$0x1E4D0];
	_ =	sdelay $0x3  }
0x3a0: {  	v0 =	vsel vm11, $0x2A3, v0  }
0x3a1: {  	[tilespmem:$0x1EA40] =	vst v0;
	v0 =	vld [tilespmem:$0x1E670];
	v1 =	vsel vm10, $0x3300, v1  }
0x3a2: {  	[tilespmem:$0x1E8A0] =	vst v1;
	v1 =	vld [tilespmem:$0x1E4E0];
	_ =	sdelay $0x3  }
0x3a3: {  	v0 =	vsel vm11, $0x2200, v0  }
0x3a4: {  	[tilespmem:$0x1EA50] =	vst v0;
	v0 =	vld [tilespmem:$0x1E680];
	v1 =	vsel vm10, $0x3380, v1  }
0x3a5: {  	[tilespmem:$0x1E8B0] =	vst v1;
	v1 =	vld [tilespmem:$0x1E4F0];
	_ =	sdelay $0x3  }
0x3a6: {  	v0 =	vsel vm11, $0x2A4, v0  }
0x3a7: {  	[tilespmem:$0x1EA60] =	vst v0;
	v0 =	vld [tilespmem:$0x1E690];
	v1 =	vsel vm10, $0x277, v1  }
0x3a8: {  	[tilespmem:$0x1E8C0] =	vst v1;
	v1 =	vld [tilespmem:$0x1E500];
	_ =	sdelay $0x3  }
0x3a9: {  	v0 =	vsel vm11, $0x2280, v0  }
0x3aa: {  	[tilespmem:$0x1EA70] =	vst v0;
	v0 =	vld [tilespmem:$0x1E6A0];
	v1 =	vsel vm10, $0x3800, v1  }
0x3ab: {  	[tilespmem:$0x1E8D0] =	vst v1;
	v1 =	vld [tilespmem:$0x1E8E0];
	_ =	sdelay $0x3  }
0x3ac: {  	v0 =	vsel vm11, $0x2A5, v0  }
0x3ad: {  	[tilespmem:$0x1EA80] =	vst v0;
	v0 =	vld [tilespmem:$0x1E6B0];
	v1 =	vsel vm11, $0x2B9, v1  }
0x3ae: {  	[tilespmem:$0x1ECB0] =	vst v1;
	v1 =	vld [tilespmem:$0x1E8F0];
	_ =	sdelay $0x3  }
0x3af: {  	vm12 =	vcmask $0x2F2C;
	v0 =	vsel vm11, $0x2300, v0  }
0x3b0: {  	[tilespmem:$0x1EA90] =	vst v0;
	v0 =	vld [tilespmem:$0x1E6C0];
	v1 =	vsel vm12, $0x980, v1  }
0x3b1: {  	[tilespmem:$0x1ECC0] =	vst v1;
	v1 =	vld [tilespmem:$0x1E900];
	_ =	sdelay $0x3  }
0x3b2: {  	v0 =	vsel vm11, $0x2A6, v0  }
0x3b3: {  	[tilespmem:$0x1EAA0] =	vst v0;
	v0 =	vld [tilespmem:$0x1E6D0];
	v1 =	vsel vm12, $0x1900, v1  }
0x3b4: {  	[tilespmem:$0x1ECD0] =	vst v1;
	v1 =	vld [tilespmem:$0x1E910];
	_ =	sdelay $0x3  }
0x3b5: {  	v0 =	vsel vm11, $0x2380, v0  }
0x3b6: {  	[tilespmem:$0x1EAB0] =	vst v0;
	v0 =	vld [tilespmem:$0x1E6E0];
	v1 =	vsel vm12, $0x2DA, v1  }
0x3b7: {  	[tilespmem:$0x1ECE0] =	vst v1;
	v1 =	vld [tilespmem:$0x1E920];
	_ =	sdelay $0x3  }
0x3b8: {  	v0 =	vsel vm11, $0x2A7, v0  }
0x3b9: {  	[tilespmem:$0x1EAC0] =	vst v0;
	v0 =	vld [tilespmem:$0x1E6F0];
	v1 =	vsel vm12, $0x2980, v1  }
0x3ba: {  	[tilespmem:$0x1ECF0] =	vst v1;
	v1 =	vld [tilespmem:$0x1E930];
	_ =	sdelay $0x3  }
0x3bb: {  	v0 =	vsel vm11, $0x2800, v0  }
0x3bc: {  	[tilespmem:$0x1EAD0] =	vst v0;
	v0 =	vld [tilespmem:$0x1E700];
	v1 =	vsel vm12, $0x2A00, v1  }
0x3bd: {  	[tilespmem:$0x1ED00] =	vst v1;
	v1 =	vld [tilespmem:$0x1E940];
	_ =	sdelay $0x3  }
0x3be: {  	v0 =	vsel vm11, $0x2A8, v0  }
0x3bf: {  	[tilespmem:$0x1EAE0] =	vst v0;
	v0 =	vld [tilespmem:$0x1E710];
	v1 =	vsel vm12, $0x2EC, v1  }
0x3c0: {  	[tilespmem:$0x1ED10] =	vst v1;
	v1 =	vld [tilespmem:$0x1E950];
	_ =	sdelay $0x3  }
0x3c1: {  	v0 =	vsel vm11, $0x2880, v0  }
0x3c2: {  	[tilespmem:$0x1EAF0] =	vst v0;
	v0 =	vld [tilespmem:$0x1E720];
	v1 =	vsel vm12, $0x2A80, v1  }
0x3c3: {  	[tilespmem:$0x1ED20] =	vst v1;
	v1 =	vld [tilespmem:$0x1E960];
	_ =	sdelay $0x3  }
0x3c4: {  	v0 =	vsel vm11, $0x2A9, v0  }
0x3c5: {  	[tilespmem:$0x1EB00] =	vst v0;
	v0 =	vld [tilespmem:$0x1E730];
	v1 =	vsel vm12, $0x2ED, v1  }
0x3c6: {  	[tilespmem:$0x1ED30] =	vst v1;
	v1 =	vld [tilespmem:$0x1E970];
	_ =	sdelay $0x3  }
0x3c7: {  	v0 =	vsel vm11, $0x3900, v0  }
0x3c8: {  	[tilespmem:$0x1EB10] =	vst v0;
	v0 =	vld [tilespmem:$0x1E740];
	v1 =	vsel vm12, $0x2B00, v1  }
0x3c9: {  	[tilespmem:$0x1ED40] =	vst v1;
	v1 =	vld [tilespmem:$0x1E980];
	_ =	sdelay $0x3  }
0x3ca: {  	v0 =	vsel vm11, $0x3980, v0  }
0x3cb: {  	[tilespmem:$0x1EB20] =	vst v0;
	v0 =	vld [tilespmem:$0x1E750];
	v1 =	vsel vm12, $0x2EE, v1  }
0x3cc: {  	[tilespmem:$0x1ED50] =	vst v1;
	v1 =	vld [tilespmem:$0x1E990];
	_ =	sdelay $0x3  }
0x3cd: {  	v0 =	vsel vm11, $0x2BB, v0  }
0x3ce: {  	[tilespmem:$0x1EB30] =	vst v0;
	v0 =	vld [tilespmem:$0x1E760];
	v1 =	vsel vm12, $0x2B80, v1  }
0x3cf: {  	[tilespmem:$0x1ED60] =	vst v1;
	v1 =	vld [tilespmem:$0x1E9A0];
	_ =	sdelay $0x3  }
0x3d0: {  	v0 =	vsel vm11, $0x3A00, v0  }
0x3d1: {  	[tilespmem:$0x1EB40] =	vst v0;
	v0 =	vld [tilespmem:$0x1E770];
	v1 =	vsel vm12, $0x2EF, v1  }
0x3d2: {  	[tilespmem:$0x1ED70] =	vst v1;
	v1 =	vld [tilespmem:$0x1E9B0];
	_ =	sdelay $0x3  }
0x3d3: {  	v0 =	vsel vm11, $0x2BC, v0  }
0x3d4: {  	[tilespmem:$0x1EB50] =	vst v0;
	v0 =	vld [tilespmem:$0x1E780];
	v1 =	vsel vm12, $0x2000, v1  }
0x3d5: {  	[tilespmem:$0x1ED80] =	vst v1;
	v1 =	vld [tilespmem:$0x1E9C0];
	_ =	sdelay $0x3  }
0x3d6: {  	v0 =	vsel vm11, $0x3A80, v0  }
0x3d7: {  	[tilespmem:$0x1EB60] =	vst v0;
	v0 =	vld [tilespmem:$0x1E790];
	v1 =	vsel vm12, $0x2E0, v1  }
0x3d8: {  	[tilespmem:$0x1ED90] =	vst v1;
	v1 =	vld [tilespmem:$0x1E9D0];
	_ =	sdelay $0x3  }
0x3d9: {  	v0 =	vsel vm11, $0x2BD, v0  }
0x3da: {  	[tilespmem:$0x1EB70] =	vst v0;
	v0 =	vld [tilespmem:$0x1E7A0];
	v1 =	vsel vm12, $0x2080, v1  }
0x3db: {  	[tilespmem:$0x1EDA0] =	vst v1;
	v1 =	vld [tilespmem:$0x1E9E0];
	_ =	sdelay $0x3  }
0x3dc: {  	v0 =	vsel vm11, $0x3B00, v0  }
0x3dd: {  	[tilespmem:$0x1EB80] =	vst v0;
	v0 =	vld [tilespmem:$0x1E7B0];
	v1 =	vsel vm12, $0x2E1, v1  }
0x3de: {  	[tilespmem:$0x1EDB0] =	vst v1;
	v1 =	vld [tilespmem:$0x1E9F0];
	_ =	sdelay $0x3  }
0x3df: {  	v0 =	vsel vm11, $0x2BE, v0  }
0x3e0: {  	[tilespmem:$0x1EB90] =	vst v0;
	v0 =	vld [tilespmem:$0x1E7C0];
	v1 =	vsel vm12, $0x2100, v1  }
0x3e1: {  	[tilespmem:$0x1EDC0] =	vst v1;
	v1 =	vld [tilespmem:$0x1EA00];
	_ =	sdelay $0x3  }
0x3e2: {  	v0 =	vsel vm11, $0x3B80, v0  }
0x3e3: {  	[tilespmem:$0x1EBA0] =	vst v0;
	v0 =	vld [tilespmem:$0x1E7D0];
	v1 =	vsel vm12, $0x2E2, v1  }
0x3e4: {  	[tilespmem:$0x1EDD0] =	vst v1;
	v1 =	vld [tilespmem:$0x1EA10];
	_ =	sdelay $0x3  }
0x3e5: {  	v0 =	vsel vm11, $0x2BF, v0  }
0x3e6: {  	[tilespmem:$0x1EBB0] =	vst v0;
	v0 =	vld [tilespmem:$0x1E7E0];
	v1 =	vsel vm12, $0x2180, v1  }
0x3e7: {  	[tilespmem:$0x1EDE0] =	vst v1;
	v1 =	vld [tilespmem:$0x1EA20];
	_ =	sdelay $0x3  }
0x3e8: {  	v0 =	vsel vm11, $0x3000, v0  }
0x3e9: {  	[tilespmem:$0x1EBC0] =	vst v0;
	v0 =	vld [tilespmem:$0x1E7F0];
	v1 =	vsel vm12, $0x2E3, v1  }
0x3ea: {  	[tilespmem:$0x1EDF0] =	vst v1;
	v1 =	vld [tilespmem:$0x1EA30];
	_ =	sdelay $0x3  }
0x3eb: {  	v0 =	vsel vm11, $0x2B0, v0  }
0x3ec: {  	[tilespmem:$0x1EBD0] =	vst v0;
	v0 =	vld [tilespmem:$0x1E800];
	v1 =	vsel vm12, $0x2200, v1  }
0x3ed: {  	[tilespmem:$0x1EE00] =	vst v1;
	v1 =	vld [tilespmem:$0x1EA40];
	_ =	sdelay $0x3  }
0x3ee: {  	v0 =	vsel vm11, $0x3080, v0  }
0x3ef: {  	[tilespmem:$0x1EBE0] =	vst v0;
	v0 =	vld [tilespmem:$0x1E810];
	v1 =	vsel vm12, $0x2E4, v1  }
0x3f0: {  	[tilespmem:$0x1EE10] =	vst v1;
	v1 =	vld [tilespmem:$0x1EA50];
	_ =	sdelay $0x3  }
0x3f1: {  	v0 =	vsel vm11, $0x2B1, v0  }
0x3f2: {  	[tilespmem:$0x1EBF0] =	vst v0;
	v0 =	vld [tilespmem:$0x1E820];
	v1 =	vsel vm12, $0x2280, v1  }
0x3f3: {  	[tilespmem:$0x1EE20] =	vst v1;
	v1 =	vld [tilespmem:$0x1EA60];
	_ =	sdelay $0x3  }
0x3f4: {  	v0 =	vsel vm11, $0x3100, v0  }
0x3f5: {  	[tilespmem:$0x1EC00] =	vst v0;
	v0 =	vld [tilespmem:$0x1E830];
	v1 =	vsel vm12, $0x2E5, v1  }
0x3f6: {  	[tilespmem:$0x1EE30] =	vst v1;
	v1 =	vld [tilespmem:$0x1EA70];
	_ =	sdelay $0x3  }
0x3f7: {  	v0 =	vsel vm11, $0x2B2, v0  }
0x3f8: {  	[tilespmem:$0x1EC10] =	vst v0;
	v0 =	vld [tilespmem:$0x1E840];
	v1 =	vsel vm12, $0x2300, v1  }
0x3f9: {  	[tilespmem:$0x1EE40] =	vst v1;
	v1 =	vld [tilespmem:$0x1EA80];
	_ =	sdelay $0x3  }
0x3fa: {  	v0 =	vsel vm11, $0x3180, v0  }
0x3fb: {  	[tilespmem:$0x1EC20] =	vst v0;
	v0 =	vld [tilespmem:$0x1E850];
	v1 =	vsel vm12, $0x2E6, v1  }
0x3fc: {  	[tilespmem:$0x1EE50] =	vst v1;
	v1 =	vld [tilespmem:$0x1EA90];
	_ =	sdelay $0x3  }
0x3fd: {  	v0 =	vsel vm11, $0x2B3, v0  }
0x3fe: {  	[tilespmem:$0x1EC30] =	vst v0;
	v0 =	vld [tilespmem:$0x1E860];
	v1 =	vsel vm12, $0x2380, v1  }
0x3ff: {  	[tilespmem:$0x1EE60] =	vst v1;
	v1 =	vld [tilespmem:$0x1EAA0];
	_ =	sdelay $0x3  }
0x400: {  	v0 =	vsel vm11, $0x3200, v0  }
0x401: {  	[tilespmem:$0x1EC40] =	vst v0;
	v0 =	vld [tilespmem:$0x1E870];
	v1 =	vsel vm12, $0x2E7, v1  }
0x402: {  	[tilespmem:$0x1EE70] =	vst v1;
	v1 =	vld [tilespmem:$0x1EAB0];
	_ =	sdelay $0x3  }
0x403: {  	v0 =	vsel vm11, $0x2B4, v0  }
0x404: {  	[tilespmem:$0x1EC50] =	vst v0;
	v0 =	vld [tilespmem:$0x1E880];
	v1 =	vsel vm12, $0x2800, v1  }
0x405: {  	[tilespmem:$0x1EE80] =	vst v1;
	v1 =	vld [tilespmem:$0x1EAC0];
	_ =	sdelay $0x3  }
0x406: {  	v0 =	vsel vm11, $0x3280, v0  }
0x407: {  	[tilespmem:$0x1EC60] =	vst v0;
	v0 =	vld [tilespmem:$0x1E890];
	v1 =	vsel vm12, $0x2E8, v1  }
0x408: {  	[tilespmem:$0x1EE90] =	vst v1;
	v1 =	vld [tilespmem:$0x1EAD0];
	_ =	sdelay $0x3  }
0x409: {  	v0 =	vsel vm11, $0x3300, v0  }
0x40a: {  	[tilespmem:$0x1EC70] =	vst v0;
	v0 =	vld [tilespmem:$0x1E8A0];
	v1 =	vsel vm12, $0x2880, v1  }
0x40b: {  	[tilespmem:$0x1EEA0] =	vst v1;
	v1 =	vld [tilespmem:$0x1EAE0];
	_ =	sdelay $0x3  }
0x40c: {  	v0 =	vsel vm11, $0x3380, v0  }
0x40d: {  	[tilespmem:$0x1EC80] =	vst v0;
	v0 =	vld [tilespmem:$0x1E8B0];
	v1 =	vsel vm12, $0x2E9, v1  }
0x40e: {  	[tilespmem:$0x1EEB0] =	vst v1;
	v1 =	vld [tilespmem:$0x1EAF0];
	_ =	sdelay $0x3  }
0x40f: {  	v0 =	vsel vm11, $0x3800, v0  }
0x410: {  	[tilespmem:$0x1EC90] =	vst v0;
	v0 =	vld [tilespmem:$0x1E8C0];
	v1 =	vsel vm12, $0x2900, v1  }
0x411: {  	[tilespmem:$0x1EEC0] =	vst v1;
	v1 =	vld [tilespmem:$0x1EB00];
	_ =	sdelay $0x3  }
0x412: {  	v0 =	vsel vm11, $0x2B8, v0  }
0x413: {  	[tilespmem:$0x1ECA0] =	vst v0;
	v1 =	vsel vm12, $0x2EA, v1  }
0x414: {  	v0 =	vld [tilespmem:$0x1E8D0];
	[tilespmem:$0x1EED0] =	vst v1  }
0x415: {  	v1 =	vld [tilespmem:$0x1EB10];
	_ =	sdelay $0x4  }
0x416: {  	v1 =	vsel vm12, $0x3980, v1  }
0x417: {  	[tilespmem:$0x1EEE0] =	vst v1;
	v1 =	vld [tilespmem:$0x1EB20];
	_ =	sdelay $0x4  }
0x418: {  	v1 =	vsel vm12, $0x3A00, v1  }
0x419: {  	[tilespmem:$0x1EEF0] =	vst v1;
	v1 =	vld [tilespmem:$0x1EB30];
	_ =	sdelay $0x4  }
0x41a: {  	v1 =	vsel vm12, $0x2FC, v1  }
0x41b: {  	[tilespmem:$0x1EF00] =	vst v1;
	v1 =	vld [tilespmem:$0x1EB40];
	_ =	sdelay $0x4  }
0x41c: {  	v1 =	vsel vm12, $0x3A80, v1  }
0x41d: {  	[tilespmem:$0x1EF10] =	vst v1;
	v1 =	vld [tilespmem:$0x1EB50];
	_ =	sdelay $0x4  }
0x41e: {  	v1 =	vsel vm12, $0x2FD, v1  }
0x41f: {  	[tilespmem:$0x1EF20] =	vst v1;
	v1 =	vld [tilespmem:$0x1EB60];
	_ =	sdelay $0x4  }
0x420: {  	v1 =	vsel vm12, $0x3B00, v1  }
0x421: {  	[tilespmem:$0x1EF30] =	vst v1;
	v1 =	vld [tilespmem:$0x1EB70];
	_ =	sdelay $0x4  }
0x422: {  	v1 =	vsel vm12, $0x2FE, v1  }
0x423: {  	[tilespmem:$0x1EF40] =	vst v1;
	v1 =	vld [tilespmem:$0x1EB80];
	_ =	sdelay $0x4  }
0x424: {  	v1 =	vsel vm12, $0x3B80, v1  }
0x425: {  	[tilespmem:$0x1EF50] =	vst v1;
	v1 =	vld [tilespmem:$0x1EB90];
	_ =	sdelay $0x4  }
0x426: {  	v1 =	vsel vm12, $0x2FF, v1  }
0x427: {  	[tilespmem:$0x1EF60] =	vst v1;
	v1 =	vld [tilespmem:$0x1EBA0];
	_ =	sdelay $0x4  }
0x428: {  	v1 =	vsel vm12, $0x3000, v1  }
0x429: {  	[tilespmem:$0x1EF70] =	vst v1;
	v1 =	vld [tilespmem:$0x1EBB0];
	_ =	sdelay $0x4  }
0x42a: {  	v1 =	vsel vm12, $0x2F0, v1  }
0x42b: {  	[tilespmem:$0x1EF80] =	vst v1;
	v1 =	vld [tilespmem:$0x1EBC0];
	_ =	sdelay $0x4  }
0x42c: {  	v1 =	vsel vm12, $0x3080, v1  }
0x42d: {  	[tilespmem:$0x1EF90] =	vst v1;
	v1 =	vld [tilespmem:$0x1EBD0];
	_ =	sdelay $0x4  }
0x42e: {  	v1 =	vsel vm12, $0x2F1, v1  }
0x42f: {  	[tilespmem:$0x1EFA0] =	vst v1;
	v1 =	vld [tilespmem:$0x1EBE0];
	_ =	sdelay $0x4  }
0x430: {  	v1 =	vsel vm12, $0x3100, v1  }
0x431: {  	[tilespmem:$0x1EFB0] =	vst v1;
	v1 =	vld [tilespmem:$0x1EBF0];
	_ =	sdelay $0x4  }
0x432: {  	v1 =	vsel vm12, $0x2F2, v1  }
0x433: {  	[tilespmem:$0x1EFC0] =	vst v1;
	v1 =	vld [tilespmem:$0x1EC00];
	_ =	sdelay $0x4  }
0x434: {  	v1 =	vsel vm12, $0x3180, v1  }
0x435: {  	[tilespmem:$0x1EFD0] =	vst v1;
	v1 =	vld [tilespmem:$0x1EC10];
	_ =	sdelay $0x4  }
0x436: {  	v1 =	vsel vm12, $0x2F3, v1  }
0x437: {  	[tilespmem:$0x1EFE0] =	vst v1;
	v1 =	vld [tilespmem:$0x1EC20];
	_ =	sdelay $0x4  }
0x438: {  	v1 =	vsel vm12, $0x3200, v1  }
0x439: {  	[tilespmem:$0x1EFF0] =	vst v1;
	v1 =	vld [tilespmem:$0x1EC30];
	_ =	sdelay $0x4  }
0x43a: {  	v1 =	vsel vm12, $0x2F4, v1  }
0x43b: {  	[tilespmem:$0x1F000] =	vst v1;
	v1 =	vld [tilespmem:$0x1EC40];
	_ =	sdelay $0x4  }
0x43c: {  	v1 =	vsel vm12, $0x3280, v1  }
0x43d: {  	[tilespmem:$0x1F010] =	vst v1;
	v1 =	vld [tilespmem:$0x1EC50];
	_ =	sdelay $0x4  }
0x43e: {  	v1 =	vsel vm12, $0x2F5, v1  }
0x43f: {  	[tilespmem:$0x1F020] =	vst v1;
	v1 =	vld [tilespmem:$0x1EC60];
	_ =	sdelay $0x4  }
0x440: {  	v1 =	vsel vm12, $0x3300, v1  }
0x441: {  	[tilespmem:$0x1F030] =	vst v1;
	v1 =	vld [tilespmem:$0x1EC70];
	_ =	sdelay $0x4  }
0x442: {  	v1 =	vsel vm12, $0x3380, v1  }
0x443: {  	[tilespmem:$0x1F040] =	vst v1;
	v1 =	vld [tilespmem:$0x1EC80];
	_ =	sdelay $0x4  }
0x444: {  	v1 =	vsel vm12, $0x3800, v1  }
0x445: {  	[tilespmem:$0x1F050] =	vst v1;
	v1 =	vld [tilespmem:$0x1EC90];
	_ =	sdelay $0x4  }
0x446: {  	v1 =	vsel vm12, $0x3880, v1  }
0x447: {  	[tilespmem:$0x1F060] =	vst v1;
	v1 =	vld [tilespmem:$0x1ECA0];
	_ =	sdelay $0x4  }
0x448: {  	v1 =	vsel vm12, $0x2F9, v1  }
0x449: {  	[tilespmem:$0x1F070] =	vst v1;
	v1 =	vld [tilespmem:$0x1ECC0];
	_ =	sdelay $0x3  }
0x44a: {  	vm13 =	vcmask $0x3330  }
0x44b: {  	v1 =	vsel vm13, $0xA00, v1  }
0x44c: {  	[tilespmem:$0x1F090] =	vst v1;
	v1 =	vld [tilespmem:$0x1ECD0];
	_ =	sdelay $0x4  }
0x44d: {  	v1 =	vsel vm13, $0x1980, v1  }
0x44e: {  	[tilespmem:$0x1F0A0] =	vst v1;
	v1 =	vld [tilespmem:$0x1ECE0];
	_ =	sdelay $0x4  }
0x44f: {  	v1 =	vsel vm13, $0x31B, v1  }
0x450: {  	[tilespmem:$0x1F0B0] =	vst v1;
	v1 =	vld [tilespmem:$0x1ECF0];
	_ =	sdelay $0x4  }
0x451: {  	v1 =	vsel vm13, $0x2A00, v1  }
0x452: {  	[tilespmem:$0x1F0C0] =	vst v1;
	v1 =	vld [tilespmem:$0x1ED00];
	_ =	sdelay $0x4  }
0x453: {  	v1 =	vsel vm13, $0x2A80, v1  }
0x454: {  	[tilespmem:$0x1F0D0] =	vst v1;
	v1 =	vld [tilespmem:$0x1ED10];
	_ =	sdelay $0x4  }
0x455: {  	v1 =	vsel vm13, $0x32D, v1  }
0x456: {  	[tilespmem:$0x1F0E0] =	vst v1;
	v1 =	vld [tilespmem:$0x1ED20];
	_ =	sdelay $0x4  }
0x457: {  	v1 =	vsel vm13, $0x2B00, v1  }
0x458: {  	[tilespmem:$0x1F0F0] =	vst v1;
	v1 =	vld [tilespmem:$0x1ED30];
	_ =	sdelay $0x4  }
0x459: {  	v1 =	vsel vm13, $0x32E, v1  }
0x45a: {  	[tilespmem:$0x1F100] =	vst v1;
	v1 =	vld [tilespmem:$0x1ED40];
	_ =	sdelay $0x4  }
0x45b: {  	v1 =	vsel vm13, $0x2B80, v1  }
0x45c: {  	[tilespmem:$0x1F110] =	vst v1;
	v1 =	vld [tilespmem:$0x1ED50];
	_ =	sdelay $0x4  }
0x45d: {  	v1 =	vsel vm13, $0x32F, v1  }
0x45e: {  	[tilespmem:$0x1F120] =	vst v1;
	v1 =	vld [tilespmem:$0x1ED60];
	_ =	sdelay $0x4  }
0x45f: {  	v1 =	vsel vm13, $0x2000, v1  }
0x460: {  	[tilespmem:$0x1F130] =	vst v1;
	v1 =	vld [tilespmem:$0x1ED70];
	_ =	sdelay $0x4  }
0x461: {  	v1 =	vsel vm13, $0x320, v1  }
0x462: {  	[tilespmem:$0x1F140] =	vst v1;
	v1 =	vld [tilespmem:$0x1ED80];
	_ =	sdelay $0x4  }
0x463: {  	v1 =	vsel vm13, $0x2080, v1  }
0x464: {  	[tilespmem:$0x1F150] =	vst v1;
	v1 =	vld [tilespmem:$0x1ED90];
	_ =	sdelay $0x4  }
0x465: {  	v1 =	vsel vm13, $0x321, v1  }
0x466: {  	[tilespmem:$0x1F160] =	vst v1;
	v1 =	vld [tilespmem:$0x1EDA0];
	_ =	sdelay $0x4  }
0x467: {  	v1 =	vsel vm13, $0x2100, v1  }
0x468: {  	[tilespmem:$0x1F170] =	vst v1;
	v1 =	vld [tilespmem:$0x1EDB0];
	_ =	sdelay $0x4  }
0x469: {  	v1 =	vsel vm13, $0x322, v1  }
0x46a: {  	[tilespmem:$0x1F180] =	vst v1;
	v1 =	vld [tilespmem:$0x1EDC0];
	_ =	sdelay $0x4  }
0x46b: {  	v1 =	vsel vm13, $0x2180, v1  }
0x46c: {  	[tilespmem:$0x1F190] =	vst v1;
	v1 =	vld [tilespmem:$0x1EDD0];
	_ =	sdelay $0x4  }
0x46d: {  	v1 =	vsel vm13, $0x323, v1  }
0x46e: {  	[tilespmem:$0x1F1A0] =	vst v1;
	v1 =	vld [tilespmem:$0x1EDE0];
	_ =	sdelay $0x4  }
0x46f: {  	v1 =	vsel vm13, $0x2200, v1  }
0x470: {  	[tilespmem:$0x1F1B0] =	vst v1;
	v1 =	vld [tilespmem:$0x1EDF0];
	_ =	sdelay $0x4  }
0x471: {  	v1 =	vsel vm13, $0x324, v1  }
0x472: {  	[tilespmem:$0x1F1C0] =	vst v1;
	v1 =	vld [tilespmem:$0x1EE00];
	_ =	sdelay $0x4  }
0x473: {  	v1 =	vsel vm13, $0x2280, v1  }
0x474: {  	[tilespmem:$0x1F1D0] =	vst v1;
	v1 =	vld [tilespmem:$0x1EE10];
	_ =	sdelay $0x4  }
0x475: {  	v1 =	vsel vm13, $0x325, v1  }
0x476: {  	[tilespmem:$0x1F1E0] =	vst v1;
	v1 =	vld [tilespmem:$0x1EE20];
	_ =	sdelay $0x4  }
0x477: {  	v1 =	vsel vm13, $0x2300, v1  }
0x478: {  	[tilespmem:$0x1F1F0] =	vst v1;
	v1 =	vld [tilespmem:$0x1EE30];
	_ =	sdelay $0x4  }
0x479: {  	v1 =	vsel vm13, $0x326, v1  }
0x47a: {  	[tilespmem:$0x1F200] =	vst v1;
	v1 =	vld [tilespmem:$0x1EE40];
	_ =	sdelay $0x4  }
0x47b: {  	v1 =	vsel vm13, $0x2380, v1  }
0x47c: {  	[tilespmem:$0x1F210] =	vst v1;
	v1 =	vld [tilespmem:$0x1EE50];
	_ =	sdelay $0x4  }
0x47d: {  	v1 =	vsel vm13, $0x327, v1  }
0x47e: {  	[tilespmem:$0x1F220] =	vst v1;
	v1 =	vld [tilespmem:$0x1EE60];
	_ =	sdelay $0x4  }
0x47f: {  	v1 =	vsel vm13, $0x2800, v1  }
0x480: {  	[tilespmem:$0x1F230] =	vst v1;
	v1 =	vld [tilespmem:$0x1EE70];
	_ =	sdelay $0x4  }
0x481: {  	v1 =	vsel vm13, $0x328, v1  }
0x482: {  	[tilespmem:$0x1F240] =	vst v1;
	v1 =	vld [tilespmem:$0x1EE80];
	_ =	sdelay $0x4  }
0x483: {  	v1 =	vsel vm13, $0x2880, v1  }
0x484: {  	[tilespmem:$0x1F250] =	vst v1;
	v1 =	vld [tilespmem:$0x1EE90];
	_ =	sdelay $0x4  }
0x485: {  	v1 =	vsel vm13, $0x329, v1  }
0x486: {  	[tilespmem:$0x1F260] =	vst v1;
	v1 =	vld [tilespmem:$0x1EEA0];
	_ =	sdelay $0x4  }
0x487: {  	v1 =	vsel vm13, $0x2900, v1  }
0x488: {  	[tilespmem:$0x1F270] =	vst v1;
	v1 =	vld [tilespmem:$0x1EEB0];
	_ =	sdelay $0x4  }
0x489: {  	v1 =	vsel vm13, $0x32A, v1  }
0x48a: {  	[tilespmem:$0x1F280] =	vst v1;
	v1 =	vld [tilespmem:$0x1EEC0];
	_ =	sdelay $0x4  }
0x48b: {  	v1 =	vsel vm13, $0x2980, v1  }
0x48c: {  	[tilespmem:$0x1F290] =	vst v1;
	v1 =	vld [tilespmem:$0x1EED0];
	_ =	sdelay $0x4  }
0x48d: {  	v1 =	vsel vm13, $0x32B, v1  }
0x48e: {  	[tilespmem:$0x1F2A0] =	vst v1;
	v1 =	vld [tilespmem:$0x1EEE0];
	_ =	sdelay $0x4  }
0x48f: {  	v1 =	vsel vm13, $0x3A00, v1  }
0x490: {  	[tilespmem:$0x1F2B0] =	vst v1;
	v1 =	vld [tilespmem:$0x1EEF0];
	_ =	sdelay $0x4  }
0x491: {  	v1 =	vsel vm13, $0x3A80, v1  }
0x492: {  	[tilespmem:$0x1F2C0] =	vst v1;
	v1 =	vld [tilespmem:$0x1EF00];
	_ =	sdelay $0x4  }
0x493: {  	v1 =	vsel vm13, $0x33D, v1  }
0x494: {  	[tilespmem:$0x1F2D0] =	vst v1;
	v1 =	vld [tilespmem:$0x1EF10];
	_ =	sdelay $0x4  }
0x495: {  	v1 =	vsel vm13, $0x3B00, v1  }
0x496: {  	[tilespmem:$0x1F2E0] =	vst v1;
	v1 =	vld [tilespmem:$0x1EF20];
	_ =	sdelay $0x4  }
0x497: {  	v1 =	vsel vm13, $0x33E, v1  }
0x498: {  	[tilespmem:$0x1F2F0] =	vst v1;
	v1 =	vld [tilespmem:$0x1EF30];
	_ =	sdelay $0x4  }
0x499: {  	v1 =	vsel vm13, $0x3B80, v1  }
0x49a: {  	[tilespmem:$0x1F300] =	vst v1;
	v1 =	vld [tilespmem:$0x1EF40];
	_ =	sdelay $0x4  }
0x49b: {  	v1 =	vsel vm13, $0x33F, v1  }
0x49c: {  	[tilespmem:$0x1F310] =	vst v1;
	v1 =	vld [tilespmem:$0x1EF50];
	_ =	sdelay $0x4  }
0x49d: {  	v1 =	vsel vm13, $0x3000, v1  }
0x49e: {  	[tilespmem:$0x1F320] =	vst v1;
	v1 =	vld [tilespmem:$0x1EF60];
	_ =	sdelay $0x4  }
0x49f: {  	v1 =	vsel vm13, $0x330, v1  }
0x4a0: {  	[tilespmem:$0x1F330] =	vst v1;
	v1 =	vld [tilespmem:$0x1EF70];
	_ =	sdelay $0x4  }
0x4a1: {  	v1 =	vsel vm13, $0x3080, v1  }
0x4a2: {  	[tilespmem:$0x1F340] =	vst v1;
	v1 =	vld [tilespmem:$0x1EF80];
	_ =	sdelay $0x4  }
0x4a3: {  	v1 =	vsel vm13, $0x331, v1  }
0x4a4: {  	[tilespmem:$0x1F350] =	vst v1;
	v1 =	vld [tilespmem:$0x1EF90];
	_ =	sdelay $0x4  }
0x4a5: {  	v1 =	vsel vm13, $0x3100, v1  }
0x4a6: {  	[tilespmem:$0x1F360] =	vst v1;
	v1 =	vld [tilespmem:$0x1EFA0];
	_ =	sdelay $0x4  }
0x4a7: {  	v1 =	vsel vm13, $0x332, v1  }
0x4a8: {  	[tilespmem:$0x1F370] =	vst v1;
	v1 =	vld [tilespmem:$0x1EFB0];
	_ =	sdelay $0x4  }
0x4a9: {  	v1 =	vsel vm13, $0x3180, v1  }
0x4aa: {  	[tilespmem:$0x1F380] =	vst v1;
	v1 =	vld [tilespmem:$0x1EFC0];
	_ =	sdelay $0x4  }
0x4ab: {  	v1 =	vsel vm13, $0x333, v1  }
0x4ac: {  	[tilespmem:$0x1F390] =	vst v1;
	v1 =	vld [tilespmem:$0x1EFD0];
	_ =	sdelay $0x4  }
0x4ad: {  	v1 =	vsel vm13, $0x3200, v1  }
0x4ae: {  	[tilespmem:$0x1F3A0] =	vst v1;
	v1 =	vld [tilespmem:$0x1EFE0];
	_ =	sdelay $0x4  }
0x4af: {  	v1 =	vsel vm13, $0x334, v1  }
0x4b0: {  	[tilespmem:$0x1F3B0] =	vst v1;
	v1 =	vld [tilespmem:$0x1EFF0];
	_ =	sdelay $0x4  }
0x4b1: {  	v1 =	vsel vm13, $0x3280, v1  }
0x4b2: {  	[tilespmem:$0x1F3C0] =	vst v1;
	v1 =	vld [tilespmem:$0x1F000];
	_ =	sdelay $0x4  }
0x4b3: {  	v1 =	vsel vm13, $0x335, v1  }
0x4b4: {  	[tilespmem:$0x1F3D0] =	vst v1;
	v1 =	vld [tilespmem:$0x1F010];
	_ =	sdelay $0x4  }
0x4b5: {  	v1 =	vsel vm13, $0x3300, v1  }
0x4b6: {  	[tilespmem:$0x1F3E0] =	vst v1;
	v1 =	vld [tilespmem:$0x1F020];
	_ =	sdelay $0x4  }
0x4b7: {  	v1 =	vsel vm13, $0x336, v1  }
0x4b8: {  	[tilespmem:$0x1F3F0] =	vst v1;
	v1 =	vld [tilespmem:$0x1F030];
	_ =	sdelay $0x4  }
0x4b9: {  	v1 =	vsel vm13, $0x3380, v1  }
0x4ba: {  	[tilespmem:$0x1F400] =	vst v1;
	v1 =	vld [tilespmem:$0x1F040];
	_ =	sdelay $0x4  }
0x4bb: {  	v1 =	vsel vm13, $0x3800, v1  }
0x4bc: {  	[tilespmem:$0x1F410] =	vst v1;
	v1 =	vld [tilespmem:$0x1F050];
	_ =	sdelay $0x4  }
0x4bd: {  	v1 =	vsel vm13, $0x3880, v1  }
0x4be: {  	v23 =	vsel vm5, $0x10F, v23;
	[tilespmem:$0x1F420] =	vst v1;
	v1 =	vld [tilespmem:$0x1F060]  }
0x4bf: {  	v23 =	vsel vm6, $0x140, v23  }
0x4c0: {  	v23 =	vsel vm7, $0x181, v23  }
0x4c1: {  	v23 =	vsel vm8, $0x1C2, v23;
	v0 =	vsel vm11, $0x3880, v0  }
0x4c2: {  	v23 =	vsel vm9, $0x203, v23;
	v0 =	vsel vm12, $0x3900, v0  }
0x4c3: {  	v23 =	vsel vm10, $0x244, v23;
	[tilespmem:$0x1F080] =	vst v0;
	v0 =	vld [tilespmem:$0x1ECB0];
	v1 =	vsel vm13, $0x3900, v1  }
0x4c4: {  	v23 =	vsel vm11, $0x285, v23;
	[tilespmem:$0x1F430] =	vst v1;
	v1 =	vld [tilespmem:$0x1F070]  }
0x4c5: {  	v23 =	vsel vm12, $0x2C6, v23  }
0x4c6: {  	vm14 =	vcmask $0x3734;
	v23 =	vsel vm13, $0x307, v23  }
0x4c7: {  	v36 =	vsel vm6, $0x156, v36;
	v40 =	vsel vm6, $0x158, v40;
	v48 =	vsel vm6, $0x15C, v48  }
0x4c8: {  	v36 =	vsel vm7, $0x197, v36;
	v40 =	vsel vm7, $0x199, v40;
	v48 =	vsel vm7, $0x19D, v48  }
0x4c9: {  	v36 =	vsel vm8, $0x1D8, v36;
	v0 =	vsel vm12, $0x2FA, v0;
	v1 =	vsel vm13, $0x33A, v1  }
0x4ca: {  	v40 =	vsel vm8, $0x1DA, v40;
	v48 =	vsel vm8, $0x1DE, v48;
	v0 =	vsel vm13, $0x33B, v0;
	[tilespmem:$0x1F440] =	vst v1;
	v1 =	vld [tilespmem:$0x1F080]  }
0x4cb: {  	v36 =	vsel vm9, $0x219, v36;
	v40 =	vsel vm9, $0x21B, v40;
	v48 =	vsel vm9, $0x21F, v48;
	[tilespmem:$0x1F460] =	vst v0;
	v0 =	vld [tilespmem:$0x1F090]  }
0x4cc: {  	v36 =	vsel vm10, $0x25A, v36;
	v40 =	vsel vm10, $0x25C, v40;
	v48 =	vsel vm10, $0x250, v48  }
0x4cd: {  	v36 =	vsel vm11, $0x29B, v36;
	v40 =	vsel vm11, $0x29D, v40;
	v48 =	vsel vm11, $0x291, v48  }
0x4ce: {  	v36 =	vsel vm12, $0x2DC, v36;
	v40 =	vsel vm12, $0x2DE, v40;
	v48 =	vsel vm12, $0x2D2, v48  }
0x4cf: {  	v36 =	vsel vm13, $0x31D, v36;
	v40 =	vsel vm13, $0x31F, v40;
	v1 =	vsel vm13, $0x3980, v1  }
0x4d0: {  	[tilespmem:$0x1F450] =	vst v1;
	v1 =	vsel vm14, $0xA80, v0;
	v0 =	vsel vm14, $0x348, v23;
	v23 =	vsel vm14, $0x35E, v36  }
0x4d1: {  	v48 =	vsel vm13, $0x313, v48;
	[tilespmem:$0x1F560] =	vst v23;
	v23 =	vsel vm14, $0x350, v40  }
0x4d2: {  	[tilespmem:$0x1F590] =	vst v23;
	v23 =	vsel vm14, $0x354, v48  }
0x4d3: {  	[tilespmem:$0x1F5F0] =	vst v23;
	v23 =	vld [tilespmem:$0x1F0A0];
	_ =	sdelay $0x4  }
0x4d4: {  	v23 =	vsel vm14, $0x1A00, v23  }
0x4d5: {  	[tilespmem:$0x1F680] =	vst v23;
	v23 =	vld [tilespmem:$0x1F0B0];
	_ =	sdelay $0x4  }
0x4d6: {  	v23 =	vsel vm14, $0x35C, v23  }
0x4d7: {  	[tilespmem:$0x1F690] =	vst v23;
	v23 =	vld [tilespmem:$0x1F0C0];
	_ =	sdelay $0x4  }
0x4d8: {  	v23 =	vsel vm14, $0x2A80, v23  }
0x4d9: {  	[tilespmem:$0x1F6A0] =	vst v23;
	v23 =	vld [tilespmem:$0x1F0D0];
	_ =	sdelay $0x4  }
0x4da: {  	v23 =	vsel vm14, $0x2B00, v23  }
0x4db: {  	[tilespmem:$0x1F6B0] =	vst v23;
	v23 =	vld [tilespmem:$0x1F0E0];
	_ =	sdelay $0x4  }
0x4dc: {  	v23 =	vsel vm14, $0x36E, v23  }
0x4dd: {  	[tilespmem:$0x1F6C0] =	vst v23;
	v23 =	vld [tilespmem:$0x1F0F0];
	_ =	sdelay $0x4  }
0x4de: {  	v23 =	vsel vm14, $0x2B80, v23  }
0x4df: {  	[tilespmem:$0x1F6E0] =	vst v23;
	v23 =	vld [tilespmem:$0x1F100];
	_ =	sdelay $0x4  }
0x4e0: {  	v23 =	vsel vm14, $0x36F, v23  }
0x4e1: {  	[tilespmem:$0x1F700] =	vst v23;
	v23 =	vld [tilespmem:$0x1F110];
	_ =	sdelay $0x4  }
0x4e2: {  	v23 =	vsel vm14, $0x2000, v23  }
0x4e3: {  	[tilespmem:$0x1F720] =	vst v23;
	v23 =	vld [tilespmem:$0x1F120];
	_ =	sdelay $0x4  }
0x4e4: {  	v23 =	vsel vm14, $0x360, v23  }
0x4e5: {  	[tilespmem:$0x1F740] =	vst v23;
	v23 =	vld [tilespmem:$0x1F130];
	_ =	sdelay $0x4  }
0x4e6: {  	v23 =	vsel vm14, $0x2080, v23  }
0x4e7: {  	[tilespmem:$0x1F760] =	vst v23;
	v23 =	vld [tilespmem:$0x1F140];
	_ =	sdelay $0x4  }
0x4e8: {  	v23 =	vsel vm14, $0x361, v23  }
0x4e9: {  	[tilespmem:$0x1F770] =	vst v23;
	v23 =	vld [tilespmem:$0x1F150];
	_ =	sdelay $0x4  }
0x4ea: {  	v23 =	vsel vm14, $0x2100, v23  }
0x4eb: {  	[tilespmem:$0x1F790] =	vst v23;
	v23 =	vld [tilespmem:$0x1F160];
	_ =	sdelay $0x4  }
0x4ec: {  	v23 =	vsel vm14, $0x362, v23  }
0x4ed: {  	[tilespmem:$0x1F7A0] =	vst v23;
	v23 =	vld [tilespmem:$0x1F170];
	_ =	sdelay $0x4  }
0x4ee: {  	v23 =	vsel vm14, $0x2180, v23  }
0x4ef: {  	[tilespmem:$0x1F7C0] =	vst v23;
	v23 =	vld [tilespmem:$0x1F180];
	_ =	sdelay $0x4  }
0x4f0: {  	v23 =	vsel vm14, $0x363, v23  }
0x4f1: {  	[tilespmem:$0x1F7D0] =	vst v23;
	v23 =	vld [tilespmem:$0x1F190];
	_ =	sdelay $0x4  }
0x4f2: {  	v23 =	vsel vm14, $0x2200, v23  }
0x4f3: {  	[tilespmem:$0x1F7E0] =	vst v23;
	v23 =	vld [tilespmem:$0x1F1A0];
	_ =	sdelay $0x4  }
0x4f4: {  	v23 =	vsel vm14, $0x364, v23  }
0x4f5: {  	[tilespmem:$0x1F800] =	vst v23;
	v23 =	vld [tilespmem:$0x1F1B0];
	_ =	sdelay $0x4  }
0x4f6: {  	v23 =	vsel vm14, $0x2280, v23  }
0x4f7: {  	[tilespmem:$0x1F810] =	vst v23;
	v23 =	vld [tilespmem:$0x1F1C0];
	_ =	sdelay $0x4  }
0x4f8: {  	v23 =	vsel vm14, $0x365, v23  }
0x4f9: {  	[tilespmem:$0x1F830] =	vst v23;
	v23 =	vld [tilespmem:$0x1F1D0];
	_ =	sdelay $0x4  }
0x4fa: {  	v23 =	vsel vm14, $0x2300, v23  }
0x4fb: {  	[tilespmem:$0x1F850] =	vst v23;
	v23 =	vld [tilespmem:$0x1F1E0];
	_ =	sdelay $0x4  }
0x4fc: {  	v23 =	vsel vm14, $0x366, v23  }
0x4fd: {  	[tilespmem:$0x1F870] =	vst v23;
	v23 =	vld [tilespmem:$0x1F1F0];
	_ =	sdelay $0x4  }
0x4fe: {  	v23 =	vsel vm14, $0x2380, v23  }
0x4ff: {  	[tilespmem:$0x1F890] =	vst v23;
	v23 =	vld [tilespmem:$0x1F200];
	_ =	sdelay $0x4  }
0x500: {  	v23 =	vsel vm14, $0x367, v23  }
0x501: {  	[tilespmem:$0x1F8B0] =	vst v23;
	v23 =	vld [tilespmem:$0x1F210];
	_ =	sdelay $0x4  }
0x502: {  	v23 =	vsel vm14, $0x2800, v23  }
0x503: {  	[tilespmem:$0x1F8C0] =	vst v23;
	v23 =	vld [tilespmem:$0x1F220];
	_ =	sdelay $0x4  }
0x504: {  	v23 =	vsel vm14, $0x368, v23  }
0x505: {  	[tilespmem:$0x1F8E0] =	vst v23;
	v23 =	vld [tilespmem:$0x1F230];
	_ =	sdelay $0x4  }
0x506: {  	v23 =	vsel vm14, $0x2880, v23  }
0x507: {  	[tilespmem:$0x1F900] =	vst v23;
	v23 =	vld [tilespmem:$0x1F240];
	_ =	sdelay $0x3  }
0x508: {  	v57 =	vimm.s32 $0xF0BF7E3D  }
0x509: {  	v57 =	vunpack.c.0.s8.s32 v57;
	v23 =	vsel vm14, $0x369, v23  }
0x50a: {  	[tilespmem:$0x1F920] =	vst v23;
	v23 =	vld [tilespmem:$0x1F250]  }
0x50b: {  	v57 =	vand.u32 $0xFF, v57  }
0x50c: {  	v57 =	vnsel vm0, $0x3FC, v57  }
0x50d: {  	vm15 =	vcmask $0x3B38;
	v57 =	vsel vm5, $0x131, v57;
	v5 =	vsel vm6, $0x147, v5  }
0x50e: {  	v57 =	vsel vm6, $0x172, v57;
	v5 =	vsel vm7, $0x188, v5;
	v7 =	vsel vm6, $0x148, v7  }
0x50f: {  	v5 =	vsel vm8, $0x1C9, v5;
	v8 =	vsel vm6, $0x880, v8;
	v23 =	vsel vm14, $0x2900, v23  }
0x510: {  	v7 =	vsel vm7, $0x189, v7;
	v5 =	vsel vm9, $0x20A, v5;
	v8 =	vsel vm7, $0x900, v8;
	[tilespmem:$0x1F930] =	vst v23;
	v23 =	vld [tilespmem:$0x1F260]  }
0x511: {  	v7 =	vsel vm8, $0x1CA, v7;
	v5 =	vsel vm10, $0x24B, v5;
	v10 =	vsel vm6, $0x900, v10  }
0x512: {  	v8 =	vsel vm8, $0x980, v8;
	v7 =	vsel vm9, $0x20B, v7;
	v5 =	vsel vm11, $0x28C, v5  }
0x513: {  	v11 =	vsel vm6, $0x14A, v11;
	v10 =	vsel vm7, $0x980, v10;
	v8 =	vsel vm9, $0xA00, v8  }
0x514: {  	v7 =	vsel vm10, $0x24C, v7;
	v5 =	vsel vm12, $0x2CD, v5;
	v11 =	vsel vm7, $0x18B, v11  }
0x515: {  	v10 =	vsel vm8, $0xA00, v10;
	v8 =	vsel vm10, $0xA80, v8;
	v23 =	vsel vm14, $0x36A, v23  }
0x516: {  	v7 =	vsel vm11, $0x28D, v7;
	v5 =	vsel vm13, $0x30E, v5;
	v13 =	vsel vm6, $0x14B, v13;
	[tilespmem:$0x1F950] =	vst v23;
	v23 =	vld [tilespmem:$0x1F270]  }
0x517: {  	v11 =	vsel vm8, $0x1CC, v11;
	v10 =	vsel vm9, $0xA80, v10;
	v8 =	vsel vm11, $0xB00, v8  }
0x518: {  	v7 =	vsel vm12, $0x2CE, v7;
	v5 =	vsel vm14, $0x34F, v5;
	v14 =	vsel vm6, $0xA00, v14  }
0x519: {  	v13 =	vsel vm7, $0x18C, v13;
	v11 =	vsel vm9, $0x20D, v11;
	v10 =	vsel vm10, $0xB00, v10  }
0x51a: {  	v8 =	vsel vm12, $0xB80, v8;
	v7 =	vsel vm13, $0x30F, v7;
	v15 =	vsel vm6, $0x14C, v15  }
0x51b: {  	v14 =	vsel vm7, $0xA80, v14;
	v13 =	vsel vm8, $0x1CD, v13;
	v23 =	vsel vm14, $0x2980, v23  }
0x51c: {  	v11 =	vsel vm10, $0x24E, v11;
	v10 =	vsel vm11, $0xB80, v10;
	v8 =	vsel vm13, $0x0, v8;
	[tilespmem:$0x1F960] =	vst v23;
	v23 =	vld [tilespmem:$0x1F280]  }
0x51d: {  	v7 =	vsel vm14, $0x340, v7;
	v16 =	vsel vm6, $0xA80, v16;
	v15 =	vsel vm7, $0x18D, v15  }
0x51e: {  	v14 =	vsel vm8, $0xB00, v14;
	v13 =	vsel vm9, $0x20E, v13;
	v11 =	vsel vm11, $0x28F, v11  }
0x51f: {  	v10 =	vsel vm12, $0x0, v10;
	v8 =	vsel vm14, $0x80, v8;
	v17 =	vsel vm6, $0x14D, v17  }
0x520: {  	v16 =	vsel vm7, $0xB00, v16;
	v15 =	vsel vm8, $0x1CE, v15;
	v14 =	vsel vm9, $0xB80, v14  }
0x521: {  	v13 =	vsel vm10, $0x24F, v13;
	v11 =	vsel vm12, $0x2C0, v11;
	v23 =	vsel vm14, $0x36B, v23  }
0x522: {  	v10 =	vsel vm13, $0x80, v10;
	v18 =	vsel vm6, $0xB00, v18;
	v17 =	vsel vm7, $0x18E, v17;
	[tilespmem:$0x1F980] =	vst v23;
	v23 =	vld [tilespmem:$0x1F290]  }
0x523: {  	v16 =	vsel vm8, $0xB80, v16;
	v15 =	vsel vm9, $0x20F, v15;
	v14 =	vsel vm10, $0x0, v14  }
0x524: {  	v13 =	vsel vm11, $0x280, v13;
	v11 =	vsel vm13, $0x301, v11;
	v10 =	vsel vm14, $0x100, v10  }
0x525: {  	v19 =	vsel vm6, $0x14E, v19;
	v18 =	vsel vm7, $0xB80, v18;
	v17 =	vsel vm8, $0x1CF, v17  }
0x526: {  	v16 =	vsel vm9, $0x0, v16;
	v15 =	vsel vm10, $0x240, v15;
	v14 =	vsel vm11, $0x80, v14  }
0x527: {  	v13 =	vsel vm12, $0x2C1, v13;
	v11 =	vsel vm14, $0x342, v11;
	v23 =	vsel vm14, $0x2A00, v23  }
0x528: {  	v20 =	vsel vm6, $0xB80, v20;
	v19 =	vsel vm7, $0x18F, v19;
	v18 =	vsel vm8, $0x0, v18;
	[tilespmem:$0x1F990] =	vst v23;
	v23 =	vld [tilespmem:$0x1F2A0]  }
0x529: {  	v17 =	vsel vm9, $0x200, v17;
	v16 =	vsel vm10, $0x80, v16;
	v15 =	vsel vm11, $0x281, v15  }
0x52a: {  	v14 =	vsel vm12, $0x100, v14;
	v13 =	vsel vm13, $0x302, v13;
	v20 =	vsel vm7, $0x0, v20  }
0x52b: {  	v19 =	vsel vm8, $0x1C0, v19;
	v18 =	vsel vm9, $0x80, v18;
	v17 =	vsel vm10, $0x241, v17  }
0x52c: {  	v16 =	vsel vm11, $0x100, v16;
	v15 =	vsel vm12, $0x2C2, v15;
	v14 =	vsel vm13, $0x180, v14  }
0x52d: {  	v13 =	vsel vm14, $0x343, v13;
	v20 =	vsel vm8, $0x80, v20;
	v23 =	vsel vm14, $0x36C, v23  }
0x52e: {  	v19 =	vsel vm9, $0x201, v19;
	v18 =	vsel vm10, $0x100, v18;
	v17 =	vsel vm11, $0x282, v17;
	[tilespmem:$0x1F9B0] =	vst v23;
	v23 =	vld [tilespmem:$0x1F2B0]  }
0x52f: {  	v16 =	vsel vm12, $0x180, v16;
	v15 =	vsel vm13, $0x303, v15;
	v14 =	vsel vm14, $0x200, v14  }
0x530: {  	v20 =	vsel vm9, $0x100, v20;
	v19 =	vsel vm10, $0x242, v19;
	v18 =	vsel vm11, $0x180, v18  }
0x531: {  	v17 =	vsel vm12, $0x2C3, v17;
	v16 =	vsel vm13, $0x200, v16;
	v15 =	vsel vm14, $0x344, v15  }
0x532: {  	v20 =	vsel vm10, $0x180, v20;
	v19 =	vsel vm11, $0x283, v19;
	v18 =	vsel vm12, $0x200, v18  }
0x533: {  	v17 =	vsel vm13, $0x304, v17;
	v16 =	vsel vm14, $0x280, v16;
	v23 =	vsel vm14, $0x3A80, v23  }
0x534: {  	v20 =	vsel vm11, $0x200, v20;
	v19 =	vsel vm12, $0x2C4, v19;
	v18 =	vsel vm13, $0x280, v18;
	[tilespmem:$0x1F9C0] =	vst v23;
	v23 =	vld [tilespmem:$0x1F2C0]  }
0x535: {  	v17 =	vsel vm14, $0x345, v17;
	v20 =	vsel vm12, $0x280, v20;
	v19 =	vsel vm13, $0x305, v19  }
0x536: {  	v18 =	vsel vm14, $0x300, v18;
	v20 =	vsel vm13, $0x300, v20;
	v19 =	vsel vm14, $0x346, v19  }
0x537: {  	v20 =	vsel vm14, $0x380, v20;
	v22 =	vsel vm5, $0xB80, v22;
	v24 =	vsel vm5, $0x0, v24  }
0x538: {  	v25 =	vsel vm5, $0x100, v25;
	v26 =	vsel vm5, $0x80, v26;
	v29 =	vsel vm5, $0x101, v29  }
0x539: {  	v22 =	vsel vm6, $0x0, v22;
	v24 =	vsel vm6, $0x80, v24;
	v23 =	vsel vm14, $0x3B00, v23  }
0x53a: {  	v25 =	vsel vm6, $0x141, v25;
	v26 =	vsel vm6, $0x100, v26;
	v45 =	vsel vm6, $0x1980, v45;
	[tilespmem:$0x1F9E0] =	vst v23;
	v23 =	vld [tilespmem:$0x1F2D0]  }
0x53b: {  	v29 =	vsel vm6, $0x142, v29;
	v24 =	vsel vm7, $0x100, v24;
	v45 =	vsel vm7, $0x1A00, v45  }
0x53c: {  	v32 =	vsel vm6, $0x200, v32;
	v24 =	vsel vm8, $0x180, v24;
	v45 =	vsel vm8, $0x1A80, v45  }
0x53d: {  	v33 =	vsel vm6, $0x144, v33;
	v24 =	vsel vm9, $0x200, v24;
	v45 =	vsel vm9, $0x1B00, v45  }
0x53e: {  	v37 =	vsel vm6, $0x1380, v37;
	v24 =	vsel vm10, $0x280, v24;
	v45 =	vsel vm10, $0x1B80, v45  }
0x53f: {  	v24 =	vsel vm11, $0x300, v24;
	v45 =	vsel vm11, $0x1000, v45;
	v23 =	vsel vm14, $0x37E, v23  }
0x540: {  	v41 =	vsel vm6, $0x1880, v41;
	v24 =	vsel vm12, $0x380, v24;
	v45 =	vsel vm12, $0x1080, v45;
	[tilespmem:$0x1F9F0] =	vst v23;
	v23 =	vld [tilespmem:$0x1F2E0]  }
0x541: {  	v24 =	vsel vm13, $0x800, v24;
	v45 =	vsel vm13, $0x1100, v45;
	v44 =	vsel vm6, $0x15A, v44  }
0x542: {  	v47 =	vsel vm6, $0x1A00, v47;
	v44 =	vsel vm7, $0x19B, v44;
	v46 =	vsel vm6, $0x15B, v46  }
0x543: {  	v47 =	vsel vm7, $0x1A80, v47;
	v44 =	vsel vm8, $0x1DC, v44;
	v46 =	vsel vm7, $0x19C, v46  }
0x544: {  	v47 =	vsel vm8, $0x1B00, v47;
	v44 =	vsel vm9, $0x21D, v44;
	v46 =	vsel vm8, $0x1DD, v46  }
0x545: {  	v47 =	vsel vm9, $0x1B80, v47;
	v46 =	vsel vm9, $0x21E, v46;
	v23 =	vsel vm14, $0x3B80, v23  }
0x546: {  	v44 =	vsel vm10, $0x25E, v44;
	v47 =	vsel vm10, $0x1000, v47;
	v46 =	vsel vm10, $0x25F, v46;
	[tilespmem:$0x1FA10] =	vst v23;
	v23 =	vld [tilespmem:$0x1F2F0]  }
0x547: {  	v44 =	vsel vm11, $0x29F, v44;
	v47 =	vsel vm11, $0x1080, v47;
	v46 =	vsel vm11, $0x290, v46  }
0x548: {  	v44 =	vsel vm12, $0x2D0, v44;
	v47 =	vsel vm12, $0x1100, v47;
	v46 =	vsel vm12, $0x2D1, v46  }
0x549: {  	v44 =	vsel vm13, $0x311, v44;
	v47 =	vsel vm13, $0x1180, v47;
	v46 =	vsel vm13, $0x312, v46  }
0x54a: {  	[tilespmem:$0x1F4C0] =	vst v0;
	v0 =	vsel vm14, $0x880, v24;
	v24 =	vsel vm14, $0x352, v44;
	v44 =	vsel vm14, $0x1180, v45  }
0x54b: {  	v45 =	vsel vm14, $0x353, v46;
	v46 =	vsel vm14, $0x1200, v47;
	v47 =	vsel vm14, $0x37F, v23;
	v23 =	vld [tilespmem:$0x1F300]  }
0x54c: {  	v49 =	vsel vm6, $0x1A80, v49;
	v53 =	vsel vm6, $0x1B80, v53;
	v58 =	vsel vm6, $0x1080, v58  }
0x54d: {  	v22 =	vsel vm7, $0x80, v22;
	v25 =	vsel vm7, $0x182, v25;
	v26 =	vsel vm7, $0x180, v26  }
0x54e: {  	v29 =	vsel vm7, $0x183, v29;
	v32 =	vsel vm7, $0x280, v32;
	v33 =	vsel vm7, $0x185, v33  }
0x54f: {  	v37 =	vsel vm7, $0x1800, v37;
	v41 =	vsel vm7, $0x1900, v41;
	v49 =	vsel vm7, $0x1B00, v49  }
0x550: {  	v53 =	vsel vm7, $0x1000, v53;
	v58 =	vsel vm7, $0x1100, v58;
	v23 =	vsel vm14, $0x3000, v23  }
0x551: {  	v22 =	vsel vm8, $0x100, v22;
	v25 =	vsel vm8, $0x1C3, v25;
	v26 =	vsel vm8, $0x200, v26;
	[tilespmem:$0x1FA20] =	vst v23;
	v23 =	vld [tilespmem:$0x1F310]  }
0x552: {  	v29 =	vsel vm8, $0x1C4, v29;
	v32 =	vsel vm8, $0x300, v32;
	v33 =	vsel vm8, $0x1C6, v33  }
0x553: {  	v37 =	vsel vm8, $0x1880, v37;
	v41 =	vsel vm8, $0x1980, v41;
	v49 =	vsel vm8, $0x1B80, v49  }
0x554: {  	v53 =	vsel vm8, $0x1080, v53;
	v58 =	vsel vm8, $0x1180, v58;
	v22 =	vsel vm9, $0x180, v22  }
0x555: {  	v25 =	vsel vm9, $0x204, v25;
	v26 =	vsel vm9, $0x280, v26;
	v29 =	vsel vm9, $0x205, v29  }
0x556: {  	v32 =	vsel vm9, $0x380, v32;
	v33 =	vsel vm9, $0x207, v33;
	v23 =	vsel vm14, $0x370, v23  }
0x557: {  	v37 =	vsel vm9, $0x1900, v37;
	v41 =	vsel vm9, $0x1A00, v41;
	v49 =	vsel vm9, $0x1000, v49;
	[tilespmem:$0x1FA40] =	vst v23;
	v23 =	vld [tilespmem:$0x1F320]  }
0x558: {  	v53 =	vsel vm9, $0x1100, v53;
	v58 =	vsel vm9, $0x1200, v58;
	v22 =	vsel vm10, $0x200, v22  }
0x559: {  	v25 =	vsel vm10, $0x245, v25;
	v26 =	vsel vm10, $0x300, v26;
	v29 =	vsel vm10, $0x246, v29  }
0x55a: {  	v32 =	vsel vm10, $0x800, v32;
	v33 =	vsel vm10, $0x248, v33;
	v37 =	vsel vm10, $0x1980, v37  }
0x55b: {  	v41 =	vsel vm10, $0x1A80, v41;
	v49 =	vsel vm10, $0x1080, v49;
	v3 =	vsel vm6, $0x146, v3  }
0x55c: {  	v53 =	vsel vm10, $0x1180, v53;
	v3 =	vsel vm7, $0x187, v3;
	v23 =	vsel vm14, $0x3080, v23  }
0x55d: {  	v58 =	vsel vm10, $0x1280, v58;
	v41 =	vsel vm11, $0x1B00, v41;
	v3 =	vsel vm8, $0x1C8, v3;
	[tilespmem:$0x1FA50] =	vst v23;
	v23 =	vld [tilespmem:$0x1F330]  }
0x55e: {  	v22 =	vsel vm11, $0x280, v22;
	v41 =	vsel vm12, $0x1B80, v41;
	v3 =	vsel vm9, $0x209, v3  }
0x55f: {  	v25 =	vsel vm11, $0x286, v25;
	v41 =	vsel vm13, $0x1000, v41;
	v3 =	vsel vm10, $0x24A, v3  }
0x560: {  	v43 =	vsel vm6, $0x1900, v43;
	v3 =	vsel vm11, $0x28B, v3;
	v42 =	vsel vm6, $0x159, v42  }
0x561: {  	v43 =	vsel vm7, $0x1980, v43;
	v3 =	vsel vm12, $0x2CC, v3;
	v42 =	vsel vm7, $0x19A, v42  }
0x562: {  	v43 =	vsel vm8, $0x1A00, v43;
	v42 =	vsel vm8, $0x1DB, v42;
	v23 =	vsel vm14, $0x371, v23  }
0x563: {  	v3 =	vsel vm13, $0x30D, v3;
	v43 =	vsel vm9, $0x1A80, v43;
	v42 =	vsel vm9, $0x21C, v42;
	[tilespmem:$0x1FA70] =	vst v23;
	v23 =	vld [tilespmem:$0x1F340]  }
0x564: {  	v3 =	vsel vm14, $0x34E, v3;
	v43 =	vsel vm10, $0x1B00, v43;
	v42 =	vsel vm10, $0x25D, v42  }
0x565: {  	v3 =	vsel vm15, $0x38F, v3;
	v43 =	vsel vm11, $0x1B80, v43;
	v42 =	vsel vm11, $0x29E, v42  }
0x566: {  	v43 =	vsel vm12, $0x1000, v43;
	v42 =	vsel vm12, $0x2DF, v42;
	[tilespmem:$0x1F470] =	vst v3;
	v3 =	vsel vm15, $0x383, v11  }
0x567: {  	v43 =	vsel vm13, $0x1080, v43;
	v42 =	vsel vm13, $0x310, v42;
	[tilespmem:$0x1FCE0] =	vst v3;
	v3 =	vsel vm15, $0x384, v13  }
0x568: {  	[tilespmem:$0x1F480] =	vst v3;
	v40 =	vsel vm14, $0x1080, v41;
	v41 =	vsel vm14, $0x351, v42;
	v23 =	vsel vm14, $0x3100, v23  }
0x569: {  	v42 =	vsel vm14, $0x1100, v43;
	v43 =	vsel vm15, $0x380, v5;
	v5 =	vsel vm15, $0x386, v17;
	[tilespmem:$0x1FA80] =	vst v23;
	v23 =	vld [tilespmem:$0x1F350]  }
0x56a: {  	v26 =	vsel vm11, $0x380, v26;
	v3 =	vsel vm15, $0x385, v15;
	[tilespmem:$0x1F490] =	vst v5;
	v5 =	vsel vm15, $0x380, v18  }
0x56b: {  	v29 =	vsel vm11, $0x287, v29;
	v32 =	vsel vm11, $0x880, v32;
	[tilespmem:$0x1F4A0] =	vst v5;
	v5 =	vsel vm15, $0x387, v19;
	v19 =	vmovc v3;
	v3 =	vld [tilespmem:$0x1F4C0]  }
0x56c: {  	v33 =	vsel vm11, $0x289, v33;
	v37 =	vsel vm11, $0x1A00, v37;
	v49 =	vsel vm11, $0x1100, v49  }
0x56d: {  	v53 =	vsel vm11, $0x1200, v53;
	v58 =	vsel vm11, $0x1300, v58;
	v22 =	vsel vm12, $0x300, v22  }
0x56e: {  	v25 =	vsel vm12, $0x2C7, v25;
	v26 =	vsel vm12, $0x800, v26;
	v23 =	vsel vm14, $0x372, v23  }
0x56f: {  	v29 =	vsel vm12, $0x2C8, v29;
	v32 =	vsel vm12, $0x900, v32;
	v33 =	vsel vm12, $0x2CA, v33;
	[tilespmem:$0x1FAA0] =	vst v23;
	v23 =	vld [tilespmem:$0x1F360]  }
0x570: {  	v37 =	vsel vm12, $0x1A80, v37;
	v49 =	vsel vm12, $0x1180, v49;
	[tilespmem:$0x1F4E0] =	vst v0;
	v3 =	vsel vm15, $0x389, v3  }
0x571: {  	v53 =	vsel vm12, $0x1280, v53;
	v58 =	vsel vm12, $0x1380, v58;
	v22 =	vsel vm13, $0x380, v22;
	[tilespmem:$0x1F4D0] =	vst v3;
	v3 =	vld [tilespmem:$0x1F4E0]  }
0x572: {  	v25 =	vsel vm13, $0x308, v25;
	v26 =	vsel vm13, $0x880, v26;
	v29 =	vsel vm13, $0x309, v29  }
0x573: {  	v32 =	vsel vm13, $0x980, v32;
	v33 =	vsel vm13, $0x30B, v33;
	v0 =	vsel vm14, $0x349, v25  }
0x574: {  	v37 =	vsel vm13, $0x1B00, v37;
	v49 =	vsel vm13, $0x1200, v49;
	[tilespmem:$0x1F4F0] =	vst v0;
	v23 =	vsel vm14, $0x3180, v23  }
0x575: {  	v53 =	vsel vm13, $0x1300, v53;
	v58 =	vsel vm13, $0x1800, v58;
	v22 =	vsel vm14, $0x800, v22;
	[tilespmem:$0x1FAC0] =	vst v23;
	v23 =	vld [tilespmem:$0x1F370]  }
0x576: {  	v26 =	vsel vm14, $0x900, v26;
	v29 =	vsel vm14, $0x34A, v29;
	v11 =	vsel vm15, $0x900, v3;
	v3 =	vld [tilespmem:$0x1F4F0]  }
0x577: {  	v32 =	vsel vm14, $0xA00, v32;
	v33 =	vsel vm14, $0x34C, v33;
	v27 =	vimm.s32 $0xFFBE7D3C  }
0x578: {  	v35 =	vsel vm6, $0x1300, v35;
	v51 =	vsel vm6, $0x1B00, v51;
	v34 =	vsel vm6, $0x1280, v34  }
0x579: {  	v52 =	vsel vm6, $0x15E, v52;
	v35 =	vsel vm7, $0x1380, v35;
	v34 =	vsel vm7, $0x1300, v34  }
0x57a: {  	v35 =	vsel vm8, $0x1800, v35;
	v34 =	vsel vm8, $0x1380, v34;
	v23 =	vsel vm14, $0x373, v23  }
0x57b: {  	v35 =	vsel vm9, $0x1880, v35;
	v34 =	vsel vm9, $0x1800, v34;
	v3 =	vsel vm15, $0x38A, v3;
	[tilespmem:$0x1FAE0] =	vst v23;
	v23 =	vld [tilespmem:$0x1F380]  }
0x57c: {  	v35 =	vsel vm10, $0x1900, v35;
	v34 =	vsel vm10, $0x1880, v34;
	[tilespmem:$0x1F500] =	vst v3;
	v3 =	vsel vm15, $0x980, v26  }
0x57d: {  	v35 =	vsel vm11, $0x1980, v35;
	v34 =	vsel vm11, $0x1900, v34;
	[tilespmem:$0x1F510] =	vst v3;
	v3 =	vsel vm15, $0x38B, v29  }
0x57e: {  	v35 =	vsel vm12, $0x1A00, v35;
	v34 =	vsel vm12, $0x1980, v34;
	[tilespmem:$0x1F520] =	vst v3;
	v3 =	vsel vm15, $0xA80, v32  }
0x57f: {  	v35 =	vsel vm13, $0x1A80, v35;
	v34 =	vsel vm13, $0x1A00, v34;
	[tilespmem:$0x1F530] =	vst v3;
	v3 =	vsel vm15, $0x38D, v33  }
0x580: {  	v0 =	vsel vm14, $0x1A80, v34;
	v34 =	vsel vm14, $0x1B00, v35;
	[tilespmem:$0x1F540] =	vst v3;
	v23 =	vsel vm14, $0x3200, v23  }
0x581: {  	v55 =	vsel vm6, $0x1000, v55;
	v56 =	vsel vm6, $0x150, v56;
	v3 =	vsel vm15, $0x1B80, v34;
	[tilespmem:$0x1FAF0] =	vst v23;
	v23 =	vld [tilespmem:$0x1F390]  }
0x582: {  	v51 =	vsel vm7, $0x1B80, v51;
	v52 =	vsel vm7, $0x19F, v52;
	v55 =	vsel vm7, $0x1080, v55;
	[tilespmem:$0x1F550] =	vst v3;
	v3 =	vld [tilespmem:$0x1F560]  }
0x583: {  	v56 =	vsel vm7, $0x191, v56;
	v51 =	vsel vm8, $0x1000, v51;
	v52 =	vsel vm8, $0x1D0, v52  }
0x584: {  	v55 =	vsel vm8, $0x1100, v55;
	v56 =	vsel vm8, $0x1D2, v56;
	v51 =	vsel vm9, $0x1080, v51  }
0x585: {  	v52 =	vsel vm9, $0x211, v52;
	v55 =	vsel vm9, $0x1180, v55;
	v56 =	vsel vm9, $0x213, v56  }
0x586: {  	v60 =	vsel vm5, $0x1080, v60;
	v51 =	vsel vm10, $0x1100, v51;
	v23 =	vsel vm14, $0x374, v23  }
0x587: {  	v52 =	vsel vm10, $0x252, v52;
	v36 =	vsel vm14, $0x1B80, v37;
	v3 =	vsel vm15, $0x39F, v3;
	[tilespmem:$0x1FB10] =	vst v23;
	v23 =	vld [tilespmem:$0x1F3A0]  }
0x588: {  	v55 =	vsel vm10, $0x1200, v55;
	v56 =	vsel vm10, $0x254, v56;
	[tilespmem:$0x1F570] =	vst v3;
	v3 =	vsel vm15, $0x1000, v36  }
0x589: {  	v60 =	vsel vm6, $0x1100, v60;
	v51 =	vsel vm11, $0x1180, v51;
	v52 =	vsel vm11, $0x293, v52;
	[tilespmem:$0x1F580] =	vst v3;
	v3 =	vld [tilespmem:$0x1F590]  }
0x58a: {  	v55 =	vsel vm11, $0x1280, v55;
	v56 =	vsel vm11, $0x295, v56;
	v60 =	vsel vm7, $0x1180, v60  }
0x58b: {  	v51 =	vsel vm12, $0x1200, v51;
	v52 =	vsel vm12, $0x2D4, v52;
	v55 =	vsel vm12, $0x1300, v55  }
0x58c: {  	v56 =	vsel vm12, $0x2D6, v56;
	v60 =	vsel vm8, $0x1200, v60;
	v23 =	vsel vm14, $0x3280, v23  }
0x58d: {  	v51 =	vsel vm13, $0x1280, v51;
	v52 =	vsel vm13, $0x315, v52;
	v55 =	vsel vm13, $0x1380, v55;
	[tilespmem:$0x1FB30] =	vst v23;
	v23 =	vld [tilespmem:$0x1F3B0]  }
0x58e: {  	v56 =	vsel vm13, $0x317, v56;
	v60 =	vsel vm9, $0x1280, v60;
	v3 =	vsel vm15, $0x391, v3  }
0x58f: {  	v50 =	vsel vm6, $0x15D, v50;
	v54 =	vsel vm6, $0x15F, v54;
	[tilespmem:$0x1F5A0] =	vst v3;
	v3 =	vsel vm15, $0x1100, v40  }
0x590: {  	v59 =	vsel vm6, $0x151, v59;
	v60 =	vsel vm10, $0x1300, v60;
	[tilespmem:$0x1F5B0] =	vst v3;
	v3 =	vsel vm15, $0x1180, v42  }
0x591: {  	v50 =	vsel vm7, $0x19E, v50;
	v54 =	vsel vm7, $0x190, v54;
	[tilespmem:$0x1F5C0] =	vst v3;
	v3 =	vsel vm15, $0x1200, v44  }
0x592: {  	v59 =	vsel vm7, $0x192, v59;
	v60 =	vsel vm11, $0x1380, v60;
	[tilespmem:$0x1F5D0] =	vst v3;
	v23 =	vsel vm14, $0x375, v23  }
0x593: {  	v50 =	vsel vm8, $0x1DF, v50;
	v54 =	vsel vm8, $0x1D1, v54;
	v3 =	vsel vm15, $0x1280, v46;
	[tilespmem:$0x1FB50] =	vst v23;
	v23 =	vld [tilespmem:$0x1F3C0]  }
0x594: {  	v59 =	vsel vm8, $0x1D3, v59;
	v60 =	vsel vm12, $0x1800, v60;
	v50 =	vsel vm9, $0x210, v50;
	[tilespmem:$0x1F5E0] =	vst v3;
	v3 =	vld [tilespmem:$0x1F5F0]  }
0x595: {  	v54 =	vsel vm9, $0x212, v54;
	v59 =	vsel vm9, $0x214, v59;
	v60 =	vsel vm13, $0x1880, v60  }
0x596: {  	v50 =	vsel vm10, $0x251, v50;
	v54 =	vsel vm10, $0x253, v54;
	v59 =	vsel vm10, $0x255, v59  }
0x597: {  	v50 =	vsel vm11, $0x292, v50;
	v54 =	vsel vm11, $0x294, v54;
	v59 =	vsel vm11, $0x296, v59  }
0x598: {  	v50 =	vsel vm12, $0x2D3, v50;
	v54 =	vsel vm12, $0x2D5, v54;
	v23 =	vsel vm14, $0x3300, v23  }
0x599: {  	v50 =	vsel vm13, $0x314, v50;
	v48 =	vsel vm14, $0x1280, v49;
	v3 =	vsel vm15, $0x395, v3;
	[tilespmem:$0x1FB60] =	vst v23;
	v23 =	vld [tilespmem:$0x1F3D0]  }
0x59a: {  	v49 =	vsel vm14, $0x355, v50;
	v50 =	vsel vm14, $0x1300, v51;
	[tilespmem:$0x1F600] =	vst v3;
	v3 =	vsel vm15, $0x1300, v48  }
0x59b: {  	v59 =	vsel vm12, $0x2D7, v59;
	v51 =	vsel vm14, $0x356, v52;
	[tilespmem:$0x1F610] =	vst v3;
	v3 =	vsel vm15, $0x1380, v50  }
0x59c: {  	v54 =	vsel vm13, $0x316, v54;
	v52 =	vsel vm14, $0x1380, v53;
	[tilespmem:$0x1F620] =	vst v3;
	v3 =	vsel vm15, $0x397, v51  }
0x59d: {  	v59 =	vsel vm13, $0x318, v59;
	v53 =	vsel vm14, $0x357, v54;
	[tilespmem:$0x1F630] =	vst v3;
	v3 =	vsel vm15, $0x1800, v52  }
0x59e: {  	v54 =	vsel vm14, $0x1800, v55;
	v55 =	vsel vm14, $0x358, v56;
	[tilespmem:$0x1F640] =	vst v3;
	v23 =	vsel vm14, $0x376, v23  }
0x59f: {  	v56 =	vsel vm14, $0x1880, v58;
	v58 =	vsel vm14, $0x359, v59;
	v3 =	vsel vm15, $0x1880, v54;
	[tilespmem:$0x1FB80] =	vst v23;
	v23 =	vld [tilespmem:$0x1F3E0]  }
0x5a0: {  	v27 =	vunpack.c.0.s8.s32 v27;
	v59 =	vsel vm14, $0x1900, v60;
	[tilespmem:$0x1F650] =	vst v3;
	v3 =	vsel vm15, $0x39A, v58  }
0x5a1: {  	v28 =	vand.u32 $0xFF, v28;
	v39 =	vsel vm6, $0x1800, v39;
	[tilespmem:$0x1F660] =	vst v3;
	v3 =	vsel vm15, $0x1980, v59  }
0x5a2: {  	v28 =	vnsel vm0, $0x3FA, v28;
	v39 =	vsel vm7, $0x1880, v39;
	v27 =	vand.u32 $0xFF, v27;
	[tilespmem:$0x1F670] =	vst v3;
	v3 =	vld [tilespmem:$0x1F680]  }
0x5a3: {  	v28 =	vsel vm5, $0x13F, v28;
	v39 =	vsel vm8, $0x1900, v39;
	v27 =	vnsel vm0, $0x3FB, v27  }
0x5a4: {  	v28 =	vsel vm6, $0x170, v28;
	v39 =	vsel vm9, $0x1980, v39;
	v23 =	vsel vm14, $0x3380, v23  }
0x5a5: {  	v61 =	vsel vm5, $0x111, v61;
	v27 =	vsel vm5, $0x130, v27;
	v28 =	vsel vm7, $0x1B1, v28;
	[tilespmem:$0x1FB90] =	vst v23;
	v23 =	vld [tilespmem:$0x1F3F0]  }
0x5a6: {  	v39 =	vsel vm10, $0x1A00, v39;
	v61 =	vsel vm6, $0x152, v61;
	v27 =	vsel vm6, $0x171, v27  }
0x5a7: {  	v28 =	vsel vm8, $0x1F2, v28;
	v61 =	vsel vm7, $0x193, v61;
	v51 =	vsel vm15, $0x1A80, v3;
	v3 =	vld [tilespmem:$0x1F690]  }
0x5a8: {  	v27 =	vsel vm7, $0x1B2, v27;
	v28 =	vsel vm9, $0x233, v28;
	v61 =	vsel vm8, $0x1D4, v61  }
0x5a9: {  	v27 =	vsel vm8, $0x1F3, v27;
	v28 =	vsel vm10, $0x274, v28;
	v38 =	vsel vm6, $0x157, v38  }
0x5aa: {  	v61 =	vsel vm9, $0x215, v61;
	v38 =	vsel vm7, $0x198, v38;
	v23 =	vsel vm14, $0x377, v23  }
0x5ab: {  	v27 =	vsel vm9, $0x234, v27;
	v28 =	vsel vm11, $0x2B5, v28;
	v38 =	vsel vm8, $0x1D9, v38;
	[tilespmem:$0x1FBB0] =	vst v23;
	v23 =	vld [tilespmem:$0x1F400]  }
0x5ac: {  	v26 =	vsel vm15, $0x392, v41;
	v41 =	vsel vm15, $0x398, v53;
	v53 =	vsel vm15, $0x39D, v3;
	v3 =	vld [tilespmem:$0x1F6A0]  }
0x5ad: {  	v61 =	vsel vm10, $0x256, v61;
	v27 =	vsel vm10, $0x275, v27;
	v38 =	vsel vm9, $0x21A, v38  }
0x5ae: {  	v28 =	vsel vm12, $0x2F6, v28;
	v61 =	vsel vm11, $0x297, v61;
	v38 =	vsel vm10, $0x25B, v38  }
0x5af: {  	v27 =	vsel vm11, $0x2B6, v27;
	v28 =	vsel vm13, $0x337, v28;
	v38 =	vsel vm11, $0x29C, v38  }
0x5b0: {  	v61 =	vsel vm12, $0x2D8, v61;
	v38 =	vsel vm12, $0x2DD, v38;
	v23 =	vsel vm14, $0x3800, v23  }
0x5b1: {  	v38 =	vsel vm13, $0x31E, v38;
	v59 =	vsel vm15, $0x2B00, v3;
	v3 =	vld [tilespmem:$0x1F6B0];
	[tilespmem:$0x1FBD0] =	vst v23;
	v23 =	vsel vm14, $0x378, v28  }
0x5b2: {  	v27 =	vsel vm12, $0x2F7, v27;
	v61 =	vsel vm13, $0x319, v61;
	v37 =	vsel vm14, $0x35F, v38;
	[tilespmem:$0x1FBF0] =	vst v23;
	v23 =	vld [tilespmem:$0x1F410]  }
0x5b3: {  	v60 =	vsel vm14, $0x35A, v61;
	v35 =	vsel vm15, $0x381, v7;
	v7 =	vsel vm15, $0x100, v8  }
0x5b4: {  	v8 =	vsel vm15, $0x180, v10;
	v10 =	vsel vm15, $0x280, v14;
	v14 =	vsel vm15, $0x300, v16  }
0x5b5: {  	v16 =	vsel vm15, $0x800, v20;
	v20 =	vsel vm15, $0x880, v22;
	v22 =	vsel vm15, $0x390, v37  }
0x5b6: {  	v37 =	vsel vm15, $0x396, v49;
	v49 =	vsel vm15, $0x39B, v60;
	v60 =	vsel vm15, $0x2B80, v3;
	v3 =	vld [tilespmem:$0x1F6C0]  }
0x5b7: {  	v39 =	vsel vm11, $0x1A80, v39;
	v27 =	vsel vm13, $0x338, v27;
	v23 =	vsel vm14, $0x3880, v23  }
0x5b8: {  	v57 =	vsel vm7, $0x1B3, v57;
	v39 =	vsel vm12, $0x1B00, v39;
	[tilespmem:$0x1FC00] =	vst v23;
	v23 =	vsel vm14, $0x379, v27  }
0x5b9: {  	v57 =	vsel vm8, $0x1F4, v57;
	v39 =	vsel vm13, $0x1B80, v39;
	[tilespmem:$0x1FC20] =	vst v23;
	v23 =	vld [tilespmem:$0x1F420]  }
0x5ba: {  	v57 =	vsel vm9, $0x235, v57;
	v38 =	vsel vm14, $0x1000, v39  }
0x5bb: {  	v57 =	vsel vm10, $0x276, v57;
	v13 =	vsel vm15, $0x1080, v38;
	v38 =	vsel vm15, $0x3AF, v3;
	v3 =	vld [tilespmem:$0x1F6E0]  }
0x5bc: {  	v57 =	vsel vm11, $0x2B7, v57  }
0x5bd: {  	v57 =	vsel vm12, $0x2F8, v57  }
0x5be: {  	v57 =	vsel vm13, $0x339, v57;
	v23 =	vsel vm14, $0x3900, v23  }
0x5bf: {  	[tilespmem:$0x1FC30] =	vst v23;
	v23 =	vsel vm14, $0x37A, v57  }
0x5c0: {  	v3 =	vsel vm15, $0x2000, v3;
	[tilespmem:$0x1FC50] =	vst v23;
	v23 =	vld [tilespmem:$0x1F430]  }
0x5c1: {  	[tilespmem:$0x1F6F0] =	vst v3;
	v3 =	vld [tilespmem:$0x1F700];
	_ =	sdelay $0x3  }
0x5c2: {  	v23 =	vsel vm14, $0x3980, v23  }
0x5c3: {  	v3 =	vsel vm15, $0x3A0, v3;
	[tilespmem:$0x1FC70] =	vst v23;
	v23 =	vld [tilespmem:$0x1F440]  }
0x5c4: {  	[tilespmem:$0x1F710] =	vst v3;
	v3 =	vld [tilespmem:$0x1F720];
	_ =	sdelay $0x3  }
0x5c5: {  	v23 =	vsel vm14, $0x37B, v23  }
0x5c6: {  	v3 =	vsel vm15, $0x2080, v3;
	[tilespmem:$0x1FC90] =	vst v23;
	v23 =	vld [tilespmem:$0x1F450]  }
0x5c7: {  	[tilespmem:$0x1F730] =	vst v3;
	v3 =	vld [tilespmem:$0x1F740];
	_ =	sdelay $0x1  }
0x5c8: {  	v12 =	vsel vm6, $0x980, v12  }
0x5c9: {  	v12 =	vsel vm7, $0xA00, v12  }
0x5ca: {  	v12 =	vsel vm8, $0xA80, v12;
	[tilespmem:$0x1F4B0] =	vst v5;
	v23 =	vsel vm14, $0x3A00, v23  }
0x5cb: {  	v12 =	vsel vm9, $0xB00, v12;
	v5 =	vsel vm15, $0x3A1, v3;
	[tilespmem:$0x1FCA0] =	vst v23;
	v23 =	vld [tilespmem:$0x1F460]  }
0x5cc: {  	v12 =	vsel vm10, $0xB80, v12;
	[tilespmem:$0x1F750] =	vst v5;
	v5 =	vld [tilespmem:$0x1F7A0]  }
0x5cd: {  	v12 =	vsel vm11, $0x0, v12  }
0x5ce: {  	v12 =	vsel vm12, $0x80, v12  }
0x5cf: {  	v12 =	vsel vm13, $0x100, v12  }
0x5d0: {  	v12 =	vsel vm14, $0x180, v12;
	v23 =	vsel vm14, $0x37C, v23  }
0x5d1: {  	[tilespmem:$0x1FCC0] =	vst v23;
	v23 =	vsel vm15, $0x200, v12;
	v12 =	vsel vm15, $0x3A3, v5;
	v5 =	vld [tilespmem:$0x1F7C0];
	_ =	sdelay $0x4  }
0x5d2: {  	v58 =	vsel vm15, $0x2200, v5;
	v5 =	vld [tilespmem:$0x1F7D0];
	_ =	sdelay $0x4  }
0x5d3: {  	v62 =	vsel vm5, $0x1100, v62;
	[tilespmem:$0x1F7B0] =	vst v12;
	v12 =	vsel vm15, $0x3A4, v5;
	v5 =	vld [tilespmem:$0x1F7E0]  }
0x5d4: {  	v62 =	vsel vm6, $0x1180, v62;
	v63 =	vsel vm6, $0x153, v63  }
0x5d5: {  	v62 =	vsel vm7, $0x1200, v62;
	v63 =	vsel vm7, $0x194, v63  }
0x5d6: {  	v62 =	vsel vm8, $0x1280, v62;
	v63 =	vsel vm8, $0x1D5, v63  }
0x5d7: {  	v21 =	vsel vm5, $0x10E, v21;
	v62 =	vsel vm9, $0x1300, v62;
	v63 =	vsel vm9, $0x216, v63  }
0x5d8: {  	v62 =	vsel vm10, $0x1380, v62;
	v63 =	vsel vm10, $0x257, v63;
	v18 =	vsel vm15, $0x2280, v5;
	v5 =	vld [tilespmem:$0x1F800]  }
0x5d9: {  	v21 =	vsel vm6, $0x14F, v21;
	v62 =	vsel vm11, $0x1800, v62;
	v63 =	vsel vm11, $0x298, v63  }
0x5da: {  	v21 =	vsel vm7, $0x180, v21;
	v62 =	vsel vm12, $0x1880, v62;
	v63 =	vsel vm12, $0x2D9, v63  }
0x5db: {  	v21 =	vsel vm8, $0x1C1, v21;
	v62 =	vsel vm13, $0x1900, v62;
	v63 =	vsel vm13, $0x31A, v63  }
0x5dc: {  	v21 =	vsel vm9, $0x202, v21;
	v61 =	vsel vm14, $0x1980, v62;
	v62 =	vsel vm14, $0x35B, v63  }
0x5dd: {  	v21 =	vsel vm10, $0x243, v21;
	v28 =	vsel vm15, $0x39C, v62;
	v62 =	vsel vm15, $0x3A5, v5;
	v5 =	vld [tilespmem:$0x1F810]  }
0x5de: {  	v21 =	vsel vm11, $0x284, v21  }
0x5df: {  	v21 =	vsel vm12, $0x2C5, v21  }
0x5e0: {  	v21 =	vsel vm13, $0x306, v21  }
0x5e1: {  	v21 =	vsel vm14, $0x347, v21  }
0x5e2: {  	v15 =	vsel vm15, $0x388, v21;
	v21 =	vsel vm15, $0x2300, v5;
	v5 =	vld [tilespmem:$0x1F830];
	_ =	sdelay $0x4  }
0x5e3: {  	v5 =	vsel vm15, $0x3A6, v5  }
0x5e4: {  	[tilespmem:$0x1F840] =	vst v5;
	v5 =	vld [tilespmem:$0x1F850]  }
0x5e5: {  	v4 =	vsel vm6, $0x380, v4  }
0x5e6: {  	v4 =	vsel vm7, $0x800, v4;
	v2 =	vsel vm6, $0x300, v2  }
0x5e7: {  	v4 =	vsel vm8, $0x880, v4;
	v9 =	vsel vm6, $0x149, v9;
	v2 =	vsel vm7, $0x380, v2;
	v3 =	vld [tilespmem:$0x1F760]  }
0x5e8: {  	v4 =	vsel vm9, $0x900, v4;
	v9 =	vsel vm7, $0x18A, v9;
	v2 =	vsel vm8, $0x800, v2  }
0x5e9: {  	v9 =	vsel vm8, $0x1CB, v9;
	v2 =	vsel vm9, $0x880, v2;
	v40 =	vsel vm15, $0x2380, v5;
	v5 =	vld [tilespmem:$0x1F870]  }
0x5ea: {  	v4 =	vsel vm10, $0x980, v4;
	v9 =	vsel vm9, $0x20C, v9;
	v2 =	vsel vm10, $0x900, v2  }
0x5eb: {  	v4 =	vsel vm11, $0xA00, v4;
	v9 =	vsel vm10, $0x24D, v9;
	v2 =	vsel vm11, $0x980, v2  }
0x5ec: {  	v27 =	vsel vm15, $0x393, v24;
	v24 =	vsel vm15, $0x1900, v56;
	v56 =	vsel vm15, $0x2100, v3;
	v3 =	vld [tilespmem:$0x1F770]  }
0x5ed: {  	v4 =	vsel vm12, $0xA80, v4;
	v9 =	vsel vm11, $0x28E, v9;
	v2 =	vsel vm12, $0xA00, v2  }
0x5ee: {  	v9 =	vsel vm12, $0x2CF, v9;
	v2 =	vsel vm13, $0xA80, v2;
	v5 =	vsel vm15, $0x3A7, v5  }
0x5ef: {  	v4 =	vsel vm13, $0xB00, v4;
	v9 =	vsel vm13, $0x300, v9;
	v2 =	vsel vm14, $0xB00, v2;
	[tilespmem:$0x1F880] =	vst v5;
	v5 =	vld [tilespmem:$0x1F890]  }
0x5f0: {  	v4 =	vsel vm14, $0xB80, v4;
	v9 =	vsel vm14, $0x341, v9;
	v63 =	vsel vm15, $0xB80, v2  }
0x5f1: {  	v2 =	vsel vm15, $0x0, v4;
	v4 =	vsel vm15, $0x382, v9;
	v9 =	vsel vm15, $0x3A2, v3  }
0x5f2: {  	[tilespmem:$0x1F780] =	vst v9;
	v9 =	vld [tilespmem:$0x1F930];
	_ =	sdelay $0x1  }
0x5f3: {  	v42 =	vsel vm15, $0x2800, v5;
	v5 =	vld [tilespmem:$0x1F8B0];
	_ =	sdelay $0x2  }
0x5f4: {  	v50 =	vsel vm15, $0x2980, v9;
	v9 =	vld [tilespmem:$0x1F950]  }
0x5f5: {  	v17 =	vld [tilespmem:$0x1F9F0]  }
0x5f6: {  	v57 =	vsel vm15, $0x3A8, v5;
	v5 =	vld [tilespmem:$0x1F8C0];
	_ =	sdelay $0x2  }
0x5f7: {  	v54 =	vsel vm15, $0x3AB, v9;
	v9 =	vld [tilespmem:$0x1F960]  }
0x5f8: {  	v33 =	vsel vm15, $0x3BF, v17;
	v17 =	vld [tilespmem:$0x1FA10]  }
0x5f9: {  	v44 =	vsel vm15, $0x2880, v5;
	v5 =	vld [tilespmem:$0x1F8E0];
	_ =	sdelay $0x1  }
0x5fa: {  	v30 =	vsel vm5, $0x100, v30  }
0x5fb: {  	v30 =	vsel vm6, $0x180, v30;
	v52 =	vsel vm15, $0x2A00, v9;
	v9 =	vld [tilespmem:$0x1F980]  }
0x5fc: {  	v30 =	vsel vm7, $0x200, v30;
	[tilespmem:$0x1F8A0] =	vst v42;
	v42 =	vsel vm15, $0x3000, v17;
	v17 =	vld [tilespmem:$0x1FA20]  }
0x5fd: {  	v30 =	vsel vm8, $0x280, v30;
	v5 =	vsel vm15, $0x3A9, v5  }
0x5fe: {  	v30 =	vsel vm9, $0x300, v30;
	[tilespmem:$0x1F8F0] =	vst v5;
	v5 =	vld [tilespmem:$0x1F900]  }
0x5ff: {  	v30 =	vsel vm10, $0x380, v30  }
0x600: {  	v30 =	vsel vm11, $0x800, v30;
	[tilespmem:$0x1F940] =	vst v50;
	v50 =	vsel vm15, $0x3AC, v9;
	v9 =	vld [tilespmem:$0x1F990]  }
0x601: {  	v30 =	vsel vm12, $0x880, v30;
	v34 =	vsel vm15, $0x3080, v17;
	v17 =	vld [tilespmem:$0x1FA40]  }
0x602: {  	v30 =	vsel vm13, $0x900, v30  }
0x603: {  	v30 =	vsel vm14, $0x980, v30;
	v46 =	vsel vm15, $0x2900, v5;
	v5 =	vld [tilespmem:$0x1F920]  }
0x604: {  	v39 =	vsel vm15, $0xA00, v30  }
0x605: {  	v30 =	vsel vm15, $0x394, v45;
	v45 =	vsel vm15, $0x399, v55;
	v55 =	vsel vm15, $0x2A80, v9;
	v9 =	vld [tilespmem:$0x1F9B0]  }
0x606: {  	[tilespmem:$0x1F910] =	vst v46;
	v46 =	vsel vm15, $0x3B0, v47;
	v47 =	vsel vm15, $0x3B1, v17;
	v17 =	vld [tilespmem:$0x1FA50];
	_ =	sdelay $0x1  }
0x607: {  	v5 =	vsel vm15, $0x3AA, v5  }
0x608: {  	[tilespmem:$0x1F860] =	vst v40;
	v40 =	vmov v5;
	v5 =	vld [tilespmem:$0x1FAA0]  }
0x609: {  	v48 =	vsel vm15, $0x3AD, v9;
	v9 =	vld [tilespmem:$0x1F9C0]  }
0x60a: {  	[tilespmem:$0x1F6D0] =	vst v38;
	v36 =	vsel vm15, $0x3100, v17;
	v17 =	vld [tilespmem:$0x1FA70]  }
0x60b: {  	[tilespmem:$0x1FA00] =	vst v33  }
0x60c: {  	[tilespmem:$0x1F970] =	vst v52  }
0x60d: {  	[tilespmem:$0x1F9A0] =	vst v55;
	v5 =	vsel vm15, $0x3B3, v5  }
0x60e: {  	[tilespmem:$0x1FAB0] =	vst v5;
	v5 =	vld [tilespmem:$0x1FAC0]  }
0x60f: {  	v32 =	vsel vm15, $0x3B00, v9;
	[tilespmem:$0x1F8D0] =	vst v44;
	v44 =	vsel vm15, $0x3B2, v17;
	v17 =	vld [tilespmem:$0x1FA80]  }
0x610: {  	[tilespmem:$0x1F9D0] =	vst v32  }
0x611: {  	[tilespmem:$0x1F7F0] =	vst v18  }
0x612: {  	s3 =	simm.s32 $0x0;
	[tilespmem:$0x1F820] =	vst v21  }
0x613: {  	[smem:$0x7FF] =	sst s3;
	[tilespmem:$0x1FA30] =	vst v34;
	v52 =	vsel vm15, $0x3200, v5;
	v5 =	vld [tilespmem:$0x1FAE0]  }
0x614: {  	s8 =	rddreg [dreg:$0x0];
	[tilespmem:$0x1FA60] =	vst v36;
	v38 =	vsel vm15, $0x3180, v17  }
0x615: {  	s0 =	rddreg [dreg:$0x1];
	[tilespmem:$0x1FA90] =	vst v38  }
0x616: {  	s9 =	rddreg [dreg:$0x2];
	v3 =	vld [tilespmem:$0x1F790];
	[tilespmem:$0x1FAD0] =	vst v52  }
0x617: {  	s1 =	rddreg [dreg:$0x3];
	v9 =	vld [tilespmem:$0x1F9E0];
	_ =	strace $0x80000047  }
0x618: {  	v18 =	vsel vm15, $0x3B4, v5;
	v5 =	vld [tilespmem:$0x1FAF0];
	_ =	sdelay $0x4  }
0x619: {  	v55 =	vsel vm15, $0x3280, v5;
	v5 =	vld [tilespmem:$0x1FB10];
	_ =	sdelay $0x4  }
0x61a: {  	v5 =	vsel vm15, $0x3B5, v5  }
0x61b: {  	[tilespmem:$0x1FB20] =	vst v5;
	v5 =	vld [tilespmem:$0x1FB30];
	_ =	sdelay $0x4  }
0x61c: {  	v34 =	vsel vm15, $0x3300, v5;
	v5 =	vld [tilespmem:$0x1FB50];
	_ =	sdelay $0x4  }
0x61d: {  	[tilespmem:$0x1FB40] =	vst v34;
	v34 =	vsel vm15, $0x3B6, v5;
	v5 =	vld [tilespmem:$0x1FB60];
	_ =	sdelay $0x4  }
0x61e: {  	v38 =	vsel vm15, $0x3380, v5;
	v5 =	vld [tilespmem:$0x1FB80];
	_ =	sdelay $0x4  }
0x61f: {  	v52 =	vsel vm15, $0x3B7, v5;
	v5 =	vld [tilespmem:$0x1FB90];
	_ =	sdelay $0x4  }
0x620: {  	[tilespmem:$0x1FB00] =	vst v55;
	v55 =	vsel vm15, $0x3800, v5;
	v5 =	vld [tilespmem:$0x1FBB0];
	_ =	sdelay $0x1  }
0x621: {  	v1 =	vsel vm15, $0xB00, v1  }
0x622: {  	[tilespmem:$0x1FCF0] =	vst v1  }
0x623: {  	[tilespmem:$0x1FD00] =	vst v7  }
0x624: {  	[tilespmem:$0x1FD10] =	vst v8;
	v5 =	vsel vm15, $0x3B8, v5  }
0x625: {  	[tilespmem:$0x1FBC0] =	vst v5;
	v5 =	vld [tilespmem:$0x1FBD0]  }
0x626: {  	[tilespmem:$0x1FD20] =	vst v10  }
0x627: {  	[tilespmem:$0x1FD30] =	vst v14  }
0x628: {  	[tilespmem:$0x1FD40] =	vst v16  }
0x629: {  	v0 =	vsel vm15, $0x1B00, v0;
	[tilespmem:$0x1FD50] =	vst v20  }
0x62a: {  	[tilespmem:$0x1FD60] =	vst v0;
	v36 =	vsel vm15, $0x3880, v5;
	v5 =	vld [tilespmem:$0x1FBF0]  }
0x62b: {  	[tilespmem:$0x1FD70] =	vst v22  }
0x62c: {  	[tilespmem:$0x1FD80] =	vst v26  }
0x62d: {  	[tilespmem:$0x1FD90] =	vst v30  }
0x62e: {  	[tilespmem:$0x1FDA0] =	vst v37  }
0x62f: {  	[tilespmem:$0x1FDB0] =	vst v41;
	v21 =	vsel vm15, $0x3B9, v5;
	v5 =	vld [tilespmem:$0x1FC00]  }
0x630: {  	[tilespmem:$0x1FDC0] =	vst v45  }
0x631: {  	[tilespmem:$0x1FDD0] =	vst v49  }
0x632: {  	[tilespmem:$0x1FDE0] =	vst v53  }
0x633: {  	[tilespmem:$0x1FDF0] =	vst v59  }
0x634: {  	v31 =	vsel vm5, $0x102, v31;
	[tilespmem:$0x1FB70] =	vst v38;
	v38 =	vsel vm15, $0x3900, v5;
	v5 =	vld [tilespmem:$0x1FC20]  }
0x635: {  	v6 =	vsel vm6, $0x800, v6;
	v31 =	vsel vm6, $0x143, v31;
	[tilespmem:$0x1FE00] =	vst v60  }
0x636: {  	v6 =	vsel vm7, $0x880, v6;
	v31 =	vsel vm7, $0x184, v31;
	v61 =	vsel vm15, $0x1A00, v61;
	[tilespmem:$0x1FE20] =	vst v24  }
0x637: {  	v6 =	vsel vm8, $0x900, v6;
	v31 =	vsel vm8, $0x1C5, v31;
	[tilespmem:$0x1FE30] =	vst v61  }
0x638: {  	v6 =	vsel vm9, $0x980, v6;
	v31 =	vsel vm9, $0x206, v31;
	[tilespmem:$0x1FE40] =	vst v57  }
0x639: {  	v6 =	vsel vm10, $0xA00, v6;
	v31 =	vsel vm10, $0x247, v31;
	[tilespmem:$0x1FE50] =	vst v54;
	v33 =	vsel vm15, $0x3BA, v5;
	v5 =	vld [tilespmem:$0x1FC30]  }
0x63a: {  	v6 =	vsel vm11, $0xA80, v6;
	v31 =	vsel vm11, $0x288, v31;
	[tilespmem:$0x1FE60] =	vst v40  }
0x63b: {  	v6 =	vsel vm12, $0xB00, v6;
	v31 =	vsel vm12, $0x2C9, v31;
	[tilespmem:$0x1FE70] =	vst v50  }
0x63c: {  	v6 =	vsel vm13, $0xB80, v6;
	v31 =	vsel vm13, $0x30A, v31;
	[tilespmem:$0x1FE80] =	vst v12  }
0x63d: {  	v6 =	vsel vm14, $0x0, v6;
	v31 =	vsel vm14, $0x34B, v31;
	v9 =	vsel vm15, $0x3B80, v9;
	[tilespmem:$0x1FE90] =	vst v48  }
0x63e: {  	v25 =	vsel vm15, $0x80, v6;
	v6 =	vsel vm15, $0x38C, v31;
	[tilespmem:$0x1FEA0] =	vst v9;
	v31 =	vsel vm15, $0x3980, v5;
	v5 =	vld [tilespmem:$0x1FC50]  }
0x63f: {  	[tilespmem:$0x1FEB0] =	vst v46  }
0x640: {  	[tilespmem:$0x1FEC0] =	vst v44  }
0x641: {  	[tilespmem:$0x1FED0] =	vst v47  }
0x642: {  	[tilespmem:$0x1FF00] =	vst v42  }
0x643: {  	[tilespmem:$0x1FF30] =	vst v63;
	v29 =	vsel vm15, $0x3BB, v5;
	v5 =	vld [tilespmem:$0x1FC70]  }
0x644: {  	[tilespmem:$0x1FF40] =	vst v25  }
0x645: {  	[tilespmem:$0x1FF50] =	vst v2  }
0x646: {  	[tilespmem:$0x1FF70] =	vst v19  }
0x647: {  	[tilespmem:$0x1FF80] =	vst v23  }
0x648: {  	[tilespmem:$0x1FBA0] =	vst v55;
	v55 =	vsel vm15, $0x3A00, v5;
	v5 =	vld [tilespmem:$0x1FC90]  }
0x649: {  	[tilespmem:$0x1FF90] =	vst v43  }
0x64a: {  	[tilespmem:$0x1FFB0] =	vst v4  }
0x64b: {  	v3 =	vsel vm15, $0x2180, v3;
	[tilespmem:$0x1FFD0] =	vst v56  }
0x64c: {  	[tilespmem:$0x1FFE0] =	vst v3  }
0x64d: {  	[tilespmem:$0x1FC10] =	vst v38;
	v38 =	vsel vm15, $0x3BC, v5;
	v5 =	vld [tilespmem:$0x1FCA0]  }
0x64e: {  	[tilespmem:$0x1FFF0] =	vst v58  }
0x64f: {  	[tilespmem:$0x1FEE0] =	vst v18  }
0x650: {  	[tilespmem:$0x1FEF0] =	vst v34  }
0x651: {  	[tilespmem:$0x1FBE0] =	vst v36  }
0x652: {  	[tilespmem:$0x1FF10] =	vst v21;
	v5 =	vsel vm15, $0x3A80, v5  }
0x653: {  	[tilespmem:$0x1FCB0] =	vst v5;
	v5 =	vld [tilespmem:$0x1FCC0]  }
0x654: {  	s4 =	srdreg.scid;
	s2 =	stileid.u32;
	s12 =	simm.s32 $0x7A1400;
	[tilespmem:$0x1FF20] =	vst v33  }
0x655: {  	s13 =	simm.s32 $0x4000;
	s14 =	simm.s32 $0x1;
	s15 =	simm.s32 $0x8000;
	[tilespmem:$0x1FC40] =	vst v31  }
0x656: {  	s16 =	simm.s32 $0x2;
	s17 =	simm.s32 $0xC000;
	s18 =	simm.s32 $0x3;
	[tilespmem:$0x1FC60] =	vst v29;
	v29 =	vmov v27  }
0x657: {  	s19 =	simm.s32 $0x4;
	s4 =	sand.u32 $0x1, s4;
	s5 =	sshll.u32 s2, $0x1;
	v17 =	vlaneseq.u32;
	[tilespmem:$0x1FE10] =	vst v29  }
.Ltmp0:
0x658: {  	s6 =	ssub.s32 $0x2, s4;
	s4 =	sor.u32 s4, s5;
	v31 =	vmul.u32 $0x41, v17;
	[tilespmem:$0x1FC80] =	vst v55;
	v27 =	vsel vm15, $0x3BD, v5;
	(pc) =	sbr.rel .LBB2_1-.Ltmp0, $4  }
0x659: {  	s20 =	simm.s32 $0x0;
	s7 =	sshrl.u32 s6, $0x1;
	s10 =	sshll.u32 s4, $0x8;
	[tilespmem:$0x1FF60] =	vst v38  }
0x65a: {  	p0 =	sne.s32 s4, $0x1F;
	s11 =	ssub.s32 s6, s7;
	s5 =	sadd.s32 $0x1000, s9;
	v5 =	vadd.s32 $0x10, v31;
	[tilespmem:$0x1FCD0] =	vst v27  }
0x65b: {  	s6 =	sadd.s32 s8, s10;
	s8 =	sadd.s32 $0x4000, s8;
	s9 =	sadd.s32 $0x7A2000, s9;
	[tilespmem:$0x1FFC0] =	vst v5;
	v27 =	vmov v51;
	v51 =	vmov v15  }
0x65c: {  	s10 =	smax.u32 s11, $0x1;
	s11 =	simm.s32 $0x800;
	s7 =	sadd.s32 $0x2000, s6;
	v15 =	vld [tilespmem:$0x1FCE0];
	[tilespmem:$0x1FFA0] =	vst v51  }
.LBB2_11:
0x65d: {  	_ =	swait.ge [sflag:s18], $0x4000  }
0x65e: {  	[sflag:s18] =	ssyncset.done $0x0  }
0x65f: {  	[sflag:s18] =	ssyncadd.s32 $0xFFFFC000  }
0x660: {  	_ =	swait.ge [sflag:s19], $0x4000  }
0x661: {  	s21 =	simm.s32 @!p0 $0x0;
	[sflag:s19] =	ssyncset.done $0x0  }
0x662: {  	s22 =	simm.s32 @!p0 $0x8000;
	s23 =	simm.s32 @!p0 $0x5;
	[sflag:s19] =	ssyncadd.s32 $0xFFFFC000  }
0x663: {  	[tilespmem:s22], [sflag:$0x5] =	stream.linear.gather @!p0 [hbm4b:s0+s21], $0x1000, $0x38;
	[tilespmem:$0x10000] =	vst v63  }
0x664: {  	s20 =	sadd.s32 $0x1, s20;
	_ =	swait.ge @!p0 [sflag:s23], $0x1000  }
0x665: {  	p1 =	sne.s32 s20, s10;
	[sflag:s23] =	ssyncset.done @!p0 $0x0  }
.Ltmp1:
0x666: {  	[sflag:s23] =	ssyncadd.s32 @!p0 $0xFFFFF000;
	(pc) =	sbr.rel @!p1 .LBB2_12-.Ltmp1, $4  }
0x667: {  	[hbm4b:s9+s21] =	stream.linear.scatter @!p0 [tilespmem:s22], [sflag:$0x5], $0x1000, $0x38;
	[tilespmem:$0x10000] =	vst v63  }
0x668: {  	_ =	swait.ge @!p0 [sflag:s23], $0x1000  }
0x669: {  	[sflag:s23] =	ssyncset.done @!p0 $0x0  }
0x66a: {  	[sflag:s23] =	ssyncadd.s32 @!p0 $0xFFFFF000  }
.LBB2_1:
.Ltmp2:
0x66b: {  	(pc) =	sbr.rel .LBB2_2-.Ltmp2, $4  }
0x66c: {  	_ = 	snop  }
0x66d: {  	[tilespmem:s3], [sflag:$0x1] =	stream.strided.gather [hbm4b:s6+s11], $0x4000, s12, s11, $0x38;
	[tilespmem:$0x10000] =	vst v63  }
0x66e: {  	s21 =	simm.s32 $0x0  }
0x66f: {  	[tilespmem:s13], [sflag:$0x2] =	stream.strided.gather [hbm4b:s7+s11], $0x4000, s12, s11, $0x38;
	[tilespmem:$0x10000] =	vst v63  }
.LBB2_10:
0x670: {  	s21 =	sadd.s32 $0x1, s21  }
0x671: {  	p1 =	sne.s32 s21, $0x3E  }
.Ltmp3:
0x672: {  	_ = 	snop;
	(pc) =	sbr.rel @!p1 .LBB2_11-.Ltmp3, $1  }
0x673: {  	_ =	sdelay $0x3  }
.LBB2_2:
0x674: {  	s22 =	sshll.u32 s21, $0x6  }
0x675: {  	s22 =	sor.u32 s4, s22  }
0x676: {  	p2 =	sgt.u32 s22, $0xF41  }
.Ltmp4:
0x677: {  	_ = 	snop;
	(pc) =	sbr.rel @p2 .LBB2_6-.Ltmp4, $2  }
0x678: {  	_ =	sdelay $0x2  }
0x679: {  	p1 =	seq.s32 s21, $0x0  }
0x67a: {  	s23 =	simm.s32 $0x0  }
0x67b: {  	v1 =	vlaneseq.u32;
	v0 =	vmov s23  }
0x67c: {  	v1 =	vor.u32 s23, v1;
	v0 =	vshll.u32 v0, $0x3  }
0x67d: {  	_ =	swait.ge [sflag:s14], $0x4000;
	v1 =	vand.u32 $0x7F, v1;
	v0 =	vand.u32 $0x400, v0  }
0x67e: {  	v0 =	vor.u32 v0, v1;
	v1 =	vld [tilespmem:$0x1FCF0];
	_ =	sdelay $0x4  }
0x67f: {  	[sflag:s14] =	ssyncset.done $0x0;
	v37 =	vmov v1;
	v1 =	vor.u32 v1, v0  }
0x680: {  	s23 =	simm.s32 @!p1 $0x3;
	[sflag:s14] =	ssyncadd.s32 $0xFFFFC000  }
0x681: {  	_ =	swait.ge @!p1 [sflag:s23], $0x4000  }
0x682: {  	[sflag:s23] =	ssyncset.done @!p1 $0x0  }
0x683: {  	[sflag:s23] =	ssyncadd.s32 @!p1 $0xFFFFC000  }
0x684: {  	v1 =	vld.idx.msk [tilespmem:v1+s3+$0x0], $0xffff  }
0x685: {  	v8 =	vmov v2;
	v2 =	vor.u32 v63, v0;
	_ =	sdelay $0x1  }
0x686: {  	v60 =	vmov v3;
	v3 =	vld [tilespmem:$0x1F470]  }
0x687: {  	s23 =	simm.s32 $0x8000  }
0x688: {  	[tilespmem:v31+s23+$0x0] =	vst.idx.msk $0xffff, v1  }
0x689: {  	v1 =	vld.idx.msk [tilespmem:v2+s3+$0x0], $0xffff  }
0x68a: {  	v2 =	vor.u32 v8, v0;
	_ =	sdelay $0x3  }
0x68b: {  	[tilespmem:v3+s23+$0x0] =	vst.idx.msk $0xffff, v1  }
0x68c: {  	v1 =	vld.idx.msk [tilespmem:v2+s3+$0x0], $0xffff  }
0x68d: {  	v2 =	vor.u32 v25, v0;
	_ =	sdelay $0x3  }
0x68e: {  	[tilespmem:v43+s23+$0x0] =	vst.idx.msk $0xffff, v1  }
0x68f: {  	v1 =	vld.idx.msk [tilespmem:v2+s3+$0x0], $0xffff  }
0x690: {  	v2 =	vld [tilespmem:$0x1FD00];
	_ =	sdelay $0x3  }
0x691: {  	v16 =	vmov v35;
	v20 =	vmov v15  }
0x692: {  	v15 =	vmovc v29;
	v29 =	vmovc v33;
	v33 =	vmov v18;
	v18 =	vmov v2;
	v2 =	vor.u32 v2, v0;
	_ =	sdelay $0x3  }
0x693: {  	[tilespmem:v16+s23+$0x0] =	vst.idx.msk $0xffff, v1  }
0x694: {  	v1 =	vld.idx.msk [tilespmem:v2+s3+$0x0], $0xffff  }
0x695: {  	v2 =	vld [tilespmem:$0x1FD10];
	_ =	sdelay $0x4  }
0x696: {  	v25 =	vmov v2;
	v2 =	vor.u32 v2, v0;
	_ =	sdelay $0x3  }
0x697: {  	[tilespmem:v4+s23+$0x0] =	vst.idx.msk $0xffff, v1  }
0x698: {  	v1 =	vld.idx.msk [tilespmem:v2+s3+$0x0], $0xffff  }
0x699: {  	v2 =	vor.u32 v23, v0;
	_ =	sdelay $0x3  }
0x69a: {  	[tilespmem:v20+s23+$0x0] =	vst.idx.msk $0xffff, v1  }
0x69b: {  	v1 =	vld.idx.msk [tilespmem:v2+s3+$0x0], $0xffff  }
0x69c: {  	v2 =	vld [tilespmem:$0x1FD20]  }
0x69d: {  	v45 =	vmov v47;
	v47 =	vmov v21;
	v21 =	vld [tilespmem:$0x1F480];
	_ =	sdelay $0x3  }
0x69e: {  	v2 =	vor.u32 v2, v0;
	_ =	sdelay $0x3  }
0x69f: {  	[tilespmem:v21+s23+$0x0] =	vst.idx.msk $0xffff, v1  }
0x6a0: {  	v1 =	vld.idx.msk [tilespmem:v2+s3+$0x0], $0xffff  }
0x6a1: {  	v2 =	vld [tilespmem:$0x1FD30];
	_ =	sdelay $0x4  }
0x6a2: {  	v2 =	vor.u32 v2, v0;
	_ =	sdelay $0x3  }
0x6a3: {  	[tilespmem:v19+s23+$0x0] =	vst.idx.msk $0xffff, v1  }
0x6a4: {  	v1 =	vld.idx.msk [tilespmem:v2+s3+$0x0], $0xffff  }
0x6a5: {  	v2 =	vld [tilespmem:$0x1F4A0]  }
0x6a6: {  	v35 =	vmov v34;
	v34 =	vmov v3;
	v3 =	vld [tilespmem:$0x1F490];
	_ =	sdelay $0x3  }
0x6a7: {  	v2 =	vor.u32 v2, v0;
	_ =	sdelay $0x3  }
0x6a8: {  	[tilespmem:v3+s23+$0x0] =	vst.idx.msk $0xffff, v1  }
0x6a9: {  	v1 =	vld.idx.msk [tilespmem:v2+s3+$0x0], $0xffff  }
0x6aa: {  	v2 =	vld [tilespmem:$0x1FD40]  }
0x6ab: {  	v20 =	vld [tilespmem:$0x1F4B0];
	_ =	sdelay $0x3  }
0x6ac: {  	v2 =	vor.u32 v2, v0;
	_ =	sdelay $0x3  }
0x6ad: {  	[tilespmem:v20+s23+$0x0] =	vst.idx.msk $0xffff, v1  }
0x6ae: {  	v1 =	vld.idx.msk [tilespmem:v2+s3+$0x0], $0xffff  }
0x6af: {  	v2 =	vld [tilespmem:$0x1FD50];
	_ =	sdelay $0x4  }
0x6b0: {  	v2 =	vor.u32 v2, v0;
	_ =	sdelay $0x1  }
0x6b1: {  	v3 =	vld [tilespmem:$0x1F4D0];
	_ =	sdelay $0x1  }
0x6b2: {  	[tilespmem:v51+s23+$0x0] =	vst.idx.msk $0xffff, v1  }
0x6b3: {  	v1 =	vld.idx.msk [tilespmem:v2+s3+$0x0], $0xffff  }
0x6b4: {  	v2 =	vor.u32 v11, v0  }
0x6b5: {  	v19 =	vld [tilespmem:$0x1F510]  }
0x6b6: {  	v30 =	vld [tilespmem:$0x1F500];
	_ =	sdelay $0x1  }
0x6b7: {  	[tilespmem:v3+s23+$0x0] =	vst.idx.msk $0xffff, v1  }
0x6b8: {  	v1 =	vld.idx.msk [tilespmem:v2+s3+$0x0], $0xffff  }
0x6b9: {  	v2 =	vor.u32 v19, v0;
	_ =	sdelay $0x1  }
0x6ba: {  	v20 =	vld [tilespmem:$0x1F520];
	_ =	sdelay $0x1  }
0x6bb: {  	[tilespmem:v30+s23+$0x0] =	vst.idx.msk $0xffff, v1  }
0x6bc: {  	v1 =	vld.idx.msk [tilespmem:v2+s3+$0x0], $0xffff  }
0x6bd: {  	v2 =	vor.u32 v39, v0  }
0x6be: {  	v14 =	vld [tilespmem:$0x1F530];
	_ =	sdelay $0x2  }
0x6bf: {  	[tilespmem:v20+s23+$0x0] =	vst.idx.msk $0xffff, v1  }
0x6c0: {  	v1 =	vld.idx.msk [tilespmem:v2+s3+$0x0], $0xffff  }
0x6c1: {  	v2 =	vor.u32 v14, v0;
	_ =	sdelay $0x3  }
0x6c2: {  	[tilespmem:v6+s23+$0x0] =	vst.idx.msk $0xffff, v1  }
0x6c3: {  	v1 =	vld.idx.msk [tilespmem:v2+s3+$0x0], $0xffff  }
0x6c4: {  	v2 =	vld [tilespmem:$0x1FD60]  }
0x6c5: {  	v59 =	vld [tilespmem:$0x1F540];
	_ =	sdelay $0x3  }
0x6c6: {  	v2 =	vor.u32 v2, v0  }
0x6c7: {  	v26 =	vmov v11;
	v11 =	vmov v6;
	v6 =	vld [tilespmem:$0x1F550];
	_ =	sdelay $0x2  }
0x6c8: {  	[tilespmem:v59+s23+$0x0] =	vst.idx.msk $0xffff, v1  }
0x6c9: {  	v1 =	vld.idx.msk [tilespmem:v2+s3+$0x0], $0xffff  }
0x6ca: {  	v2 =	vor.u32 v6, v0;
	_ =	sdelay $0x1  }
0x6cb: {  	v3 =	vld [tilespmem:$0x1F570]  }
0x6cc: {  	v17 =	vmov v39;
	v39 =	vmov v50;
	v50 =	vld [tilespmem:$0x1F580]  }
0x6cd: {  	[tilespmem:v5+s23+$0x0] =	vst.idx.msk $0xffff, v1  }
0x6ce: {  	v1 =	vld.idx.msk [tilespmem:v2+s3+$0x0], $0xffff;
	_ =	sdelay $0x2  }
0x6cf: {  	v2 =	vor.u32 v50, v0;
	_ =	sdelay $0x1  }
0x6d0: {  	[tilespmem:v3+s23+$0x0] =	vst.idx.msk $0xffff, v1;
	v3 =	vld [tilespmem:$0x1FD70];
	_ =	sdelay $0x2  }
0x6d1: {  	v1 =	vld.idx.msk [tilespmem:v2+s3+$0x0], $0xffff  }
0x6d2: {  	v2 =	vor.u32 v13, v0  }
0x6d3: {  	v53 =	vmov v44;
	v44 =	vmov v57;
	v57 =	vld [tilespmem:$0x1F5B0]  }
0x6d4: {  	v4 =	vld [tilespmem:$0x1F5A0];
	_ =	sdelay $0x1  }
0x6d5: {  	[tilespmem:v3+s23+$0x0] =	vst.idx.msk $0xffff, v1  }
0x6d6: {  	v1 =	vld.idx.msk [tilespmem:v2+s3+$0x0], $0xffff  }
0x6d7: {  	v2 =	vor.u32 v57, v0  }
0x6d8: {  	v36 =	vmov v9;
	v9 =	vmov v51;
	v51 =	vld [tilespmem:$0x1F5C0]  }
0x6d9: {  	v3 =	vld [tilespmem:$0x1FD80];
	_ =	sdelay $0x1  }
0x6da: {  	[tilespmem:v4+s23+$0x0] =	vst.idx.msk $0xffff, v1  }
0x6db: {  	v1 =	vld.idx.msk [tilespmem:v2+s3+$0x0], $0xffff  }
0x6dc: {  	v2 =	vor.u32 v51, v0;
	_ =	sdelay $0x3  }
0x6dd: {  	v22 =	vld [tilespmem:$0x1F5D0];
	[tilespmem:v3+s23+$0x0] =	vst.idx.msk $0xffff, v1  }
0x6de: {  	v1 =	vld.idx.msk [tilespmem:v2+s3+$0x0], $0xffff;
	_ =	sdelay $0x3  }
0x6df: {  	v2 =	vor.u32 v22, v0  }
0x6e0: {  	[tilespmem:v15+s23+$0x0] =	vst.idx.msk $0xffff, v1;
	v15 =	vld [tilespmem:$0x1F5E0]  }
0x6e1: {  	v3 =	vld [tilespmem:$0x1FD90];
	_ =	sdelay $0x2  }
0x6e2: {  	v1 =	vld.idx.msk [tilespmem:v2+s3+$0x0], $0xffff  }
0x6e3: {  	v2 =	vor.u32 v15, v0  }
0x6e4: {  	v7 =	vmov v8;
	v8 =	vmov v16;
	v16 =	vld [tilespmem:$0x1F610]  }
0x6e5: {  	v4 =	vld [tilespmem:$0x1F600];
	_ =	sdelay $0x1  }
0x6e6: {  	[tilespmem:v3+s23+$0x0] =	vst.idx.msk $0xffff, v1  }
0x6e7: {  	v1 =	vld.idx.msk [tilespmem:v2+s3+$0x0], $0xffff  }
0x6e8: {  	v2 =	vor.u32 v16, v0  }
0x6e9: {  	v10 =	vmov v43;
	v43 =	vld [tilespmem:$0x1F620]  }
0x6ea: {  	v3 =	vld [tilespmem:$0x1FDA0];
	_ =	sdelay $0x1  }
0x6eb: {  	[tilespmem:v4+s23+$0x0] =	vst.idx.msk $0xffff, v1  }
0x6ec: {  	v1 =	vld.idx.msk [tilespmem:v2+s3+$0x0], $0xffff  }
0x6ed: {  	v2 =	vor.u32 v43, v0  }
0x6ee: {  	v20 =	vmov v62;
	v62 =	vld [tilespmem:$0x1F640]  }
0x6ef: {  	v4 =	vld [tilespmem:$0x1F630];
	_ =	sdelay $0x1  }
0x6f0: {  	[tilespmem:v3+s23+$0x0] =	vst.idx.msk $0xffff, v1  }
0x6f1: {  	v1 =	vld.idx.msk [tilespmem:v2+s3+$0x0], $0xffff  }
0x6f2: {  	v2 =	vor.u32 v62, v0;
	_ =	sdelay $0x1  }
0x6f3: {  	v3 =	vld [tilespmem:$0x1FDB0]  }
0x6f4: {  	v41 =	vmov v58;
	v58 =	vld [tilespmem:$0x1F650]  }
0x6f5: {  	[tilespmem:v4+s23+$0x0] =	vst.idx.msk $0xffff, v1  }
0x6f6: {  	v1 =	vld.idx.msk [tilespmem:v2+s3+$0x0], $0xffff;
	_ =	sdelay $0x2  }
0x6f7: {  	v2 =	vor.u32 v58, v0;
	_ =	sdelay $0x1  }
0x6f8: {  	[tilespmem:v3+s23+$0x0] =	vst.idx.msk $0xffff, v1;
	v3 =	vld [tilespmem:$0x1FDC0];
	_ =	sdelay $0x2  }
0x6f9: {  	v1 =	vld.idx.msk [tilespmem:v2+s3+$0x0], $0xffff  }
0x6fa: {  	v2 =	vor.u32 v24, v0  }
0x6fb: {  	v5 =	vld [tilespmem:$0x1F670]  }
0x6fc: {  	v4 =	vld [tilespmem:$0x1F660];
	_ =	sdelay $0x1  }
0x6fd: {  	[tilespmem:v3+s23+$0x0] =	vst.idx.msk $0xffff, v1  }
0x6fe: {  	v1 =	vld.idx.msk [tilespmem:v2+s3+$0x0], $0xffff  }
0x6ff: {  	v2 =	vor.u32 v5, v0;
	_ =	sdelay $0x1  }
0x700: {  	v3 =	vld [tilespmem:$0x1FDD0];
	_ =	sdelay $0x1  }
0x701: {  	[tilespmem:v4+s23+$0x0] =	vst.idx.msk $0xffff, v1  }
0x702: {  	v1 =	vld.idx.msk [tilespmem:v2+s3+$0x0], $0xffff  }
0x703: {  	v2 =	vor.u32 v61, v0;
	_ =	sdelay $0x3  }
0x704: {  	[tilespmem:v3+s23+$0x0] =	vst.idx.msk $0xffff, v1  }
0x705: {  	v1 =	vld.idx.msk [tilespmem:v2+s3+$0x0], $0xffff  }
0x706: {  	v2 =	vor.u32 v27, v0;
	_ =	sdelay $0x3  }
0x707: {  	[tilespmem:v28+s23+$0x0] =	vst.idx.msk $0xffff, v1  }
0x708: {  	v1 =	vld.idx.msk [tilespmem:v2+s3+$0x0], $0xffff  }
0x709: {  	v2 =	vld [tilespmem:$0x1FDF0]  }
0x70a: {  	v3 =	vld [tilespmem:$0x1FDE0];
	_ =	sdelay $0x3  }
0x70b: {  	v2 =	vor.u32 v2, v0;
	_ =	sdelay $0x3  }
0x70c: {  	[tilespmem:v3+s23+$0x0] =	vst.idx.msk $0xffff, v1  }
0x70d: {  	v1 =	vld.idx.msk [tilespmem:v2+s3+$0x0], $0xffff  }
0x70e: {  	v2 =	vld [tilespmem:$0x1FE00];
	_ =	sdelay $0x1  }
0x70f: {  	v3 =	vadd.s32 $0x20, v31;
	_ =	sdelay $0x2  }
0x710: {  	v2 =	vor.u32 v2, v0  }
0x711: {  	[tilespmem:$0x1CB90] =	vst v3  }
0x712: {  	[tilespmem:v3+s23+$0x0] =	vst.idx.msk $0xffff, v1;
	v3 =	vld [tilespmem:$0x1F6D0]  }
0x713: {  	v4 =	vld [tilespmem:$0x1F6F0];
	_ =	sdelay $0x1  }
0x714: {  	v1 =	vld.idx.msk [tilespmem:v2+s3+$0x0], $0xffff;
	_ =	sdelay $0x2  }
0x715: {  	v2 =	vor.u32 v4, v0;
	_ =	sdelay $0x1  }
0x716: {  	[tilespmem:v3+s23+$0x0] =	vst.idx.msk $0xffff, v1;
	v3 =	vld [tilespmem:$0x1F710]  }
0x717: {  	v32 =	vld [tilespmem:$0x1F730];
	_ =	sdelay $0x1  }
0x718: {  	v1 =	vld.idx.msk [tilespmem:v2+s3+$0x0], $0xffff;
	_ =	sdelay $0x2  }
0x719: {  	v2 =	vor.u32 v32, v0;
	_ =	sdelay $0x1  }
0x71a: {  	[tilespmem:v3+s23+$0x0] =	vst.idx.msk $0xffff, v1;
	v3 =	vld [tilespmem:$0x1F750];
	_ =	sdelay $0x2  }
0x71b: {  	v1 =	vld.idx.msk [tilespmem:v2+s3+$0x0], $0xffff;
	_ =	sdelay $0x2  }
0x71c: {  	v2 =	vor.u32 v56, v0;
	_ =	sdelay $0x1  }
0x71d: {  	[tilespmem:v3+s23+$0x0] =	vst.idx.msk $0xffff, v1;
	v3 =	vld [tilespmem:$0x1F780];
	_ =	sdelay $0x2  }
0x71e: {  	v1 =	vld.idx.msk [tilespmem:v2+s3+$0x0], $0xffff;
	_ =	sdelay $0x2  }
0x71f: {  	v2 =	vor.u32 v60, v0;
	_ =	sdelay $0x1  }
0x720: {  	[tilespmem:v3+s23+$0x0] =	vst.idx.msk $0xffff, v1;
	v3 =	vld [tilespmem:$0x1F7B0];
	_ =	sdelay $0x2  }
0x721: {  	v1 =	vld.idx.msk [tilespmem:v2+s3+$0x0], $0xffff  }
0x722: {  	v2 =	vor.u32 v41, v0;
	_ =	sdelay $0x3  }
0x723: {  	[tilespmem:v3+s23+$0x0] =	vst.idx.msk $0xffff, v1  }
0x724: {  	v1 =	vld.idx.msk [tilespmem:v2+s3+$0x0], $0xffff  }
0x725: {  	v2 =	vld [tilespmem:$0x1F7F0];
	_ =	sdelay $0x4  }
0x726: {  	v2 =	vor.u32 v2, v0;
	_ =	sdelay $0x3  }
0x727: {  	[tilespmem:v12+s23+$0x0] =	vst.idx.msk $0xffff, v1  }
0x728: {  	v1 =	vld.idx.msk [tilespmem:v2+s3+$0x0], $0xffff  }
0x729: {  	v2 =	vld [tilespmem:$0x1F820];
	_ =	sdelay $0x4  }
0x72a: {  	v2 =	vor.u32 v2, v0;
	_ =	sdelay $0x3  }
0x72b: {  	[tilespmem:v20+s23+$0x0] =	vst.idx.msk $0xffff, v1  }
0x72c: {  	v1 =	vld.idx.msk [tilespmem:v2+s3+$0x0], $0xffff  }
0x72d: {  	v2 =	vld [tilespmem:$0x1F860]  }
0x72e: {  	v12 =	vld [tilespmem:$0x1F840];
	_ =	sdelay $0x3  }
0x72f: {  	v2 =	vor.u32 v2, v0;
	_ =	sdelay $0x3  }
0x730: {  	[tilespmem:v12+s23+$0x0] =	vst.idx.msk $0xffff, v1  }
0x731: {  	v1 =	vld.idx.msk [tilespmem:v2+s3+$0x0], $0xffff  }
0x732: {  	v2 =	vld [tilespmem:$0x1F8A0]  }
0x733: {  	v24 =	vld [tilespmem:$0x1F880];
	_ =	sdelay $0x3  }
0x734: {  	v2 =	vor.u32 v2, v0;
	_ =	sdelay $0x3  }
0x735: {  	[tilespmem:v24+s23+$0x0] =	vst.idx.msk $0xffff, v1  }
0x736: {  	v1 =	vld.idx.msk [tilespmem:v2+s3+$0x0], $0xffff  }
0x737: {  	v2 =	vld [tilespmem:$0x1F8D0];
	_ =	sdelay $0x4  }
0x738: {  	v2 =	vor.u32 v2, v0;
	_ =	sdelay $0x3  }
0x739: {  	[tilespmem:v44+s23+$0x0] =	vst.idx.msk $0xffff, v1  }
0x73a: {  	v1 =	vld.idx.msk [tilespmem:v2+s3+$0x0], $0xffff  }
0x73b: {  	v2 =	vld [tilespmem:$0x1F910]  }
0x73c: {  	v32 =	vld [tilespmem:$0x1F8F0];
	_ =	sdelay $0x3  }
0x73d: {  	v2 =	vor.u32 v2, v0;
	_ =	sdelay $0x3  }
0x73e: {  	[tilespmem:v32+s23+$0x0] =	vst.idx.msk $0xffff, v1  }
0x73f: {  	v1 =	vld.idx.msk [tilespmem:v2+s3+$0x0], $0xffff  }
0x740: {  	v2 =	vld [tilespmem:$0x1F940];
	_ =	sdelay $0x4  }
0x741: {  	v2 =	vor.u32 v2, v0;
	_ =	sdelay $0x3  }
0x742: {  	[tilespmem:v40+s23+$0x0] =	vst.idx.msk $0xffff, v1  }
0x743: {  	v1 =	vld.idx.msk [tilespmem:v2+s3+$0x0], $0xffff  }
0x744: {  	v2 =	vld [tilespmem:$0x1F970];
	_ =	sdelay $0x3  }
0x745: {  	v61 =	vmov v54  }
0x746: {  	v2 =	vor.u32 v2, v0;
	_ =	sdelay $0x3  }
0x747: {  	[tilespmem:v61+s23+$0x0] =	vst.idx.msk $0xffff, v1  }
0x748: {  	v1 =	vld.idx.msk [tilespmem:v2+s3+$0x0], $0xffff  }
0x749: {  	v2 =	vld [tilespmem:$0x1F9A0];
	_ =	sdelay $0x4  }
0x74a: {  	v2 =	vor.u32 v2, v0;
	_ =	sdelay $0x3  }
0x74b: {  	[tilespmem:v39+s23+$0x0] =	vst.idx.msk $0xffff, v1  }
0x74c: {  	v1 =	vld.idx.msk [tilespmem:v2+s3+$0x0], $0xffff  }
0x74d: {  	v2 =	vld [tilespmem:$0x1F9D0];
	_ =	sdelay $0x3  }
0x74e: {  	v21 =	vmov v48  }
0x74f: {  	v2 =	vor.u32 v2, v0;
	_ =	sdelay $0x3  }
0x750: {  	[tilespmem:v21+s23+$0x0] =	vst.idx.msk $0xffff, v1  }
0x751: {  	v3 =	vadd.s32 $0x30, v31;
	v1 =	vld.idx.msk [tilespmem:v2+s3+$0x0], $0xffff;
	_ =	sdelay $0x2  }
0x752: {  	v2 =	vor.u32 v36, v0  }
0x753: {  	[tilespmem:$0x1CBA0] =	vst v3  }
0x754: {  	[tilespmem:v3+s23+$0x0] =	vst.idx.msk $0xffff, v1;
	v3 =	vld [tilespmem:$0x1FA00];
	_ =	sdelay $0x2  }
0x755: {  	v1 =	vld.idx.msk [tilespmem:v2+s3+$0x0], $0xffff  }
0x756: {  	v2 =	vor.u32 v42, v0  }
0x757: {  	v44 =	vld [tilespmem:$0x1FA30];
	_ =	sdelay $0x2  }
0x758: {  	[tilespmem:v3+s23+$0x0] =	vst.idx.msk $0xffff, v1  }
0x759: {  	v1 =	vld.idx.msk [tilespmem:v2+s3+$0x0], $0xffff  }
0x75a: {  	v2 =	vor.u32 v44, v0;
	_ =	sdelay $0x3  }
0x75b: {  	[tilespmem:v46+s23+$0x0] =	vst.idx.msk $0xffff, v1  }
0x75c: {  	v1 =	vld.idx.msk [tilespmem:v2+s3+$0x0], $0xffff  }
0x75d: {  	v2 =	vld [tilespmem:$0x1FA60];
	_ =	sdelay $0x4  }
0x75e: {  	v2 =	vor.u32 v2, v0  }
0x75f: {  	v40 =	vld [tilespmem:$0x1FA90];
	_ =	sdelay $0x2  }
0x760: {  	[tilespmem:v45+s23+$0x0] =	vst.idx.msk $0xffff, v1  }
0x761: {  	v1 =	vld.idx.msk [tilespmem:v2+s3+$0x0], $0xffff  }
0x762: {  	v2 =	vor.u32 v40, v0;
	_ =	sdelay $0x3  }
0x763: {  	[tilespmem:v53+s23+$0x0] =	vst.idx.msk $0xffff, v1  }
0x764: {  	v1 =	vld.idx.msk [tilespmem:v2+s3+$0x0], $0xffff  }
0x765: {  	v2 =	vld [tilespmem:$0x1FAD0]  }
0x766: {  	v55 =	vld [tilespmem:$0x1FAB0];
	_ =	sdelay $0x3  }
0x767: {  	v2 =	vor.u32 v2, v0;
	_ =	sdelay $0x3  }
0x768: {  	[tilespmem:v55+s23+$0x0] =	vst.idx.msk $0xffff, v1  }
0x769: {  	v1 =	vld.idx.msk [tilespmem:v2+s3+$0x0], $0xffff  }
0x76a: {  	v2 =	vld [tilespmem:$0x1FB00];
	_ =	sdelay $0x4  }
0x76b: {  	v2 =	vor.u32 v2, v0;
	_ =	sdelay $0x3  }
0x76c: {  	v48 =	vmov v60;
	v60 =	vld [tilespmem:$0x1FB20];
	[tilespmem:v33+s23+$0x0] =	vst.idx.msk $0xffff, v1  }
0x76d: {  	v1 =	vld.idx.msk [tilespmem:v2+s3+$0x0], $0xffff  }
0x76e: {  	v2 =	vld [tilespmem:$0x1FB40];
	_ =	sdelay $0x4  }
0x76f: {  	v2 =	vor.u32 v2, v0  }
0x770: {  	[tilespmem:v60+s23+$0x0] =	vst.idx.msk $0xffff, v1;
	v60 =	vld [tilespmem:$0x1FB70];
	_ =	sdelay $0x3  }
0x771: {  	v1 =	vld.idx.msk [tilespmem:v2+s3+$0x0], $0xffff  }
0x772: {  	v2 =	vor.u32 v60, v0;
	_ =	sdelay $0x3  }
0x773: {  	[tilespmem:v35+s23+$0x0] =	vst.idx.msk $0xffff, v1  }
0x774: {  	v1 =	vld.idx.msk [tilespmem:v2+s3+$0x0], $0xffff  }
0x775: {  	v2 =	vld [tilespmem:$0x1FBA0];
	_ =	sdelay $0x3  }
0x776: {  	v49 =	vmovc v13;
	v13 =	vmov v9;
	v9 =	vmov v27;
	v27 =	vmov v52  }
0x777: {  	v33 =	vmov v2;
	v2 =	vor.u32 v2, v0;
	_ =	sdelay $0x3  }
0x778: {  	[tilespmem:v27+s23+$0x0] =	vst.idx.msk $0xffff, v1  }
0x779: {  	v1 =	vld.idx.msk [tilespmem:v2+s3+$0x0], $0xffff  }
0x77a: {  	v2 =	vld [tilespmem:$0x1FBE0]  }
0x77b: {  	v61 =	vld [tilespmem:$0x1FBC0];
	_ =	sdelay $0x3  }
0x77c: {  	v35 =	vmov v2;
	v2 =	vor.u32 v2, v0  }
0x77d: {  	v53 =	vld [tilespmem:$0x1FC10];
	_ =	sdelay $0x2  }
0x77e: {  	[tilespmem:v61+s23+$0x0] =	vst.idx.msk $0xffff, v1  }
0x77f: {  	v1 =	vld.idx.msk [tilespmem:v2+s3+$0x0], $0xffff  }
0x780: {  	v2 =	vor.u32 v53, v0;
	_ =	sdelay $0x3  }
0x781: {  	[tilespmem:v47+s23+$0x0] =	vst.idx.msk $0xffff, v1  }
0x782: {  	v1 =	vld.idx.msk [tilespmem:v2+s3+$0x0], $0xffff  }
0x783: {  	v2 =	vld [tilespmem:$0x1FC40];
	_ =	sdelay $0x4  }
0x784: {  	v5 =	vmov v11;
	v11 =	vmov v19;
	v19 =	vld [tilespmem:$0x1FF70];
	v2 =	vor.u32 v2, v0  }
0x785: {  	v45 =	vld [tilespmem:$0x1FC80]  }
0x786: {  	v39 =	vld [tilespmem:$0x1FC60]  }
0x787: {  	v54 =	vmov v6;
	v6 =	vmov v17;
	v17 =	vld [tilespmem:$0x1F4A0]  }
0x788: {  	v52 =	vmov v56;
	v56 =	vmov v4;
	v4 =	vld [tilespmem:$0x1FFB0];
	[tilespmem:v29+s23+$0x0] =	vst.idx.msk $0xffff, v1  }
0x789: {  	v1 =	vld.idx.msk [tilespmem:v2+s3+$0x0], $0xffff  }
0x78a: {  	v3 =	vld [tilespmem:$0x1FCB0];
	v2 =	vor.u32 v45, v0  }
0x78b: {  	v55 =	vmov v27;
	v27 =	vld [tilespmem:$0x1FCD0]  }
0x78c: {  	v21 =	vmov v61;
	v61 =	vld [tilespmem:$0x1FFC0]  }
0x78d: {  	v47 =	vmov v24;
	v24 =	vmov v51;
	v51 =	vmov v36;
	v36 =	vld [tilespmem:$0x1FF40]  }
0x78e: {  	s24 =	simm.s32 $0x10;
	v29 =	vmovc v38;
	v38 =	vmovc v63;
	v63 =	vmov v43;
	v43 =	vmov v46;
	v46 =	vmov v57;
	v57 =	vld [tilespmem:$0x1F730];
	[tilespmem:v39+s23+$0x0] =	vst.idx.msk $0xffff, v1  }
0x78f: {  	s25 =	simm.s32 $0x20;
	v32 =	vmov v3;
	v0 =	vor.u32 v3, v0;
	v1 =	vld.idx.msk [tilespmem:v2+s3+$0x0], $0xffff;
	v2 =	vmov s24  }
.LBB2_4:
0x790: {  	_ =	sdelay $0x1  }
0x791: {  	v3 =	vlaneseq.u32  }
0x792: {  	v2 =	vshll.u32 v2, $0x3;
	v3 =	vor.u32 s24, v3  }
0x793: {  	v2 =	vand.u32 $0x400, v2;
	[tilespmem:v29+s23+$0x0] =	vst.idx.msk $0xffff, v1;
	v1 =	vand.u32 $0x7F, v3  }
0x794: {  	v3 =	vld.idx.msk [tilespmem:v0+s3+$0x0], $0xffff;
	v0 =	vor.u32 v2, v1  }
0x795: {  	v1 =	vor.u32 v37, v0;
	_ =	sdelay $0x3  }
0x796: {  	[tilespmem:v27+s23+$0x0] =	vst.idx.msk $0xffff, v3  }
0x797: {  	v1 =	vld.idx.msk [tilespmem:v1+s3+$0x0], $0xffff  }
0x798: {  	v2 =	vor.u32 v38, v0;
	_ =	sdelay $0x2  }
0x799: {  	s23 =	sadd.s32 $0x400, s23  }
0x79a: {  	[tilespmem:v31+s23+$0x0] =	vst.idx.msk $0xffff, v1  }
0x79b: {  	v1 =	vld.idx.msk [tilespmem:v2+s3+$0x0], $0xffff  }
0x79c: {  	v2 =	vor.u32 v7, v0;
	_ =	sdelay $0x3  }
0x79d: {  	[tilespmem:v34+s23+$0x0] =	vst.idx.msk $0xffff, v1  }
0x79e: {  	v1 =	vld.idx.msk [tilespmem:v2+s3+$0x0], $0xffff  }
0x79f: {  	v2 =	vor.u32 v36, v0;
	_ =	sdelay $0x3  }
0x7a0: {  	[tilespmem:v10+s23+$0x0] =	vst.idx.msk $0xffff, v1  }
0x7a1: {  	v1 =	vld.idx.msk [tilespmem:v2+s3+$0x0], $0xffff  }
0x7a2: {  	v2 =	vor.u32 v18, v0;
	_ =	sdelay $0x3  }
0x7a3: {  	[tilespmem:v8+s23+$0x0] =	vst.idx.msk $0xffff, v1  }
0x7a4: {  	v1 =	vld.idx.msk [tilespmem:v2+s3+$0x0], $0xffff  }
0x7a5: {  	v2 =	vor.u32 v25, v0;
	_ =	sdelay $0x1  }
0x7a6: {  	v3 =	vld [tilespmem:$0x1FCE0];
	_ =	sdelay $0x1  }
0x7a7: {  	[tilespmem:v4+s23+$0x0] =	vst.idx.msk $0xffff, v1  }
0x7a8: {  	v1 =	vld.idx.msk [tilespmem:v2+s3+$0x0], $0xffff  }
0x7a9: {  	v2 =	vor.u32 v23, v0;
	_ =	sdelay $0x3  }
0x7aa: {  	[tilespmem:v3+s23+$0x0] =	vst.idx.msk $0xffff, v1  }
0x7ab: {  	v1 =	vld.idx.msk [tilespmem:v2+s3+$0x0], $0xffff  }
0x7ac: {  	v2 =	vld [tilespmem:$0x1FD20]  }
0x7ad: {  	v3 =	vld [tilespmem:$0x1F480];
	_ =	sdelay $0x3  }
0x7ae: {  	v2 =	vor.u32 v2, v0;
	_ =	sdelay $0x3  }
0x7af: {  	[tilespmem:v3+s23+$0x0] =	vst.idx.msk $0xffff, v1  }
0x7b0: {  	v1 =	vld.idx.msk [tilespmem:v2+s3+$0x0], $0xffff  }
0x7b1: {  	v2 =	vld [tilespmem:$0x1FD30];
	_ =	sdelay $0x4  }
0x7b2: {  	v2 =	vor.u32 v2, v0;
	_ =	sdelay $0x1  }
0x7b3: {  	v3 =	vld [tilespmem:$0x1F490];
	_ =	sdelay $0x1  }
0x7b4: {  	[tilespmem:v19+s23+$0x0] =	vst.idx.msk $0xffff, v1  }
0x7b5: {  	v1 =	vld.idx.msk [tilespmem:v2+s3+$0x0], $0xffff  }
0x7b6: {  	v2 =	vor.u32 v17, v0;
	_ =	sdelay $0x3  }
0x7b7: {  	[tilespmem:v3+s23+$0x0] =	vst.idx.msk $0xffff, v1  }
0x7b8: {  	v1 =	vld.idx.msk [tilespmem:v2+s3+$0x0], $0xffff  }
0x7b9: {  	v2 =	vld [tilespmem:$0x1FD40]  }
0x7ba: {  	v3 =	vld [tilespmem:$0x1F4B0];
	_ =	sdelay $0x3  }
0x7bb: {  	v2 =	vor.u32 v2, v0;
	_ =	sdelay $0x3  }
0x7bc: {  	[tilespmem:v3+s23+$0x0] =	vst.idx.msk $0xffff, v1  }
0x7bd: {  	v1 =	vld.idx.msk [tilespmem:v2+s3+$0x0], $0xffff  }
0x7be: {  	v2 =	vld [tilespmem:$0x1FD50];
	_ =	sdelay $0x4  }
0x7bf: {  	v2 =	vor.u32 v2, v0;
	_ =	sdelay $0x1  }
0x7c0: {  	v3 =	vld [tilespmem:$0x1F4D0];
	_ =	sdelay $0x1  }
0x7c1: {  	[tilespmem:v13+s23+$0x0] =	vst.idx.msk $0xffff, v1  }
0x7c2: {  	v1 =	vld.idx.msk [tilespmem:v2+s3+$0x0], $0xffff  }
0x7c3: {  	v2 =	vor.u32 v26, v0;
	_ =	sdelay $0x3  }
0x7c4: {  	[tilespmem:v3+s23+$0x0] =	vst.idx.msk $0xffff, v1  }
0x7c5: {  	v1 =	vld.idx.msk [tilespmem:v2+s3+$0x0], $0xffff  }
0x7c6: {  	v2 =	vor.u32 v11, v0;
	_ =	sdelay $0x1  }
0x7c7: {  	v3 =	vld [tilespmem:$0x1F520];
	_ =	sdelay $0x1  }
0x7c8: {  	[tilespmem:v30+s23+$0x0] =	vst.idx.msk $0xffff, v1  }
0x7c9: {  	v1 =	vld.idx.msk [tilespmem:v2+s3+$0x0], $0xffff  }
0x7ca: {  	v2 =	vor.u32 v6, v0;
	_ =	sdelay $0x3  }
0x7cb: {  	[tilespmem:v3+s23+$0x0] =	vst.idx.msk $0xffff, v1  }
0x7cc: {  	v1 =	vld.idx.msk [tilespmem:v2+s3+$0x0], $0xffff  }
0x7cd: {  	v2 =	vor.u32 v14, v0;
	_ =	sdelay $0x3  }
0x7ce: {  	[tilespmem:v5+s23+$0x0] =	vst.idx.msk $0xffff, v1  }
0x7cf: {  	v1 =	vld.idx.msk [tilespmem:v2+s3+$0x0], $0xffff  }
0x7d0: {  	v2 =	vld [tilespmem:$0x1FD60];
	_ =	sdelay $0x4  }
0x7d1: {  	v2 =	vor.u32 v2, v0;
	_ =	sdelay $0x3  }
0x7d2: {  	[tilespmem:v59+s23+$0x0] =	vst.idx.msk $0xffff, v1  }
0x7d3: {  	v1 =	vld.idx.msk [tilespmem:v2+s3+$0x0], $0xffff  }
0x7d4: {  	v2 =	vor.u32 v54, v0;
	_ =	sdelay $0x1  }
0x7d5: {  	v3 =	vld [tilespmem:$0x1F570];
	_ =	sdelay $0x1  }
0x7d6: {  	[tilespmem:v61+s23+$0x0] =	vst.idx.msk $0xffff, v1  }
0x7d7: {  	v1 =	vld.idx.msk [tilespmem:v2+s3+$0x0], $0xffff;
	_ =	sdelay $0x2  }
0x7d8: {  	v2 =	vor.u32 v50, v0;
	_ =	sdelay $0x1  }
0x7d9: {  	[tilespmem:v3+s23+$0x0] =	vst.idx.msk $0xffff, v1;
	v3 =	vld [tilespmem:$0x1FD70];
	_ =	sdelay $0x2  }
0x7da: {  	v1 =	vld.idx.msk [tilespmem:v2+s3+$0x0], $0xffff;
	_ =	sdelay $0x2  }
0x7db: {  	v2 =	vor.u32 v49, v0;
	_ =	sdelay $0x1  }
0x7dc: {  	[tilespmem:v3+s23+$0x0] =	vst.idx.msk $0xffff, v1;
	v3 =	vld [tilespmem:$0x1F5A0];
	_ =	sdelay $0x2  }
0x7dd: {  	v1 =	vld.idx.msk [tilespmem:v2+s3+$0x0], $0xffff;
	_ =	sdelay $0x2  }
0x7de: {  	v2 =	vor.u32 v46, v0;
	_ =	sdelay $0x1  }
0x7df: {  	[tilespmem:v3+s23+$0x0] =	vst.idx.msk $0xffff, v1;
	v3 =	vld [tilespmem:$0x1FD80];
	_ =	sdelay $0x2  }
0x7e0: {  	v1 =	vld.idx.msk [tilespmem:v2+s3+$0x0], $0xffff;
	_ =	sdelay $0x2  }
0x7e1: {  	v2 =	vor.u32 v24, v0;
	_ =	sdelay $0x1  }
0x7e2: {  	[tilespmem:v3+s23+$0x0] =	vst.idx.msk $0xffff, v1;
	v3 =	vld [tilespmem:$0x1FE10];
	_ =	sdelay $0x2  }
0x7e3: {  	v1 =	vld.idx.msk [tilespmem:v2+s3+$0x0], $0xffff;
	_ =	sdelay $0x2  }
0x7e4: {  	v2 =	vor.u32 v22, v0;
	_ =	sdelay $0x1  }
0x7e5: {  	[tilespmem:v3+s23+$0x0] =	vst.idx.msk $0xffff, v1;
	v3 =	vld [tilespmem:$0x1FD90];
	_ =	sdelay $0x2  }
0x7e6: {  	v1 =	vld.idx.msk [tilespmem:v2+s3+$0x0], $0xffff;
	_ =	sdelay $0x2  }
0x7e7: {  	v2 =	vor.u32 v15, v0;
	_ =	sdelay $0x1  }
0x7e8: {  	[tilespmem:v3+s23+$0x0] =	vst.idx.msk $0xffff, v1;
	v3 =	vld [tilespmem:$0x1F600];
	_ =	sdelay $0x2  }
0x7e9: {  	v1 =	vld.idx.msk [tilespmem:v2+s3+$0x0], $0xffff;
	_ =	sdelay $0x2  }
0x7ea: {  	v2 =	vor.u32 v16, v0;
	_ =	sdelay $0x1  }
0x7eb: {  	[tilespmem:v3+s23+$0x0] =	vst.idx.msk $0xffff, v1;
	v3 =	vld [tilespmem:$0x1FDA0];
	_ =	sdelay $0x2  }
0x7ec: {  	v1 =	vld.idx.msk [tilespmem:v2+s3+$0x0], $0xffff;
	_ =	sdelay $0x2  }
0x7ed: {  	v2 =	vor.u32 v63, v0;
	_ =	sdelay $0x1  }
0x7ee: {  	[tilespmem:v3+s23+$0x0] =	vst.idx.msk $0xffff, v1;
	v3 =	vld [tilespmem:$0x1F630];
	_ =	sdelay $0x2  }
0x7ef: {  	v1 =	vld.idx.msk [tilespmem:v2+s3+$0x0], $0xffff;
	_ =	sdelay $0x2  }
0x7f0: {  	v2 =	vor.u32 v62, v0;
	_ =	sdelay $0x1  }
0x7f1: {  	[tilespmem:v3+s23+$0x0] =	vst.idx.msk $0xffff, v1;
	v3 =	vld [tilespmem:$0x1FDB0];
	_ =	sdelay $0x2  }
0x7f2: {  	v1 =	vld.idx.msk [tilespmem:v2+s3+$0x0], $0xffff  }
0x7f3: {  	v2 =	vor.u32 v58, v0;
	_ =	sdelay $0x3  }
0x7f4: {  	[tilespmem:v3+s23+$0x0] =	vst.idx.msk $0xffff, v1  }
0x7f5: {  	v1 =	vld.idx.msk [tilespmem:v2+s3+$0x0], $0xffff  }
0x7f6: {  	v2 =	vld [tilespmem:$0x1FE20]  }
0x7f7: {  	v3 =	vld [tilespmem:$0x1FDC0];
	_ =	sdelay $0x3  }
0x7f8: {  	v2 =	vor.u32 v2, v0;
	_ =	sdelay $0x3  }
0x7f9: {  	[tilespmem:v3+s23+$0x0] =	vst.idx.msk $0xffff, v1  }
0x7fa: {  	v1 =	vld.idx.msk [tilespmem:v2+s3+$0x0], $0xffff  }
0x7fb: {  	v2 =	vld [tilespmem:$0x1F670]  }
0x7fc: {  	v3 =	vld [tilespmem:$0x1F660];
	_ =	sdelay $0x3  }
0x7fd: {  	v2 =	vor.u32 v2, v0;
	_ =	sdelay $0x3  }
0x7fe: {  	[tilespmem:v3+s23+$0x0] =	vst.idx.msk $0xffff, v1  }
0x7ff: {  	v1 =	vld.idx.msk [tilespmem:v2+s3+$0x0], $0xffff  }
0x800: {  	v2 =	vld [tilespmem:$0x1FE30]  }
0x801: {  	v3 =	vld [tilespmem:$0x1FDD0];
	_ =	sdelay $0x3  }
0x802: {  	v2 =	vor.u32 v2, v0;
	_ =	sdelay $0x3  }
0x803: {  	[tilespmem:v3+s23+$0x0] =	vst.idx.msk $0xffff, v1  }
0x804: {  	v1 =	vld.idx.msk [tilespmem:v2+s3+$0x0], $0xffff  }
0x805: {  	v2 =	vor.u32 v9, v0;
	_ =	sdelay $0x3  }
0x806: {  	[tilespmem:v28+s23+$0x0] =	vst.idx.msk $0xffff, v1  }
0x807: {  	v1 =	vld.idx.msk [tilespmem:v2+s3+$0x0], $0xffff  }
0x808: {  	v2 =	vld [tilespmem:$0x1FDF0]  }
0x809: {  	v3 =	vld [tilespmem:$0x1FDE0];
	_ =	sdelay $0x3  }
0x80a: {  	v2 =	vor.u32 v2, v0;
	_ =	sdelay $0x3  }
0x80b: {  	[tilespmem:v3+s23+$0x0] =	vst.idx.msk $0xffff, v1;
	v3 =	vld [tilespmem:$0x1CB90]  }
0x80c: {  	v1 =	vld.idx.msk [tilespmem:v2+s3+$0x0], $0xffff  }
0x80d: {  	v2 =	vld [tilespmem:$0x1FE00];
	_ =	sdelay $0x4  }
0x80e: {  	v2 =	vor.u32 v2, v0;
	_ =	sdelay $0x1  }
0x80f: {  	[tilespmem:v3+s23+$0x0] =	vst.idx.msk $0xffff, v1;
	v3 =	vld [tilespmem:$0x1F6D0];
	_ =	sdelay $0x2  }
0x810: {  	v1 =	vld.idx.msk [tilespmem:v2+s3+$0x0], $0xffff;
	_ =	sdelay $0x2  }
0x811: {  	v2 =	vor.u32 v56, v0;
	_ =	sdelay $0x1  }
0x812: {  	[tilespmem:v3+s23+$0x0] =	vst.idx.msk $0xffff, v1;
	v3 =	vld [tilespmem:$0x1F710];
	_ =	sdelay $0x2  }
0x813: {  	v1 =	vld.idx.msk [tilespmem:v2+s3+$0x0], $0xffff;
	_ =	sdelay $0x2  }
0x814: {  	v2 =	vor.u32 v57, v0;
	_ =	sdelay $0x1  }
0x815: {  	[tilespmem:v3+s23+$0x0] =	vst.idx.msk $0xffff, v1;
	v3 =	vld [tilespmem:$0x1F750];
	_ =	sdelay $0x2  }
0x816: {  	v1 =	vld.idx.msk [tilespmem:v2+s3+$0x0], $0xffff;
	_ =	sdelay $0x2  }
0x817: {  	v2 =	vor.u32 v52, v0;
	_ =	sdelay $0x1  }
0x818: {  	[tilespmem:v3+s23+$0x0] =	vst.idx.msk $0xffff, v1;
	v3 =	vld [tilespmem:$0x1F780];
	_ =	sdelay $0x2  }
0x819: {  	v1 =	vld.idx.msk [tilespmem:v2+s3+$0x0], $0xffff;
	_ =	sdelay $0x2  }
0x81a: {  	v2 =	vor.u32 v48, v0;
	_ =	sdelay $0x1  }
0x81b: {  	[tilespmem:v3+s23+$0x0] =	vst.idx.msk $0xffff, v1;
	v3 =	vld [tilespmem:$0x1F7B0];
	_ =	sdelay $0x2  }
0x81c: {  	v1 =	vld.idx.msk [tilespmem:v2+s3+$0x0], $0xffff  }
0x81d: {  	v2 =	vor.u32 v41, v0;
	_ =	sdelay $0x3  }
0x81e: {  	[tilespmem:v3+s23+$0x0] =	vst.idx.msk $0xffff, v1  }
0x81f: {  	v1 =	vld.idx.msk [tilespmem:v2+s3+$0x0], $0xffff  }
0x820: {  	v2 =	vld [tilespmem:$0x1F7F0]  }
0x821: {  	v3 =	vld [tilespmem:$0x1FE80];
	_ =	sdelay $0x3  }
0x822: {  	v2 =	vor.u32 v2, v0;
	_ =	sdelay $0x3  }
0x823: {  	[tilespmem:v3+s23+$0x0] =	vst.idx.msk $0xffff, v1  }
0x824: {  	v1 =	vld.idx.msk [tilespmem:v2+s3+$0x0], $0xffff  }
0x825: {  	v2 =	vld [tilespmem:$0x1F820];
	_ =	sdelay $0x4  }
0x826: {  	v2 =	vor.u32 v2, v0;
	_ =	sdelay $0x3  }
0x827: {  	[tilespmem:v20+s23+$0x0] =	vst.idx.msk $0xffff, v1  }
0x828: {  	v1 =	vld.idx.msk [tilespmem:v2+s3+$0x0], $0xffff  }
0x829: {  	v2 =	vld [tilespmem:$0x1F860];
	_ =	sdelay $0x4  }
0x82a: {  	v2 =	vor.u32 v2, v0;
	_ =	sdelay $0x3  }
0x82b: {  	[tilespmem:v12+s23+$0x0] =	vst.idx.msk $0xffff, v1  }
0x82c: {  	v1 =	vld.idx.msk [tilespmem:v2+s3+$0x0], $0xffff  }
0x82d: {  	v2 =	vld [tilespmem:$0x1F8A0];
	_ =	sdelay $0x4  }
0x82e: {  	v2 =	vor.u32 v2, v0;
	_ =	sdelay $0x3  }
0x82f: {  	[tilespmem:v47+s23+$0x0] =	vst.idx.msk $0xffff, v1  }
0x830: {  	v1 =	vld.idx.msk [tilespmem:v2+s3+$0x0], $0xffff  }
0x831: {  	v2 =	vld [tilespmem:$0x1F8D0]  }
0x832: {  	v3 =	vld [tilespmem:$0x1FE40];
	_ =	sdelay $0x3  }
0x833: {  	v2 =	vor.u32 v2, v0;
	_ =	sdelay $0x3  }
0x834: {  	[tilespmem:v3+s23+$0x0] =	vst.idx.msk $0xffff, v1  }
0x835: {  	v1 =	vld.idx.msk [tilespmem:v2+s3+$0x0], $0xffff  }
0x836: {  	v2 =	vld [tilespmem:$0x1F910]  }
0x837: {  	v3 =	vld [tilespmem:$0x1F8F0];
	_ =	sdelay $0x3  }
0x838: {  	v2 =	vor.u32 v2, v0;
	_ =	sdelay $0x3  }
0x839: {  	[tilespmem:v3+s23+$0x0] =	vst.idx.msk $0xffff, v1  }
0x83a: {  	v1 =	vld.idx.msk [tilespmem:v2+s3+$0x0], $0xffff  }
0x83b: {  	v2 =	vld [tilespmem:$0x1F940]  }
0x83c: {  	v3 =	vld [tilespmem:$0x1FE60];
	_ =	sdelay $0x3  }
0x83d: {  	v2 =	vor.u32 v2, v0;
	_ =	sdelay $0x3  }
0x83e: {  	[tilespmem:v3+s23+$0x0] =	vst.idx.msk $0xffff, v1  }
0x83f: {  	v1 =	vld.idx.msk [tilespmem:v2+s3+$0x0], $0xffff  }
0x840: {  	v2 =	vld [tilespmem:$0x1F970]  }
0x841: {  	v3 =	vld [tilespmem:$0x1FE50];
	_ =	sdelay $0x3  }
0x842: {  	v2 =	vor.u32 v2, v0;
	_ =	sdelay $0x3  }
0x843: {  	[tilespmem:v3+s23+$0x0] =	vst.idx.msk $0xffff, v1  }
0x844: {  	v1 =	vld.idx.msk [tilespmem:v2+s3+$0x0], $0xffff  }
0x845: {  	v2 =	vld [tilespmem:$0x1F9A0]  }
0x846: {  	v3 =	vld [tilespmem:$0x1FE70];
	_ =	sdelay $0x3  }
0x847: {  	v2 =	vor.u32 v2, v0;
	_ =	sdelay $0x3  }
0x848: {  	[tilespmem:v3+s23+$0x0] =	vst.idx.msk $0xffff, v1;
	v3 =	vld [tilespmem:$0x1FE90]  }
0x849: {  	v1 =	vld.idx.msk [tilespmem:v2+s3+$0x0], $0xffff  }
0x84a: {  	v2 =	vld [tilespmem:$0x1F9D0];
	_ =	sdelay $0x4  }
0x84b: {  	v2 =	vor.u32 v2, v0;
	_ =	sdelay $0x1  }
0x84c: {  	[tilespmem:v3+s23+$0x0] =	vst.idx.msk $0xffff, v1;
	v3 =	vld [tilespmem:$0x1CBA0];
	_ =	sdelay $0x2  }
0x84d: {  	v1 =	vld.idx.msk [tilespmem:v2+s3+$0x0], $0xffff;
	_ =	sdelay $0x2  }
0x84e: {  	v2 =	vor.u32 v51, v0;
	_ =	sdelay $0x1  }
0x84f: {  	[tilespmem:v3+s23+$0x0] =	vst.idx.msk $0xffff, v1;
	v3 =	vld [tilespmem:$0x1FA00];
	_ =	sdelay $0x2  }
0x850: {  	v1 =	vld.idx.msk [tilespmem:v2+s3+$0x0], $0xffff  }
0x851: {  	v2 =	vor.u32 v42, v0;
	_ =	sdelay $0x3  }
0x852: {  	[tilespmem:v3+s23+$0x0] =	vst.idx.msk $0xffff, v1  }
0x853: {  	v1 =	vld.idx.msk [tilespmem:v2+s3+$0x0], $0xffff  }
0x854: {  	v2 =	vor.u32 v44, v0;
	_ =	sdelay $0x3  }
0x855: {  	v3 =	vld [tilespmem:$0x1FED0];
	[tilespmem:v43+s23+$0x0] =	vst.idx.msk $0xffff, v1  }
0x856: {  	v1 =	vld.idx.msk [tilespmem:v2+s3+$0x0], $0xffff  }
0x857: {  	v2 =	vld [tilespmem:$0x1FA60];
	_ =	sdelay $0x4  }
0x858: {  	v2 =	vor.u32 v2, v0;
	_ =	sdelay $0x1  }
0x859: {  	[tilespmem:v3+s23+$0x0] =	vst.idx.msk $0xffff, v1;
	v3 =	vld [tilespmem:$0x1FEC0];
	_ =	sdelay $0x2  }
0x85a: {  	v1 =	vld.idx.msk [tilespmem:v2+s3+$0x0], $0xffff  }
0x85b: {  	v2 =	vor.u32 v40, v0;
	_ =	sdelay $0x3  }
0x85c: {  	[tilespmem:v3+s23+$0x0] =	vst.idx.msk $0xffff, v1  }
0x85d: {  	v1 =	vld.idx.msk [tilespmem:v2+s3+$0x0], $0xffff  }
0x85e: {  	v2 =	vld [tilespmem:$0x1FAD0]  }
0x85f: {  	v3 =	vld [tilespmem:$0x1FAB0];
	_ =	sdelay $0x3  }
0x860: {  	v2 =	vor.u32 v2, v0;
	_ =	sdelay $0x3  }
0x861: {  	[tilespmem:v3+s23+$0x0] =	vst.idx.msk $0xffff, v1  }
0x862: {  	v1 =	vld.idx.msk [tilespmem:v2+s3+$0x0], $0xffff  }
0x863: {  	v2 =	vld [tilespmem:$0x1FB00]  }
0x864: {  	v3 =	vld [tilespmem:$0x1FEE0];
	_ =	sdelay $0x3  }
0x865: {  	v2 =	vor.u32 v2, v0;
	_ =	sdelay $0x3  }
0x866: {  	[tilespmem:v3+s23+$0x0] =	vst.idx.msk $0xffff, v1;
	v3 =	vld [tilespmem:$0x1FB20]  }
0x867: {  	v1 =	vld.idx.msk [tilespmem:v2+s3+$0x0], $0xffff  }
0x868: {  	v2 =	vld [tilespmem:$0x1FB40];
	_ =	sdelay $0x4  }
0x869: {  	v2 =	vor.u32 v2, v0;
	_ =	sdelay $0x1  }
0x86a: {  	[tilespmem:v3+s23+$0x0] =	vst.idx.msk $0xffff, v1;
	v3 =	vld [tilespmem:$0x1FEF0];
	_ =	sdelay $0x2  }
0x86b: {  	v1 =	vld.idx.msk [tilespmem:v2+s3+$0x0], $0xffff  }
0x86c: {  	v2 =	vor.u32 v60, v0;
	_ =	sdelay $0x3  }
0x86d: {  	[tilespmem:v3+s23+$0x0] =	vst.idx.msk $0xffff, v1  }
0x86e: {  	v1 =	vld.idx.msk [tilespmem:v2+s3+$0x0], $0xffff  }
0x86f: {  	v2 =	vor.u32 v33, v0;
	_ =	sdelay $0x3  }
0x870: {  	[tilespmem:v55+s23+$0x0] =	vst.idx.msk $0xffff, v1  }
0x871: {  	v1 =	vld.idx.msk [tilespmem:v2+s3+$0x0], $0xffff  }
0x872: {  	v2 =	vor.u32 v35, v0;
	_ =	sdelay $0x1  }
0x873: {  	v3 =	vld [tilespmem:$0x1FF10];
	_ =	sdelay $0x1  }
0x874: {  	[tilespmem:v21+s23+$0x0] =	vst.idx.msk $0xffff, v1  }
0x875: {  	v1 =	vld.idx.msk [tilespmem:v2+s3+$0x0], $0xffff  }
0x876: {  	v2 =	vor.u32 v53, v0;
	_ =	sdelay $0x3  }
0x877: {  	[tilespmem:v3+s23+$0x0] =	vst.idx.msk $0xffff, v1  }
0x878: {  	v1 =	vld.idx.msk [tilespmem:v2+s3+$0x0], $0xffff  }
0x879: {  	v2 =	vld [tilespmem:$0x1FC40]  }
0x87a: {  	v3 =	vld [tilespmem:$0x1FF20];
	_ =	sdelay $0x3  }
0x87b: {  	v2 =	vor.u32 v2, v0;
	_ =	sdelay $0x3  }
0x87c: {  	[tilespmem:v3+s23+$0x0] =	vst.idx.msk $0xffff, v1  }
0x87d: {  	v1 =	vld.idx.msk [tilespmem:v2+s3+$0x0], $0xffff  }
0x87e: {  	p2 =	sne.s32 s25, $0xF0;
	v2 =	vor.u32 v45, v0  }
.Ltmp5:
0x87f: {  	_ = 	snop;
	(pc) =	sbr.rel @p2 .LBB2_4-.Ltmp5, $3  }
0x880: {  	_ =	sdelay $0x1  }
0x881: {  	s24 =	smov.u32 s25;
	[tilespmem:v39+s23+$0x0] =	vst.idx.msk $0xffff, v1  }
0x882: {  	s25 =	sadd.s32 $0x10, s25;
	v0 =	vor.u32 v32, v0;
	v1 =	vld.idx.msk [tilespmem:v2+s3+$0x0], $0xffff;
	v2 =	vmov s24  }
0x883: {  	_ =	sdelay $0x1  }
0x884: {  	v3 =	vlaneseq.u32  }
0x885: {  	v2 =	vshll.u32 v2, $0x3;
	v3 =	vor.u32 s24, v3  }
0x886: {  	v2 =	vand.u32 $0x400, v2;
	[tilespmem:v29+s23+$0x0] =	vst.idx.msk $0xffff, v1;
	v1 =	vand.u32 $0x7F, v3  }
0x887: {  	v3 =	vld.idx.msk [tilespmem:v0+s3+$0x0], $0xffff;
	v0 =	vor.u32 v2, v1  }
0x888: {  	v1 =	vor.u32 v37, v0;
	_ =	sdelay $0x3  }
0x889: {  	[tilespmem:v27+s23+$0x0] =	vst.idx.msk $0xffff, v3  }
0x88a: {  	v1 =	vld.idx.msk [tilespmem:v1+s3+$0x0], $0xffff  }
0x88b: {  	v2 =	vor.u32 v38, v0;
	_ =	sdelay $0x2  }
0x88c: {  	s29 =	sadd.s32 $0x400, s23  }
0x88d: {  	[tilespmem:v31+s29+$0x0] =	vst.idx.msk $0xffff, v1  }
0x88e: {  	v1 =	vld.idx.msk [tilespmem:v2+s3+$0x0], $0xffff  }
0x88f: {  	v2 =	vor.u32 v7, v0;
	_ =	sdelay $0x3  }
0x890: {  	[tilespmem:v34+s29+$0x0] =	vst.idx.msk $0xffff, v1  }
0x891: {  	v1 =	vld.idx.msk [tilespmem:v2+s3+$0x0], $0xffff  }
0x892: {  	v2 =	vor.u32 v36, v0;
	_ =	sdelay $0x3  }
0x893: {  	[tilespmem:v10+s29+$0x0] =	vst.idx.msk $0xffff, v1  }
0x894: {  	v1 =	vld.idx.msk [tilespmem:v2+s3+$0x0], $0xffff  }
0x895: {  	v2 =	vor.u32 v18, v0;
	_ =	sdelay $0x3  }
0x896: {  	[tilespmem:v8+s29+$0x0] =	vst.idx.msk $0xffff, v1  }
0x897: {  	v1 =	vld.idx.msk [tilespmem:v2+s3+$0x0], $0xffff  }
0x898: {  	v2 =	vor.u32 v25, v0;
	_ =	sdelay $0x1  }
0x899: {  	v29 =	vld [tilespmem:$0x1FCE0];
	_ =	sdelay $0x1  }
0x89a: {  	[tilespmem:v4+s29+$0x0] =	vst.idx.msk $0xffff, v1  }
0x89b: {  	v1 =	vld.idx.msk [tilespmem:v2+s3+$0x0], $0xffff  }
0x89c: {  	v2 =	vor.u32 v23, v0;
	_ =	sdelay $0x3  }
0x89d: {  	[tilespmem:v29+s29+$0x0] =	vst.idx.msk $0xffff, v1  }
0x89e: {  	v1 =	vld.idx.msk [tilespmem:v2+s3+$0x0], $0xffff  }
0x89f: {  	v2 =	vld [tilespmem:$0x1FD20]  }
0x8a0: {  	v3 =	vld [tilespmem:$0x1F480];
	_ =	sdelay $0x3  }
0x8a1: {  	v2 =	vor.u32 v2, v0;
	_ =	sdelay $0x3  }
0x8a2: {  	[tilespmem:v3+s29+$0x0] =	vst.idx.msk $0xffff, v1  }
0x8a3: {  	v1 =	vld.idx.msk [tilespmem:v2+s3+$0x0], $0xffff  }
0x8a4: {  	v2 =	vld [tilespmem:$0x1FD30];
	_ =	sdelay $0x4  }
0x8a5: {  	v2 =	vor.u32 v2, v0;
	_ =	sdelay $0x1  }
0x8a6: {  	v3 =	vld [tilespmem:$0x1F490];
	_ =	sdelay $0x1  }
0x8a7: {  	[tilespmem:v19+s29+$0x0] =	vst.idx.msk $0xffff, v1  }
0x8a8: {  	v1 =	vld.idx.msk [tilespmem:v2+s3+$0x0], $0xffff  }
0x8a9: {  	v2 =	vor.u32 v17, v0;
	_ =	sdelay $0x3  }
0x8aa: {  	[tilespmem:v3+s29+$0x0] =	vst.idx.msk $0xffff, v1  }
0x8ab: {  	v1 =	vld.idx.msk [tilespmem:v2+s3+$0x0], $0xffff  }
0x8ac: {  	v2 =	vld [tilespmem:$0x1FD40]  }
0x8ad: {  	v3 =	vld [tilespmem:$0x1F4B0];
	_ =	sdelay $0x3  }
0x8ae: {  	v2 =	vor.u32 v2, v0;
	_ =	sdelay $0x3  }
0x8af: {  	[tilespmem:v3+s29+$0x0] =	vst.idx.msk $0xffff, v1  }
0x8b0: {  	v1 =	vld.idx.msk [tilespmem:v2+s3+$0x0], $0xffff  }
0x8b1: {  	v2 =	vld [tilespmem:$0x1FD50];
	_ =	sdelay $0x4  }
0x8b2: {  	v2 =	vor.u32 v2, v0;
	_ =	sdelay $0x1  }
0x8b3: {  	v3 =	vld [tilespmem:$0x1F4D0];
	_ =	sdelay $0x1  }
0x8b4: {  	[tilespmem:v13+s29+$0x0] =	vst.idx.msk $0xffff, v1  }
0x8b5: {  	v1 =	vld.idx.msk [tilespmem:v2+s3+$0x0], $0xffff  }
0x8b6: {  	v2 =	vor.u32 v26, v0;
	_ =	sdelay $0x3  }
0x8b7: {  	[tilespmem:v3+s29+$0x0] =	vst.idx.msk $0xffff, v1  }
0x8b8: {  	v1 =	vld.idx.msk [tilespmem:v2+s3+$0x0], $0xffff  }
0x8b9: {  	v2 =	vor.u32 v11, v0;
	_ =	sdelay $0x1  }
0x8ba: {  	v3 =	vld [tilespmem:$0x1F520];
	_ =	sdelay $0x1  }
0x8bb: {  	[tilespmem:v30+s29+$0x0] =	vst.idx.msk $0xffff, v1  }
0x8bc: {  	v1 =	vld.idx.msk [tilespmem:v2+s3+$0x0], $0xffff  }
0x8bd: {  	v2 =	vor.u32 v6, v0;
	_ =	sdelay $0x3  }
0x8be: {  	[tilespmem:v3+s29+$0x0] =	vst.idx.msk $0xffff, v1  }
0x8bf: {  	v1 =	vld.idx.msk [tilespmem:v2+s3+$0x0], $0xffff  }
0x8c0: {  	v2 =	vor.u32 v14, v0;
	_ =	sdelay $0x3  }
0x8c1: {  	[tilespmem:v5+s29+$0x0] =	vst.idx.msk $0xffff, v1  }
0x8c2: {  	v1 =	vld.idx.msk [tilespmem:v2+s3+$0x0], $0xffff  }
0x8c3: {  	v2 =	vld [tilespmem:$0x1FD60];
	_ =	sdelay $0x4  }
0x8c4: {  	v2 =	vor.u32 v2, v0;
	_ =	sdelay $0x3  }
0x8c5: {  	[tilespmem:v59+s29+$0x0] =	vst.idx.msk $0xffff, v1  }
0x8c6: {  	v1 =	vld.idx.msk [tilespmem:v2+s3+$0x0], $0xffff  }
0x8c7: {  	v2 =	vor.u32 v54, v0;
	_ =	sdelay $0x1  }
0x8c8: {  	v3 =	vld [tilespmem:$0x1F570];
	_ =	sdelay $0x1  }
0x8c9: {  	[tilespmem:v61+s29+$0x0] =	vst.idx.msk $0xffff, v1  }
0x8ca: {  	v1 =	vld.idx.msk [tilespmem:v2+s3+$0x0], $0xffff;
	_ =	sdelay $0x2  }
0x8cb: {  	v2 =	vor.u32 v50, v0;
	_ =	sdelay $0x1  }
0x8cc: {  	[tilespmem:v3+s29+$0x0] =	vst.idx.msk $0xffff, v1;
	v3 =	vld [tilespmem:$0x1FD70];
	_ =	sdelay $0x2  }
0x8cd: {  	v1 =	vld.idx.msk [tilespmem:v2+s3+$0x0], $0xffff;
	_ =	sdelay $0x2  }
0x8ce: {  	v2 =	vor.u32 v49, v0;
	_ =	sdelay $0x1  }
0x8cf: {  	[tilespmem:v3+s29+$0x0] =	vst.idx.msk $0xffff, v1;
	v3 =	vld [tilespmem:$0x1F5A0];
	_ =	sdelay $0x2  }
0x8d0: {  	v1 =	vld.idx.msk [tilespmem:v2+s3+$0x0], $0xffff;
	_ =	sdelay $0x2  }
0x8d1: {  	v2 =	vor.u32 v46, v0;
	_ =	sdelay $0x1  }
0x8d2: {  	[tilespmem:v3+s29+$0x0] =	vst.idx.msk $0xffff, v1;
	v3 =	vld [tilespmem:$0x1FD80];
	_ =	sdelay $0x2  }
0x8d3: {  	v1 =	vld.idx.msk [tilespmem:v2+s3+$0x0], $0xffff  }
0x8d4: {  	v2 =	vor.u32 v24, v0;
	_ =	sdelay $0x1  }
0x8d5: {  	v17 =	vld [tilespmem:$0x1FE10];
	_ =	sdelay $0x1  }
0x8d6: {  	[tilespmem:v3+s29+$0x0] =	vst.idx.msk $0xffff, v1  }
0x8d7: {  	v1 =	vld.idx.msk [tilespmem:v2+s3+$0x0], $0xffff  }
0x8d8: {  	v2 =	vor.u32 v22, v0;
	_ =	sdelay $0x1  }
0x8d9: {  	v3 =	vld [tilespmem:$0x1FD90];
	_ =	sdelay $0x1  }
0x8da: {  	[tilespmem:v17+s29+$0x0] =	vst.idx.msk $0xffff, v1  }
0x8db: {  	v1 =	vld.idx.msk [tilespmem:v2+s3+$0x0], $0xffff;
	_ =	sdelay $0x2  }
0x8dc: {  	v2 =	vor.u32 v15, v0;
	_ =	sdelay $0x1  }
0x8dd: {  	[tilespmem:v3+s29+$0x0] =	vst.idx.msk $0xffff, v1;
	v3 =	vld [tilespmem:$0x1F600];
	_ =	sdelay $0x2  }
0x8de: {  	v1 =	vld.idx.msk [tilespmem:v2+s3+$0x0], $0xffff;
	_ =	sdelay $0x2  }
0x8df: {  	v2 =	vor.u32 v16, v0;
	_ =	sdelay $0x1  }
0x8e0: {  	[tilespmem:v3+s29+$0x0] =	vst.idx.msk $0xffff, v1;
	v3 =	vld [tilespmem:$0x1FDA0];
	_ =	sdelay $0x2  }
0x8e1: {  	v1 =	vld.idx.msk [tilespmem:v2+s3+$0x0], $0xffff;
	_ =	sdelay $0x2  }
0x8e2: {  	v2 =	vor.u32 v63, v0;
	_ =	sdelay $0x1  }
0x8e3: {  	[tilespmem:v3+s29+$0x0] =	vst.idx.msk $0xffff, v1;
	v3 =	vld [tilespmem:$0x1F630];
	_ =	sdelay $0x2  }
0x8e4: {  	v1 =	vld.idx.msk [tilespmem:v2+s3+$0x0], $0xffff;
	_ =	sdelay $0x2  }
0x8e5: {  	v2 =	vor.u32 v62, v0;
	_ =	sdelay $0x1  }
0x8e6: {  	[tilespmem:v3+s29+$0x0] =	vst.idx.msk $0xffff, v1;
	v3 =	vld [tilespmem:$0x1FDB0];
	_ =	sdelay $0x2  }
0x8e7: {  	v1 =	vld.idx.msk [tilespmem:v2+s3+$0x0], $0xffff;
	_ =	sdelay $0x2  }
0x8e8: {  	v2 =	vor.u32 v58, v0  }
0x8e9: {  	v24 =	vld [tilespmem:$0x1FE20]  }
0x8ea: {  	[tilespmem:v3+s29+$0x0] =	vst.idx.msk $0xffff, v1;
	v3 =	vld [tilespmem:$0x1FDC0];
	_ =	sdelay $0x2  }
0x8eb: {  	v1 =	vld.idx.msk [tilespmem:v2+s3+$0x0], $0xffff  }
0x8ec: {  	v2 =	vor.u32 v24, v0;
	_ =	sdelay $0x3  }
0x8ed: {  	[tilespmem:v3+s29+$0x0] =	vst.idx.msk $0xffff, v1;
	v3 =	vld [tilespmem:$0x1F660]  }
0x8ee: {  	v1 =	vld.idx.msk [tilespmem:v2+s3+$0x0], $0xffff  }
0x8ef: {  	v2 =	vld [tilespmem:$0x1F670];
	_ =	sdelay $0x4  }
0x8f0: {  	v2 =	vor.u32 v2, v0  }
0x8f1: {  	v14 =	vmov v61;
	v61 =	vld [tilespmem:$0x1FE30]  }
0x8f2: {  	[tilespmem:v3+s29+$0x0] =	vst.idx.msk $0xffff, v1;
	v3 =	vld [tilespmem:$0x1FDD0];
	_ =	sdelay $0x2  }
0x8f3: {  	v1 =	vld.idx.msk [tilespmem:v2+s3+$0x0], $0xffff  }
0x8f4: {  	v2 =	vor.u32 v61, v0;
	_ =	sdelay $0x3  }
0x8f5: {  	[tilespmem:v3+s29+$0x0] =	vst.idx.msk $0xffff, v1  }
0x8f6: {  	v1 =	vld.idx.msk [tilespmem:v2+s3+$0x0], $0xffff  }
0x8f7: {  	v2 =	vor.u32 v9, v0;
	_ =	sdelay $0x3  }
0x8f8: {  	[tilespmem:v28+s29+$0x0] =	vst.idx.msk $0xffff, v1  }
0x8f9: {  	v1 =	vld.idx.msk [tilespmem:v2+s3+$0x0], $0xffff  }
0x8fa: {  	v2 =	vld [tilespmem:$0x1FDF0]  }
0x8fb: {  	v3 =	vld [tilespmem:$0x1FDE0];
	_ =	sdelay $0x3  }
0x8fc: {  	v2 =	vor.u32 v2, v0;
	_ =	sdelay $0x3  }
0x8fd: {  	[tilespmem:v3+s29+$0x0] =	vst.idx.msk $0xffff, v1;
	v3 =	vld [tilespmem:$0x1CB90]  }
0x8fe: {  	v1 =	vld.idx.msk [tilespmem:v2+s3+$0x0], $0xffff  }
0x8ff: {  	v2 =	vld [tilespmem:$0x1FE00];
	_ =	sdelay $0x4  }
0x900: {  	v2 =	vor.u32 v2, v0;
	_ =	sdelay $0x1  }
0x901: {  	[tilespmem:v3+s29+$0x0] =	vst.idx.msk $0xffff, v1;
	v3 =	vld [tilespmem:$0x1F6D0];
	_ =	sdelay $0x2  }
0x902: {  	v1 =	vld.idx.msk [tilespmem:v2+s3+$0x0], $0xffff;
	_ =	sdelay $0x2  }
0x903: {  	v2 =	vor.u32 v56, v0;
	_ =	sdelay $0x1  }
0x904: {  	[tilespmem:v3+s29+$0x0] =	vst.idx.msk $0xffff, v1;
	v3 =	vld [tilespmem:$0x1F710];
	_ =	sdelay $0x2  }
0x905: {  	v1 =	vld.idx.msk [tilespmem:v2+s3+$0x0], $0xffff  }
0x906: {  	v2 =	vor.u32 v57, v0;
	_ =	sdelay $0x1  }
0x907: {  	v7 =	vmov v5;
	v5 =	vld [tilespmem:$0x1F750];
	_ =	sdelay $0x1  }
0x908: {  	[tilespmem:v3+s29+$0x0] =	vst.idx.msk $0xffff, v1  }
0x909: {  	v1 =	vld.idx.msk [tilespmem:v2+s3+$0x0], $0xffff;
	_ =	sdelay $0x2  }
0x90a: {  	v2 =	vor.u32 v52, v0;
	_ =	sdelay $0x1  }
0x90b: {  	[tilespmem:v5+s29+$0x0] =	vst.idx.msk $0xffff, v1;
	v5 =	vld [tilespmem:$0x1F780];
	_ =	sdelay $0x2  }
0x90c: {  	v1 =	vld.idx.msk [tilespmem:v2+s3+$0x0], $0xffff;
	_ =	sdelay $0x2  }
0x90d: {  	v2 =	vor.u32 v48, v0;
	_ =	sdelay $0x1  }
0x90e: {  	[tilespmem:v5+s29+$0x0] =	vst.idx.msk $0xffff, v1;
	v5 =	vld [tilespmem:$0x1F7B0];
	_ =	sdelay $0x2  }
0x90f: {  	v1 =	vld.idx.msk [tilespmem:v2+s3+$0x0], $0xffff  }
0x910: {  	v2 =	vor.u32 v41, v0;
	_ =	sdelay $0x3  }
0x911: {  	[tilespmem:v5+s29+$0x0] =	vst.idx.msk $0xffff, v1  }
0x912: {  	v1 =	vld.idx.msk [tilespmem:v2+s3+$0x0], $0xffff  }
0x913: {  	v2 =	vld [tilespmem:$0x1F7F0]  }
0x914: {  	v18 =	vmov v8;
	v8 =	vld [tilespmem:$0x1FE80];
	_ =	sdelay $0x3  }
0x915: {  	v2 =	vor.u32 v2, v0;
	_ =	sdelay $0x3  }
0x916: {  	[tilespmem:v8+s29+$0x0] =	vst.idx.msk $0xffff, v1  }
0x917: {  	v1 =	vld.idx.msk [tilespmem:v2+s3+$0x0], $0xffff  }
0x918: {  	v2 =	vld [tilespmem:$0x1F820];
	_ =	sdelay $0x4  }
0x919: {  	v2 =	vor.u32 v2, v0;
	_ =	sdelay $0x3  }
0x91a: {  	[tilespmem:v20+s29+$0x0] =	vst.idx.msk $0xffff, v1  }
0x91b: {  	v1 =	vld.idx.msk [tilespmem:v2+s3+$0x0], $0xffff  }
0x91c: {  	v2 =	vld [tilespmem:$0x1F860];
	_ =	sdelay $0x4  }
0x91d: {  	v2 =	vor.u32 v2, v0;
	_ =	sdelay $0x3  }
0x91e: {  	[tilespmem:v12+s29+$0x0] =	vst.idx.msk $0xffff, v1  }
0x91f: {  	v1 =	vld.idx.msk [tilespmem:v2+s3+$0x0], $0xffff  }
0x920: {  	v2 =	vld [tilespmem:$0x1F8A0];
	_ =	sdelay $0x4  }
0x921: {  	v2 =	vor.u32 v2, v0;
	_ =	sdelay $0x3  }
0x922: {  	[tilespmem:v47+s29+$0x0] =	vst.idx.msk $0xffff, v1  }
0x923: {  	v1 =	vld.idx.msk [tilespmem:v2+s3+$0x0], $0xffff  }
0x924: {  	v2 =	vld [tilespmem:$0x1F8D0]  }
0x925: {  	v57 =	vld [tilespmem:$0x1FE40];
	_ =	sdelay $0x3  }
0x926: {  	v2 =	vor.u32 v2, v0;
	_ =	sdelay $0x3  }
0x927: {  	[tilespmem:v57+s29+$0x0] =	vst.idx.msk $0xffff, v1  }
0x928: {  	v1 =	vld.idx.msk [tilespmem:v2+s3+$0x0], $0xffff  }
0x929: {  	v2 =	vld [tilespmem:$0x1F910]  }
0x92a: {  	v5 =	vld [tilespmem:$0x1F8F0];
	_ =	sdelay $0x3  }
0x92b: {  	v2 =	vor.u32 v2, v0;
	_ =	sdelay $0x3  }
0x92c: {  	[tilespmem:v5+s29+$0x0] =	vst.idx.msk $0xffff, v1  }
0x92d: {  	v1 =	vld.idx.msk [tilespmem:v2+s3+$0x0], $0xffff  }
0x92e: {  	v2 =	vld [tilespmem:$0x1F940]  }
0x92f: {  	v50 =	vld [tilespmem:$0x1FE60];
	_ =	sdelay $0x3  }
0x930: {  	v2 =	vor.u32 v2, v0;
	_ =	sdelay $0x3  }
0x931: {  	[tilespmem:v50+s29+$0x0] =	vst.idx.msk $0xffff, v1  }
0x932: {  	v1 =	vld.idx.msk [tilespmem:v2+s3+$0x0], $0xffff  }
0x933: {  	v2 =	vld [tilespmem:$0x1F970]  }
0x934: {  	v54 =	vld [tilespmem:$0x1FE50];
	_ =	sdelay $0x3  }
0x935: {  	v2 =	vor.u32 v2, v0;
	_ =	sdelay $0x3  }
0x936: {  	[tilespmem:v54+s29+$0x0] =	vst.idx.msk $0xffff, v1  }
0x937: {  	v1 =	vld.idx.msk [tilespmem:v2+s3+$0x0], $0xffff  }
0x938: {  	v2 =	vld [tilespmem:$0x1F9A0]  }
0x939: {  	v62 =	vmov v48;
	v48 =	vld [tilespmem:$0x1FE70];
	_ =	sdelay $0x3  }
0x93a: {  	v2 =	vor.u32 v2, v0;
	_ =	sdelay $0x3  }
0x93b: {  	[tilespmem:v48+s29+$0x0] =	vst.idx.msk $0xffff, v1  }
0x93c: {  	v1 =	vld.idx.msk [tilespmem:v2+s3+$0x0], $0xffff  }
0x93d: {  	v2 =	vld [tilespmem:$0x1F9D0]  }
0x93e: {  	v46 =	vld [tilespmem:$0x1FE90];
	_ =	sdelay $0x3  }
0x93f: {  	v2 =	vor.u32 v2, v0;
	_ =	sdelay $0x1  }
0x940: {  	v5 =	vld [tilespmem:$0x1CBA0];
	_ =	sdelay $0x1  }
0x941: {  	[tilespmem:v46+s29+$0x0] =	vst.idx.msk $0xffff, v1  }
0x942: {  	v1 =	vld.idx.msk [tilespmem:v2+s3+$0x0], $0xffff;
	_ =	sdelay $0x2  }
0x943: {  	v2 =	vor.u32 v51, v0;
	_ =	sdelay $0x1  }
0x944: {  	[tilespmem:v5+s29+$0x0] =	vst.idx.msk $0xffff, v1;
	v5 =	vld [tilespmem:$0x1FA00];
	_ =	sdelay $0x2  }
0x945: {  	v1 =	vld.idx.msk [tilespmem:v2+s3+$0x0], $0xffff  }
0x946: {  	v2 =	vor.u32 v42, v0;
	_ =	sdelay $0x3  }
0x947: {  	[tilespmem:v5+s29+$0x0] =	vst.idx.msk $0xffff, v1  }
0x948: {  	v1 =	vld.idx.msk [tilespmem:v2+s3+$0x0], $0xffff  }
0x949: {  	v2 =	vor.u32 v44, v0;
	_ =	sdelay $0x3  }
0x94a: {  	[tilespmem:v43+s29+$0x0] =	vst.idx.msk $0xffff, v1  }
0x94b: {  	v1 =	vld.idx.msk [tilespmem:v2+s3+$0x0], $0xffff  }
0x94c: {  	v2 =	vld [tilespmem:$0x1FA60]  }
0x94d: {  	v47 =	vld [tilespmem:$0x1FED0];
	_ =	sdelay $0x3  }
0x94e: {  	v2 =	vor.u32 v2, v0;
	_ =	sdelay $0x1  }
0x94f: {  	v44 =	vld [tilespmem:$0x1FEC0];
	_ =	sdelay $0x1  }
0x950: {  	[tilespmem:v47+s29+$0x0] =	vst.idx.msk $0xffff, v1  }
0x951: {  	v1 =	vld.idx.msk [tilespmem:v2+s3+$0x0], $0xffff  }
0x952: {  	v2 =	vor.u32 v40, v0;
	_ =	sdelay $0x3  }
0x953: {  	[tilespmem:v44+s29+$0x0] =	vst.idx.msk $0xffff, v1  }
0x954: {  	v1 =	vld.idx.msk [tilespmem:v2+s3+$0x0], $0xffff  }
0x955: {  	v2 =	vld [tilespmem:$0x1FAD0]  }
0x956: {  	v11 =	vld [tilespmem:$0x1FAB0];
	_ =	sdelay $0x3  }
0x957: {  	v2 =	vor.u32 v2, v0;
	_ =	sdelay $0x3  }
0x958: {  	[tilespmem:v11+s29+$0x0] =	vst.idx.msk $0xffff, v1  }
0x959: {  	v1 =	vld.idx.msk [tilespmem:v2+s3+$0x0], $0xffff  }
0x95a: {  	v2 =	vld [tilespmem:$0x1FB00]  }
0x95b: {  	v37 =	vmov v38;
	v38 =	vld [tilespmem:$0x1FEE0];
	_ =	sdelay $0x3  }
0x95c: {  	v2 =	vor.u32 v2, v0;
	_ =	sdelay $0x3  }
0x95d: {  	[tilespmem:v38+s29+$0x0] =	vst.idx.msk $0xffff, v1  }
0x95e: {  	v1 =	vld.idx.msk [tilespmem:v2+s3+$0x0], $0xffff  }
0x95f: {  	v2 =	vld [tilespmem:$0x1FB40]  }
0x960: {  	v11 =	vld [tilespmem:$0x1FB20];
	_ =	sdelay $0x3  }
0x961: {  	v2 =	vor.u32 v2, v0;
	_ =	sdelay $0x1  }
0x962: {  	v34 =	vmov v36;
	v36 =	vld [tilespmem:$0x1FEF0];
	_ =	sdelay $0x1  }
0x963: {  	[tilespmem:v11+s29+$0x0] =	vst.idx.msk $0xffff, v1  }
0x964: {  	v1 =	vld.idx.msk [tilespmem:v2+s3+$0x0], $0xffff  }
0x965: {  	v2 =	vor.u32 v60, v0;
	_ =	sdelay $0x3  }
0x966: {  	[tilespmem:v36+s29+$0x0] =	vst.idx.msk $0xffff, v1  }
0x967: {  	v1 =	vld.idx.msk [tilespmem:v2+s3+$0x0], $0xffff  }
0x968: {  	v2 =	vor.u32 v33, v0;
	_ =	sdelay $0x3  }
0x969: {  	[tilespmem:v55+s29+$0x0] =	vst.idx.msk $0xffff, v1  }
0x96a: {  	v1 =	vld.idx.msk [tilespmem:v2+s3+$0x0], $0xffff;
	_ =	sdelay $0x2  }
0x96b: {  	v2 =	vor.u32 v35, v0;
	_ =	sdelay $0x1  }
0x96c: {  	[tilespmem:v21+s29+$0x0] =	vst.idx.msk $0xffff, v1;
	v21 =	vld [tilespmem:$0x1FF10];
	_ =	sdelay $0x2  }
0x96d: {  	v1 =	vld.idx.msk [tilespmem:v2+s3+$0x0], $0xffff  }
0x96e: {  	v2 =	vor.u32 v53, v0;
	_ =	sdelay $0x3  }
0x96f: {  	[tilespmem:v21+s29+$0x0] =	vst.idx.msk $0xffff, v1  }
0x970: {  	v1 =	vld.idx.msk [tilespmem:v2+s3+$0x0], $0xffff  }
0x971: {  	v2 =	vld [tilespmem:$0x1FC40]  }
0x972: {  	v33 =	vld [tilespmem:$0x1FF20];
	_ =	sdelay $0x3  }
0x973: {  	v2 =	vor.u32 v2, v0;
	_ =	sdelay $0x3  }
0x974: {  	[tilespmem:v33+s29+$0x0] =	vst.idx.msk $0xffff, v1  }
0x975: {  	v1 =	vld.idx.msk [tilespmem:v2+s3+$0x0], $0xffff  }
0x976: {  	v2 =	vor.u32 v45, v0;
	_ =	sdelay $0x1  }
0x977: {  	v10 =	vld [tilespmem:$0x1FF60];
	_ =	sdelay $0x1  }
0x978: {  	[tilespmem:v39+s29+$0x0] =	vst.idx.msk $0xffff, v1  }
0x979: {  	v1 =	vld.idx.msk [tilespmem:v2+s3+$0x0], $0xffff  }
0x97a: {  	v0 =	vor.u32 v32, v0;
	_ =	sdelay $0x3  }
0x97b: {  	[tilespmem:v10+s29+$0x0] =	vst.idx.msk $0xffff, v1  }
0x97c: {  	v0 =	vld.idx.msk [tilespmem:v0+s3+$0x0], $0xffff;
	_ =	sdelay $0x2  }
0x97d: {  	v25 =	vmovc v34;
	v34 =	vmov v36;
	v22 =	vmov v51;
	v15 =	vmov v43  }
0x97e: {  	s30 =	sshll.u32 s22, $0xB;
	p2 =	sgt.u32 s22, $0xF01;
	v63 =	vmovc v37;
	v58 =	vmovc v41;
	v56 =	vmov v52;
	v3 =	vmov v62;
	v62 =	vmov v20  }
0x97f: {  	s31 =	sadd.s32 s5, s30;
	s24 =	simm.s32 @!p2 $0x800;
	s23 =	sshll.u32 @!p2 s22, $0x8;
	v52 =	vmovc v55;
	v12 =	vmovc v8;
	v51 =	vmov v13;
	v13 =	vmov v49;
	v5 =	vmov v14;
	[tilespmem:v27+s29+$0x0] =	vst.idx.msk $0xffff, v0  }
0x980: {  	v40 =	vmovc v50;
	v50 =	vmovc v48;
	v48 =	vmov v46;
	v46 =	vmov v15;
	v11 =	vmov v26;
	[hbm4b:s31+s3] =	stream.linear.scatter [tilespmem:s15], [sflag:$0x3], $0x4000, $0x38;
	[tilespmem:$0x10000] =	vst v63  }
0x981: {  	s25 =	simm.s32 @!p2 $0x7A1400;
	s26 =	simm.s32 @!p2 $0x0;
	s23 =	sadd.s32 @!p2 s23, s8;
	v43 =	vld [tilespmem:$0x1FF90];
	v35 =	vmovc v18;
	v18 =	vmovc v38;
	v38 =	vmov v10;
	v39 =	vmov v6;
	v0 =	vmov v29  }
0x982: {  	v6 =	vmovc v7;
	v2 =	vld [tilespmem:$0x1FF50];
	v29 =	vmovc v17;
	v27 =	vmov v9;
	v9 =	vmov v22;
	v15 =	vmov v0;
	[tilespmem:s26], [sflag:$0x1] =	stream.strided.gather @!p2 [hbm4b:s23+s24], $0x4000, s25, s24, $0x38  }
.LBB2_6:
0x983: {  	s22 =	sor.u32 $0x20, s22  }
0x984: {  	p2 =	sgt.u32 s22, $0xF41  }
.Ltmp6:
0x985: {  	_ = 	snop;
	(pc) =	sbr.rel @p2 .LBB2_10-.Ltmp6, $1  }
0x986: {  	_ =	sdelay $0x3  }
0x987: {  	s23 =	simm.s32 $0x0  }
0x988: {  	v1 =	vlaneseq.u32;
	v0 =	vmov s23  }
0x989: {  	v1 =	vor.u32 s23, v1;
	v0 =	vshll.u32 v0, $0x3  }
0x98a: {  	_ =	swait.ge [sflag:s16], $0x4000;
	v1 =	vand.u32 $0x7F, v1;
	v0 =	vand.u32 $0x400, v0  }
0x98b: {  	v0 =	vor.u32 v0, v1;
	v1 =	vld [tilespmem:$0x1FCF0];
	_ =	sdelay $0x4  }
0x98c: {  	[sflag:s16] =	ssyncset.done $0x0;
	v47 =	vmov v1;
	v1 =	vor.u32 v1, v0  }
0x98d: {  	s23 =	simm.s32 @!p1 $0x4;
	[sflag:s16] =	ssyncadd.s32 $0xFFFFC000  }
0x98e: {  	_ =	swait.ge @!p1 [sflag:s23], $0x4000  }
0x98f: {  	[sflag:s23] =	ssyncset.done @!p1 $0x0  }
0x990: {  	[sflag:s23] =	ssyncadd.s32 @!p1 $0xFFFFC000  }
0x991: {  	v1 =	vld.idx.msk [tilespmem:v1+s13+$0x0], $0xffff  }
0x992: {  	v8 =	vmov v2;
	v2 =	vor.u32 v63, v0;
	_ =	sdelay $0x1  }
0x993: {  	v37 =	vmov v3;
	v3 =	vld [tilespmem:$0x1F470]  }
0x994: {  	s23 =	simm.s32 $0xC000  }
0x995: {  	[tilespmem:v31+s23+$0x0] =	vst.idx.msk $0xffff, v1  }
0x996: {  	v1 =	vld.idx.msk [tilespmem:v2+s13+$0x0], $0xffff  }
0x997: {  	v2 =	vor.u32 v8, v0;
	_ =	sdelay $0x3  }
0x998: {  	[tilespmem:v3+s23+$0x0] =	vst.idx.msk $0xffff, v1  }
0x999: {  	v1 =	vld.idx.msk [tilespmem:v2+s13+$0x0], $0xffff  }
0x99a: {  	v2 =	vor.u32 v25, v0;
	_ =	sdelay $0x3  }
0x99b: {  	[tilespmem:v43+s23+$0x0] =	vst.idx.msk $0xffff, v1  }
0x99c: {  	v1 =	vld.idx.msk [tilespmem:v2+s13+$0x0], $0xffff  }
0x99d: {  	v2 =	vld [tilespmem:$0x1FD00];
	_ =	sdelay $0x4  }
0x99e: {  	v10 =	vmov v43;
	v43 =	vmov v2;
	v2 =	vor.u32 v2, v0;
	_ =	sdelay $0x3  }
0x99f: {  	[tilespmem:v35+s23+$0x0] =	vst.idx.msk $0xffff, v1  }
0x9a0: {  	v1 =	vld.idx.msk [tilespmem:v2+s13+$0x0], $0xffff  }
0x9a1: {  	v2 =	vld [tilespmem:$0x1FD10];
	_ =	sdelay $0x4  }
0x9a2: {  	v7 =	vmovc v8;
	v8 =	vmov v35;
	v35 =	vmov v2;
	v2 =	vor.u32 v2, v0;
	_ =	sdelay $0x3  }
0x9a3: {  	[tilespmem:v4+s23+$0x0] =	vst.idx.msk $0xffff, v1  }
0x9a4: {  	v1 =	vld.idx.msk [tilespmem:v2+s13+$0x0], $0xffff  }
0x9a5: {  	v2 =	vor.u32 v23, v0;
	_ =	sdelay $0x3  }
0x9a6: {  	[tilespmem:v15+s23+$0x0] =	vst.idx.msk $0xffff, v1  }
0x9a7: {  	v1 =	vld.idx.msk [tilespmem:v2+s13+$0x0], $0xffff  }
0x9a8: {  	v2 =	vld [tilespmem:$0x1FD20]  }
0x9a9: {  	v18 =	vld [tilespmem:$0x1F480];
	_ =	sdelay $0x3  }
0x9aa: {  	v60 =	vmov v2;
	v2 =	vor.u32 v2, v0;
	_ =	sdelay $0x3  }
0x9ab: {  	[tilespmem:v18+s23+$0x0] =	vst.idx.msk $0xffff, v1  }
0x9ac: {  	v1 =	vld.idx.msk [tilespmem:v2+s13+$0x0], $0xffff  }
0x9ad: {  	v2 =	vld [tilespmem:$0x1FD30];
	_ =	sdelay $0x4  }
0x9ae: {  	v55 =	vmov v58;
	v58 =	vmov v2;
	v2 =	vor.u32 v2, v0;
	_ =	sdelay $0x3  }
0x9af: {  	[tilespmem:v19+s23+$0x0] =	vst.idx.msk $0xffff, v1  }
0x9b0: {  	v1 =	vld.idx.msk [tilespmem:v2+s13+$0x0], $0xffff  }
0x9b1: {  	v2 =	vld [tilespmem:$0x1F4A0]  }
0x9b2: {  	v21 =	vld [tilespmem:$0x1F490];
	_ =	sdelay $0x3  }
0x9b3: {  	v2 =	vor.u32 v2, v0;
	_ =	sdelay $0x3  }
0x9b4: {  	[tilespmem:v21+s23+$0x0] =	vst.idx.msk $0xffff, v1  }
0x9b5: {  	v1 =	vld.idx.msk [tilespmem:v2+s13+$0x0], $0xffff  }
0x9b6: {  	v2 =	vld [tilespmem:$0x1FD40]  }
0x9b7: {  	v16 =	vmov v18;
	v18 =	vld [tilespmem:$0x1F4B0];
	_ =	sdelay $0x3  }
0x9b8: {  	v53 =	vmov v2;
	v2 =	vor.u32 v2, v0;
	_ =	sdelay $0x3  }
0x9b9: {  	[tilespmem:v18+s23+$0x0] =	vst.idx.msk $0xffff, v1  }
0x9ba: {  	v1 =	vld.idx.msk [tilespmem:v2+s13+$0x0], $0xffff  }
0x9bb: {  	v2 =	vld [tilespmem:$0x1FD50];
	_ =	sdelay $0x4  }
0x9bc: {  	v38 =	vmov v44;
	v44 =	vmov v2;
	v2 =	vor.u32 v2, v0;
	_ =	sdelay $0x1  }
0x9bd: {  	v20 =	vmov v21;
	v21 =	vld [tilespmem:$0x1F4D0];
	_ =	sdelay $0x1  }
0x9be: {  	[tilespmem:v51+s23+$0x0] =	vst.idx.msk $0xffff, v1  }
0x9bf: {  	v1 =	vld.idx.msk [tilespmem:v2+s13+$0x0], $0xffff  }
0x9c0: {  	v2 =	vor.u32 v11, v0;
	_ =	sdelay $0x3  }
0x9c1: {  	[tilespmem:v21+s23+$0x0] =	vst.idx.msk $0xffff, v1  }
0x9c2: {  	v1 =	vld.idx.msk [tilespmem:v2+s13+$0x0], $0xffff  }
0x9c3: {  	v2 =	vld [tilespmem:$0x1F510]  }
0x9c4: {  	v59 =	vld [tilespmem:$0x1F500];
	_ =	sdelay $0x3  }
0x9c5: {  	v2 =	vor.u32 v2, v0;
	_ =	sdelay $0x1  }
0x9c6: {  	v14 =	vmov v15;
	v15 =	vmov v18;
	v18 =	vld [tilespmem:$0x1F520];
	_ =	sdelay $0x1  }
0x9c7: {  	[tilespmem:v59+s23+$0x0] =	vst.idx.msk $0xffff, v1  }
0x9c8: {  	v1 =	vld.idx.msk [tilespmem:v2+s13+$0x0], $0xffff  }
0x9c9: {  	v2 =	vor.u32 v39, v0  }
0x9ca: {  	v49 =	vmov v39;
	v39 =	vld [tilespmem:$0x1F530];
	_ =	sdelay $0x2  }
0x9cb: {  	[tilespmem:v18+s23+$0x0] =	vst.idx.msk $0xffff, v1  }
0x9cc: {  	v1 =	vld.idx.msk [tilespmem:v2+s13+$0x0], $0xffff  }
0x9cd: {  	v2 =	vor.u32 v39, v0;
	_ =	sdelay $0x3  }
0x9ce: {  	[tilespmem:v6+s23+$0x0] =	vst.idx.msk $0xffff, v1  }
0x9cf: {  	v1 =	vld.idx.msk [tilespmem:v2+s13+$0x0], $0xffff  }
0x9d0: {  	v2 =	vld [tilespmem:$0x1FD60]  }
0x9d1: {  	v33 =	vld [tilespmem:$0x1F540];
	_ =	sdelay $0x3  }
0x9d2: {  	v36 =	vmov v2;
	v2 =	vor.u32 v2, v0  }
0x9d3: {  	v30 =	vld [tilespmem:$0x1F550];
	_ =	sdelay $0x2  }
0x9d4: {  	[tilespmem:v33+s23+$0x0] =	vst.idx.msk $0xffff, v1  }
0x9d5: {  	v1 =	vld.idx.msk [tilespmem:v2+s13+$0x0], $0xffff  }
0x9d6: {  	v2 =	vor.u32 v30, v0  }
0x9d7: {  	v25 =	vld [tilespmem:$0x1F580]  }
0x9d8: {  	v17 =	vmov v42;
	v42 =	vmov v12;
	v12 =	vmov v21;
	v21 =	vld [tilespmem:$0x1F570];
	_ =	sdelay $0x1  }
0x9d9: {  	[tilespmem:v5+s23+$0x0] =	vst.idx.msk $0xffff, v1  }
0x9da: {  	v1 =	vld.idx.msk [tilespmem:v2+s13+$0x0], $0xffff  }
0x9db: {  	v2 =	vor.u32 v25, v0;
	_ =	sdelay $0x1  }
0x9dc: {  	v45 =	vmov v3;
	v3 =	vld [tilespmem:$0x1FD70];
	_ =	sdelay $0x1  }
0x9dd: {  	[tilespmem:v21+s23+$0x0] =	vst.idx.msk $0xffff, v1  }
0x9de: {  	v1 =	vld.idx.msk [tilespmem:v2+s13+$0x0], $0xffff  }
0x9df: {  	v2 =	vor.u32 v13, v0  }
0x9e0: {  	v23 =	vmov v9;
	v9 =	vmov v18;
	v18 =	vld [tilespmem:$0x1F5B0]  }
0x9e1: {  	v21 =	vld [tilespmem:$0x1F5A0];
	_ =	sdelay $0x1  }
0x9e2: {  	[tilespmem:v3+s23+$0x0] =	vst.idx.msk $0xffff, v1  }
0x9e3: {  	v1 =	vld.idx.msk [tilespmem:v2+s13+$0x0], $0xffff  }
0x9e4: {  	v2 =	vor.u32 v18, v0  }
0x9e5: {  	v63 =	vmov v34;
	v34 =	vmov v46;
	v46 =	vmov v13;
	v13 =	vld [tilespmem:$0x1F5C0]  }
0x9e6: {  	v3 =	vld [tilespmem:$0x1FD80];
	_ =	sdelay $0x1  }
0x9e7: {  	[tilespmem:v21+s23+$0x0] =	vst.idx.msk $0xffff, v1  }
0x9e8: {  	v1 =	vld.idx.msk [tilespmem:v2+s13+$0x0], $0xffff  }
0x9e9: {  	v2 =	vor.u32 v13, v0  }
0x9ea: {  	v51 =	vmov v48;
	v48 =	vld [tilespmem:$0x1F5D0];
	_ =	sdelay $0x2  }
0x9eb: {  	[tilespmem:v3+s23+$0x0] =	vst.idx.msk $0xffff, v1  }
0x9ec: {  	v1 =	vld.idx.msk [tilespmem:v2+s13+$0x0], $0xffff  }
0x9ed: {  	v2 =	vor.u32 v48, v0  }
0x9ee: {  	v41 =	vld [tilespmem:$0x1F5E0]  }
0x9ef: {  	v3 =	vld [tilespmem:$0x1FD90];
	_ =	sdelay $0x1  }
0x9f0: {  	[tilespmem:v29+s23+$0x0] =	vst.idx.msk $0xffff, v1  }
0x9f1: {  	v1 =	vld.idx.msk [tilespmem:v2+s13+$0x0], $0xffff  }
0x9f2: {  	v2 =	vor.u32 v41, v0  }
0x9f3: {  	v29 =	vmov v52;
	v52 =	vld [tilespmem:$0x1F610]  }
0x9f4: {  	v21 =	vld [tilespmem:$0x1F600];
	_ =	sdelay $0x1  }
0x9f5: {  	[tilespmem:v3+s23+$0x0] =	vst.idx.msk $0xffff, v1  }
0x9f6: {  	v1 =	vld.idx.msk [tilespmem:v2+s13+$0x0], $0xffff  }
0x9f7: {  	v2 =	vor.u32 v52, v0  }
0x9f8: {  	v32 =	vmov v4;
	v4 =	vmov v40;
	v40 =	vmov v6;
	v6 =	vld [tilespmem:$0x1F620]  }
0x9f9: {  	v3 =	vld [tilespmem:$0x1FDA0];
	_ =	sdelay $0x1  }
0x9fa: {  	[tilespmem:v21+s23+$0x0] =	vst.idx.msk $0xffff, v1  }
0x9fb: {  	v1 =	vld.idx.msk [tilespmem:v2+s13+$0x0], $0xffff  }
0x9fc: {  	v2 =	vor.u32 v6, v0  }
0x9fd: {  	v26 =	vmov v57;
	v57 =	vmov v11;
	v11 =	vld [tilespmem:$0x1F640]  }
0x9fe: {  	v21 =	vld [tilespmem:$0x1F630];
	_ =	sdelay $0x1  }
0x9ff: {  	[tilespmem:v3+s23+$0x0] =	vst.idx.msk $0xffff, v1  }
0xa00: {  	v1 =	vld.idx.msk [tilespmem:v2+s13+$0x0], $0xffff  }
0xa01: {  	v2 =	vor.u32 v11, v0;
	_ =	sdelay $0x1  }
0xa02: {  	v3 =	vld [tilespmem:$0x1FDB0]  }
0xa03: {  	v5 =	vld [tilespmem:$0x1F650]  }
0xa04: {  	[tilespmem:v21+s23+$0x0] =	vst.idx.msk $0xffff, v1  }
0xa05: {  	v1 =	vld.idx.msk [tilespmem:v2+s13+$0x0], $0xffff;
	_ =	sdelay $0x2  }
0xa06: {  	v2 =	vor.u32 v5, v0;
	_ =	sdelay $0x1  }
0xa07: {  	[tilespmem:v3+s23+$0x0] =	vst.idx.msk $0xffff, v1;
	v3 =	vld [tilespmem:$0x1FDC0];
	_ =	sdelay $0x2  }
0xa08: {  	v1 =	vld.idx.msk [tilespmem:v2+s13+$0x0], $0xffff  }
0xa09: {  	v2 =	vor.u32 v24, v0  }
0xa0a: {  	v22 =	vld [tilespmem:$0x1F670]  }
0xa0b: {  	v21 =	vld [tilespmem:$0x1F660];
	_ =	sdelay $0x1  }
0xa0c: {  	[tilespmem:v3+s23+$0x0] =	vst.idx.msk $0xffff, v1  }
0xa0d: {  	v1 =	vld.idx.msk [tilespmem:v2+s13+$0x0], $0xffff  }
0xa0e: {  	v2 =	vor.u32 v22, v0;
	_ =	sdelay $0x1  }
0xa0f: {  	v3 =	vld [tilespmem:$0x1FDD0];
	_ =	sdelay $0x1  }
0xa10: {  	[tilespmem:v21+s23+$0x0] =	vst.idx.msk $0xffff, v1  }
0xa11: {  	v1 =	vld.idx.msk [tilespmem:v2+s13+$0x0], $0xffff  }
0xa12: {  	v2 =	vor.u32 v61, v0;
	_ =	sdelay $0x3  }
0xa13: {  	[tilespmem:v3+s23+$0x0] =	vst.idx.msk $0xffff, v1  }
0xa14: {  	v1 =	vld.idx.msk [tilespmem:v2+s13+$0x0], $0xffff  }
0xa15: {  	v2 =	vor.u32 v27, v0;
	_ =	sdelay $0x3  }
0xa16: {  	[tilespmem:v28+s23+$0x0] =	vst.idx.msk $0xffff, v1  }
0xa17: {  	v1 =	vld.idx.msk [tilespmem:v2+s13+$0x0], $0xffff  }
0xa18: {  	v2 =	vld [tilespmem:$0x1FDF0]  }
0xa19: {  	v3 =	vld [tilespmem:$0x1FDE0];
	_ =	sdelay $0x3  }
0xa1a: {  	v2 =	vor.u32 v2, v0;
	_ =	sdelay $0x3  }
0xa1b: {  	[tilespmem:v3+s23+$0x0] =	vst.idx.msk $0xffff, v1  }
0xa1c: {  	v1 =	vld.idx.msk [tilespmem:v2+s13+$0x0], $0xffff  }
0xa1d: {  	v2 =	vld [tilespmem:$0x1FE00];
	_ =	sdelay $0x1  }
0xa1e: {  	v3 =	vadd.s32 $0x20, v31;
	_ =	sdelay $0x2  }
0xa1f: {  	v2 =	vor.u32 v2, v0  }
0xa20: {  	v21 =	vld [tilespmem:$0x1F6F0];
	[tilespmem:$0x1CB70] =	vst v3  }
0xa21: {  	[tilespmem:v3+s23+$0x0] =	vst.idx.msk $0xffff, v1;
	v3 =	vld [tilespmem:$0x1F6D0];
	_ =	sdelay $0x2  }
0xa22: {  	v1 =	vld.idx.msk [tilespmem:v2+s13+$0x0], $0xffff  }
0xa23: {  	v2 =	vor.u32 v21, v0;
	_ =	sdelay $0x3  }
0xa24: {  	[tilespmem:v3+s23+$0x0] =	vst.idx.msk $0xffff, v1;
	v3 =	vld [tilespmem:$0x1F710]  }
0xa25: {  	v1 =	vld.idx.msk [tilespmem:v2+s13+$0x0], $0xffff  }
0xa26: {  	v2 =	vld [tilespmem:$0x1F730];
	_ =	sdelay $0x4  }
0xa27: {  	v2 =	vor.u32 v2, v0;
	_ =	sdelay $0x1  }
0xa28: {  	[tilespmem:v3+s23+$0x0] =	vst.idx.msk $0xffff, v1;
	v3 =	vld [tilespmem:$0x1F750];
	_ =	sdelay $0x2  }
0xa29: {  	v1 =	vld.idx.msk [tilespmem:v2+s13+$0x0], $0xffff;
	_ =	sdelay $0x2  }
0xa2a: {  	v2 =	vor.u32 v56, v0;
	_ =	sdelay $0x1  }
0xa2b: {  	[tilespmem:v3+s23+$0x0] =	vst.idx.msk $0xffff, v1;
	v3 =	vld [tilespmem:$0x1F780];
	_ =	sdelay $0x2  }
0xa2c: {  	v1 =	vld.idx.msk [tilespmem:v2+s13+$0x0], $0xffff;
	_ =	sdelay $0x2  }
0xa2d: {  	v2 =	vor.u32 v37, v0;
	_ =	sdelay $0x1  }
0xa2e: {  	[tilespmem:v3+s23+$0x0] =	vst.idx.msk $0xffff, v1;
	v3 =	vld [tilespmem:$0x1F7B0];
	_ =	sdelay $0x2  }
0xa2f: {  	v1 =	vld.idx.msk [tilespmem:v2+s13+$0x0], $0xffff  }
0xa30: {  	v2 =	vor.u32 v55, v0;
	_ =	sdelay $0x3  }
0xa31: {  	[tilespmem:v3+s23+$0x0] =	vst.idx.msk $0xffff, v1  }
0xa32: {  	v1 =	vld.idx.msk [tilespmem:v2+s13+$0x0], $0xffff  }
0xa33: {  	v2 =	vld [tilespmem:$0x1F7F0];
	_ =	sdelay $0x4  }
0xa34: {  	v2 =	vor.u32 v2, v0;
	_ =	sdelay $0x3  }
0xa35: {  	[tilespmem:v42+s23+$0x0] =	vst.idx.msk $0xffff, v1  }
0xa36: {  	v1 =	vld.idx.msk [tilespmem:v2+s13+$0x0], $0xffff  }
0xa37: {  	v2 =	vld [tilespmem:$0x1F820];
	_ =	sdelay $0x4  }
0xa38: {  	v2 =	vor.u32 v2, v0;
	_ =	sdelay $0x3  }
0xa39: {  	[tilespmem:v62+s23+$0x0] =	vst.idx.msk $0xffff, v1  }
0xa3a: {  	v1 =	vld.idx.msk [tilespmem:v2+s13+$0x0], $0xffff  }
0xa3b: {  	v2 =	vld [tilespmem:$0x1F860]  }
0xa3c: {  	v3 =	vmov v27;
	v27 =	vld [tilespmem:$0x1F840];
	_ =	sdelay $0x3  }
0xa3d: {  	v2 =	vor.u32 v2, v0;
	_ =	sdelay $0x3  }
0xa3e: {  	[tilespmem:v27+s23+$0x0] =	vst.idx.msk $0xffff, v1  }
0xa3f: {  	v1 =	vld.idx.msk [tilespmem:v2+s13+$0x0], $0xffff  }
0xa40: {  	v2 =	vld [tilespmem:$0x1F8A0]  }
0xa41: {  	v24 =	vld [tilespmem:$0x1F880];
	_ =	sdelay $0x3  }
0xa42: {  	v2 =	vor.u32 v2, v0;
	_ =	sdelay $0x3  }
0xa43: {  	[tilespmem:v24+s23+$0x0] =	vst.idx.msk $0xffff, v1  }
0xa44: {  	v1 =	vld.idx.msk [tilespmem:v2+s13+$0x0], $0xffff  }
0xa45: {  	v2 =	vld [tilespmem:$0x1F8D0];
	_ =	sdelay $0x4  }
0xa46: {  	v2 =	vor.u32 v2, v0;
	_ =	sdelay $0x3  }
0xa47: {  	[tilespmem:v26+s23+$0x0] =	vst.idx.msk $0xffff, v1  }
0xa48: {  	v1 =	vld.idx.msk [tilespmem:v2+s13+$0x0], $0xffff  }
0xa49: {  	v2 =	vld [tilespmem:$0x1F910]  }
0xa4a: {  	v61 =	vld [tilespmem:$0x1F8F0];
	_ =	sdelay $0x3  }
0xa4b: {  	v2 =	vor.u32 v2, v0;
	_ =	sdelay $0x3  }
0xa4c: {  	[tilespmem:v61+s23+$0x0] =	vst.idx.msk $0xffff, v1  }
0xa4d: {  	v1 =	vld.idx.msk [tilespmem:v2+s13+$0x0], $0xffff  }
0xa4e: {  	v2 =	vld [tilespmem:$0x1F940];
	_ =	sdelay $0x4  }
0xa4f: {  	v2 =	vor.u32 v2, v0;
	_ =	sdelay $0x3  }
0xa50: {  	[tilespmem:v4+s23+$0x0] =	vst.idx.msk $0xffff, v1  }
0xa51: {  	v1 =	vld.idx.msk [tilespmem:v2+s13+$0x0], $0xffff  }
0xa52: {  	v2 =	vld [tilespmem:$0x1F970];
	_ =	sdelay $0x4  }
0xa53: {  	v2 =	vor.u32 v2, v0;
	_ =	sdelay $0x3  }
0xa54: {  	[tilespmem:v54+s23+$0x0] =	vst.idx.msk $0xffff, v1  }
0xa55: {  	v1 =	vld.idx.msk [tilespmem:v2+s13+$0x0], $0xffff  }
0xa56: {  	v2 =	vld [tilespmem:$0x1F9A0];
	_ =	sdelay $0x4  }
0xa57: {  	v2 =	vor.u32 v2, v0;
	_ =	sdelay $0x3  }
0xa58: {  	[tilespmem:v50+s23+$0x0] =	vst.idx.msk $0xffff, v1  }
0xa59: {  	v1 =	vld.idx.msk [tilespmem:v2+s13+$0x0], $0xffff  }
0xa5a: {  	v2 =	vld [tilespmem:$0x1F9D0];
	_ =	sdelay $0x4  }
0xa5b: {  	v2 =	vor.u32 v2, v0;
	_ =	sdelay $0x3  }
0xa5c: {  	[tilespmem:v51+s23+$0x0] =	vst.idx.msk $0xffff, v1  }
0xa5d: {  	v24 =	vmov v19;
	v19 =	vmov v3;
	v3 =	vadd.s32 $0x30, v31;
	v1 =	vld.idx.msk [tilespmem:v2+s13+$0x0], $0xffff;
	_ =	sdelay $0x2  }
0xa5e: {  	v2 =	vor.u32 v23, v0  }
0xa5f: {  	[tilespmem:$0x1CB80] =	vst v3  }
0xa60: {  	[tilespmem:v3+s23+$0x0] =	vst.idx.msk $0xffff, v1;
	v3 =	vld [tilespmem:$0x1FA00];
	_ =	sdelay $0x2  }
0xa61: {  	v1 =	vld.idx.msk [tilespmem:v2+s13+$0x0], $0xffff  }
0xa62: {  	v2 =	vor.u32 v17, v0;
	_ =	sdelay $0x3  }
0xa63: {  	[tilespmem:v3+s23+$0x0] =	vst.idx.msk $0xffff, v1  }
0xa64: {  	v1 =	vld.idx.msk [tilespmem:v2+s13+$0x0], $0xffff  }
0xa65: {  	v2 =	vld [tilespmem:$0x1FA30];
	_ =	sdelay $0x4  }
0xa66: {  	v2 =	vor.u32 v2, v0;
	_ =	sdelay $0x3  }
0xa67: {  	[tilespmem:v34+s23+$0x0] =	vst.idx.msk $0xffff, v1  }
0xa68: {  	v1 =	vld.idx.msk [tilespmem:v2+s13+$0x0], $0xffff  }
0xa69: {  	v2 =	vld [tilespmem:$0x1FA60]  }
0xa6a: {  	v17 =	vld [tilespmem:$0x1FED0];
	_ =	sdelay $0x3  }
0xa6b: {  	v2 =	vor.u32 v2, v0;
	_ =	sdelay $0x3  }
0xa6c: {  	[tilespmem:v17+s23+$0x0] =	vst.idx.msk $0xffff, v1  }
0xa6d: {  	v1 =	vld.idx.msk [tilespmem:v2+s13+$0x0], $0xffff  }
0xa6e: {  	v2 =	vld [tilespmem:$0x1FA90];
	_ =	sdelay $0x3  }
0xa6f: {  	v42 =	vmov v38  }
0xa70: {  	v2 =	vor.u32 v2, v0;
	_ =	sdelay $0x3  }
0xa71: {  	[tilespmem:v42+s23+$0x0] =	vst.idx.msk $0xffff, v1  }
0xa72: {  	v1 =	vld.idx.msk [tilespmem:v2+s13+$0x0], $0xffff  }
0xa73: {  	v2 =	vld [tilespmem:$0x1FAD0]  }
0xa74: {  	v54 =	vld [tilespmem:$0x1FAB0];
	_ =	sdelay $0x3  }
0xa75: {  	v2 =	vor.u32 v2, v0;
	_ =	sdelay $0x3  }
0xa76: {  	[tilespmem:v54+s23+$0x0] =	vst.idx.msk $0xffff, v1  }
0xa77: {  	v1 =	vld.idx.msk [tilespmem:v2+s13+$0x0], $0xffff  }
0xa78: {  	v2 =	vld [tilespmem:$0x1FB00]  }
0xa79: {  	v55 =	vld [tilespmem:$0x1FEE0];
	_ =	sdelay $0x3  }
0xa7a: {  	v2 =	vor.u32 v2, v0;
	_ =	sdelay $0x3  }
0xa7b: {  	[tilespmem:v55+s23+$0x0] =	vst.idx.msk $0xffff, v1  }
0xa7c: {  	v1 =	vld.idx.msk [tilespmem:v2+s13+$0x0], $0xffff  }
0xa7d: {  	v2 =	vld [tilespmem:$0x1FB40]  }
0xa7e: {  	v56 =	vld [tilespmem:$0x1FB20];
	_ =	sdelay $0x3  }
0xa7f: {  	v2 =	vor.u32 v2, v0;
	_ =	sdelay $0x3  }
0xa80: {  	[tilespmem:v56+s23+$0x0] =	vst.idx.msk $0xffff, v1  }
0xa81: {  	v1 =	vld.idx.msk [tilespmem:v2+s13+$0x0], $0xffff  }
0xa82: {  	v2 =	vld [tilespmem:$0x1FB70];
	_ =	sdelay $0x4  }
0xa83: {  	v2 =	vor.u32 v2, v0;
	_ =	sdelay $0x3  }
0xa84: {  	[tilespmem:v63+s23+$0x0] =	vst.idx.msk $0xffff, v1  }
0xa85: {  	v1 =	vld.idx.msk [tilespmem:v2+s13+$0x0], $0xffff  }
0xa86: {  	v2 =	vld [tilespmem:$0x1FBA0];
	_ =	sdelay $0x4  }
0xa87: {  	v2 =	vor.u32 v2, v0;
	_ =	sdelay $0x3  }
0xa88: {  	[tilespmem:v29+s23+$0x0] =	vst.idx.msk $0xffff, v1  }
0xa89: {  	v1 =	vld.idx.msk [tilespmem:v2+s13+$0x0], $0xffff  }
0xa8a: {  	v2 =	vld [tilespmem:$0x1FBE0]  }
0xa8b: {  	v4 =	vld [tilespmem:$0x1FBC0];
	_ =	sdelay $0x3  }
0xa8c: {  	v2 =	vor.u32 v2, v0;
	_ =	sdelay $0x3  }
0xa8d: {  	[tilespmem:v4+s23+$0x0] =	vst.idx.msk $0xffff, v1  }
0xa8e: {  	v1 =	vld.idx.msk [tilespmem:v2+s13+$0x0], $0xffff  }
0xa8f: {  	v2 =	vld [tilespmem:$0x1FC10]  }
0xa90: {  	v61 =	vld [tilespmem:$0x1FF10];
	_ =	sdelay $0x3  }
0xa91: {  	v2 =	vor.u32 v2, v0;
	_ =	sdelay $0x3  }
0xa92: {  	[tilespmem:v61+s23+$0x0] =	vst.idx.msk $0xffff, v1  }
0xa93: {  	v1 =	vld.idx.msk [tilespmem:v2+s13+$0x0], $0xffff  }
0xa94: {  	v2 =	vld [tilespmem:$0x1FC40]  }
0xa95: {  	v63 =	vld [tilespmem:$0x1FF20];
	_ =	sdelay $0x1  }
0xa96: {  	v22 =	vmov v6;
	v6 =	vld [tilespmem:$0x1FFD0]  }
0xa97: {  	v37 =	vld [tilespmem:$0x1FCD0]  }
0xa98: {  	v38 =	vld [tilespmem:$0x1FF40];
	v2 =	vor.u32 v2, v0  }
0xa99: {  	v26 =	vmov v52;
	v52 =	vld [tilespmem:$0x1FFF0]  }
0xa9a: {  	v50 =	vmov v13;
	v13 =	vmov v25;
	v25 =	vmov v40;
	v40 =	vld [tilespmem:$0x1FF30]  }
0xa9b: {  	v51 =	vld [tilespmem:$0x1FFA0]  }
0xa9c: {  	v23 =	vmov v39;
	v39 =	vmov v49;
	v49 =	vld [tilespmem:$0x1FE80];
	[tilespmem:v63+s23+$0x0] =	vst.idx.msk $0xffff, v1  }
0xa9d: {  	v1 =	vld.idx.msk [tilespmem:v2+s13+$0x0], $0xffff  }
0xa9e: {  	v2 =	vld [tilespmem:$0x1FC80]  }
0xa9f: {  	v61 =	vld [tilespmem:$0x1FC60]  }
0xaa0: {  	v3 =	vld [tilespmem:$0x1FCB0]  }
0xaa1: {  	v17 =	vld [tilespmem:$0x1F730]  }
0xaa2: {  	v42 =	vld [tilespmem:$0x1F510]  }
0xaa3: {  	v54 =	vmovc v18;
	v18 =	vmov v30;
	v30 =	vmov v62;
	v62 =	vld [tilespmem:$0x1FFE0];
	v2 =	vor.u32 v2, v0  }
0xaa4: {  	v56 =	vld [tilespmem:$0x1F4A0]  }
0xaa5: {  	v55 =	vmov v29;
	v29 =	vld [tilespmem:$0x1FF60]  }
0xaa6: {  	v4 =	vld [tilespmem:$0x1FFC0]  }
0xaa7: {  	s24 =	simm.s32 $0x10;
	v63 =	vmov v21;
	v21 =	vmov v33;
	v33 =	vld [tilespmem:$0x1FF80];
	[tilespmem:v61+s23+$0x0] =	vst.idx.msk $0xffff, v1  }
0xaa8: {  	s25 =	simm.s32 $0x20;
	v34 =	vmovc v32;
	v32 =	vmov v3;
	v0 =	vor.u32 v3, v0;
	v1 =	vld.idx.msk [tilespmem:v2+s13+$0x0], $0xffff;
	v2 =	vmov s24  }
.LBB2_8:
0xaa9: {  	_ =	sdelay $0x1  }
0xaaa: {  	v3 =	vlaneseq.u32  }
0xaab: {  	v2 =	vshll.u32 v2, $0x3;
	v3 =	vor.u32 s24, v3  }
0xaac: {  	v2 =	vand.u32 $0x400, v2;
	[tilespmem:v29+s23+$0x0] =	vst.idx.msk $0xffff, v1;
	v1 =	vand.u32 $0x7F, v3  }
0xaad: {  	v3 =	vld.idx.msk [tilespmem:v0+s13+$0x0], $0xffff;
	v0 =	vor.u32 v2, v1  }
0xaae: {  	v1 =	vor.u32 v47, v0;
	_ =	sdelay $0x3  }
0xaaf: {  	[tilespmem:v37+s23+$0x0] =	vst.idx.msk $0xffff, v3  }
0xab0: {  	v1 =	vld.idx.msk [tilespmem:v1+s13+$0x0], $0xffff  }
0xab1: {  	v2 =	vor.u32 v40, v0;
	_ =	sdelay $0x2  }
0xab2: {  	s23 =	sadd.s32 $0x400, s23  }
0xab3: {  	[tilespmem:v31+s23+$0x0] =	vst.idx.msk $0xffff, v1  }
0xab4: {  	v1 =	vld.idx.msk [tilespmem:v2+s13+$0x0], $0xffff  }
0xab5: {  	v2 =	vor.u32 v7, v0;
	_ =	sdelay $0x3  }
0xab6: {  	[tilespmem:v45+s23+$0x0] =	vst.idx.msk $0xffff, v1  }
0xab7: {  	v1 =	vld.idx.msk [tilespmem:v2+s13+$0x0], $0xffff  }
0xab8: {  	v2 =	vor.u32 v38, v0;
	_ =	sdelay $0x3  }
0xab9: {  	[tilespmem:v10+s23+$0x0] =	vst.idx.msk $0xffff, v1  }
0xaba: {  	v1 =	vld.idx.msk [tilespmem:v2+s13+$0x0], $0xffff  }
0xabb: {  	v2 =	vor.u32 v43, v0;
	_ =	sdelay $0x3  }
0xabc: {  	[tilespmem:v8+s23+$0x0] =	vst.idx.msk $0xffff, v1  }
0xabd: {  	v1 =	vld.idx.msk [tilespmem:v2+s13+$0x0], $0xffff  }
0xabe: {  	v2 =	vor.u32 v35, v0;
	_ =	sdelay $0x3  }
0xabf: {  	[tilespmem:v34+s23+$0x0] =	vst.idx.msk $0xffff, v1  }
0xac0: {  	v1 =	vld.idx.msk [tilespmem:v2+s13+$0x0], $0xffff  }
0xac1: {  	v2 =	vor.u32 v33, v0;
	_ =	sdelay $0x3  }
0xac2: {  	[tilespmem:v14+s23+$0x0] =	vst.idx.msk $0xffff, v1  }
0xac3: {  	v1 =	vld.idx.msk [tilespmem:v2+s13+$0x0], $0xffff  }
0xac4: {  	v2 =	vor.u32 v60, v0;
	_ =	sdelay $0x3  }
0xac5: {  	[tilespmem:v16+s23+$0x0] =	vst.idx.msk $0xffff, v1  }
0xac6: {  	v1 =	vld.idx.msk [tilespmem:v2+s13+$0x0], $0xffff  }
0xac7: {  	v2 =	vor.u32 v58, v0;
	_ =	sdelay $0x3  }
0xac8: {  	[tilespmem:v24+s23+$0x0] =	vst.idx.msk $0xffff, v1  }
0xac9: {  	v1 =	vld.idx.msk [tilespmem:v2+s13+$0x0], $0xffff  }
0xaca: {  	v2 =	vor.u32 v56, v0;
	_ =	sdelay $0x3  }
0xacb: {  	[tilespmem:v20+s23+$0x0] =	vst.idx.msk $0xffff, v1  }
0xacc: {  	v1 =	vld.idx.msk [tilespmem:v2+s13+$0x0], $0xffff  }
0xacd: {  	v2 =	vor.u32 v53, v0;
	_ =	sdelay $0x3  }
0xace: {  	[tilespmem:v15+s23+$0x0] =	vst.idx.msk $0xffff, v1  }
0xacf: {  	v1 =	vld.idx.msk [tilespmem:v2+s13+$0x0], $0xffff  }
0xad0: {  	v2 =	vor.u32 v44, v0;
	_ =	sdelay $0x3  }
0xad1: {  	[tilespmem:v51+s23+$0x0] =	vst.idx.msk $0xffff, v1  }
0xad2: {  	v1 =	vld.idx.msk [tilespmem:v2+s13+$0x0], $0xffff  }
0xad3: {  	v2 =	vor.u32 v57, v0;
	_ =	sdelay $0x3  }
0xad4: {  	[tilespmem:v12+s23+$0x0] =	vst.idx.msk $0xffff, v1  }
0xad5: {  	v1 =	vld.idx.msk [tilespmem:v2+s13+$0x0], $0xffff  }
0xad6: {  	v2 =	vor.u32 v42, v0;
	_ =	sdelay $0x3  }
0xad7: {  	[tilespmem:v59+s23+$0x0] =	vst.idx.msk $0xffff, v1  }
0xad8: {  	v1 =	vld.idx.msk [tilespmem:v2+s13+$0x0], $0xffff  }
0xad9: {  	v2 =	vor.u32 v39, v0;
	_ =	sdelay $0x3  }
0xada: {  	[tilespmem:v9+s23+$0x0] =	vst.idx.msk $0xffff, v1  }
0xadb: {  	v1 =	vld.idx.msk [tilespmem:v2+s13+$0x0], $0xffff  }
0xadc: {  	v2 =	vor.u32 v23, v0;
	_ =	sdelay $0x3  }
0xadd: {  	[tilespmem:v25+s23+$0x0] =	vst.idx.msk $0xffff, v1  }
0xade: {  	v1 =	vld.idx.msk [tilespmem:v2+s13+$0x0], $0xffff  }
0xadf: {  	v2 =	vor.u32 v36, v0;
	_ =	sdelay $0x3  }
0xae0: {  	[tilespmem:v21+s23+$0x0] =	vst.idx.msk $0xffff, v1  }
0xae1: {  	v1 =	vld.idx.msk [tilespmem:v2+s13+$0x0], $0xffff  }
0xae2: {  	v2 =	vor.u32 v18, v0;
	_ =	sdelay $0x1  }
0xae3: {  	v3 =	vld [tilespmem:$0x1F570];
	_ =	sdelay $0x1  }
0xae4: {  	[tilespmem:v4+s23+$0x0] =	vst.idx.msk $0xffff, v1  }
0xae5: {  	v1 =	vld.idx.msk [tilespmem:v2+s13+$0x0], $0xffff;
	_ =	sdelay $0x2  }
0xae6: {  	v2 =	vor.u32 v13, v0;
	_ =	sdelay $0x1  }
0xae7: {  	[tilespmem:v3+s23+$0x0] =	vst.idx.msk $0xffff, v1;
	v3 =	vld [tilespmem:$0x1FD70];
	_ =	sdelay $0x2  }
0xae8: {  	v1 =	vld.idx.msk [tilespmem:v2+s13+$0x0], $0xffff;
	_ =	sdelay $0x2  }
0xae9: {  	v2 =	vor.u32 v46, v0;
	_ =	sdelay $0x1  }
0xaea: {  	[tilespmem:v3+s23+$0x0] =	vst.idx.msk $0xffff, v1;
	v3 =	vld [tilespmem:$0x1F5A0];
	_ =	sdelay $0x2  }
0xaeb: {  	v1 =	vld.idx.msk [tilespmem:v2+s13+$0x0], $0xffff;
	_ =	sdelay $0x2  }
0xaec: {  	v2 =	vor.u32 v54, v0;
	_ =	sdelay $0x1  }
0xaed: {  	[tilespmem:v3+s23+$0x0] =	vst.idx.msk $0xffff, v1;
	v3 =	vld [tilespmem:$0x1FD80];
	_ =	sdelay $0x2  }
0xaee: {  	v1 =	vld.idx.msk [tilespmem:v2+s13+$0x0], $0xffff;
	_ =	sdelay $0x2  }
0xaef: {  	v2 =	vor.u32 v50, v0;
	_ =	sdelay $0x1  }
0xaf0: {  	[tilespmem:v3+s23+$0x0] =	vst.idx.msk $0xffff, v1;
	v3 =	vld [tilespmem:$0x1FE10];
	_ =	sdelay $0x2  }
0xaf1: {  	v1 =	vld.idx.msk [tilespmem:v2+s13+$0x0], $0xffff;
	_ =	sdelay $0x2  }
0xaf2: {  	v2 =	vor.u32 v48, v0;
	_ =	sdelay $0x1  }
0xaf3: {  	[tilespmem:v3+s23+$0x0] =	vst.idx.msk $0xffff, v1;
	v3 =	vld [tilespmem:$0x1FD90];
	_ =	sdelay $0x2  }
0xaf4: {  	v1 =	vld.idx.msk [tilespmem:v2+s13+$0x0], $0xffff;
	_ =	sdelay $0x2  }
0xaf5: {  	v2 =	vor.u32 v41, v0;
	_ =	sdelay $0x1  }
0xaf6: {  	[tilespmem:v3+s23+$0x0] =	vst.idx.msk $0xffff, v1;
	v3 =	vld [tilespmem:$0x1F600];
	_ =	sdelay $0x2  }
0xaf7: {  	v1 =	vld.idx.msk [tilespmem:v2+s13+$0x0], $0xffff;
	_ =	sdelay $0x2  }
0xaf8: {  	v2 =	vor.u32 v26, v0;
	_ =	sdelay $0x1  }
0xaf9: {  	[tilespmem:v3+s23+$0x0] =	vst.idx.msk $0xffff, v1;
	v3 =	vld [tilespmem:$0x1FDA0];
	_ =	sdelay $0x2  }
0xafa: {  	v1 =	vld.idx.msk [tilespmem:v2+s13+$0x0], $0xffff;
	_ =	sdelay $0x2  }
0xafb: {  	v2 =	vor.u32 v22, v0;
	_ =	sdelay $0x1  }
0xafc: {  	[tilespmem:v3+s23+$0x0] =	vst.idx.msk $0xffff, v1;
	v3 =	vld [tilespmem:$0x1F630];
	_ =	sdelay $0x2  }
0xafd: {  	v1 =	vld.idx.msk [tilespmem:v2+s13+$0x0], $0xffff;
	_ =	sdelay $0x2  }
0xafe: {  	v2 =	vor.u32 v11, v0;
	_ =	sdelay $0x1  }
0xaff: {  	[tilespmem:v3+s23+$0x0] =	vst.idx.msk $0xffff, v1;
	v3 =	vld [tilespmem:$0x1FDB0];
	_ =	sdelay $0x2  }
0xb00: {  	v1 =	vld.idx.msk [tilespmem:v2+s13+$0x0], $0xffff  }
0xb01: {  	v2 =	vor.u32 v5, v0;
	_ =	sdelay $0x3  }
0xb02: {  	[tilespmem:v3+s23+$0x0] =	vst.idx.msk $0xffff, v1  }
0xb03: {  	v1 =	vld.idx.msk [tilespmem:v2+s13+$0x0], $0xffff  }
0xb04: {  	v2 =	vld [tilespmem:$0x1FE20]  }
0xb05: {  	v3 =	vld [tilespmem:$0x1FDC0];
	_ =	sdelay $0x3  }
0xb06: {  	v2 =	vor.u32 v2, v0;
	_ =	sdelay $0x3  }
0xb07: {  	[tilespmem:v3+s23+$0x0] =	vst.idx.msk $0xffff, v1  }
0xb08: {  	v1 =	vld.idx.msk [tilespmem:v2+s13+$0x0], $0xffff  }
0xb09: {  	v2 =	vld [tilespmem:$0x1F670]  }
0xb0a: {  	v3 =	vld [tilespmem:$0x1F660];
	_ =	sdelay $0x3  }
0xb0b: {  	v2 =	vor.u32 v2, v0;
	_ =	sdelay $0x3  }
0xb0c: {  	[tilespmem:v3+s23+$0x0] =	vst.idx.msk $0xffff, v1  }
0xb0d: {  	v1 =	vld.idx.msk [tilespmem:v2+s13+$0x0], $0xffff  }
0xb0e: {  	v2 =	vld [tilespmem:$0x1FE30]  }
0xb0f: {  	v3 =	vld [tilespmem:$0x1FDD0];
	_ =	sdelay $0x3  }
0xb10: {  	v2 =	vor.u32 v2, v0;
	_ =	sdelay $0x3  }
0xb11: {  	[tilespmem:v3+s23+$0x0] =	vst.idx.msk $0xffff, v1  }
0xb12: {  	v1 =	vld.idx.msk [tilespmem:v2+s13+$0x0], $0xffff  }
0xb13: {  	v2 =	vor.u32 v19, v0;
	_ =	sdelay $0x3  }
0xb14: {  	[tilespmem:v28+s23+$0x0] =	vst.idx.msk $0xffff, v1  }
0xb15: {  	v1 =	vld.idx.msk [tilespmem:v2+s13+$0x0], $0xffff  }
0xb16: {  	v2 =	vld [tilespmem:$0x1FDF0]  }
0xb17: {  	v3 =	vld [tilespmem:$0x1FDE0];
	_ =	sdelay $0x3  }
0xb18: {  	v2 =	vor.u32 v2, v0;
	_ =	sdelay $0x3  }
0xb19: {  	[tilespmem:v3+s23+$0x0] =	vst.idx.msk $0xffff, v1;
	v3 =	vld [tilespmem:$0x1CB70]  }
0xb1a: {  	v1 =	vld.idx.msk [tilespmem:v2+s13+$0x0], $0xffff  }
0xb1b: {  	v2 =	vld [tilespmem:$0x1FE00];
	_ =	sdelay $0x4  }
0xb1c: {  	v2 =	vor.u32 v2, v0;
	_ =	sdelay $0x1  }
0xb1d: {  	[tilespmem:v3+s23+$0x0] =	vst.idx.msk $0xffff, v1;
	v3 =	vld [tilespmem:$0x1F6D0];
	_ =	sdelay $0x2  }
0xb1e: {  	v1 =	vld.idx.msk [tilespmem:v2+s13+$0x0], $0xffff;
	_ =	sdelay $0x2  }
0xb1f: {  	v2 =	vor.u32 v63, v0;
	_ =	sdelay $0x1  }
0xb20: {  	[tilespmem:v3+s23+$0x0] =	vst.idx.msk $0xffff, v1;
	v3 =	vld [tilespmem:$0x1F710];
	_ =	sdelay $0x2  }
0xb21: {  	v1 =	vld.idx.msk [tilespmem:v2+s13+$0x0], $0xffff;
	_ =	sdelay $0x2  }
0xb22: {  	v2 =	vor.u32 v17, v0;
	_ =	sdelay $0x1  }
0xb23: {  	[tilespmem:v3+s23+$0x0] =	vst.idx.msk $0xffff, v1;
	v3 =	vld [tilespmem:$0x1F750];
	_ =	sdelay $0x2  }
0xb24: {  	v1 =	vld.idx.msk [tilespmem:v2+s13+$0x0], $0xffff;
	_ =	sdelay $0x2  }
0xb25: {  	v2 =	vor.u32 v6, v0;
	_ =	sdelay $0x1  }
0xb26: {  	[tilespmem:v3+s23+$0x0] =	vst.idx.msk $0xffff, v1;
	v3 =	vld [tilespmem:$0x1F780];
	_ =	sdelay $0x2  }
0xb27: {  	v1 =	vld.idx.msk [tilespmem:v2+s13+$0x0], $0xffff;
	_ =	sdelay $0x2  }
0xb28: {  	v2 =	vor.u32 v62, v0;
	_ =	sdelay $0x1  }
0xb29: {  	[tilespmem:v3+s23+$0x0] =	vst.idx.msk $0xffff, v1;
	v3 =	vld [tilespmem:$0x1F7B0];
	_ =	sdelay $0x2  }
0xb2a: {  	v1 =	vld.idx.msk [tilespmem:v2+s13+$0x0], $0xffff  }
0xb2b: {  	v2 =	vor.u32 v52, v0;
	_ =	sdelay $0x3  }
0xb2c: {  	[tilespmem:v3+s23+$0x0] =	vst.idx.msk $0xffff, v1  }
0xb2d: {  	v1 =	vld.idx.msk [tilespmem:v2+s13+$0x0], $0xffff  }
0xb2e: {  	v2 =	vld [tilespmem:$0x1F7F0];
	_ =	sdelay $0x4  }
0xb2f: {  	v2 =	vor.u32 v2, v0;
	_ =	sdelay $0x3  }
0xb30: {  	[tilespmem:v49+s23+$0x0] =	vst.idx.msk $0xffff, v1  }
0xb31: {  	v1 =	vld.idx.msk [tilespmem:v2+s13+$0x0], $0xffff  }
0xb32: {  	v2 =	vld [tilespmem:$0x1F820];
	_ =	sdelay $0x4  }
0xb33: {  	v2 =	vor.u32 v2, v0;
	_ =	sdelay $0x3  }
0xb34: {  	[tilespmem:v30+s23+$0x0] =	vst.idx.msk $0xffff, v1  }
0xb35: {  	v1 =	vld.idx.msk [tilespmem:v2+s13+$0x0], $0xffff  }
0xb36: {  	v2 =	vld [tilespmem:$0x1F860];
	_ =	sdelay $0x4  }
0xb37: {  	v2 =	vor.u32 v2, v0;
	_ =	sdelay $0x3  }
0xb38: {  	[tilespmem:v27+s23+$0x0] =	vst.idx.msk $0xffff, v1  }
0xb39: {  	v1 =	vld.idx.msk [tilespmem:v2+s13+$0x0], $0xffff  }
0xb3a: {  	v2 =	vld [tilespmem:$0x1F8A0]  }
0xb3b: {  	v3 =	vld [tilespmem:$0x1F880];
	_ =	sdelay $0x3  }
0xb3c: {  	v2 =	vor.u32 v2, v0;
	_ =	sdelay $0x3  }
0xb3d: {  	[tilespmem:v3+s23+$0x0] =	vst.idx.msk $0xffff, v1  }
0xb3e: {  	v1 =	vld.idx.msk [tilespmem:v2+s13+$0x0], $0xffff  }
0xb3f: {  	v2 =	vld [tilespmem:$0x1F8D0]  }
0xb40: {  	v3 =	vld [tilespmem:$0x1FE40];
	_ =	sdelay $0x3  }
0xb41: {  	v2 =	vor.u32 v2, v0;
	_ =	sdelay $0x3  }
0xb42: {  	[tilespmem:v3+s23+$0x0] =	vst.idx.msk $0xffff, v1  }
0xb43: {  	v1 =	vld.idx.msk [tilespmem:v2+s13+$0x0], $0xffff  }
0xb44: {  	v2 =	vld [tilespmem:$0x1F910]  }
0xb45: {  	v3 =	vld [tilespmem:$0x1F8F0];
	_ =	sdelay $0x3  }
0xb46: {  	v2 =	vor.u32 v2, v0;
	_ =	sdelay $0x3  }
0xb47: {  	[tilespmem:v3+s23+$0x0] =	vst.idx.msk $0xffff, v1  }
0xb48: {  	v1 =	vld.idx.msk [tilespmem:v2+s13+$0x0], $0xffff  }
0xb49: {  	v2 =	vld [tilespmem:$0x1F940]  }
0xb4a: {  	v3 =	vld [tilespmem:$0x1FE60];
	_ =	sdelay $0x3  }
0xb4b: {  	v2 =	vor.u32 v2, v0;
	_ =	sdelay $0x3  }
0xb4c: {  	[tilespmem:v3+s23+$0x0] =	vst.idx.msk $0xffff, v1  }
0xb4d: {  	v1 =	vld.idx.msk [tilespmem:v2+s13+$0x0], $0xffff  }
0xb4e: {  	v2 =	vld [tilespmem:$0x1F970]  }
0xb4f: {  	v3 =	vld [tilespmem:$0x1FE50];
	_ =	sdelay $0x3  }
0xb50: {  	v2 =	vor.u32 v2, v0;
	_ =	sdelay $0x3  }
0xb51: {  	[tilespmem:v3+s23+$0x0] =	vst.idx.msk $0xffff, v1  }
0xb52: {  	v1 =	vld.idx.msk [tilespmem:v2+s13+$0x0], $0xffff  }
0xb53: {  	v2 =	vld [tilespmem:$0x1F9A0]  }
0xb54: {  	v3 =	vld [tilespmem:$0x1FE70];
	_ =	sdelay $0x3  }
0xb55: {  	v2 =	vor.u32 v2, v0;
	_ =	sdelay $0x3  }
0xb56: {  	[tilespmem:v3+s23+$0x0] =	vst.idx.msk $0xffff, v1  }
0xb57: {  	v1 =	vld.idx.msk [tilespmem:v2+s13+$0x0], $0xffff  }
0xb58: {  	v2 =	vld [tilespmem:$0x1F9D0]  }
0xb59: {  	v3 =	vld [tilespmem:$0x1FE90];
	_ =	sdelay $0x3  }
0xb5a: {  	v2 =	vor.u32 v2, v0;
	_ =	sdelay $0x3  }
0xb5b: {  	[tilespmem:v3+s23+$0x0] =	vst.idx.msk $0xffff, v1  }
0xb5c: {  	v1 =	vld.idx.msk [tilespmem:v2+s13+$0x0], $0xffff  }
0xb5d: {  	v2 =	vld [tilespmem:$0x1FEA0]  }
0xb5e: {  	v3 =	vld [tilespmem:$0x1CB80];
	_ =	sdelay $0x3  }
0xb5f: {  	v2 =	vor.u32 v2, v0;
	_ =	sdelay $0x3  }
0xb60: {  	[tilespmem:v3+s23+$0x0] =	vst.idx.msk $0xffff, v1  }
0xb61: {  	v1 =	vld.idx.msk [tilespmem:v2+s13+$0x0], $0xffff  }
0xb62: {  	v2 =	vld [tilespmem:$0x1FF00]  }
0xb63: {  	v3 =	vld [tilespmem:$0x1FA00];
	_ =	sdelay $0x3  }
0xb64: {  	v2 =	vor.u32 v2, v0;
	_ =	sdelay $0x3  }
0xb65: {  	[tilespmem:v3+s23+$0x0] =	vst.idx.msk $0xffff, v1  }
0xb66: {  	v1 =	vld.idx.msk [tilespmem:v2+s13+$0x0], $0xffff  }
0xb67: {  	v2 =	vld [tilespmem:$0x1FA30]  }
0xb68: {  	v3 =	vld [tilespmem:$0x1FEB0];
	_ =	sdelay $0x3  }
0xb69: {  	v2 =	vor.u32 v2, v0;
	_ =	sdelay $0x3  }
0xb6a: {  	[tilespmem:v3+s23+$0x0] =	vst.idx.msk $0xffff, v1  }
0xb6b: {  	v1 =	vld.idx.msk [tilespmem:v2+s13+$0x0], $0xffff  }
0xb6c: {  	v2 =	vld [tilespmem:$0x1FA60]  }
0xb6d: {  	v3 =	vld [tilespmem:$0x1FED0];
	_ =	sdelay $0x3  }
0xb6e: {  	v2 =	vor.u32 v2, v0;
	_ =	sdelay $0x3  }
0xb6f: {  	[tilespmem:v3+s23+$0x0] =	vst.idx.msk $0xffff, v1  }
0xb70: {  	v1 =	vld.idx.msk [tilespmem:v2+s13+$0x0], $0xffff  }
0xb71: {  	v2 =	vld [tilespmem:$0x1FA90]  }
0xb72: {  	v3 =	vld [tilespmem:$0x1FEC0];
	_ =	sdelay $0x3  }
0xb73: {  	v2 =	vor.u32 v2, v0;
	_ =	sdelay $0x3  }
0xb74: {  	[tilespmem:v3+s23+$0x0] =	vst.idx.msk $0xffff, v1  }
0xb75: {  	v1 =	vld.idx.msk [tilespmem:v2+s13+$0x0], $0xffff  }
0xb76: {  	v2 =	vld [tilespmem:$0x1FAD0]  }
0xb77: {  	v3 =	vld [tilespmem:$0x1FAB0];
	_ =	sdelay $0x3  }
0xb78: {  	v2 =	vor.u32 v2, v0;
	_ =	sdelay $0x3  }
0xb79: {  	[tilespmem:v3+s23+$0x0] =	vst.idx.msk $0xffff, v1  }
0xb7a: {  	v1 =	vld.idx.msk [tilespmem:v2+s13+$0x0], $0xffff  }
0xb7b: {  	v2 =	vld [tilespmem:$0x1FB00]  }
0xb7c: {  	v3 =	vld [tilespmem:$0x1FEE0];
	_ =	sdelay $0x3  }
0xb7d: {  	v2 =	vor.u32 v2, v0;
	_ =	sdelay $0x3  }
0xb7e: {  	[tilespmem:v3+s23+$0x0] =	vst.idx.msk $0xffff, v1  }
0xb7f: {  	v1 =	vld.idx.msk [tilespmem:v2+s13+$0x0], $0xffff  }
0xb80: {  	v2 =	vld [tilespmem:$0x1FB40]  }
0xb81: {  	v3 =	vld [tilespmem:$0x1FB20];
	_ =	sdelay $0x3  }
0xb82: {  	v2 =	vor.u32 v2, v0;
	_ =	sdelay $0x3  }
0xb83: {  	[tilespmem:v3+s23+$0x0] =	vst.idx.msk $0xffff, v1  }
0xb84: {  	v1 =	vld.idx.msk [tilespmem:v2+s13+$0x0], $0xffff  }
0xb85: {  	v2 =	vld [tilespmem:$0x1FB70]  }
0xb86: {  	v3 =	vld [tilespmem:$0x1FEF0];
	_ =	sdelay $0x3  }
0xb87: {  	v2 =	vor.u32 v2, v0;
	_ =	sdelay $0x3  }
0xb88: {  	[tilespmem:v3+s23+$0x0] =	vst.idx.msk $0xffff, v1  }
0xb89: {  	v1 =	vld.idx.msk [tilespmem:v2+s13+$0x0], $0xffff  }
0xb8a: {  	v2 =	vld [tilespmem:$0x1FBA0];
	_ =	sdelay $0x4  }
0xb8b: {  	v2 =	vor.u32 v2, v0;
	_ =	sdelay $0x3  }
0xb8c: {  	[tilespmem:v55+s23+$0x0] =	vst.idx.msk $0xffff, v1  }
0xb8d: {  	v1 =	vld.idx.msk [tilespmem:v2+s13+$0x0], $0xffff  }
0xb8e: {  	v2 =	vld [tilespmem:$0x1FBE0]  }
0xb8f: {  	v3 =	vld [tilespmem:$0x1FBC0];
	_ =	sdelay $0x3  }
0xb90: {  	v2 =	vor.u32 v2, v0;
	_ =	sdelay $0x3  }
0xb91: {  	[tilespmem:v3+s23+$0x0] =	vst.idx.msk $0xffff, v1  }
0xb92: {  	v1 =	vld.idx.msk [tilespmem:v2+s13+$0x0], $0xffff  }
0xb93: {  	v2 =	vld [tilespmem:$0x1FC10]  }
0xb94: {  	v3 =	vld [tilespmem:$0x1FF10];
	_ =	sdelay $0x3  }
0xb95: {  	v2 =	vor.u32 v2, v0;
	_ =	sdelay $0x3  }
0xb96: {  	[tilespmem:v3+s23+$0x0] =	vst.idx.msk $0xffff, v1  }
0xb97: {  	v1 =	vld.idx.msk [tilespmem:v2+s13+$0x0], $0xffff  }
0xb98: {  	v2 =	vld [tilespmem:$0x1FC40]  }
0xb99: {  	v3 =	vld [tilespmem:$0x1FF20];
	_ =	sdelay $0x3  }
0xb9a: {  	v2 =	vor.u32 v2, v0;
	_ =	sdelay $0x3  }
0xb9b: {  	[tilespmem:v3+s23+$0x0] =	vst.idx.msk $0xffff, v1  }
0xb9c: {  	v1 =	vld.idx.msk [tilespmem:v2+s13+$0x0], $0xffff  }
0xb9d: {  	v2 =	vld [tilespmem:$0x1FC80];
	_ =	sdelay $0x4  }
0xb9e: {  	p1 =	sne.s32 s25, $0xF0;
	v2 =	vor.u32 v2, v0  }
.Ltmp7:
0xb9f: {  	_ = 	snop;
	(pc) =	sbr.rel @p1 .LBB2_8-.Ltmp7, $3  }
0xba0: {  	_ =	sdelay $0x1  }
0xba1: {  	s24 =	smov.u32 s25;
	[tilespmem:v61+s23+$0x0] =	vst.idx.msk $0xffff, v1  }
0xba2: {  	s25 =	sadd.s32 $0x10, s25;
	v0 =	vor.u32 v32, v0;
	v1 =	vld.idx.msk [tilespmem:v2+s13+$0x0], $0xffff;
	v2 =	vmov s24  }
0xba3: {  	_ =	sdelay $0x1  }
0xba4: {  	v3 =	vlaneseq.u32  }
0xba5: {  	v2 =	vshll.u32 v2, $0x3;
	v3 =	vor.u32 s24, v3  }
0xba6: {  	v2 =	vand.u32 $0x400, v2;
	[tilespmem:v29+s23+$0x0] =	vst.idx.msk $0xffff, v1;
	v1 =	vand.u32 $0x7F, v3  }
0xba7: {  	v3 =	vld.idx.msk [tilespmem:v0+s13+$0x0], $0xffff;
	v0 =	vor.u32 v2, v1  }
0xba8: {  	v1 =	vor.u32 v47, v0;
	_ =	sdelay $0x3  }
0xba9: {  	[tilespmem:v37+s23+$0x0] =	vst.idx.msk $0xffff, v3  }
0xbaa: {  	v1 =	vld.idx.msk [tilespmem:v1+s13+$0x0], $0xffff  }
0xbab: {  	v2 =	vor.u32 v40, v0;
	_ =	sdelay $0x2  }
0xbac: {  	s29 =	sadd.s32 $0x400, s23  }
0xbad: {  	[tilespmem:v31+s29+$0x0] =	vst.idx.msk $0xffff, v1  }
0xbae: {  	v1 =	vld.idx.msk [tilespmem:v2+s13+$0x0], $0xffff  }
0xbaf: {  	v2 =	vor.u32 v7, v0;
	_ =	sdelay $0x3  }
0xbb0: {  	[tilespmem:v45+s29+$0x0] =	vst.idx.msk $0xffff, v1  }
0xbb1: {  	v1 =	vld.idx.msk [tilespmem:v2+s13+$0x0], $0xffff  }
0xbb2: {  	v2 =	vor.u32 v38, v0;
	_ =	sdelay $0x3  }
0xbb3: {  	[tilespmem:v10+s29+$0x0] =	vst.idx.msk $0xffff, v1  }
0xbb4: {  	v1 =	vld.idx.msk [tilespmem:v2+s13+$0x0], $0xffff  }
0xbb5: {  	v2 =	vor.u32 v43, v0;
	_ =	sdelay $0x3  }
0xbb6: {  	[tilespmem:v8+s29+$0x0] =	vst.idx.msk $0xffff, v1  }
0xbb7: {  	v1 =	vld.idx.msk [tilespmem:v2+s13+$0x0], $0xffff  }
0xbb8: {  	v2 =	vor.u32 v35, v0;
	_ =	sdelay $0x3  }
0xbb9: {  	[tilespmem:v34+s29+$0x0] =	vst.idx.msk $0xffff, v1  }
0xbba: {  	v1 =	vld.idx.msk [tilespmem:v2+s13+$0x0], $0xffff  }
0xbbb: {  	v2 =	vor.u32 v33, v0;
	_ =	sdelay $0x3  }
0xbbc: {  	[tilespmem:v14+s29+$0x0] =	vst.idx.msk $0xffff, v1  }
0xbbd: {  	v1 =	vld.idx.msk [tilespmem:v2+s13+$0x0], $0xffff  }
0xbbe: {  	v2 =	vor.u32 v60, v0;
	_ =	sdelay $0x3  }
0xbbf: {  	[tilespmem:v16+s29+$0x0] =	vst.idx.msk $0xffff, v1  }
0xbc0: {  	v1 =	vld.idx.msk [tilespmem:v2+s13+$0x0], $0xffff  }
0xbc1: {  	v2 =	vor.u32 v58, v0;
	_ =	sdelay $0x3  }
0xbc2: {  	[tilespmem:v24+s29+$0x0] =	vst.idx.msk $0xffff, v1  }
0xbc3: {  	v1 =	vld.idx.msk [tilespmem:v2+s13+$0x0], $0xffff  }
0xbc4: {  	v2 =	vor.u32 v56, v0;
	_ =	sdelay $0x3  }
0xbc5: {  	[tilespmem:v20+s29+$0x0] =	vst.idx.msk $0xffff, v1  }
0xbc6: {  	v1 =	vld.idx.msk [tilespmem:v2+s13+$0x0], $0xffff  }
0xbc7: {  	v2 =	vor.u32 v53, v0;
	_ =	sdelay $0x3  }
0xbc8: {  	[tilespmem:v15+s29+$0x0] =	vst.idx.msk $0xffff, v1  }
0xbc9: {  	v1 =	vld.idx.msk [tilespmem:v2+s13+$0x0], $0xffff  }
0xbca: {  	v2 =	vor.u32 v44, v0;
	_ =	sdelay $0x3  }
0xbcb: {  	[tilespmem:v51+s29+$0x0] =	vst.idx.msk $0xffff, v1  }
0xbcc: {  	v1 =	vld.idx.msk [tilespmem:v2+s13+$0x0], $0xffff  }
0xbcd: {  	v2 =	vor.u32 v57, v0;
	_ =	sdelay $0x3  }
0xbce: {  	[tilespmem:v12+s29+$0x0] =	vst.idx.msk $0xffff, v1  }
0xbcf: {  	v1 =	vld.idx.msk [tilespmem:v2+s13+$0x0], $0xffff  }
0xbd0: {  	v2 =	vor.u32 v42, v0;
	_ =	sdelay $0x3  }
0xbd1: {  	[tilespmem:v59+s29+$0x0] =	vst.idx.msk $0xffff, v1  }
0xbd2: {  	v1 =	vld.idx.msk [tilespmem:v2+s13+$0x0], $0xffff  }
0xbd3: {  	v2 =	vor.u32 v39, v0;
	_ =	sdelay $0x3  }
0xbd4: {  	[tilespmem:v9+s29+$0x0] =	vst.idx.msk $0xffff, v1  }
0xbd5: {  	v1 =	vld.idx.msk [tilespmem:v2+s13+$0x0], $0xffff  }
0xbd6: {  	v2 =	vor.u32 v23, v0;
	_ =	sdelay $0x3  }
0xbd7: {  	[tilespmem:v25+s29+$0x0] =	vst.idx.msk $0xffff, v1  }
0xbd8: {  	v1 =	vld.idx.msk [tilespmem:v2+s13+$0x0], $0xffff  }
0xbd9: {  	v2 =	vor.u32 v36, v0;
	_ =	sdelay $0x3  }
0xbda: {  	[tilespmem:v21+s29+$0x0] =	vst.idx.msk $0xffff, v1  }
0xbdb: {  	v1 =	vld.idx.msk [tilespmem:v2+s13+$0x0], $0xffff  }
0xbdc: {  	v2 =	vor.u32 v18, v0;
	_ =	sdelay $0x1  }
0xbdd: {  	v3 =	vld [tilespmem:$0x1F570];
	_ =	sdelay $0x1  }
0xbde: {  	[tilespmem:v4+s29+$0x0] =	vst.idx.msk $0xffff, v1  }
0xbdf: {  	v1 =	vld.idx.msk [tilespmem:v2+s13+$0x0], $0xffff;
	_ =	sdelay $0x2  }
0xbe0: {  	v2 =	vor.u32 v13, v0;
	_ =	sdelay $0x1  }
0xbe1: {  	[tilespmem:v3+s29+$0x0] =	vst.idx.msk $0xffff, v1;
	v3 =	vld [tilespmem:$0x1FD70];
	_ =	sdelay $0x2  }
0xbe2: {  	v1 =	vld.idx.msk [tilespmem:v2+s13+$0x0], $0xffff;
	_ =	sdelay $0x2  }
0xbe3: {  	v2 =	vor.u32 v46, v0;
	_ =	sdelay $0x1  }
0xbe4: {  	[tilespmem:v3+s29+$0x0] =	vst.idx.msk $0xffff, v1;
	v3 =	vld [tilespmem:$0x1F5A0];
	_ =	sdelay $0x2  }
0xbe5: {  	v1 =	vld.idx.msk [tilespmem:v2+s13+$0x0], $0xffff;
	_ =	sdelay $0x2  }
0xbe6: {  	v2 =	vor.u32 v54, v0;
	_ =	sdelay $0x1  }
0xbe7: {  	[tilespmem:v3+s29+$0x0] =	vst.idx.msk $0xffff, v1;
	v3 =	vld [tilespmem:$0x1FD80];
	_ =	sdelay $0x2  }
0xbe8: {  	v1 =	vld.idx.msk [tilespmem:v2+s13+$0x0], $0xffff  }
0xbe9: {  	v2 =	vor.u32 v50, v0;
	_ =	sdelay $0x1  }
0xbea: {  	v29 =	vld [tilespmem:$0x1FE10];
	_ =	sdelay $0x1  }
0xbeb: {  	[tilespmem:v3+s29+$0x0] =	vst.idx.msk $0xffff, v1  }
0xbec: {  	v1 =	vld.idx.msk [tilespmem:v2+s13+$0x0], $0xffff  }
0xbed: {  	v2 =	vor.u32 v48, v0;
	_ =	sdelay $0x1  }
0xbee: {  	v3 =	vld [tilespmem:$0x1FD90];
	_ =	sdelay $0x1  }
0xbef: {  	[tilespmem:v29+s29+$0x0] =	vst.idx.msk $0xffff, v1  }
0xbf0: {  	v1 =	vld.idx.msk [tilespmem:v2+s13+$0x0], $0xffff;
	_ =	sdelay $0x2  }
0xbf1: {  	v2 =	vor.u32 v41, v0;
	_ =	sdelay $0x1  }
0xbf2: {  	[tilespmem:v3+s29+$0x0] =	vst.idx.msk $0xffff, v1;
	v3 =	vld [tilespmem:$0x1F600];
	_ =	sdelay $0x2  }
0xbf3: {  	v1 =	vld.idx.msk [tilespmem:v2+s13+$0x0], $0xffff;
	_ =	sdelay $0x2  }
0xbf4: {  	v2 =	vor.u32 v26, v0;
	_ =	sdelay $0x1  }
0xbf5: {  	[tilespmem:v3+s29+$0x0] =	vst.idx.msk $0xffff, v1;
	v3 =	vld [tilespmem:$0x1FDA0];
	_ =	sdelay $0x2  }
0xbf6: {  	v1 =	vld.idx.msk [tilespmem:v2+s13+$0x0], $0xffff;
	_ =	sdelay $0x2  }
0xbf7: {  	v2 =	vor.u32 v22, v0;
	_ =	sdelay $0x1  }
0xbf8: {  	[tilespmem:v3+s29+$0x0] =	vst.idx.msk $0xffff, v1;
	v3 =	vld [tilespmem:$0x1F630];
	_ =	sdelay $0x2  }
0xbf9: {  	v1 =	vld.idx.msk [tilespmem:v2+s13+$0x0], $0xffff;
	_ =	sdelay $0x2  }
0xbfa: {  	v2 =	vor.u32 v11, v0;
	_ =	sdelay $0x1  }
0xbfb: {  	[tilespmem:v3+s29+$0x0] =	vst.idx.msk $0xffff, v1;
	v3 =	vld [tilespmem:$0x1FDB0];
	_ =	sdelay $0x2  }
0xbfc: {  	v1 =	vld.idx.msk [tilespmem:v2+s13+$0x0], $0xffff;
	_ =	sdelay $0x2  }
0xbfd: {  	v2 =	vor.u32 v5, v0  }
0xbfe: {  	v47 =	vmov v10;
	v10 =	vld [tilespmem:$0x1FE20]  }
0xbff: {  	[tilespmem:v3+s29+$0x0] =	vst.idx.msk $0xffff, v1;
	v3 =	vld [tilespmem:$0x1FDC0];
	_ =	sdelay $0x2  }
0xc00: {  	v1 =	vld.idx.msk [tilespmem:v2+s13+$0x0], $0xffff  }
0xc01: {  	v2 =	vor.u32 v10, v0;
	_ =	sdelay $0x3  }
0xc02: {  	[tilespmem:v3+s29+$0x0] =	vst.idx.msk $0xffff, v1;
	v3 =	vld [tilespmem:$0x1F660]  }
0xc03: {  	v1 =	vld.idx.msk [tilespmem:v2+s13+$0x0], $0xffff  }
0xc04: {  	v2 =	vld [tilespmem:$0x1F670];
	_ =	sdelay $0x4  }
0xc05: {  	v2 =	vor.u32 v2, v0  }
0xc06: {  	v16 =	vmov v4;
	v4 =	vld [tilespmem:$0x1FE30]  }
0xc07: {  	[tilespmem:v3+s29+$0x0] =	vst.idx.msk $0xffff, v1;
	v3 =	vld [tilespmem:$0x1FDD0];
	_ =	sdelay $0x2  }
0xc08: {  	v1 =	vld.idx.msk [tilespmem:v2+s13+$0x0], $0xffff  }
0xc09: {  	v2 =	vor.u32 v4, v0;
	_ =	sdelay $0x3  }
0xc0a: {  	[tilespmem:v3+s29+$0x0] =	vst.idx.msk $0xffff, v1  }
0xc0b: {  	v1 =	vld.idx.msk [tilespmem:v2+s13+$0x0], $0xffff  }
0xc0c: {  	v2 =	vor.u32 v19, v0;
	_ =	sdelay $0x3  }
0xc0d: {  	[tilespmem:v28+s29+$0x0] =	vst.idx.msk $0xffff, v1  }
0xc0e: {  	v1 =	vld.idx.msk [tilespmem:v2+s13+$0x0], $0xffff  }
0xc0f: {  	v2 =	vld [tilespmem:$0x1FDF0]  }
0xc10: {  	v3 =	vld [tilespmem:$0x1FDE0];
	_ =	sdelay $0x3  }
0xc11: {  	v2 =	vor.u32 v2, v0;
	_ =	sdelay $0x3  }
0xc12: {  	[tilespmem:v3+s29+$0x0] =	vst.idx.msk $0xffff, v1;
	v3 =	vld [tilespmem:$0x1CB70]  }
0xc13: {  	v1 =	vld.idx.msk [tilespmem:v2+s13+$0x0], $0xffff  }
0xc14: {  	v2 =	vld [tilespmem:$0x1FE00];
	_ =	sdelay $0x4  }
0xc15: {  	v2 =	vor.u32 v2, v0;
	_ =	sdelay $0x1  }
0xc16: {  	[tilespmem:v3+s29+$0x0] =	vst.idx.msk $0xffff, v1;
	v3 =	vld [tilespmem:$0x1F6D0];
	_ =	sdelay $0x2  }
0xc17: {  	v1 =	vld.idx.msk [tilespmem:v2+s13+$0x0], $0xffff;
	_ =	sdelay $0x2  }
0xc18: {  	v2 =	vor.u32 v63, v0;
	_ =	sdelay $0x1  }
0xc19: {  	[tilespmem:v3+s29+$0x0] =	vst.idx.msk $0xffff, v1;
	v3 =	vld [tilespmem:$0x1F710];
	_ =	sdelay $0x2  }
0xc1a: {  	v1 =	vld.idx.msk [tilespmem:v2+s13+$0x0], $0xffff;
	_ =	sdelay $0x2  }
0xc1b: {  	v2 =	vor.u32 v17, v0;
	_ =	sdelay $0x1  }
0xc1c: {  	[tilespmem:v3+s29+$0x0] =	vst.idx.msk $0xffff, v1;
	v3 =	vld [tilespmem:$0x1F750];
	_ =	sdelay $0x2  }
0xc1d: {  	v1 =	vld.idx.msk [tilespmem:v2+s13+$0x0], $0xffff  }
0xc1e: {  	v2 =	vor.u32 v6, v0;
	_ =	sdelay $0x1  }
0xc1f: {  	v5 =	vld [tilespmem:$0x1F780];
	_ =	sdelay $0x1  }
0xc20: {  	[tilespmem:v3+s29+$0x0] =	vst.idx.msk $0xffff, v1  }
0xc21: {  	v1 =	vld.idx.msk [tilespmem:v2+s13+$0x0], $0xffff;
	_ =	sdelay $0x2  }
0xc22: {  	v2 =	vor.u32 v62, v0;
	_ =	sdelay $0x1  }
0xc23: {  	[tilespmem:v5+s29+$0x0] =	vst.idx.msk $0xffff, v1;
	v5 =	vld [tilespmem:$0x1F7B0];
	_ =	sdelay $0x2  }
0xc24: {  	v1 =	vld.idx.msk [tilespmem:v2+s13+$0x0], $0xffff  }
0xc25: {  	v2 =	vor.u32 v52, v0;
	_ =	sdelay $0x3  }
0xc26: {  	[tilespmem:v5+s29+$0x0] =	vst.idx.msk $0xffff, v1  }
0xc27: {  	v1 =	vld.idx.msk [tilespmem:v2+s13+$0x0], $0xffff  }
0xc28: {  	v2 =	vld [tilespmem:$0x1F7F0];
	_ =	sdelay $0x4  }
0xc29: {  	v2 =	vor.u32 v2, v0;
	_ =	sdelay $0x3  }
0xc2a: {  	[tilespmem:v49+s29+$0x0] =	vst.idx.msk $0xffff, v1  }
0xc2b: {  	v1 =	vld.idx.msk [tilespmem:v2+s13+$0x0], $0xffff  }
0xc2c: {  	v2 =	vld [tilespmem:$0x1F820];
	_ =	sdelay $0x4  }
0xc2d: {  	v2 =	vor.u32 v2, v0;
	_ =	sdelay $0x3  }
0xc2e: {  	[tilespmem:v30+s29+$0x0] =	vst.idx.msk $0xffff, v1  }
0xc2f: {  	v1 =	vld.idx.msk [tilespmem:v2+s13+$0x0], $0xffff  }
0xc30: {  	v2 =	vld [tilespmem:$0x1F860];
	_ =	sdelay $0x4  }
0xc31: {  	v2 =	vor.u32 v2, v0;
	_ =	sdelay $0x3  }
0xc32: {  	[tilespmem:v27+s29+$0x0] =	vst.idx.msk $0xffff, v1  }
0xc33: {  	v1 =	vld.idx.msk [tilespmem:v2+s13+$0x0], $0xffff  }
0xc34: {  	v2 =	vld [tilespmem:$0x1F8A0]  }
0xc35: {  	v5 =	vld [tilespmem:$0x1F880];
	_ =	sdelay $0x3  }
0xc36: {  	v2 =	vor.u32 v2, v0;
	_ =	sdelay $0x3  }
0xc37: {  	[tilespmem:v5+s29+$0x0] =	vst.idx.msk $0xffff, v1  }
0xc38: {  	v1 =	vld.idx.msk [tilespmem:v2+s13+$0x0], $0xffff  }
0xc39: {  	v2 =	vld [tilespmem:$0x1F8D0]  }
0xc3a: {  	v20 =	vmov v57;
	v57 =	vld [tilespmem:$0x1FE40];
	_ =	sdelay $0x3  }
0xc3b: {  	v2 =	vor.u32 v2, v0;
	_ =	sdelay $0x3  }
0xc3c: {  	[tilespmem:v57+s29+$0x0] =	vst.idx.msk $0xffff, v1  }
0xc3d: {  	v1 =	vld.idx.msk [tilespmem:v2+s13+$0x0], $0xffff  }
0xc3e: {  	v2 =	vld [tilespmem:$0x1F910]  }
0xc3f: {  	v5 =	vld [tilespmem:$0x1F8F0];
	_ =	sdelay $0x3  }
0xc40: {  	v2 =	vor.u32 v2, v0;
	_ =	sdelay $0x3  }
0xc41: {  	[tilespmem:v5+s29+$0x0] =	vst.idx.msk $0xffff, v1  }
0xc42: {  	v1 =	vld.idx.msk [tilespmem:v2+s13+$0x0], $0xffff  }
0xc43: {  	v2 =	vld [tilespmem:$0x1F940]  }
0xc44: {  	v50 =	vld [tilespmem:$0x1FE60];
	_ =	sdelay $0x3  }
0xc45: {  	v2 =	vor.u32 v2, v0;
	_ =	sdelay $0x3  }
0xc46: {  	[tilespmem:v50+s29+$0x0] =	vst.idx.msk $0xffff, v1  }
0xc47: {  	v1 =	vld.idx.msk [tilespmem:v2+s13+$0x0], $0xffff  }
0xc48: {  	v2 =	vld [tilespmem:$0x1F970]  }
0xc49: {  	v54 =	vld [tilespmem:$0x1FE50];
	_ =	sdelay $0x3  }
0xc4a: {  	v2 =	vor.u32 v2, v0;
	_ =	sdelay $0x3  }
0xc4b: {  	[tilespmem:v54+s29+$0x0] =	vst.idx.msk $0xffff, v1  }
0xc4c: {  	v1 =	vld.idx.msk [tilespmem:v2+s13+$0x0], $0xffff  }
0xc4d: {  	v2 =	vld [tilespmem:$0x1F9A0]  }
0xc4e: {  	v48 =	vld [tilespmem:$0x1FE70];
	_ =	sdelay $0x3  }
0xc4f: {  	v2 =	vor.u32 v2, v0;
	_ =	sdelay $0x3  }
0xc50: {  	[tilespmem:v48+s29+$0x0] =	vst.idx.msk $0xffff, v1  }
0xc51: {  	v1 =	vld.idx.msk [tilespmem:v2+s13+$0x0], $0xffff  }
0xc52: {  	v2 =	vld [tilespmem:$0x1F9D0]  }
0xc53: {  	v12 =	vmov v46;
	v46 =	vld [tilespmem:$0x1FE90];
	_ =	sdelay $0x3  }
0xc54: {  	v2 =	vor.u32 v2, v0;
	_ =	sdelay $0x1  }
0xc55: {  	v18 =	vld [tilespmem:$0x1CB80]  }
0xc56: {  	v9 =	vld [tilespmem:$0x1FEA0]  }
0xc57: {  	[tilespmem:v46+s29+$0x0] =	vst.idx.msk $0xffff, v1  }
0xc58: {  	v1 =	vld.idx.msk [tilespmem:v2+s13+$0x0], $0xffff;
	_ =	sdelay $0x2  }
0xc59: {  	v2 =	vor.u32 v9, v0  }
0xc5a: {  	v42 =	vld [tilespmem:$0x1FF00]  }
0xc5b: {  	[tilespmem:v18+s29+$0x0] =	vst.idx.msk $0xffff, v1;
	v18 =	vld [tilespmem:$0x1FA00];
	_ =	sdelay $0x2  }
0xc5c: {  	v1 =	vld.idx.msk [tilespmem:v2+s13+$0x0], $0xffff  }
0xc5d: {  	v2 =	vor.u32 v42, v0;
	_ =	sdelay $0x3  }
0xc5e: {  	[tilespmem:v18+s29+$0x0] =	vst.idx.msk $0xffff, v1  }
0xc5f: {  	v1 =	vld.idx.msk [tilespmem:v2+s13+$0x0], $0xffff  }
0xc60: {  	v2 =	vld [tilespmem:$0x1FA30]  }
0xc61: {  	v22 =	vld [tilespmem:$0x1FEB0];
	_ =	sdelay $0x3  }
0xc62: {  	v2 =	vor.u32 v2, v0;
	_ =	sdelay $0x3  }
0xc63: {  	[tilespmem:v22+s29+$0x0] =	vst.idx.msk $0xffff, v1  }
0xc64: {  	v1 =	vld.idx.msk [tilespmem:v2+s13+$0x0], $0xffff  }
0xc65: {  	v2 =	vld [tilespmem:$0x1FA60]  }
0xc66: {  	v18 =	vld [tilespmem:$0x1FED0];
	_ =	sdelay $0x3  }
0xc67: {  	v2 =	vor.u32 v2, v0;
	_ =	sdelay $0x3  }
0xc68: {  	[tilespmem:v18+s29+$0x0] =	vst.idx.msk $0xffff, v1  }
0xc69: {  	v1 =	vld.idx.msk [tilespmem:v2+s13+$0x0], $0xffff  }
0xc6a: {  	v2 =	vld [tilespmem:$0x1FA90]  }
0xc6b: {  	v44 =	vld [tilespmem:$0x1FEC0];
	_ =	sdelay $0x3  }
0xc6c: {  	v2 =	vor.u32 v2, v0;
	_ =	sdelay $0x3  }
0xc6d: {  	[tilespmem:v44+s29+$0x0] =	vst.idx.msk $0xffff, v1  }
0xc6e: {  	v1 =	vld.idx.msk [tilespmem:v2+s13+$0x0], $0xffff  }
0xc6f: {  	v2 =	vld [tilespmem:$0x1FAD0]  }
0xc70: {  	v5 =	vld [tilespmem:$0x1FAB0];
	_ =	sdelay $0x3  }
0xc71: {  	v2 =	vor.u32 v2, v0;
	_ =	sdelay $0x3  }
0xc72: {  	[tilespmem:v5+s29+$0x0] =	vst.idx.msk $0xffff, v1  }
0xc73: {  	v1 =	vld.idx.msk [tilespmem:v2+s13+$0x0], $0xffff  }
0xc74: {  	v2 =	vld [tilespmem:$0x1FB00]  }
0xc75: {  	v45 =	vmov v38;
	v38 =	vld [tilespmem:$0x1FEE0];
	_ =	sdelay $0x3  }
0xc76: {  	v2 =	vor.u32 v2, v0;
	_ =	sdelay $0x3  }
0xc77: {  	[tilespmem:v38+s29+$0x0] =	vst.idx.msk $0xffff, v1  }
0xc78: {  	v1 =	vld.idx.msk [tilespmem:v2+s13+$0x0], $0xffff  }
0xc79: {  	v2 =	vld [tilespmem:$0x1FB40]  }
0xc7a: {  	v5 =	vld [tilespmem:$0x1FB20];
	_ =	sdelay $0x3  }
0xc7b: {  	v2 =	vor.u32 v2, v0;
	_ =	sdelay $0x3  }
0xc7c: {  	[tilespmem:v5+s29+$0x0] =	vst.idx.msk $0xffff, v1  }
0xc7d: {  	v1 =	vld.idx.msk [tilespmem:v2+s13+$0x0], $0xffff  }
0xc7e: {  	v2 =	vld [tilespmem:$0x1FB70]  }
0xc7f: {  	v53 =	vld [tilespmem:$0x1FEF0];
	_ =	sdelay $0x3  }
0xc80: {  	v2 =	vor.u32 v2, v0;
	_ =	sdelay $0x3  }
0xc81: {  	[tilespmem:v53+s29+$0x0] =	vst.idx.msk $0xffff, v1  }
0xc82: {  	v1 =	vld.idx.msk [tilespmem:v2+s13+$0x0], $0xffff  }
0xc83: {  	v2 =	vld [tilespmem:$0x1FBA0];
	_ =	sdelay $0x4  }
0xc84: {  	v2 =	vor.u32 v2, v0;
	_ =	sdelay $0x3  }
0xc85: {  	[tilespmem:v55+s29+$0x0] =	vst.idx.msk $0xffff, v1  }
0xc86: {  	v1 =	vld.idx.msk [tilespmem:v2+s13+$0x0], $0xffff  }
0xc87: {  	v2 =	vld [tilespmem:$0x1FBE0]  }
0xc88: {  	v5 =	vld [tilespmem:$0x1FBC0];
	_ =	sdelay $0x3  }
0xc89: {  	v2 =	vor.u32 v2, v0;
	_ =	sdelay $0x3  }
0xc8a: {  	[tilespmem:v5+s29+$0x0] =	vst.idx.msk $0xffff, v1  }
0xc8b: {  	v1 =	vld.idx.msk [tilespmem:v2+s13+$0x0], $0xffff  }
0xc8c: {  	v2 =	vld [tilespmem:$0x1FC10]  }
0xc8d: {  	v21 =	vld [tilespmem:$0x1FF10];
	_ =	sdelay $0x3  }
0xc8e: {  	v2 =	vor.u32 v2, v0;
	_ =	sdelay $0x3  }
0xc8f: {  	[tilespmem:v21+s29+$0x0] =	vst.idx.msk $0xffff, v1  }
0xc90: {  	v1 =	vld.idx.msk [tilespmem:v2+s13+$0x0], $0xffff  }
0xc91: {  	v2 =	vld [tilespmem:$0x1FC40]  }
0xc92: {  	v33 =	vld [tilespmem:$0x1FF20];
	_ =	sdelay $0x3  }
0xc93: {  	v2 =	vor.u32 v2, v0;
	_ =	sdelay $0x3  }
0xc94: {  	[tilespmem:v33+s29+$0x0] =	vst.idx.msk $0xffff, v1  }
0xc95: {  	v1 =	vld.idx.msk [tilespmem:v2+s13+$0x0], $0xffff  }
0xc96: {  	v2 =	vld [tilespmem:$0x1FC80];
	_ =	sdelay $0x4  }
0xc97: {  	v2 =	vor.u32 v2, v0;
	_ =	sdelay $0x1  }
0xc98: {  	v5 =	vld [tilespmem:$0x1FF60];
	_ =	sdelay $0x1  }
0xc99: {  	[tilespmem:v61+s29+$0x0] =	vst.idx.msk $0xffff, v1  }
0xc9a: {  	v1 =	vld.idx.msk [tilespmem:v2+s13+$0x0], $0xffff  }
0xc9b: {  	v0 =	vor.u32 v32, v0;
	_ =	sdelay $0x3  }
0xc9c: {  	[tilespmem:v5+s29+$0x0] =	vst.idx.msk $0xffff, v1  }
0xc9d: {  	v0 =	vld.idx.msk [tilespmem:v0+s13+$0x0], $0xffff;
	_ =	sdelay $0x1  }
0xc9e: {  	v43 =	vmov v47;
	v35 =	vmov v8  }
0xc9f: {  	v58 =	vmovc v24;
	v24 =	vmovc v10;
	v56 =	vmov v6;
	v15 =	vmov v14;
	v59 =	vmov v25  }
.Ltmp8:
0xca0: {  	s30 =	sshll.u32 s22, $0xB;
	p1 =	sgt.u32 s22, $0xF01;
	v13 =	vmovc v12;
	v12 =	vmovc v49;
	v11 =	vmov v20;
	v63 =	vmov v40;
	v40 =	vmov v50;
	(pc) =	sbr.rel .LBB2_10-.Ltmp8, $4  }
0xca1: {  	s31 =	sadd.s32 s5, s30;
	s22 =	sshll.u32 @!p1 s22, $0x8;
	s24 =	simm.s32 @!p1 $0x7A1400;
	v6 =	vmovc v59;
	v3 =	vmovc v62;
	v62 =	vmov v30;
	v27 =	vmov v19;
	v19 =	vmov v58;
	[tilespmem:v37+s29+$0x0] =	vst.idx.msk $0xffff, v0  }
0xca2: {  	v58 =	vmovc v52;
	v52 =	vmovc v55;
	v50 =	vmov v48;
	v48 =	vmov v46;
	v46 =	vmov v22;
	[hbm4b:s31+s3] =	stream.linear.scatter [tilespmem:s17], [sflag:$0x4], $0x4000, $0x38;
	[tilespmem:$0x10000] =	vst v63  }
0xca3: {  	s25 =	simm.s32 @!p1 $0x4000;
	s22 =	sadd.s32 @!p1 s22, s8;
	s23 =	simm.s32 @!p1 $0x800;
	v47 =	vmovc v18;
	v18 =	vmovc v38;
	v38 =	vmov v5;
	v61 =	vmov v4;
	v0 =	vmov v45  }
0xca4: {  	v23 =	vld [tilespmem:$0x1FF80];
	v4 =	vmovc v34;
	v34 =	vmovc v53;
	v2 =	vmov v7;
	v5 =	vmov v16;
	v25 =	vmov v0;
	[tilespmem:s25], [sflag:$0x2] =	stream.strided.gather @!p1 [hbm4b:s22+s23], $0x4000, s24, s23, $0x38  }
.LBB2_12:
0xca5: {  	_ =	sfence.sel $0x180000  }
0xca6: {  	[bflag:$0x0] =	sbarrier.arrive $0xFFFF  }
0xca7: {  	p0 =	sne.s32 s2, $0x0;
	_ =	strace $0x90000047  }
0xca8: {  	s0 =	sadd.s32 @!p0 $0x100000, s1;
	[bflag:$0x2] =	sbarrier.arrive $0xFFFF  }
0xca9: {  	[sflag:s0] =	ssyncadd.tile.s32 @!p0 $0x1;
	_ =	shalt  }
.Lfunc_end2:
_tile_overlayer_lowered:
.L_overlay_start_2:
0xcaa: {  	(tag) =	ssettag $0x2  }
0xcab: {  	s0 =	rddreg [dreg:$0x0];
	s2 =	stileid.u32  }
0xcac: {  	s1 =	rddreg [dreg:$0x1];
	p0 =	sne.s32 s2, $0x0  }
0xcad: {  	s3 =	rddreg [dreg:$0x2];
	[bflag:$0x3] =	sbarrier.arrive $0xFFFF;
	s2 =	simm.s32 @!p0 $0x1C05  }
0xcae: {  	[timem:s3], [sflag:s2] =	dma.local @!p0 [hbm:s0], s1  }
0xcaf: {  	s0 =	simm.s32 @!p0 $0x5  }
0xcb0: {  	_ =	swait.ge @!p0 [sflag:s0], s1  }
0xcb1: {  	s1 =	ssub.s32 @!p0 $0x0, s1;
	[sflag:s0] =	ssyncset.done @!p0 $0x0  }
0xcb2: {  	[sflag:s0] =	ssyncadd.s32 @!p0 s1  }
0xcb3: {  	[bflag:$0x3] =	sbarrier.arrive $0xFFFF  }
0xcb4: {  	_ =	shalt  }

// kernel: kernel.8.cloned.1.call-start
scs
__scs_entry_jumppad:
0x0: {  	(pc) =	sbr.rel $0x88, $3  }
0x1: {  	(tag) =	ssettag $0x0;
	lr =	simm.s32 $0x1  }
0x2: {  	[smem:$0x3F9C] =	sst lr;
	_ =	strace $0xD0000000  }
0x3: {  	_ = 	snop  }
0x4: {  	_ = 	snop  }
0x5: {  	_ = 	snop  }
0x6: {  	_ = 	snop  }
0x7: {  	_ = 	snop  }
__scs_overlays_trampoline_lowered:
0x8: {  	[smem:$0x3FAB] =	sst s0  }
0x9: {  	[smem:$0x3FAC] =	sst s1  }
0xa: {  	[smem:$0x3FAD] =	sst s2  }
0xb: {  	[smem:$0x3FAE] =	sst s3  }
0xc: {  	[smem:$0x3FAF] =	sst s4  }
0xd: {  	[smem:$0x3FB0] =	sst s5  }
0xe: {  	[smem:$0x3FB1] =	sst s6  }
0xf: {  	[smem:$0x3FB2] =	sst s7  }
0x10: {  	[smem:$0x3FB3] =	sst s8  }
0x11: {  	[smem:$0x3FB4] =	sst s9;
	s0 =	simm.s32 @!p0 $0x0  }
0x12: {  	s1 =	sld [smem:$0x3F9A];
	s0 =	simm.s32 @p0 $0x1  }
0x13: {  	[smem:$0x3FB5] =	sst s0;
	s0 =	simm.s32 @!p1 $0x0  }
0x14: {  	s2 =	sld [smem:$0x3F99];
	s0 =	simm.s32 @p1 $0x1  }
0x15: {  	[smem:$0x3FB6] =	sst s0;
	s0 =	simm.s32 @!p2 $0x0  }
0x16: {  	s3 =	sld [smem:$0x3FDB];
	s0 =	simm.s32 @p2 $0x1  }
0x17: {  	s4 =	simm.s32 $0x1BF5;
	[smem:$0x3FB8] =	sst s0  }
0x18: {  	s0 =	sld [smem:$0x3F9B];
	_ =	swait.ge [sflag:s4], $0x0  }
0x19: {  	s7 =	sld [smem:$0x3F9C]  }
0x1a: {  	s8 =	sadd.s32 $0xFFFFE003, lr  }
0x1b: {  	s9 =	sadd.s32 $0xFFFFFEF7, lr;
	s5 =	simm.s32 $0xFFFFFFFF;
	p2 =	slt.u32 s8, $0xFFFFF086  }
0x1c: {  	p1 =	slt.u32 s9, $0xF7A;
	s5 =	simm.s32 @!p2 $0x0  }
0x1d: {  	s5 =	simm.s32 @p1 $0x1;
	p0 =	seq.s32 s7, s2  }
0x1e: {  	s7 =	smul.u32 @!p0 $0xF7A, s2;
	p2 =	seq.s32 @!p0 s5, $0x0  }
0x1f: {  	s9 =	smul.u32 $0xF7A, s1;
	s8 =	simm.s32 @!p0 $0x1BF5;
	p2 =	por !p2, p0  }
0x20: {  	[sflag:s8] =	ssyncset.s32 @!p0 $0xFFFFF086;
	s6 =	sadd.s32 @!p0 s3, s7;
	s7 =	simm.s32 @!p0 $0x108  }
0x21: {  	s3 =	sadd.s32 s3, s9;
	s6 =	sadd.s32 @!p0 $0x88, s6;
	s7 =	simm.s32 @p2 $0x1082  }
0x22: {  	[simem:s7], [sflag:s8] =	dma.local @!p0 [hbm:s6], $0xF7A  }
0x23: {  	s9 =	sor.u32 $0xD0000000, s2;
	s6 =	simm.s32 $0x108;
	_ =	swait.ge @!p0 [sflag:s8], $0x0  }
0x24: {  	s3 =	sadd.s32 $0x88, s3;
	s6 =	simm.s32 @!p1 $0x1082;
	[sflag:s4] =	ssyncset.s32 $0xFFFFF086  }
0x25: {  	[simem:s6], [sflag:s4] =	dma.local [hbm:s3], $0xF7A  }
0x26: {  	[smem:$0x3F9C] =	sst s1;
	(tag) =	ssettag s2;
	_ =	strace s9  }
0x27: {  	s1 =	sld [smem:$0x3FAC]  }
0x28: {  	s2 =	sld [smem:$0x3FAD]  }
0x29: {  	s4 =	sld [smem:$0x3FAF]  }
0x2a: {  	p0 =	seq.s32 s5, $0x0;
	s5 =	sld [smem:$0x3FB0]  }
0x2b: {  	s6 =	sld [smem:$0x3FB1]  }
0x2c: {  	s7 =	sld [smem:$0x3FB2]  }
0x2d: {  	s3 =	simm.s32 $0x108;
	s8 =	sld [smem:$0x3FB3]  }
0x2e: {  	s3 =	simm.s32 @!p0 $0x1082;
	s9 =	sld [smem:$0x3FB4]  }
0x2f: {  	lr =	sadd.s32 s0, s3;
	s0 =	sld [smem:$0x3FAB]  }
0x30: {  	s3 =	sld [smem:$0x3FAE]  }
0x31: {  	[smem:$0x3FB7] =	sst s10  }
0x32: {  	s10 =	sld [smem:$0x3FB5];
	_ =	sdelay $0x3  }
0x33: {  	p0 =	seq.s32 s10, $0x1;
	s10 =	sld [smem:$0x3FB7];
	_ =	sdelay $0x3  }
0x34: {  	[smem:$0x3FB7] =	sst s10  }
0x35: {  	s10 =	sld [smem:$0x3FB6];
	_ =	sdelay $0x3  }
0x36: {  	p1 =	seq.s32 s10, $0x1;
	s10 =	sld [smem:$0x3FB7];
	_ =	sdelay $0x3  }
0x37: {  	[smem:$0x3FB7] =	sst s10  }
0x38: {  	s10 =	sld [smem:$0x3FB8]  }
0x39: {  	_ = 	snop;
	(pc) =	sbr.ind lr, $3  }
0x3a: {  	_ = 	snop  }
0x3b: {  	_ = 	snop  }
0x3c: {  	p2 =	seq.s32 s10, $0x1;
	s10 =	sld [smem:$0x3FB7]  }
0x3d: {  	_ =	shalt  }
0x3e: {  	_ =	shalt  }
0x3f: {  	_ =	shalt  }
0x40: {  	_ =	shalt  }
0x41: {  	_ =	shalt  }
0x42: {  	_ =	shalt  }
0x43: {  	_ =	shalt  }
0x44: {  	_ =	shalt  }
0x45: {  	_ =	shalt  }
0x46: {  	_ =	shalt  }
0x47: {  	_ =	shalt  }
0x48: {  	_ =	shalt  }
0x49: {  	_ =	shalt  }
0x4a: {  	_ =	shalt  }
0x4b: {  	_ =	shalt  }
0x4c: {  	_ =	shalt  }
0x4d: {  	_ =	shalt  }
0x4e: {  	_ =	shalt  }
0x4f: {  	_ =	shalt  }
0x50: {  	_ =	shalt  }
0x51: {  	_ =	shalt  }
0x52: {  	_ =	shalt  }
0x53: {  	_ =	shalt  }
0x54: {  	_ =	shalt  }
0x55: {  	_ =	shalt  }
0x56: {  	_ =	shalt  }
0x57: {  	_ =	shalt  }
0x58: {  	_ =	shalt  }
0x59: {  	_ =	shalt  }
0x5a: {  	_ =	shalt  }
0x5b: {  	_ =	shalt  }
0x5c: {  	_ =	shalt  }
0x5d: {  	_ =	shalt  }
0x5e: {  	_ =	shalt  }
0x5f: {  	_ =	shalt  }
0x60: {  	_ =	shalt  }
0x61: {  	_ =	shalt  }
0x62: {  	_ =	shalt  }
0x63: {  	_ =	shalt  }
0x64: {  	_ =	shalt  }
0x65: {  	_ =	shalt  }
0x66: {  	_ =	shalt  }
0x67: {  	_ =	shalt  }
0x68: {  	_ =	shalt  }
0x69: {  	_ =	shalt  }
0x6a: {  	_ =	shalt  }
0x6b: {  	_ =	shalt  }
0x6c: {  	_ =	shalt  }
0x6d: {  	_ =	shalt  }
0x6e: {  	_ =	shalt  }
0x6f: {  	_ =	shalt  }
0x70: {  	_ =	shalt  }
0x71: {  	_ =	shalt  }
0x72: {  	_ =	shalt  }
0x73: {  	_ =	shalt  }
0x74: {  	_ =	shalt  }
0x75: {  	_ =	shalt  }
0x76: {  	_ =	shalt  }
0x77: {  	_ =	shalt  }
0x78: {  	_ =	shalt  }
0x79: {  	_ =	shalt  }
0x7a: {  	_ =	shalt  }
0x7b: {  	_ =	shalt  }
0x7c: {  	_ =	shalt  }
0x7d: {  	_ =	shalt  }
0x7e: {  	_ =	shalt  }
0x7f: {  	_ =	shalt  }
0x80: {  	_ =	shalt  }
0x81: {  	_ =	shalt  }
0x82: {  	_ =	shalt  }
0x83: {  	_ =	shalt  }
0x84: {  	_ =	shalt  }
0x85: {  	_ =	shalt  }
0x86: {  	_ =	shalt  }
0x87: {  	_ =	shalt  }
.Lfunc_end0:
.L_simem_size_0:
called_computation.1_lowered:
.L_overlay_start_0:
0x88: {  	s2 =	sld [smem:$0x3FD9]  }
0x89: {  	s3 =	sld [smem:$0x3FFE];
	_ =	sdelay $0x1  }
0x8a: {  	s1 =	srdreg.scid  }
0x8b: {  	s0 =	sand.u32 $0x1, s1  }
0x8c: {  	s16 =	sshll.u32 s0, $0xA;
	s2 =	sadd.s32 s3, s2  }
0x8d: {  	s2 =	sadd.s32 s2, s16  }
0x8e: {  	[smem:$0x3FC3] =	sst s2  }
0x8f: {  	_ = 	snop  }
0x90: {  	(tm) =	ssettm $0x1  }
0x91: {  	s17 =	sld [smem:$0x3FFB];
	_ =	sdelay $0x3  }
0x92: {  	_ =	strace s17  }
0x93: {  	s2 =	sld [smem:$0x3FFC];
	_ =	sdelay $0x3  }
0x94: {  	_ =	strace s2  }
0x95: {  	s2 =	sld [smem:$0x3FFD];
	_ =	sdelay $0x3  }
0x96: {  	_ =	strace s2  }
0x97: {  	_ =	strace $0x8FFFFFFF  }
0x98: {  	s18 =	sld [smem:$0x3FDB];
	_ =	sdelay $0x1  }
0x99: {  	s19 =	simm.s32 $_scs_section_size  }
0x9a: {  	s4 =	simm.s32 $_size__tile_overlayer_lowered;
	s5 =	simm.s32 $_tile_overlayer_lowered  }
0x9b: {  	s22 =	simm.s32 $0x1BFF;
	s21 =	sshll.u32 s5, $0x1;
	s2 =	sadd.s32 s19, s18  }
0x9c: {  	s6 =	simm.s32 $0x0;
	s20 =	sshll.u32 s4, $0x1;
	s4 =	sadd.s32 s21, s2  }
0x9d: {  	[timem:s6], [sflag:s22] =	dma.local [hbm:s4], s20  }
0x9e: {  	_ =	swait.ge [sflag:s22], s20  }
0x9f: {  	s3 =	ssub.s32 $0x0, s20;
	[sflag:s22] =	ssyncset.done $0x0  }
0xa0: {  	[sflag:s22] =	ssyncadd.s32 s3;
	_ =	sdelay $0x1  }
0xa1: {  	s23 =	simm.s32 $0x1B8B  }
0xa2: {  	_ =	swait.ge [sflag:s23], $0x1  }
0xa3: {  	[sflag:s23] =	ssyncset.done $0x0  }
0xa4: {  	s25 =	simm.s32 $0x1B8E;
	s24 =	sld [smem:$0x3FFE];
	[sflag:s23] =	ssyncadd.s32 $0xFFFFFFFF  }
0xa5: {  	s26 =	simm.s32 $execute0_lowered;
	[smem:$0x3FD2] =	sst s25  }
0xa6: {  	s4 =	sshll.u32 s26, $0x1;
	_ =	strace $0x80000049;
	[dreg:$0x1] =	wrdreg $0xFFFFFFFF  }
0xa7: {  	s28 =	simm.s32 $_size_execute0_lowered;
	s2 =	sadd.s32 s2, s4;
	[dreg:$0x0] =	wrdreg $0x0  }
0xa8: {  	s4 =	sshll.u32 s28, $0x1;
	[dreg:$0x2] =	wrdreg s2  }
0xa9: {  	[dreg:$0x3] =	wrdreg s4  }
0xaa: {  	[dreg:$0x4] =	wrdreg $0xC0  }
0xab: {  	_ =	task [dreg:s6], $0x5FFFF  }
0xac: {  	[dreg:$0x1] =	wrdreg $0xFFFFFFFF  }
0xad: {  	[dreg:$0x0] =	wrdreg $0x60  }
0xae: {  	[dreg:$0x2] =	wrdreg s24  }
0xaf: {  	[dreg:$0x3] =	wrdreg $0x9  }
0xb0: {  	_ =	task.clear_ibuf [dreg:s6], $0x4FFFF;
	_ =	strace $0x90000049  }
0xb1: {  	s29 =	simm.s32 $0x9;
	_ =	strace $0x8000004B  }
0xb2: {  	_ =	swait.ge [sflag:s29], $0x1  }
0xb3: {  	[sflag:s29] =	ssyncadd.s32 $0xFFFFFFFF  }
0xb4: {  	_ =	strace $0x9000004B  }
0xb5: {  	_ =	sfence  }
0xb6: {  	s30 =	sld [smem:$0x0];
	_ =	sdelay $0x2  }
0xb7: {  	s31 =	sshll.u32 s1, $0xD;
	s1 =	sshrl.u32 s1, $0x2  }
0xb8: {  	s3 =	sand.u32 $0x4000, s31;
	s1 =	sadd.s32 s1, s30  }
0xb9: {  	s0 =	sor.u32 s3, s0;
	s1 =	sshll.u32 s1, $0x11  }
0xba: {  	s0 =	sor.u32 s1, s0  }
0xbb: {  	s0 =	sadd.s32 $0x8F2B, s0  }
0xbc: {  	[sflag:s0] =	ssyncadd.remote.s32 $0x1  }
0xbd: {  	_ =	sfence.sel $0xFFFF  }
0xbe: {  	[dreg:$0x0] =	wrdreg $0xFFFFFFFF;
	(pc) =	sbr.abs _section_cstart, $3  }
0xbf: {  	[dreg:$0x1] =	wrdreg $0xFFFFFFFF  }
0xc0: {  	_ =	task.clear_ibuf [dreg:s6], $0x2FFFF;
	_ =	strace $0x9FFFFFFF  }
0xc1: {  	(tm) =	ssettm $0x7FFFFFFF  }
tec
execute0_lowered:
.L_overlay_start_1:
0x0: {  	(tag) =	ssettag $0x1  }
0x1: {  	s1 =	srdreg.scid  }
0x2: {  	s0 =	stileid.u32;
	s4 =	rddreg [dreg:$0x0]  }
0x3: {  	s2 =	simm.s32 $0x0;
	s9 =	simm.s32 $0x6800;
	s10 =	simm.s32 $0x68  }
0x4: {  	s11 =	simm.s32 $0x8100;
	s12 =	simm.s32 $0x1;
	s13 =	simm.s32 $0x2  }
0x5: {  	s14 =	simm.s32 $0x9A00;
	s3 =	sand.u32 $0x1, s1;
	s1 =	rddreg [dreg:$0x1]  }
0x6: {  	s15 =	simm.s32 $0x0;
	s5 =	sshll.u32 s0, $0x1;
	[smem:$0x7FF] =	sst s2  }
0x7: {  	s5 =	sor.u32 s3, s5;
	_ =	strace $0x8000004A;
	s7 =	ssub.s32 $0x2, s3  }
0x8: {  	s6 =	smul.u32 $0xD00, s5;
	s5 =	sshll.u32 s5, $0xA;
	s8 =	sshrl.u32 s7, $0x1  }
0x9: {  	s3 =	sadd.s32 $0x1000, s4;
	s5 =	sadd.s32 s5, s4;
	s7 =	ssub.s32 s7, s8  }
0xa: {  	s8 =	simm.s32 $0x64;
	s6 =	sadd.s32 s6, s4;
	s5 =	sadd.s32 $0x7BC200, s5  }
0xb: {  	s4 =	sadd.s32 $0x7A2200, s6;
	s6 =	smax.u32 s7, $0x1;
	s7 =	simm.s32 $0x3  }
.LBB2_1:
0xc: {  	[tilespmem:s2], [sflag:$0x3] =	stream.linear.gather [hbm4b:s4+s2], $0x6800, $0x38;
	[tilespmem:$0xBA00] =	vst v63  }
0xd: {  	_ =	swait.ge [sflag:s7], $0x6800  }
0xe: {  	[sflag:s7] =	ssyncset.done $0x0  }
0xf: {  	[sflag:s7] =	ssyncadd.s32 $0xFFFF9800  }
0x10: {  	[tilespmem:s9], [sflag:$0x1] =	stream.indirect.gather [hbm4b:s3+s8], $0x40, s2, s8, $0xb8;
	[tilespmem:$0xBA00] =	vst v63  }
0x11: {  	s16 =	simm.s32 $0x0  }
0x12: {  	[tilespmem:s11], [sflag:$0x2] =	stream.indirect.gather [hbm4b:s3+s8], $0x40, s10, s8, $0xb8;
	[tilespmem:$0xBA00] =	vst v63  }
.LBB2_2:
0x13: {  	_ =	swait.ge [sflag:s12], $0x1900  }
0x14: {  	[sflag:s12] =	ssyncset.done $0x0  }
0x15: {  	s18 =	simm.s32 $0x6880;
	[sflag:s12] =	ssyncadd.s32 $0xFFFFE700  }
0x16: {  	v0 =	vld [tilespmem:s18+$0x40]  }
0x17: {  	v1 =	vld [tilespmem:s18+$0x50]  }
0x18: {  	v2 =	vld [tilespmem:s18+$0x0]  }
0x19: {  	v3 =	vld [tilespmem:s18+$0x10]  }
0x1a: {  	v4 =	vld [tilespmem:s18+$0xFFFFFFC0]  }
0x1b: {  	v5 =	vld [tilespmem:s18+$0xFFFFFFD0]  }
0x1c: {  	v6 =	vld [tilespmem:s18+$0xFFFFFF80]  }
0x1d: {  	v7 =	vld [tilespmem:s18+$0xFFFFFF90]  }
0x1e: {  	v9 =	vld [tilespmem:s18+$0xFFFFFFA0]  }
0x1f: {  	v12 =	vld [tilespmem:s18+$0xFFFFFFB0]  }
0x20: {  	v11 =	vld [tilespmem:s18+$0xFFFFFFE0]  }
0x21: {  	v13 =	vld [tilespmem:s18+$0xFFFFFFF0]  }
0x22: {  	v15 =	vimm.f32 $0.0e+00;
	v8 =	vld [tilespmem:s18+$0x20]  }
0x23: {  	v10 =	vld [tilespmem:s18+$0x30];
	v6 =	vadd.f32 v6, v15;
	v7 =	vadd.f32 v7, v15  }
0x24: {  	v14 =	vadd.f32 v9, v15;
	v15 =	vadd.f32 v12, v15;
	v9 =	vld [tilespmem:s18+$0x60]  }
0x25: {  	s17 =	simm.s32 $0x0;
	v12 =	vld [tilespmem:s18+$0x70];
	s18 =	simm.s32 $0x6980;
	v16 =	vadd.f32 v4, v6;
	v17 =	vadd.f32 v5, v7  }
.LBB2_3:
0x26: {  	v4 =	vld [tilespmem:s18+$0x40];
	v5 =	vadd.f32 v11, v14;
	v6 =	vadd.f32 v13, v15  }
0x27: {  	v7 =	vld [tilespmem:s18+$0x50];
	v11 =	vadd.f32 v2, v16;
	v13 =	vadd.f32 v3, v17  }
0x28: {  	v2 =	vld [tilespmem:s18+$0x0];
	v5 =	vadd.f32 v8, v5;
	v6 =	vadd.f32 v10, v6  }
0x29: {  	v3 =	vld [tilespmem:s18+$0x10];
	v10 =	vadd.f32 v0, v11;
	v14 =	vadd.f32 v1, v13  }
0x2a: {  	v16 =	vld [tilespmem:s18+$0xFFFFFFC0];
	v5 =	vadd.f32 v9, v5;
	v6 =	vadd.f32 v12, v6  }
0x2b: {  	v12 =	vld [tilespmem:s18+$0xFFFFFFD0];
	v0 =	vmov v4  }
0x2c: {  	v4 =	vld [tilespmem:s18+$0xFFFFFF80];
	v1 =	vmov v7  }
0x2d: {  	v7 =	vld [tilespmem:s18+$0xFFFFFF90]  }
0x2e: {  	v9 =	vld [tilespmem:s18+$0xFFFFFFA0]  }
0x2f: {  	s17 =	sadd.s32 $0x4, s17;
	v15 =	vld [tilespmem:s18+$0xFFFFFFB0]  }
0x30: {  	p0 =	slt.u32 s17, $0x60;
	v11 =	vld [tilespmem:s18+$0xFFFFFFE0]  }
.Ltmp0:
0x31: {  	v13 =	vld [tilespmem:s18+$0xFFFFFFF0];
	(pc) =	sbr.rel @p0 .LBB2_3-.Ltmp0, $4  }
0x32: {  	v8 =	vld [tilespmem:s18+$0x20]  }
0x33: {  	v4 =	vadd.f32 v4, v10;
	v7 =	vadd.f32 v7, v14;
	v10 =	vld [tilespmem:s18+$0x30]  }
0x34: {  	v14 =	vadd.f32 v9, v5;
	v15 =	vadd.f32 v15, v6;
	v9 =	vld [tilespmem:s18+$0x60]  }
0x35: {  	v16 =	vadd.f32 v16, v4;
	v17 =	vadd.f32 v12, v7;
	v12 =	vld [tilespmem:s18+$0x70];
	s18 =	sadd.s32 $0x100, s18  }
0x36: {  	p0 =	seq.s32 s16, $0x7F  }
0x37: {  	s17 =	smul.u32 @!p0 $0x340, s16;
	_ =	sdelay $0x1  }
0x38: {  	s17 =	sshra.s32 @!p0 s17, $0x2  }
0x39: {  	s19 =	simm.s32 @!p0 $0x64;
	s20 =	simm.s32 @!p0 $0x6800;
	s18 =	sadd.s32 @!p0 $0xD0, s17  }
0x3a: {  	[tilespmem:s20], [sflag:$0x1] =	stream.indirect.gather @!p0 [hbm4b:s3+s19], $0x40, s18, s19, $0xb8;
	[tilespmem:$0xBA00] =	vst v63  }
0x3b: {  	_ =	swait.ge [sflag:s13], $0x1900  }
0x3c: {  	[sflag:s13] =	ssyncset.done $0x0  }
0x3d: {  	s31 =	simm.s32 $0x81F0;
	[sflag:s13] =	ssyncadd.s32 $0xFFFFE700  }
0x3e: {  	v4 =	vld [tilespmem:s31+$0xFFFFFFD0]  }
0x3f: {  	v5 =	vld [tilespmem:s31+$0xFFFFFFE0]  }
0x40: {  	v7 =	vld [tilespmem:s31+$0xFFFFFF90]  }
0x41: {  	v6 =	vld [tilespmem:s31+$0xFFFFFFA0]  }
0x42: {  	v18 =	vld [tilespmem:s31+$0xFFFFFF50]  }
0x43: {  	v19 =	vld [tilespmem:s31+$0xFFFFFF60]  }
0x44: {  	v20 =	vld [tilespmem:s31+$0xFFFFFF10]  }
0x45: {  	v21 =	vld [tilespmem:s31+$0xFFFFFF20]  }
0x46: {  	v11 =	vadd.f32 v11, v14;
	v13 =	vadd.f32 v13, v15;
	v14 =	vld [tilespmem:s31+$0xFFFFFF30]  }
0x47: {  	v2 =	vadd.f32 v2, v16;
	v15 =	vadd.f32 v3, v17;
	v63 =	vld [tilespmem:s31+$0xFFFFFF40]  }
0x48: {  	v11 =	vadd.f32 v8, v11;
	v10 =	vadd.f32 v10, v13;
	v3 =	vld [tilespmem:s31+$0xFFFFFF70]  }
0x49: {  	v2 =	vadd.f32 v0, v2;
	v1 =	vadd.f32 v1, v15;
	v8 =	vld [tilespmem:s31+$0xFFFFFF80]  }
0x4a: {  	v9 =	vadd.f32 v9, v11;
	v10 =	vadd.f32 v12, v10;
	v0 =	vld [tilespmem:s31+$0xFFFFFFB0]  }
0x4b: {  	v11 =	vadd.f32 v20, v2;
	v15 =	vadd.f32 v21, v1;
	v2 =	vld [tilespmem:s31+$0xFFFFFFC0]  }
0x4c: {  	v12 =	vadd.f32 v14, v9;
	v10 =	vadd.f32 v63, v10;
	v1 =	vld [tilespmem:s31+$0xFFFFFFF0]  }
0x4d: {  	s18 =	simm.s32 $0x0;
	s19 =	simm.s32 $0x82F0;
	v9 =	vld [tilespmem:s31+$0x0];
	v13 =	vadd.f32 v18, v11;
	v11 =	vadd.f32 v19, v15  }
.LBB2_5:
0x4e: {  	v14 =	vld [tilespmem:s19+$0xFFFFFFD0];
	v3 =	vadd.f32 v3, v12;
	v8 =	vadd.f32 v8, v10  }
0x4f: {  	v10 =	vld [tilespmem:s19+$0xFFFFFFE0];
	v12 =	vadd.f32 v7, v13;
	v11 =	vadd.f32 v6, v11  }
0x50: {  	v7 =	vld [tilespmem:s19+$0xFFFFFF90];
	v0 =	vadd.f32 v0, v3;
	v2 =	vadd.f32 v2, v8  }
0x51: {  	v6 =	vld [tilespmem:s19+$0xFFFFFFA0];
	v12 =	vadd.f32 v4, v12;
	v11 =	vadd.f32 v5, v11  }
0x52: {  	v13 =	vld [tilespmem:s19+$0xFFFFFF50];
	v1 =	vadd.f32 v1, v0;
	v9 =	vadd.f32 v9, v2  }
0x53: {  	v15 =	vld [tilespmem:s19+$0xFFFFFF60];
	v4 =	vmov v14  }
0x54: {  	v2 =	vld [tilespmem:s19+$0xFFFFFF10];
	v5 =	vmov v10  }
0x55: {  	v10 =	vld [tilespmem:s19+$0xFFFFFF20]  }
0x56: {  	v14 =	vld [tilespmem:s19+$0xFFFFFF30]  }
0x57: {  	s18 =	sadd.s32 $0x4, s18;
	v16 =	vld [tilespmem:s19+$0xFFFFFF40]  }
0x58: {  	p1 =	slt.u32 s18, $0x60;
	v3 =	vld [tilespmem:s19+$0xFFFFFF70]  }
.Ltmp1:
0x59: {  	v8 =	vld [tilespmem:s19+$0xFFFFFF80];
	(pc) =	sbr.rel @p1 .LBB2_5-.Ltmp1, $4  }
0x5a: {  	v0 =	vld [tilespmem:s19+$0xFFFFFFB0]  }
0x5b: {  	v17 =	vadd.f32 v2, v12;
	v11 =	vadd.f32 v10, v11;
	v2 =	vld [tilespmem:s19+$0xFFFFFFC0]  }
0x5c: {  	v12 =	vadd.f32 v14, v1;
	v10 =	vadd.f32 v16, v9;
	v1 =	vld [tilespmem:s19+$0xFFFFFFF0]  }
0x5d: {  	v13 =	vadd.f32 v13, v17;
	v11 =	vadd.f32 v15, v11;
	v9 =	vld [tilespmem:s19+$0x0];
	s19 =	sadd.s32 $0x100, s19  }
0x5e: {  	s17 =	sadd.s32 @!p0 $0x138, s17;
	s18 =	simm.s32 @!p0 $0x64  }
0x5f: {  	v3 =	vadd.f32 v3, v12;
	s19 =	simm.s32 @!p0 $0x8100;
	s31 =	sshll.u32 s16, $0x6;
	s16 =	sadd.s32 $0x1, s16;
	v7 =	vadd.f32 v7, v13  }
0x60: {  	v8 =	vadd.f32 v8, v10;
	v6 =	vadd.f32 v6, v11;
	[tilespmem:s19], [sflag:$0x2] =	stream.indirect.gather @!p0 [hbm4b:s3+s18], $0x40, s17, s18, $0xb8;
	[tilespmem:$0xBA00] =	vst v63  }
0x61: {  	p0 =	sne.s32 s16, $0x80;
	v0 =	vadd.f32 v0, v3;
	v61 =	vadd.f32 v4, v7  }
.Ltmp2:
0x62: {  	s17 =	sand.u32 $0x3FFFFFC0, s31;
	v2 =	vadd.f32 v2, v8;
	v62 =	vadd.f32 v5, v6;
	(pc) =	sbr.rel @p0 .LBB2_2-.Ltmp2, $4  }
0x63: {  	v0 =	vadd.f32 v1, v0;
	[tilespmem:s17+$0x9A00] =	vst v61  }
0x64: {  	v63 =	vadd.f32 v9, v2;
	[tilespmem:s17+$0x9A10] =	vst v62  }
0x65: {  	[tilespmem:s17+$0x9A20] =	vst v0  }
0x66: {  	[tilespmem:s17+$0x9A30] =	vst v63  }
0x67: {  	s15 =	sadd.s32 $0x1, s15  }
0x68: {  	p0 =	sne.s32 s15, s6  }
.Ltmp3:
0x69: {  	_ = 	snop;
	(pc) =	sbr.rel @p0 .LBB2_1-.Ltmp3, $4  }
0x6a: {  	[hbm4b:s5+s2] =	stream.linear.scatter [tilespmem:s14], [sflag:$0x3], $0x2000, $0x38;
	[tilespmem:$0xBA00] =	vst v63  }
0x6b: {  	_ =	swait.ge [sflag:s7], $0x2000  }
0x6c: {  	[sflag:s7] =	ssyncset.done $0x0  }
0x6d: {  	[sflag:s7] =	ssyncadd.s32 $0xFFFFE000  }
0x6e: {  	_ =	sfence.sel $0x180000  }
0x6f: {  	[bflag:$0x0] =	sbarrier.arrive $0xFFFF  }
0x70: {  	p0 =	sne.s32 s0, $0x0;
	_ =	strace $0x9000004A  }
0x71: {  	s0 =	sadd.s32 @!p0 $0x100000, s1;
	[bflag:$0x2] =	sbarrier.arrive $0xFFFF  }
0x72: {  	[sflag:s0] =	ssyncadd.tile.s32 @!p0 $0x1;
	_ =	shalt  }
.Lfunc_end2:
_tile_overlayer_lowered:
.L_overlay_start_2:
0x73: {  	(tag) =	ssettag $0x2  }
0x74: {  	s0 =	rddreg [dreg:$0x0];
	s2 =	stileid.u32  }
0x75: {  	s1 =	rddreg [dreg:$0x1];
	p0 =	sne.s32 s2, $0x0  }
0x76: {  	s3 =	rddreg [dreg:$0x2];
	[bflag:$0x3] =	sbarrier.arrive $0xFFFF;
	s2 =	simm.s32 @!p0 $0x1C03  }
0x77: {  	[timem:s3], [sflag:s2] =	dma.local @!p0 [hbm:s0], s1  }
0x78: {  	s0 =	simm.s32 @!p0 $0x3  }
0x79: {  	_ =	swait.ge @!p0 [sflag:s0], s1  }
0x7a: {  	s1 =	ssub.s32 @!p0 $0x0, s1;
	[sflag:s0] =	ssyncset.done @!p0 $0x0  }
0x7b: {  	[sflag:s0] =	ssyncadd.s32 @!p0 s1  }
0x7c: {  	[bflag:$0x3] =	sbarrier.arrive $0xFFFF  }
0x7d: {  	_ =	shalt  }

</sc_bundles>
